<compile_context>
chip_gen: v7x
topology: tpu7x:2x2x1
jax: 0.10.2.dev20260603
libtpu: 0.0.44.dev20260713+nightly
codegen_flags: <defaults>
</compile_context>

<pallas_src>
import jax
import jax.numpy as jnp
from jax import lax
from jax.experimental import pallas as pl
from jax.experimental.pallas import tpu as pltpu
from jax.experimental.pallas import tpu_sc as plsc

N = 10000
NPAD = 10240
D = 128
E = 320000
NC, NS, LANES = 2, 16, 16
NW = NC * NS
CH = 128
EPW = 10112
NCHUNK = EPW // CH
EPAD = NW * EPW
C0, C1 = 90, 68
RPT = NPAD // NS
BLK = 1024
GRID = NPAD // BLK



def _tc1_body(x_ref, w_ref, asr_ref, adr_ref, h_ref, as_ref, ad_ref, mx_ref):
    i = pl.program_id(0)
    h = jnp.dot(x_ref[...], w_ref[...], preferred_element_type=jnp.float32)
    h_ref[...] = h
    a_s = jnp.sum(h * asr_ref[...], axis=1, keepdims=True)
    a_d = jnp.sum(h * adr_ref[...], axis=1, keepdims=True)
    as_ref[...] = a_s
    ad_ref[...] = a_d
    cur = jnp.concatenate(
        [jnp.full((1, D), jnp.max(a_s)), jnp.full((1, D), jnp.max(a_d))], axis=0)

    @pl.when(i == 0)
    def _():
        mx_ref[...] = cur

    @pl.when(i != 0)
    def _():
        mx_ref[...] = jnp.maximum(mx_ref[...], cur)


def _tc1(x_pad, gat_W, att_src_row, att_dst_row):
    return pl.pallas_call(
        _tc1_body,
        grid=(GRID,),
        in_specs=[
            pl.BlockSpec((BLK, D), lambda i: (i, 0)),
            pl.BlockSpec((D, D), lambda i: (0, 0)),
            pl.BlockSpec((1, D), lambda i: (0, 0)),
            pl.BlockSpec((1, D), lambda i: (0, 0)),
        ],
        out_specs=[
            pl.BlockSpec((BLK, D), lambda i: (i, 0)),
            pl.BlockSpec((BLK, 1), lambda i: (i, 0)),
            pl.BlockSpec((BLK, 1), lambda i: (i, 0)),
            pl.BlockSpec((2, D), lambda i: (0, 0)),
        ],
        out_shape=[
            jax.ShapeDtypeStruct((NPAD, D), jnp.float32),
            jax.ShapeDtypeStruct((NPAD, 1), jnp.float32),
            jax.ShapeDtypeStruct((NPAD, 1), jnp.float32),
            jax.ShapeDtypeStruct((2, D), jnp.float32),
        ],
    )(x_pad, gat_W, att_src_row, att_dst_row)


def _tc2_body(h_ref, as_ref, ad_ref, mx_ref, un0_ref, un1_ref, dc_ref,
              bias_ref, wroot_ref, x1_ref, root_ref):
    i = pl.program_id(0)
    shift = mx_ref[0, 0] + mx_ref[1, 0]
    z = as_ref[...] + ad_ref[...]
    ea = jnp.exp(jnp.maximum(z, 0.2 * z) - shift)
    den = dc_ref[:, 0:1] + dc_ref[:, 1:2] + ea
    un = un0_ref[...] + un1_ref[...] + ea * h_ref[...]
    x1 = jnp.maximum(un / den + bias_ref[...], 0.0)
    rowid = lax.broadcasted_iota(jnp.int32, (BLK, 1), 0) + i * BLK
    x1 = jnp.where(rowid < N, x1, 0.0)
    x1_ref[...] = x1
    root_ref[...] = jnp.dot(x1, wroot_ref[...], preferred_element_type=jnp.float32)


def _tc2(h, as_col, ad_col, mx, un0, un1, dcol, gat_bias_row, gc_Wroot):
    return pl.pallas_call(
        _tc2_body,
        grid=(GRID,),
        in_specs=[
            pl.BlockSpec((BLK, D), lambda i: (i, 0)),
            pl.BlockSpec((BLK, 1), lambda i: (i, 0)),
            pl.BlockSpec((BLK, 1), lambda i: (i, 0)),
            pl.BlockSpec((2, D), lambda i: (0, 0)),
            pl.BlockSpec((BLK, D), lambda i: (i, 0)),
            pl.BlockSpec((BLK, D), lambda i: (i, 0)),
            pl.BlockSpec((BLK, 2), lambda i: (i, 0)),
            pl.BlockSpec((1, D), lambda i: (0, 0)),
            pl.BlockSpec((D, D), lambda i: (0, 0)),
        ],
        out_specs=[
            pl.BlockSpec((BLK, D), lambda i: (i, 0)),
            pl.BlockSpec((BLK, D), lambda i: (i, 0)),
        ],
        out_shape=[
            jax.ShapeDtypeStruct((NPAD, D), jnp.float32),
            jax.ShapeDtypeStruct((NPAD, D), jnp.float32),
        ],
    )(h, as_col, ad_col, mx, un0, un1, dcol, gat_bias_row, gc_Wroot)


def _tc3_body(ag0_ref, ag1_ref, root_ref, wrel_ref, gcb_ref, w1_ref, b1_ref,
              w2_ref, b2_ref, y_ref):
    agg = ag0_ref[...] + ag1_ref[...]
    x2 = jnp.dot(agg, wrel_ref[...], preferred_element_type=jnp.float32)
    x2 = jnp.maximum(x2 + root_ref[...] + gcb_ref[...], 0.0)
    x3 = jnp.maximum(
        jnp.dot(x2, w1_ref[...], preferred_element_type=jnp.float32) + b1_ref[...],
        0.0)
    y_ref[...] = jnp.dot(x3, w2_ref[...], preferred_element_type=jnp.float32) + b2_ref[...]


def _tc3(ag0, ag1, root, gc_Wrel, gcb_row, lin1_W, b1_row, lin2_W, b2_row):
    return pl.pallas_call(
        _tc3_body,
        grid=(GRID,),
        in_specs=[
            pl.BlockSpec((BLK, D), lambda i: (i, 0)),
            pl.BlockSpec((BLK, D), lambda i: (i, 0)),
            pl.BlockSpec((BLK, D), lambda i: (i, 0)),
            pl.BlockSpec((D, D), lambda i: (0, 0)),
            pl.BlockSpec((1, D), lambda i: (0, 0)),
            pl.BlockSpec((D, D), lambda i: (0, 0)),
            pl.BlockSpec((1, D), lambda i: (0, 0)),
            pl.BlockSpec((D, D), lambda i: (0, 0)),
            pl.BlockSpec((1, D), lambda i: (0, 0)),
        ],
        out_specs=pl.BlockSpec((BLK, D), lambda i: (i, 0)),
        out_shape=jax.ShapeDtypeStruct((NPAD, D), jnp.float32),
    )(ag0, ag1, root, gc_Wrel, gcb_row, lin1_W, b1_row, lin2_W, b2_row)



def _sc_mesh():
    return plsc.VectorSubcoreMesh(core_axis_name="c", subcore_axis_name="s",
                                  num_cores=NC, num_subcores=NS)


def _sc_gat_body(src_hbm, dst_hbm, asrc_hbm, adst_hbm, h_hbm, bv_hbm,
                 un_out, den_out,
                 asrc_v, adst_v, bv_v, idx_s, idx_d, e_buf, rows, zbuf,
                 un_sp, den_sp, gsem):
    cid = lax.axis_index("c")
    sid = lax.axis_index("s")
    mych = jnp.where(cid == 0, C0, C1)
    base0 = jnp.where(cid == 0, sid * C0, NS * C0 + sid * C1) * CH

    def _zr(j, _):
        for cc in range(8):
            rows[j, pl.ds(cc * LANES, LANES)] = jnp.zeros((LANES,), jnp.float32)
        return 0
    lax.fori_loop(0, CH, _zr, 0)

    def _zz(j, _):
        zbuf[pl.ds(j * LANES, LANES)] = jnp.zeros((LANES,), jnp.float32)
        return 0
    lax.fori_loop(0, RPT // LANES, _zz, 0)

    pltpu.sync_copy(zbuf, den_sp.at[pl.ds(RPT * sid, RPT)])
    for k in range(RPT // CH):
        pltpu.sync_copy(rows, un_sp.at[pl.ds(RPT * sid + CH * k, CH)])
    plsc.subcore_barrier()

    pltpu.sync_copy(asrc_hbm, asrc_v)
    pltpu.sync_copy(adst_hbm, adst_v)
    pltpu.sync_copy(bv_hbm, bv_v)
    bv = bv_v[...]

    def chunk(c, _):
        base = pl.multiple_of(base0 + c * CH, CH)
        pltpu.sync_copy(src_hbm.at[pl.ds(base, CH)], idx_s)
        pltpu.sync_copy(dst_hbm.at[pl.ds(base, CH)], idx_d)
        gcopy = pltpu.async_copy(h_hbm.at[idx_s], rows, gsem)
        for j in range(CH // LANES):
            isv = idx_s[pl.ds(j * LANES, LANES)]
            idv = idx_d[pl.ds(j * LANES, LANES)]
            asv = plsc.load_gather(asrc_v, [isv])
            adv = plsc.load_gather(adst_v, [idv])
            z = asv + adv
            z = jnp.maximum(z, 0.2 * z) - bv
            e = jnp.exp(z)
            pos = lax.iota(jnp.int32, LANES) + (base + j * LANES)
            e = jnp.where(pos < E, e, 0.0)
            e_buf[pl.ds(j * LANES, LANES)] = e
        pltpu.sync_copy(e_buf, den_sp.at[idx_d], add=True)
        gcopy.wait()

        def scale(g, _):
            ev = e_buf[pl.ds(g * LANES, LANES)]
            for t in range(LANES):
                es = ev[t]
                j = g * LANES + t
                for cc in range(8):
                    rows[j, pl.ds(cc * LANES, LANES)] = rows[j, pl.ds(cc * LANES, LANES)] * es
            return 0
        lax.fori_loop(0, CH // LANES, scale, 0)
        pltpu.sync_copy(rows, un_sp.at[idx_d], add=True)
        return 0

    lax.fori_loop(0, mych, chunk, 0)
    plsc.subcore_barrier()

    pltpu.sync_copy(un_sp.at[pl.ds(RPT * sid, RPT)],
                    un_out.at[cid, pl.ds(RPT * sid, RPT)])
    pltpu.sync_copy(den_sp.at[pl.ds(RPT * sid, RPT)], den_out.at[cid, sid])


def _sc_gat(srcp, dstp, asrc, adst, h, bvec):
    return pl.kernel(
        _sc_gat_body,
        out_type=(
            jax.ShapeDtypeStruct((NC, NPAD, D), jnp.float32),
            jax.ShapeDtypeStruct((NC, NS, RPT), jnp.float32),
        ),
        mesh=_sc_mesh(),
        compiler_params=pltpu.CompilerParams(needs_layout_passes=False),
        scratch_types=[
            pltpu.VMEM((NPAD,), jnp.float32),
            pltpu.VMEM((NPAD,), jnp.float32),
            pltpu.VMEM((LANES,), jnp.float32),
            pltpu.VMEM((CH,), jnp.int32),
            pltpu.VMEM((CH,), jnp.int32),
            pltpu.VMEM((CH,), jnp.float32),
            pltpu.VMEM((CH, D), jnp.float32),
            pltpu.VMEM((RPT,), jnp.float32),
            pltpu.VMEM_SHARED((NPAD, D), jnp.float32),
            pltpu.VMEM_SHARED((NPAD,), jnp.float32),
            pltpu.SemaphoreType.DMA,
        ],
    )(srcp, dstp, asrc, adst, h, bvec)


def _sc_agg_body(src_hbm, dst_hbm, x1_hbm, ag_out,
                 idx_s, idx_d, rows, agg_sp, gsem):
    cid = lax.axis_index("c")
    sid = lax.axis_index("s")
    mych = jnp.where(cid == 0, C0, C1)
    base0 = jnp.where(cid == 0, sid * C0, NS * C0 + sid * C1) * CH

    def _zr(j, _):
        for cc in range(8):
            rows[j, pl.ds(cc * LANES, LANES)] = jnp.zeros((LANES,), jnp.float32)
        return 0
    lax.fori_loop(0, CH, _zr, 0)
    for k in range(RPT // CH):
        pltpu.sync_copy(rows, agg_sp.at[pl.ds(RPT * sid + CH * k, CH)])
    plsc.subcore_barrier()

    def chunk(c, _):
        base = pl.multiple_of(base0 + c * CH, CH)
        pltpu.sync_copy(src_hbm.at[pl.ds(base, CH)], idx_s)
        gcopy = pltpu.async_copy(x1_hbm.at[idx_s], rows, gsem)
        pltpu.sync_copy(dst_hbm.at[pl.ds(base, CH)], idx_d)
        gcopy.wait()
        pltpu.sync_copy(rows, agg_sp.at[idx_d], add=True)
        return 0

    lax.fori_loop(0, mych, chunk, 0)
    plsc.subcore_barrier()
    pltpu.sync_copy(agg_sp.at[pl.ds(RPT * sid, RPT)],
                    ag_out.at[cid, pl.ds(RPT * sid, RPT)])


def _sc_agg(srcp, dstp, x1):
    return pl.kernel(
        _sc_agg_body,
        out_type=jax.ShapeDtypeStruct((NC, NPAD, D), jnp.float32),
        mesh=_sc_mesh(),
        compiler_params=pltpu.CompilerParams(needs_layout_passes=False),
        scratch_types=[
            pltpu.VMEM((CH,), jnp.int32),
            pltpu.VMEM((CH,), jnp.int32),
            pltpu.VMEM((CH, D), jnp.float32),
            pltpu.VMEM_SHARED((NPAD, D), jnp.float32),
            pltpu.SemaphoreType.DMA,
        ],
    )(srcp, dstp, x1)



@jax.jit
def kernel(x, edge_index, edge_attr, batch, gat_W, gat_att_src, gat_att_dst,
           gat_bias, gc_Wrel, gc_Wroot, gc_bias, lin1_W, lin1_b, lin2_W,
           lin2_b):
    x_pad = jnp.zeros((NPAD, D), jnp.float32).at[:N].set(x)
    srcp = jnp.concatenate([
        edge_index[0].astype(jnp.int32),
        jnp.full((EPAD - E,), N, jnp.int32),
    ])
    dstp = jnp.concatenate([
        edge_index[1].astype(jnp.int32),
        jnp.zeros((EPAD - E,), jnp.int32),
    ])

    h, as_col, ad_col, mx = _tc1(x_pad, gat_W,
                                 gat_att_src.reshape(1, D),
                                 gat_att_dst.reshape(1, D))
    bvec = jnp.full((LANES,), mx[0, 0] + mx[1, 0], jnp.float32)

    un_p, den_p = _sc_gat(srcp, dstp, as_col.reshape(NPAD), ad_col.reshape(NPAD),
                          h, bvec)
    dcol = den_p.reshape(NC, NPAD).T

    x1, root = _tc2(h, as_col, ad_col, mx, un_p[0], un_p[1], dcol,
                    gat_bias.reshape(1, D), gc_Wroot)

    ag_p = _sc_agg(srcp, dstp, x1)

    y = _tc3(ag_p[0], ag_p[1], root, gc_Wrel, gc_bias.reshape(1, D),
             lin1_W, lin1_b.reshape(1, D), lin2_W, lin2_b.reshape(1, D))
    return y[:N]

# --- scband reference (transcript-rebuilt; emitter-appended) ---
"""Pipeline reference for scband-graph-autoencoder-62672162784021 (READ-ONLY COPY).

The authoritative reference and input builder live on the scoring server;
editing this copy changes nothing except your own understanding.
"""

import jax, jax.numpy as jnp
import numpy as np

N_NODES = 10000
N_EDGES = 320000
D_IN = 128
D_HID = 128
D_OUT = 128
D_EDGE = 16


def setup_inputs(seed: int = 0) -> dict:
    key = jax.random.key(seed)
    ks = jax.random.split(key, 16)
    x = jax.random.normal(ks[0], (N_NODES, D_IN), dtype=jnp.float32)
    edge_index = jax.random.randint(ks[1], (2, N_EDGES), 0, N_NODES, dtype=jnp.int64)
    edge_attr = jax.random.normal(ks[2], (N_EDGES, D_EDGE), dtype=jnp.float32)
    batch = jnp.sort(jax.random.randint(ks[3], (N_NODES,), 0, 64, dtype=jnp.int64))
    s_in = 1.0 / np.sqrt(D_IN)
    s_hid = 1.0 / np.sqrt(D_HID)
    params = {
        'gat_W': jax.random.normal(ks[4], (D_IN, D_HID), dtype=jnp.float32) * s_in,
        'gat_att_src': jax.random.normal(ks[5], (D_HID,), dtype=jnp.float32) * s_hid,
        'gat_att_dst': jax.random.normal(ks[6], (D_HID,), dtype=jnp.float32) * s_hid,
        'gat_bias': jnp.zeros((D_HID,), dtype=jnp.float32),
        'gc_Wrel': jax.random.normal(ks[7], (D_HID, D_HID), dtype=jnp.float32) * s_hid,
        'gc_Wroot': jax.random.normal(ks[8], (D_HID, D_HID), dtype=jnp.float32) * s_hid,
        'gc_bias': jnp.zeros((D_HID,), dtype=jnp.float32),
        'lin1_W': jax.random.normal(ks[9], (D_HID, D_HID), dtype=jnp.float32) * s_hid,
        'lin1_b': jnp.zeros((D_HID,), dtype=jnp.float32),
        'lin2_W': jax.random.normal(ks[10], (D_HID, D_OUT), dtype=jnp.float32) * s_hid,
        'lin2_b': jnp.zeros((D_OUT,), dtype=jnp.float32),
    }
    return dict(x=x, edge_index=edge_index, edge_attr=edge_attr, batch=batch, **params)


def reference(x, edge_index, edge_attr, batch, gat_W, gat_att_src, gat_att_dst, gat_bias,
              gc_Wrel, gc_Wroot, gc_bias, lin1_W, lin1_b, lin2_W, lin2_b):
    N = x.shape[0]
    # --- GATConv(in->hid), heads=1, add_self_loops=True; edge_dim is None so
    # edge_attr is not mixed into attention (faithful to GATConv defaults).
    loop = jnp.arange(N, dtype=edge_index.dtype)
    src = jnp.concatenate([edge_index[0], loop])
    dst = jnp.concatenate([edge_index[1], loop])
    h = x @ gat_W  # [N, hid]
    a_src = jnp.sum(h * gat_att_src, axis=-1)  # [N]
    a_dst = jnp.sum(h * gat_att_dst, axis=-1)  # [N]
    alpha = a_src[src] + a_dst[dst]
    alpha = jax.nn.leaky_relu(alpha, negative_slope=0.2)
    amax = jax.ops.segment_max(alpha, dst, num_segments=N)
    alpha = jnp.exp(alpha - amax[dst])
    denom = jax.ops.segment_sum(alpha, dst, num_segments=N)
    alpha = alpha / denom[dst]
    out = jax.ops.segment_sum(h[src] * alpha[:, None], dst, num_segments=N) + gat_bias
    x1 = jax.nn.relu(out)
    # --- GraphConv(hid->hid), aggr='add': lin_rel(sum_neighbors) + lin_root(x)
    agg = jax.ops.segment_sum(x1[edge_index[0]], edge_index[1], num_segments=N)
    x2 = jax.nn.relu(agg @ gc_Wrel + x1 @ gc_Wroot + gc_bias)
    # --- MLP head
    x3 = jax.nn.relu(x2 @ lin1_W + lin1_b)
    return x3 @ lin2_W + lin2_b

if __name__ == "__main__":
    import jax
    _d = setup_inputs()
    print(jax.jit(kernel)(*tuple(_d.values())))

</pallas_src>

<mosaic_0001>
#map = affine_map<(d0, d1) -> (0)>
#map1 = affine_map<(d0, d1) -> (0, 0)>
#map2 = affine_map<(d0, d1) -> (0, 0, 0)>
module attributes {stable_mosaic.version = 14 : i64} {
  func.func @_sc_agg_body(%arg0: i32, %arg1: i32, %arg2: memref<323584xi32, #tpu.memory_space<hbm>>, %arg3: memref<323584xi32, #tpu.memory_space<hbm>>, %arg4: memref<10240x128xf32, #tpu.memory_space<hbm>>, %arg5: memref<2x10240x128xf32, #tpu.memory_space<hbm>>, %arg6: memref<128xi32, #tpu.memory_space<vmem>>, %arg7: memref<128xi32, #tpu.memory_space<vmem>>, %arg8: memref<128x128xf32, #tpu.memory_space<vmem>>, %arg9: memref<10240x128xf32, #tpu.memory_space<vmem_shared>>, %arg10: memref<!tpu.dma_semaphore, #tpu.memory_space<semaphore_mem>>) attributes {dimension_semantics = [#tpu.dimension_semantics<core_parallel>, #tpu.dimension_semantics<subcore_parallel>], iteration_bounds = array<i64: 2, 16>, scalar_prefetch = 0 : i64, scratch_operands = 5 : i64, tpu.core_type = #tpu.core_type<sc_vector_subcore>, window_params = [{transform_indices = #map}, {transform_indices = #map}, {transform_indices = #map1}, {transform_indices = #map2}]} {
    %eq3A = arith.constant 0 : i32
    %eq3A_0 = arith.cmpi eq, %arg0, %eq3A : i32
    %jit3A = arith.constant 90 : i32
    %jit3A_1 = arith.constant 68 : i32
    %select_n3A = arith.select %eq3A_0, %jit3A, %jit3A_1 : i32
    %eq3A_2 = arith.constant 0 : i32
    %eq3A_3 = arith.cmpi eq, %arg0, %eq3A_2 : i32
    %mul3A = arith.constant 90 : i32
    %mul3A_4 = arith.muli %arg1, %mul3A : i32
    %mul3A_5 = arith.constant 68 : i32
    %mul3A_6 = arith.muli %arg1, %mul3A_5 : i32
    %add3A = arith.constant 1440 : i32
    %add3A_7 = arith.addi %add3A, %mul3A_6 : i32
    %select_n3A_8 = arith.select %eq3A_3, %mul3A_4, %add3A_7 : i32
    %mul3A_9 = arith.constant 128 : i32
    %mul3A_10 = arith.muli %select_n3A_8, %mul3A_9 : i32
    %scan3A = arith.constant 0 : i32
    %scan3A_11 = arith.constant 0 : i32
    %scan3A_12 = arith.constant 128 : i32
    %scan3A_13 = arith.addi %scan3A_11, %scan3A_12 : i32
    %scan3A_14 = arith.constant 1 : i32
    %scan3A_15 = scf.for %scan3A_53 = %scan3A_11 to %scan3A_13 step %scan3A_14 iter_args(%scan3A_54 = %scan3A) -> (i32)  : i32 {
      %broadcast_in_dim3A = arith.constant 0.000000e+00 : f32
      %broadcast_in_dim3A_55 = vector.broadcast %broadcast_in_dim3A : f32 to vector<16xf32>
      %swap3A = arith.index_cast %scan3A_53 : i32 to index
      %swap3A_56 = arith.constant 0 : index
      %swap3A_57 = tpu.vector_load %arg8[%swap3A, %swap3A_56] {strides = array<i32>} : memref<128x128xf32, #tpu.memory_space<vmem>>, vector<16xf32>,
      tpu.vector_store %arg8[%swap3A, %swap3A_56], %broadcast_in_dim3A_55 {strides = array<i32>} : memref<128x128xf32, #tpu.memory_space<vmem>>, vector<16xf32>,
      %broadcast_in_dim3A_58 = arith.constant 0.000000e+00 : f32
      %broadcast_in_dim3A_59 = vector.broadcast %broadcast_in_dim3A_58 : f32 to vector<16xf32>
      %swap3A_60 = arith.index_cast %scan3A_53 : i32 to index
      %swap3A_61 = arith.constant 16 : index
      %swap3A_62 = tpu.vector_load %arg8[%swap3A_60, %swap3A_61] {strides = array<i32>} : memref<128x128xf32, #tpu.memory_space<vmem>>, vector<16xf32>,
      tpu.vector_store %arg8[%swap3A_60, %swap3A_61], %broadcast_in_dim3A_59 {strides = array<i32>} : memref<128x128xf32, #tpu.memory_space<vmem>>, vector<16xf32>,
      %broadcast_in_dim3A_63 = arith.constant 0.000000e+00 : f32
      %broadcast_in_dim3A_64 = vector.broadcast %broadcast_in_dim3A_63 : f32 to vector<16xf32>
      %swap3A_65 = arith.index_cast %scan3A_53 : i32 to index
      %swap3A_66 = arith.constant 32 : index
      %swap3A_67 = tpu.vector_load %arg8[%swap3A_65, %swap3A_66] {strides = array<i32>} : memref<128x128xf32, #tpu.memory_space<vmem>>, vector<16xf32>,
      tpu.vector_store %arg8[%swap3A_65, %swap3A_66], %broadcast_in_dim3A_64 {strides = array<i32>} : memref<128x128xf32, #tpu.memory_space<vmem>>, vector<16xf32>,
      %broadcast_in_dim3A_68 = arith.constant 0.000000e+00 : f32
      %broadcast_in_dim3A_69 = vector.broadcast %broadcast_in_dim3A_68 : f32 to vector<16xf32>
      %swap3A_70 = arith.index_cast %scan3A_53 : i32 to index
      %swap3A_71 = arith.constant 48 : index
      %swap3A_72 = tpu.vector_load %arg8[%swap3A_70, %swap3A_71] {strides = array<i32>} : memref<128x128xf32, #tpu.memory_space<vmem>>, vector<16xf32>,
      tpu.vector_store %arg8[%swap3A_70, %swap3A_71], %broadcast_in_dim3A_69 {strides = array<i32>} : memref<128x128xf32, #tpu.memory_space<vmem>>, vector<16xf32>,
      %broadcast_in_dim3A_73 = arith.constant 0.000000e+00 : f32
      %broadcast_in_dim3A_74 = vector.broadcast %broadcast_in_dim3A_73 : f32 to vector<16xf32>
      %swap3A_75 = arith.index_cast %scan3A_53 : i32 to index
      %swap3A_76 = arith.constant 64 : index
      %swap3A_77 = tpu.vector_load %arg8[%swap3A_75, %swap3A_76] {strides = array<i32>} : memref<128x128xf32, #tpu.memory_space<vmem>>, vector<16xf32>,
      tpu.vector_store %arg8[%swap3A_75, %swap3A_76], %broadcast_in_dim3A_74 {strides = array<i32>} : memref<128x128xf32, #tpu.memory_space<vmem>>, vector<16xf32>,
      %broadcast_in_dim3A_78 = arith.constant 0.000000e+00 : f32
      %broadcast_in_dim3A_79 = vector.broadcast %broadcast_in_dim3A_78 : f32 to vector<16xf32>
      %swap3A_80 = arith.index_cast %scan3A_53 : i32 to index
      %swap3A_81 = arith.constant 80 : index
      %swap3A_82 = tpu.vector_load %arg8[%swap3A_80, %swap3A_81] {strides = array<i32>} : memref<128x128xf32, #tpu.memory_space<vmem>>, vector<16xf32>,
      tpu.vector_store %arg8[%swap3A_80, %swap3A_81], %broadcast_in_dim3A_79 {strides = array<i32>} : memref<128x128xf32, #tpu.memory_space<vmem>>, vector<16xf32>,
      %broadcast_in_dim3A_83 = arith.constant 0.000000e+00 : f32
      %broadcast_in_dim3A_84 = vector.broadcast %broadcast_in_dim3A_83 : f32 to vector<16xf32>
      %swap3A_85 = arith.index_cast %scan3A_53 : i32 to index
      %swap3A_86 = arith.constant 96 : index
      %swap3A_87 = tpu.vector_load %arg8[%swap3A_85, %swap3A_86] {strides = array<i32>} : memref<128x128xf32, #tpu.memory_space<vmem>>, vector<16xf32>,
      tpu.vector_store %arg8[%swap3A_85, %swap3A_86], %broadcast_in_dim3A_84 {strides = array<i32>} : memref<128x128xf32, #tpu.memory_space<vmem>>, vector<16xf32>,
      %broadcast_in_dim3A_88 = arith.constant 0.000000e+00 : f32
      %broadcast_in_dim3A_89 = vector.broadcast %broadcast_in_dim3A_88 : f32 to vector<16xf32>
      %swap3A_90 = arith.index_cast %scan3A_53 : i32 to index
      %swap3A_91 = arith.constant 112 : index
      %swap3A_92 = tpu.vector_load %arg8[%swap3A_90, %swap3A_91] {strides = array<i32>} : memref<128x128xf32, #tpu.memory_space<vmem>>, vector<16xf32>,
      tpu.vector_store %arg8[%swap3A_90, %swap3A_91], %broadcast_in_dim3A_89 {strides = array<i32>} : memref<128x128xf32, #tpu.memory_space<vmem>>, vector<16xf32>,
      %scan3A_93 = arith.constant 0 : i32
      scf.yield %scan3A_93 : i32
    }
    %scan3A_16 = arith.constant 128 : i32
    %mul3A_17 = arith.constant 640 : i32
    %mul3A_18 = arith.muli %mul3A_17, %arg1 : i32
    %add3A_19 = arith.constant 0 : i32
    %add3A_20 = arith.addi %mul3A_18, %add3A_19 : i32
    "tpu.region"() ({
      %run_scoped3A = tpu.sem_alloc : memref<!tpu.dma_semaphore, #tpu.memory_space<semaphore_mem>>
      %dma_start3A = arith.constant 0 : i32
      %dma_start3A_53 = tpu.memref_slice %arg9[%add3A_20, %dma_start3A] : memref<10240x128xf32, #tpu.memory_space<vmem_shared>> -> memref<128x128xf32, #tpu.memory_space<vmem_shared>>
      %dma_start3A_54 = arith.constant 0 : i32
      %dma_start3A_55 = tpu.memref_slice %arg9[%add3A_20, %dma_start3A_54] : memref<10240x128xf32, #tpu.memory_space<vmem_shared>> -> memref<128x128xf32, #tpu.memory_space<vmem_shared>>
      tpu.enqueue_dma source(%arg8 : memref<128x128xf32, #tpu.memory_space<vmem>>) target(%dma_start3A_55 : memref<128x128xf32, #tpu.memory_space<vmem_shared>>) target_semaphore(%run_scoped3A : memref<!tpu.dma_semaphore, #tpu.memory_space<semaphore_mem>>)
      %dma_wait3A = arith.constant 0 : i32
      %dma_wait3A_56 = tpu.memref_slice %arg9[%add3A_20, %dma_wait3A] : memref<10240x128xf32, #tpu.memory_space<vmem_shared>> -> memref<128x128xf32, #tpu.memory_space<vmem_shared>>
      %dma_wait3A_57 = arith.constant 0 : i32
      %dma_wait3A_58 = tpu.memref_slice %arg9[%add3A_20, %dma_wait3A_57] : memref<10240x128xf32, #tpu.memory_space<vmem_shared>> -> memref<128x128xf32, #tpu.memory_space<vmem_shared>>
      tpu.wait_dma2 semaphore(%run_scoped3A : memref<!tpu.dma_semaphore, #tpu.memory_space<semaphore_mem>>) src(%arg8 : memref<128x128xf32, #tpu.memory_space<vmem>>) dst(%dma_wait3A_58 : memref<128x128xf32, #tpu.memory_space<vmem_shared>>)
      tpu.yield
    }) : () -> ()
    %mul3A_21 = arith.constant 640 : i32
    %mul3A_22 = arith.muli %mul3A_21, %arg1 : i32
    %add3A_23 = arith.constant 128 : i32
    %add3A_24 = arith.addi %mul3A_22, %add3A_23 : i32
    "tpu.region"() ({
      %run_scoped3A = tpu.sem_alloc : memref<!tpu.dma_semaphore, #tpu.memory_space<semaphore_mem>>
      %dma_start3A = arith.constant 0 : i32
      %dma_start3A_53 = tpu.memref_slice %arg9[%add3A_24, %dma_start3A] : memref<10240x128xf32, #tpu.memory_space<vmem_shared>> -> memref<128x128xf32, #tpu.memory_space<vmem_shared>>
      %dma_start3A_54 = arith.constant 0 : i32
      %dma_start3A_55 = tpu.memref_slice %arg9[%add3A_24, %dma_start3A_54] : memref<10240x128xf32, #tpu.memory_space<vmem_shared>> -> memref<128x128xf32, #tpu.memory_space<vmem_shared>>
      tpu.enqueue_dma source(%arg8 : memref<128x128xf32, #tpu.memory_space<vmem>>) target(%dma_start3A_55 : memref<128x128xf32, #tpu.memory_space<vmem_shared>>) target_semaphore(%run_scoped3A : memref<!tpu.dma_semaphore, #tpu.memory_space<semaphore_mem>>)
      %dma_wait3A = arith.constant 0 : i32
      %dma_wait3A_56 = tpu.memref_slice %arg9[%add3A_24, %dma_wait3A] : memref<10240x128xf32, #tpu.memory_space<vmem_shared>> -> memref<128x128xf32, #tpu.memory_space<vmem_shared>>
      %dma_wait3A_57 = arith.constant 0 : i32
      %dma_wait3A_58 = tpu.memref_slice %arg9[%add3A_24, %dma_wait3A_57] : memref<10240x128xf32, #tpu.memory_space<vmem_shared>> -> memref<128x128xf32, #tpu.memory_space<vmem_shared>>
      tpu.wait_dma2 semaphore(%run_scoped3A : memref<!tpu.dma_semaphore, #tpu.memory_space<semaphore_mem>>) src(%arg8 : memref<128x128xf32, #tpu.memory_space<vmem>>) dst(%dma_wait3A_58 : memref<128x128xf32, #tpu.memory_space<vmem_shared>>)
      tpu.yield
    }) : () -> ()
    %mul3A_25 = arith.constant 640 : i32
    %mul3A_26 = arith.muli %mul3A_25, %arg1 : i32
    %add3A_27 = arith.constant 256 : i32
    %add3A_28 = arith.addi %mul3A_26, %add3A_27 : i32
    "tpu.region"() ({
      %run_scoped3A = tpu.sem_alloc : memref<!tpu.dma_semaphore, #tpu.memory_space<semaphore_mem>>
      %dma_start3A = arith.constant 0 : i32
      %dma_start3A_53 = tpu.memref_slice %arg9[%add3A_28, %dma_start3A] : memref<10240x128xf32, #tpu.memory_space<vmem_shared>> -> memref<128x128xf32, #tpu.memory_space<vmem_shared>>
      %dma_start3A_54 = arith.constant 0 : i32
      %dma_start3A_55 = tpu.memref_slice %arg9[%add3A_28, %dma_start3A_54] : memref<10240x128xf32, #tpu.memory_space<vmem_shared>> -> memref<128x128xf32, #tpu.memory_space<vmem_shared>>
      tpu.enqueue_dma source(%arg8 : memref<128x128xf32, #tpu.memory_space<vmem>>) target(%dma_start3A_55 : memref<128x128xf32, #tpu.memory_space<vmem_shared>>) target_semaphore(%run_scoped3A : memref<!tpu.dma_semaphore, #tpu.memory_space<semaphore_mem>>)
      %dma_wait3A = arith.constant 0 : i32
      %dma_wait3A_56 = tpu.memref_slice %arg9[%add3A_28, %dma_wait3A] : memref<10240x128xf32, #tpu.memory_space<vmem_shared>> -> memref<128x128xf32, #tpu.memory_space<vmem_shared>>
      %dma_wait3A_57 = arith.constant 0 : i32
      %dma_wait3A_58 = tpu.memref_slice %arg9[%add3A_28, %dma_wait3A_57] : memref<10240x128xf32, #tpu.memory_space<vmem_shared>> -> memref<128x128xf32, #tpu.memory_space<vmem_shared>>
      tpu.wait_dma2 semaphore(%run_scoped3A : memref<!tpu.dma_semaphore, #tpu.memory_space<semaphore_mem>>) src(%arg8 : memref<128x128xf32, #tpu.memory_space<vmem>>) dst(%dma_wait3A_58 : memref<128x128xf32, #tpu.memory_space<vmem_shared>>)
      tpu.yield
    }) : () -> ()
    %mul3A_29 = arith.constant 640 : i32
    %mul3A_30 = arith.muli %mul3A_29, %arg1 : i32
    %add3A_31 = arith.constant 384 : i32
    %add3A_32 = arith.addi %mul3A_30, %add3A_31 : i32
    "tpu.region"() ({
      %run_scoped3A = tpu.sem_alloc : memref<!tpu.dma_semaphore, #tpu.memory_space<semaphore_mem>>
      %dma_start3A = arith.constant 0 : i32
      %dma_start3A_53 = tpu.memref_slice %arg9[%add3A_32, %dma_start3A] : memref<10240x128xf32, #tpu.memory_space<vmem_shared>> -> memref<128x128xf32, #tpu.memory_space<vmem_shared>>
      %dma_start3A_54 = arith.constant 0 : i32
      %dma_start3A_55 = tpu.memref_slice %arg9[%add3A_32, %dma_start3A_54] : memref<10240x128xf32, #tpu.memory_space<vmem_shared>> -> memref<128x128xf32, #tpu.memory_space<vmem_shared>>
      tpu.enqueue_dma source(%arg8 : memref<128x128xf32, #tpu.memory_space<vmem>>) target(%dma_start3A_55 : memref<128x128xf32, #tpu.memory_space<vmem_shared>>) target_semaphore(%run_scoped3A : memref<!tpu.dma_semaphore, #tpu.memory_space<semaphore_mem>>)
      %dma_wait3A = arith.constant 0 : i32
      %dma_wait3A_56 = tpu.memref_slice %arg9[%add3A_32, %dma_wait3A] : memref<10240x128xf32, #tpu.memory_space<vmem_shared>> -> memref<128x128xf32, #tpu.memory_space<vmem_shared>>
      %dma_wait3A_57 = arith.constant 0 : i32
      %dma_wait3A_58 = tpu.memref_slice %arg9[%add3A_32, %dma_wait3A_57] : memref<10240x128xf32, #tpu.memory_space<vmem_shared>> -> memref<128x128xf32, #tpu.memory_space<vmem_shared>>
      tpu.wait_dma2 semaphore(%run_scoped3A : memref<!tpu.dma_semaphore, #tpu.memory_space<semaphore_mem>>) src(%arg8 : memref<128x128xf32, #tpu.memory_space<vmem>>) dst(%dma_wait3A_58 : memref<128x128xf32, #tpu.memory_space<vmem_shared>>)
      tpu.yield
    }) : () -> ()
    %mul3A_33 = arith.constant 640 : i32
    %mul3A_34 = arith.muli %mul3A_33, %arg1 : i32
    %add3A_35 = arith.constant 512 : i32
    %add3A_36 = arith.addi %mul3A_34, %add3A_35 : i32
    "tpu.region"() ({
      %run_scoped3A = tpu.sem_alloc : memref<!tpu.dma_semaphore, #tpu.memory_space<semaphore_mem>>
      %dma_start3A = arith.constant 0 : i32
      %dma_start3A_53 = tpu.memref_slice %arg9[%add3A_36, %dma_start3A] : memref<10240x128xf32, #tpu.memory_space<vmem_shared>> -> memref<128x128xf32, #tpu.memory_space<vmem_shared>>
      %dma_start3A_54 = arith.constant 0 : i32
      %dma_start3A_55 = tpu.memref_slice %arg9[%add3A_36, %dma_start3A_54] : memref<10240x128xf32, #tpu.memory_space<vmem_shared>> -> memref<128x128xf32, #tpu.memory_space<vmem_shared>>
      tpu.enqueue_dma source(%arg8 : memref<128x128xf32, #tpu.memory_space<vmem>>) target(%dma_start3A_55 : memref<128x128xf32, #tpu.memory_space<vmem_shared>>) target_semaphore(%run_scoped3A : memref<!tpu.dma_semaphore, #tpu.memory_space<semaphore_mem>>)
      %dma_wait3A = arith.constant 0 : i32
      %dma_wait3A_56 = tpu.memref_slice %arg9[%add3A_36, %dma_wait3A] : memref<10240x128xf32, #tpu.memory_space<vmem_shared>> -> memref<128x128xf32, #tpu.memory_space<vmem_shared>>
      %dma_wait3A_57 = arith.constant 0 : i32
      %dma_wait3A_58 = tpu.memref_slice %arg9[%add3A_36, %dma_wait3A_57] : memref<10240x128xf32, #tpu.memory_space<vmem_shared>> -> memref<128x128xf32, #tpu.memory_space<vmem_shared>>
      tpu.wait_dma2 semaphore(%run_scoped3A : memref<!tpu.dma_semaphore, #tpu.memory_space<semaphore_mem>>) src(%arg8 : memref<128x128xf32, #tpu.memory_space<vmem>>) dst(%dma_wait3A_58 : memref<128x128xf32, #tpu.memory_space<vmem_shared>>)
      tpu.yield
    }) : () -> ()
    %barrier3A = arith.constant 0 : index
    tpu.barrier barrier_id(%barrier3A)
    %while3A = arith.constant 0 : i32
    %while3A_37 = arith.constant 0 : i32
    %while3A_38 = arith.subi %select_n3A, %while3A : i32
    %while3A_39 = arith.addi %while3A, %while3A_38 : i32
    %while3A_40 = arith.constant 1 : i32
    %while3A_41 = arith.divsi %while3A_38, %while3A_40 : i32
    %while3A_42 = arith.muli %while3A_41, %while3A_40 : i32
    %while3A_43 = arith.addi %while3A, %while3A_42 : i32
    %while3A_44 = arith.constant 1 : i32
    %while3A_45 = scf.for %while3A_53 = %while3A to %while3A_43 step %while3A_44 iter_args(%while3A_54 = %while3A_37) -> (i32)  : i32 {
      %mul3A_55 = arith.constant 128 : i32
      %mul3A_56 = arith.muli %while3A_53, %mul3A_55 : i32
      %add3A_57 = arith.addi %mul3A_10, %mul3A_56 : i32
      %multiple_of3A = tpu.assume_multiple %add3A_57, 128 : i32
      "tpu.region"() ({
        %run_scoped3A = tpu.sem_alloc : memref<!tpu.dma_semaphore, #tpu.memory_space<semaphore_mem>>
        %dma_start3A_63 = tpu.memref_slice %arg2[%multiple_of3A] : memref<323584xi32, #tpu.memory_space<hbm>> -> memref<128xi32, #tpu.memory_space<hbm>>
        %dma_start3A_64 = tpu.memref_slice %arg2[%multiple_of3A] : memref<323584xi32, #tpu.memory_space<hbm>> -> memref<128xi32, #tpu.memory_space<hbm>>
        tpu.enqueue_dma source(%dma_start3A_64 : memref<128xi32, #tpu.memory_space<hbm>>) target(%arg6 : memref<128xi32, #tpu.memory_space<vmem>>) target_semaphore(%run_scoped3A : memref<!tpu.dma_semaphore, #tpu.memory_space<semaphore_mem>>)
        %dma_wait3A_65 = tpu.memref_slice %arg2[%multiple_of3A] : memref<323584xi32, #tpu.memory_space<hbm>> -> memref<128xi32, #tpu.memory_space<hbm>>
        %dma_wait3A_66 = tpu.memref_slice %arg2[%multiple_of3A] : memref<323584xi32, #tpu.memory_space<hbm>> -> memref<128xi32, #tpu.memory_space<hbm>>
        tpu.wait_dma2 semaphore(%run_scoped3A : memref<!tpu.dma_semaphore, #tpu.memory_space<semaphore_mem>>) src(%dma_wait3A_66 : memref<128xi32, #tpu.memory_space<hbm>>) dst(%arg6 : memref<128xi32, #tpu.memory_space<vmem>>)
        tpu.yield
      }) : () -> ()
      %dma_start3A = arith.constant 0 : i32
      %dma_start3A_58 = arith.constant 0 : i32
      %dma_start3A_59 = tpu.memref_slice %arg4[%dma_start3A, %dma_start3A_58] : memref<10240x128xf32, #tpu.memory_space<hbm>> -> memref<10240x128xf32, #tpu.memory_space<hbm>>
      tpu.enqueue_indirect_dma source(%dma_start3A_59 : memref<10240x128xf32, #tpu.memory_space<hbm>>) target(%arg8 : memref<128x128xf32, #tpu.memory_space<vmem>>) offsets(%arg6 : memref<128xi32, #tpu.memory_space<vmem>>) semaphore(%arg10 : memref<!tpu.dma_semaphore, #tpu.memory_space<semaphore_mem>>)
      "tpu.region"() ({
        %run_scoped3A = tpu.sem_alloc : memref<!tpu.dma_semaphore, #tpu.memory_space<semaphore_mem>>
        %dma_start3A_63 = tpu.memref_slice %arg3[%multiple_of3A] : memref<323584xi32, #tpu.memory_space<hbm>> -> memref<128xi32, #tpu.memory_space<hbm>>
        %dma_start3A_64 = tpu.memref_slice %arg3[%multiple_of3A] : memref<323584xi32, #tpu.memory_space<hbm>> -> memref<128xi32, #tpu.memory_space<hbm>>
        tpu.enqueue_dma source(%dma_start3A_64 : memref<128xi32, #tpu.memory_space<hbm>>) target(%arg7 : memref<128xi32, #tpu.memory_space<vmem>>) target_semaphore(%run_scoped3A : memref<!tpu.dma_semaphore, #tpu.memory_space<semaphore_mem>>)
        %dma_wait3A_65 = tpu.memref_slice %arg3[%multiple_of3A] : memref<323584xi32, #tpu.memory_space<hbm>> -> memref<128xi32, #tpu.memory_space<hbm>>
        %dma_wait3A_66 = tpu.memref_slice %arg3[%multiple_of3A] : memref<323584xi32, #tpu.memory_space<hbm>> -> memref<128xi32, #tpu.memory_space<hbm>>
        tpu.wait_dma2 semaphore(%run_scoped3A : memref<!tpu.dma_semaphore, #tpu.memory_space<semaphore_mem>>) src(%dma_wait3A_66 : memref<128xi32, #tpu.memory_space<hbm>>) dst(%arg7 : memref<128xi32, #tpu.memory_space<vmem>>)
        tpu.yield
      }) : () -> ()
      %dma_wait3A = arith.constant 0 : i32
      %dma_wait3A_60 = arith.constant 0 : i32
      %dma_wait3A_61 = tpu.memref_slice %arg4[%dma_wait3A, %dma_wait3A_60] : memref<10240x128xf32, #tpu.memory_space<hbm>> -> memref<10240x128xf32, #tpu.memory_space<hbm>>
      tpu.wait_indirect_dma semaphore(%arg10 : memref<!tpu.dma_semaphore, #tpu.memory_space<semaphore_mem>>) src(%dma_wait3A_61 : memref<10240x128xf32, #tpu.memory_space<hbm>>) dst(%arg8 : memref<128x128xf32, #tpu.memory_space<vmem>>)
      "tpu.region"() ({
        %run_scoped3A = tpu.sem_alloc : memref<!tpu.dma_semaphore, #tpu.memory_space<semaphore_mem>>
        %dma_start3A_63 = arith.constant 0 : i32
        %dma_start3A_64 = arith.constant 0 : i32
        %dma_start3A_65 = tpu.memref_slice %arg9[%dma_start3A_63, %dma_start3A_64] : memref<10240x128xf32, #tpu.memory_space<vmem_shared>> -> memref<10240x128xf32, #tpu.memory_space<vmem_shared>>
        tpu.enqueue_indirect_dma source(%arg8 : memref<128x128xf32, #tpu.memory_space<vmem>>) target(%dma_start3A_65 : memref<10240x128xf32, #tpu.memory_space<vmem_shared>>) offsets(%arg7 : memref<128xi32, #tpu.memory_space<vmem>>) semaphore(%run_scoped3A : memref<!tpu.dma_semaphore, #tpu.memory_space<semaphore_mem>>) {add = true}
        %dma_wait3A_66 = arith.constant 0 : i32
        %dma_wait3A_67 = arith.constant 0 : i32
        %dma_wait3A_68 = tpu.memref_slice %arg9[%dma_wait3A_66, %dma_wait3A_67] : memref<10240x128xf32, #tpu.memory_space<vmem_shared>> -> memref<10240x128xf32, #tpu.memory_space<vmem_shared>>
        tpu.wait_indirect_dma semaphore(%run_scoped3A : memref<!tpu.dma_semaphore, #tpu.memory_space<semaphore_mem>>) src(%arg8 : memref<128x128xf32, #tpu.memory_space<vmem>>) dst(%dma_wait3A_68 : memref<10240x128xf32, #tpu.memory_space<vmem_shared>>)
        tpu.yield
      }) : () -> ()
      %while3A_62 = arith.constant 0 : i32
      scf.yield %while3A_62 : i32
    }
    %while3A_46 = arith.constant 1 : i32
    %while3A_47 = scf.for %while3A_53 = %while3A_43 to %while3A_39 step %while3A_46 iter_args(%while3A_54 = %while3A_45) -> (i32)  : i32 {
      %mul3A_55 = arith.constant 128 : i32
      %mul3A_56 = arith.muli %while3A_53, %mul3A_55 : i32
      %add3A_57 = arith.addi %mul3A_10, %mul3A_56 : i32
      %multiple_of3A = tpu.assume_multiple %add3A_57, 128 : i32
      "tpu.region"() ({
        %run_scoped3A = tpu.sem_alloc : memref<!tpu.dma_semaphore, #tpu.memory_space<semaphore_mem>>
        %dma_start3A_63 = tpu.memref_slice %arg2[%multiple_of3A] : memref<323584xi32, #tpu.memory_space<hbm>> -> memref<128xi32, #tpu.memory_space<hbm>>
        %dma_start3A_64 = tpu.memref_slice %arg2[%multiple_of3A] : memref<323584xi32, #tpu.memory_space<hbm>> -> memref<128xi32, #tpu.memory_space<hbm>>
        tpu.enqueue_dma source(%dma_start3A_64 : memref<128xi32, #tpu.memory_space<hbm>>) target(%arg6 : memref<128xi32, #tpu.memory_space<vmem>>) target_semaphore(%run_scoped3A : memref<!tpu.dma_semaphore, #tpu.memory_space<semaphore_mem>>)
        %dma_wait3A_65 = tpu.memref_slice %arg2[%multiple_of3A] : memref<323584xi32, #tpu.memory_space<hbm>> -> memref<128xi32, #tpu.memory_space<hbm>>
        %dma_wait3A_66 = tpu.memref_slice %arg2[%multiple_of3A] : memref<323584xi32, #tpu.memory_space<hbm>> -> memref<128xi32, #tpu.memory_space<hbm>>
        tpu.wait_dma2 semaphore(%run_scoped3A : memref<!tpu.dma_semaphore, #tpu.memory_space<semaphore_mem>>) src(%dma_wait3A_66 : memref<128xi32, #tpu.memory_space<hbm>>) dst(%arg6 : memref<128xi32, #tpu.memory_space<vmem>>)
        tpu.yield
      }) : () -> ()
      %dma_start3A = arith.constant 0 : i32
      %dma_start3A_58 = arith.constant 0 : i32
      %dma_start3A_59 = tpu.memref_slice %arg4[%dma_start3A, %dma_start3A_58] : memref<10240x128xf32, #tpu.memory_space<hbm>> -> memref<10240x128xf32, #tpu.memory_space<hbm>>
      tpu.enqueue_indirect_dma source(%dma_start3A_59 : memref<10240x128xf32, #tpu.memory_space<hbm>>) target(%arg8 : memref<128x128xf32, #tpu.memory_space<vmem>>) offsets(%arg6 : memref<128xi32, #tpu.memory_space<vmem>>) semaphore(%arg10 : memref<!tpu.dma_semaphore, #tpu.memory_space<semaphore_mem>>)
      "tpu.region"() ({
        %run_scoped3A = tpu.sem_alloc : memref<!tpu.dma_semaphore, #tpu.memory_space<semaphore_mem>>
        %dma_start3A_63 = tpu.memref_slice %arg3[%multiple_of3A] : memref<323584xi32, #tpu.memory_space<hbm>> -> memref<128xi32, #tpu.memory_space<hbm>>
        %dma_start3A_64 = tpu.memref_slice %arg3[%multiple_of3A] : memref<323584xi32, #tpu.memory_space<hbm>> -> memref<128xi32, #tpu.memory_space<hbm>>
        tpu.enqueue_dma source(%dma_start3A_64 : memref<128xi32, #tpu.memory_space<hbm>>) target(%arg7 : memref<128xi32, #tpu.memory_space<vmem>>) target_semaphore(%run_scoped3A : memref<!tpu.dma_semaphore, #tpu.memory_space<semaphore_mem>>)
        %dma_wait3A_65 = tpu.memref_slice %arg3[%multiple_of3A] : memref<323584xi32, #tpu.memory_space<hbm>> -> memref<128xi32, #tpu.memory_space<hbm>>
        %dma_wait3A_66 = tpu.memref_slice %arg3[%multiple_of3A] : memref<323584xi32, #tpu.memory_space<hbm>> -> memref<128xi32, #tpu.memory_space<hbm>>
        tpu.wait_dma2 semaphore(%run_scoped3A : memref<!tpu.dma_semaphore, #tpu.memory_space<semaphore_mem>>) src(%dma_wait3A_66 : memref<128xi32, #tpu.memory_space<hbm>>) dst(%arg7 : memref<128xi32, #tpu.memory_space<vmem>>)
        tpu.yield
      }) : () -> ()
      %dma_wait3A = arith.constant 0 : i32
      %dma_wait3A_60 = arith.constant 0 : i32
      %dma_wait3A_61 = tpu.memref_slice %arg4[%dma_wait3A, %dma_wait3A_60] : memref<10240x128xf32, #tpu.memory_space<hbm>> -> memref<10240x128xf32, #tpu.memory_space<hbm>>
      tpu.wait_indirect_dma semaphore(%arg10 : memref<!tpu.dma_semaphore, #tpu.memory_space<semaphore_mem>>) src(%dma_wait3A_61 : memref<10240x128xf32, #tpu.memory_space<hbm>>) dst(%arg8 : memref<128x128xf32, #tpu.memory_space<vmem>>)
      "tpu.region"() ({
        %run_scoped3A = tpu.sem_alloc : memref<!tpu.dma_semaphore, #tpu.memory_space<semaphore_mem>>
        %dma_start3A_63 = arith.constant 0 : i32
        %dma_start3A_64 = arith.constant 0 : i32
        %dma_start3A_65 = tpu.memref_slice %arg9[%dma_start3A_63, %dma_start3A_64] : memref<10240x128xf32, #tpu.memory_space<vmem_shared>> -> memref<10240x128xf32, #tpu.memory_space<vmem_shared>>
        tpu.enqueue_indirect_dma source(%arg8 : memref<128x128xf32, #tpu.memory_space<vmem>>) target(%dma_start3A_65 : memref<10240x128xf32, #tpu.memory_space<vmem_shared>>) offsets(%arg7 : memref<128xi32, #tpu.memory_space<vmem>>) semaphore(%run_scoped3A : memref<!tpu.dma_semaphore, #tpu.memory_space<semaphore_mem>>) {add = true}
        %dma_wait3A_66 = arith.constant 0 : i32
        %dma_wait3A_67 = arith.constant 0 : i32
        %dma_wait3A_68 = tpu.memref_slice %arg9[%dma_wait3A_66, %dma_wait3A_67] : memref<10240x128xf32, #tpu.memory_space<vmem_shared>> -> memref<10240x128xf32, #tpu.memory_space<vmem_shared>>
        tpu.wait_indirect_dma semaphore(%run_scoped3A : memref<!tpu.dma_semaphore, #tpu.memory_space<semaphore_mem>>) src(%arg8 : memref<128x128xf32, #tpu.memory_space<vmem>>) dst(%dma_wait3A_68 : memref<10240x128xf32, #tpu.memory_space<vmem_shared>>)
        tpu.yield
      }) : () -> ()
      %while3A_62 = arith.constant 0 : i32
      scf.yield %while3A_62 : i32
    }
    %barrier3A_48 = arith.constant 0 : index
    tpu.barrier barrier_id(%barrier3A_48)
    %mul3A_49 = arith.constant 640 : i32
    %mul3A_50 = arith.muli %mul3A_49, %arg1 : i32
    %mul3A_51 = arith.constant 640 : i32
    %mul3A_52 = arith.muli %mul3A_51, %arg1 : i32
    "tpu.region"() ({
      %run_scoped3A = tpu.sem_alloc : memref<!tpu.dma_semaphore, #tpu.memory_space<semaphore_mem>>
      %dma_start3A = arith.constant 0 : i32
      %dma_start3A_53 = tpu.memref_slice %arg5[%arg0, %mul3A_52, %dma_start3A] : memref<2x10240x128xf32, #tpu.memory_space<hbm>> -> memref<1x640x128xf32, #tpu.memory_space<hbm>>
      %dma_start3A_54 = tpu.memref_squeeze %dma_start3A_53 : memref<1x640x128xf32, #tpu.memory_space<hbm>> -> memref<640x128xf32, #tpu.memory_space<hbm>>
      %dma_start3A_55 = arith.constant 0 : i32
      %dma_start3A_56 = tpu.memref_slice %arg9[%mul3A_50, %dma_start3A_55] : memref<10240x128xf32, #tpu.memory_space<vmem_shared>> -> memref<640x128xf32, #tpu.memory_space<vmem_shared>>
      tpu.enqueue_dma source(%dma_start3A_56 : memref<640x128xf32, #tpu.memory_space<vmem_shared>>) target(%dma_start3A_54 : memref<640x128xf32, #tpu.memory_space<hbm>>) target_semaphore(%run_scoped3A : memref<!tpu.dma_semaphore, #tpu.memory_space<semaphore_mem>>)
      %dma_wait3A = arith.constant 0 : i32
      %dma_wait3A_57 = tpu.memref_slice %arg5[%arg0, %mul3A_52, %dma_wait3A] : memref<2x10240x128xf32, #tpu.memory_space<hbm>> -> memref<1x640x128xf32, #tpu.memory_space<hbm>>
      %dma_wait3A_58 = tpu.memref_squeeze %dma_wait3A_57 : memref<1x640x128xf32, #tpu.memory_space<hbm>> -> memref<640x128xf32, #tpu.memory_space<hbm>>
      %dma_wait3A_59 = arith.constant 0 : i32
      %dma_wait3A_60 = tpu.memref_slice %arg9[%mul3A_50, %dma_wait3A_59] : memref<10240x128xf32, #tpu.memory_space<vmem_shared>> -> memref<640x128xf32, #tpu.memory_space<vmem_shared>>
      tpu.wait_dma2 semaphore(%run_scoped3A : memref<!tpu.dma_semaphore, #tpu.memory_space<semaphore_mem>>) src(%dma_wait3A_60 : memref<640x128xf32, #tpu.memory_space<vmem_shared>>) dst(%dma_wait3A_58 : memref<640x128xf32, #tpu.memory_space<hbm>>)
      tpu.yield
    }) : () -> ()
    return
  }
}

#map = affine_map<(d0, d1) -> (0)>
#map1 = affine_map<(d0, d1) -> (0, 0)>
#map2 = affine_map<(d0, d1) -> (0, 0, 0)>
module attributes {stable_mosaic.version = 14 : i64} {
  func.func @_sc_gat_body(%arg0: i32, %arg1: i32, %arg2: memref<323584xi32, #tpu.memory_space<hbm>>, %arg3: memref<323584xi32, #tpu.memory_space<hbm>>, %arg4: memref<10240xf32, #tpu.memory_space<hbm>>, %arg5: memref<10240xf32, #tpu.memory_space<hbm>>, %arg6: memref<10240x128xf32, #tpu.memory_space<hbm>>, %arg7: memref<16xf32, #tpu.memory_space<hbm>>, %arg8: memref<2x10240x128xf32, #tpu.memory_space<hbm>>, %arg9: memref<2x16x640xf32, #tpu.memory_space<hbm>>, %arg10: memref<10240xf32, #tpu.memory_space<vmem>>, %arg11: memref<10240xf32, #tpu.memory_space<vmem>>, %arg12: memref<16xf32, #tpu.memory_space<vmem>>, %arg13: memref<128xi32, #tpu.memory_space<vmem>>, %arg14: memref<128xi32, #tpu.memory_space<vmem>>, %arg15: memref<128xf32, #tpu.memory_space<vmem>>, %arg16: memref<128x128xf32, #tpu.memory_space<vmem>>, %arg17: memref<640xf32, #tpu.memory_space<vmem>>, %arg18: memref<10240x128xf32, #tpu.memory_space<vmem_shared>>, %arg19: memref<10240xf32, #tpu.memory_space<vmem_shared>>, %arg20: memref<!tpu.dma_semaphore, #tpu.memory_space<semaphore_mem>>) attributes {dimension_semantics = [#tpu.dimension_semantics<core_parallel>, #tpu.dimension_semantics<subcore_parallel>], iteration_bounds = array<i64: 2, 16>, scalar_prefetch = 0 : i64, scratch_operands = 11 : i64, tpu.core_type = #tpu.core_type<sc_vector_subcore>, window_params = [{transform_indices = #map}, {transform_indices = #map}, {transform_indices = #map}, {transform_indices = #map}, {transform_indices = #map1}, {transform_indices = #map}, {transform_indices = #map2}, {transform_indices = #map2}]} {
    %eq3A = arith.constant 0 : i32
    %eq3A_0 = arith.cmpi eq, %arg0, %eq3A : i32
    %jit3A = arith.constant 90 : i32
    %jit3A_1 = arith.constant 68 : i32
    %select_n3A = arith.select %eq3A_0, %jit3A, %jit3A_1 : i32
    %eq3A_2 = arith.constant 0 : i32
    %eq3A_3 = arith.cmpi eq, %arg0, %eq3A_2 : i32
    %mul3A = arith.constant 90 : i32
    %mul3A_4 = arith.muli %arg1, %mul3A : i32
    %mul3A_5 = arith.constant 68 : i32
    %mul3A_6 = arith.muli %arg1, %mul3A_5 : i32
    %add3A = arith.constant 1440 : i32
    %add3A_7 = arith.addi %add3A, %mul3A_6 : i32
    %select_n3A_8 = arith.select %eq3A_3, %mul3A_4, %add3A_7 : i32
    %mul3A_9 = arith.constant 128 : i32
    %mul3A_10 = arith.muli %select_n3A_8, %mul3A_9 : i32
    %scan3A = arith.constant 0 : i32
    %scan3A_11 = arith.constant 0 : i32
    %scan3A_12 = arith.constant 128 : i32
    %scan3A_13 = arith.addi %scan3A_11, %scan3A_12 : i32
    %scan3A_14 = arith.constant 1 : i32
    %scan3A_15 = scf.for %scan3A_65 = %scan3A_11 to %scan3A_13 step %scan3A_14 iter_args(%scan3A_66 = %scan3A) -> (i32)  : i32 {
      %broadcast_in_dim3A = arith.constant 0.000000e+00 : f32
      %broadcast_in_dim3A_67 = vector.broadcast %broadcast_in_dim3A : f32 to vector<16xf32>
      %swap3A = arith.index_cast %scan3A_65 : i32 to index
      %swap3A_68 = arith.constant 0 : index
      %swap3A_69 = tpu.vector_load %arg16[%swap3A, %swap3A_68] {strides = array<i32>} : memref<128x128xf32, #tpu.memory_space<vmem>>, vector<16xf32>,
      tpu.vector_store %arg16[%swap3A, %swap3A_68], %broadcast_in_dim3A_67 {strides = array<i32>} : memref<128x128xf32, #tpu.memory_space<vmem>>, vector<16xf32>,
      %broadcast_in_dim3A_70 = arith.constant 0.000000e+00 : f32
      %broadcast_in_dim3A_71 = vector.broadcast %broadcast_in_dim3A_70 : f32 to vector<16xf32>
      %swap3A_72 = arith.index_cast %scan3A_65 : i32 to index
      %swap3A_73 = arith.constant 16 : index
      %swap3A_74 = tpu.vector_load %arg16[%swap3A_72, %swap3A_73] {strides = array<i32>} : memref<128x128xf32, #tpu.memory_space<vmem>>, vector<16xf32>,
      tpu.vector_store %arg16[%swap3A_72, %swap3A_73], %broadcast_in_dim3A_71 {strides = array<i32>} : memref<128x128xf32, #tpu.memory_space<vmem>>, vector<16xf32>,
      %broadcast_in_dim3A_75 = arith.constant 0.000000e+00 : f32
      %broadcast_in_dim3A_76 = vector.broadcast %broadcast_in_dim3A_75 : f32 to vector<16xf32>
      %swap3A_77 = arith.index_cast %scan3A_65 : i32 to index
      %swap3A_78 = arith.constant 32 : index
      %swap3A_79 = tpu.vector_load %arg16[%swap3A_77, %swap3A_78] {strides = array<i32>} : memref<128x128xf32, #tpu.memory_space<vmem>>, vector<16xf32>,
      tpu.vector_store %arg16[%swap3A_77, %swap3A_78], %broadcast_in_dim3A_76 {strides = array<i32>} : memref<128x128xf32, #tpu.memory_space<vmem>>, vector<16xf32>,
      %broadcast_in_dim3A_80 = arith.constant 0.000000e+00 : f32
      %broadcast_in_dim3A_81 = vector.broadcast %broadcast_in_dim3A_80 : f32 to vector<16xf32>
      %swap3A_82 = arith.index_cast %scan3A_65 : i32 to index
      %swap3A_83 = arith.constant 48 : index
      %swap3A_84 = tpu.vector_load %arg16[%swap3A_82, %swap3A_83] {strides = array<i32>} : memref<128x128xf32, #tpu.memory_space<vmem>>, vector<16xf32>,
      tpu.vector_store %arg16[%swap3A_82, %swap3A_83], %broadcast_in_dim3A_81 {strides = array<i32>} : memref<128x128xf32, #tpu.memory_space<vmem>>, vector<16xf32>,
      %broadcast_in_dim3A_85 = arith.constant 0.000000e+00 : f32
      %broadcast_in_dim3A_86 = vector.broadcast %broadcast_in_dim3A_85 : f32 to vector<16xf32>
      %swap3A_87 = arith.index_cast %scan3A_65 : i32 to index
      %swap3A_88 = arith.constant 64 : index
      %swap3A_89 = tpu.vector_load %arg16[%swap3A_87, %swap3A_88] {strides = array<i32>} : memref<128x128xf32, #tpu.memory_space<vmem>>, vector<16xf32>,
      tpu.vector_store %arg16[%swap3A_87, %swap3A_88], %broadcast_in_dim3A_86 {strides = array<i32>} : memref<128x128xf32, #tpu.memory_space<vmem>>, vector<16xf32>,
      %broadcast_in_dim3A_90 = arith.constant 0.000000e+00 : f32
      %broadcast_in_dim3A_91 = vector.broadcast %broadcast_in_dim3A_90 : f32 to vector<16xf32>
      %swap3A_92 = arith.index_cast %scan3A_65 : i32 to index
      %swap3A_93 = arith.constant 80 : index
      %swap3A_94 = tpu.vector_load %arg16[%swap3A_92, %swap3A_93] {strides = array<i32>} : memref<128x128xf32, #tpu.memory_space<vmem>>, vector<16xf32>,
      tpu.vector_store %arg16[%swap3A_92, %swap3A_93], %broadcast_in_dim3A_91 {strides = array<i32>} : memref<128x128xf32, #tpu.memory_space<vmem>>, vector<16xf32>,
      %broadcast_in_dim3A_95 = arith.constant 0.000000e+00 : f32
      %broadcast_in_dim3A_96 = vector.broadcast %broadcast_in_dim3A_95 : f32 to vector<16xf32>
      %swap3A_97 = arith.index_cast %scan3A_65 : i32 to index
      %swap3A_98 = arith.constant 96 : index
      %swap3A_99 = tpu.vector_load %arg16[%swap3A_97, %swap3A_98] {strides = array<i32>} : memref<128x128xf32, #tpu.memory_space<vmem>>, vector<16xf32>,
      tpu.vector_store %arg16[%swap3A_97, %swap3A_98], %broadcast_in_dim3A_96 {strides = array<i32>} : memref<128x128xf32, #tpu.memory_space<vmem>>, vector<16xf32>,
      %broadcast_in_dim3A_100 = arith.constant 0.000000e+00 : f32
      %broadcast_in_dim3A_101 = vector.broadcast %broadcast_in_dim3A_100 : f32 to vector<16xf32>
      %swap3A_102 = arith.index_cast %scan3A_65 : i32 to index
      %swap3A_103 = arith.constant 112 : index
      %swap3A_104 = tpu.vector_load %arg16[%swap3A_102, %swap3A_103] {strides = array<i32>} : memref<128x128xf32, #tpu.memory_space<vmem>>, vector<16xf32>,
      tpu.vector_store %arg16[%swap3A_102, %swap3A_103], %broadcast_in_dim3A_101 {strides = array<i32>} : memref<128x128xf32, #tpu.memory_space<vmem>>, vector<16xf32>,
      %scan3A_105 = arith.constant 0 : i32
      scf.yield %scan3A_105 : i32
    }
    %scan3A_16 = arith.constant 128 : i32
    %scan3A_17 = arith.constant 0 : i32
    %scan3A_18 = arith.constant 0 : i32
    %scan3A_19 = arith.constant 40 : i32
    %scan3A_20 = arith.addi %scan3A_18, %scan3A_19 : i32
    %scan3A_21 = arith.constant 1 : i32
    %scan3A_22 = scf.for %scan3A_65 = %scan3A_18 to %scan3A_20 step %scan3A_21 iter_args(%scan3A_66 = %scan3A_17) -> (i32)  : i32 {
      %broadcast_in_dim3A = arith.constant 0.000000e+00 : f32
      %broadcast_in_dim3A_67 = vector.broadcast %broadcast_in_dim3A : f32 to vector<16xf32>
      %mul3A_68 = arith.constant 16 : i32
      %mul3A_69 = arith.muli %scan3A_65, %mul3A_68 : i32
      %swap3A = arith.index_cast %mul3A_69 : i32 to index
      %swap3A_70 = tpu.vector_load %arg17[%swap3A] {strides = array<i32>} : memref<640xf32, #tpu.memory_space<vmem>>, vector<16xf32>,
      tpu.vector_store %arg17[%swap3A], %broadcast_in_dim3A_67 {strides = array<i32>} : memref<640xf32, #tpu.memory_space<vmem>>, vector<16xf32>,
      %scan3A_71 = arith.constant 0 : i32
      scf.yield %scan3A_71 : i32
    }
    %scan3A_23 = arith.constant 40 : i32
    %mul3A_24 = arith.constant 640 : i32
    %mul3A_25 = arith.muli %mul3A_24, %arg1 : i32
    "tpu.region"() ({
      %run_scoped3A = tpu.sem_alloc : memref<!tpu.dma_semaphore, #tpu.memory_space<semaphore_mem>>
      %dma_start3A = tpu.memref_slice %arg19[%mul3A_25] : memref<10240xf32, #tpu.memory_space<vmem_shared>> -> memref<640xf32, #tpu.memory_space<vmem_shared>>
      %dma_start3A_65 = tpu.memref_slice %arg19[%mul3A_25] : memref<10240xf32, #tpu.memory_space<vmem_shared>> -> memref<640xf32, #tpu.memory_space<vmem_shared>>
      tpu.enqueue_dma source(%arg17 : memref<640xf32, #tpu.memory_space<vmem>>) target(%dma_start3A_65 : memref<640xf32, #tpu.memory_space<vmem_shared>>) target_semaphore(%run_scoped3A : memref<!tpu.dma_semaphore, #tpu.memory_space<semaphore_mem>>)
      %dma_wait3A = tpu.memref_slice %arg19[%mul3A_25] : memref<10240xf32, #tpu.memory_space<vmem_shared>> -> memref<640xf32, #tpu.memory_space<vmem_shared>>
      %dma_wait3A_66 = tpu.memref_slice %arg19[%mul3A_25] : memref<10240xf32, #tpu.memory_space<vmem_shared>> -> memref<640xf32, #tpu.memory_space<vmem_shared>>
      tpu.wait_dma2 semaphore(%run_scoped3A : memref<!tpu.dma_semaphore, #tpu.memory_space<semaphore_mem>>) src(%arg17 : memref<640xf32, #tpu.memory_space<vmem>>) dst(%dma_wait3A_66 : memref<640xf32, #tpu.memory_space<vmem_shared>>)
      tpu.yield
    }) : () -> ()
    %mul3A_26 = arith.constant 640 : i32
    %mul3A_27 = arith.muli %mul3A_26, %arg1 : i32
    %add3A_28 = arith.constant 0 : i32
    %add3A_29 = arith.addi %mul3A_27, %add3A_28 : i32
    "tpu.region"() ({
      %run_scoped3A = tpu.sem_alloc : memref<!tpu.dma_semaphore, #tpu.memory_space<semaphore_mem>>
      %dma_start3A = arith.constant 0 : i32
      %dma_start3A_65 = tpu.memref_slice %arg18[%add3A_29, %dma_start3A] : memref<10240x128xf32, #tpu.memory_space<vmem_shared>> -> memref<128x128xf32, #tpu.memory_space<vmem_shared>>
      %dma_start3A_66 = arith.constant 0 : i32
      %dma_start3A_67 = tpu.memref_slice %arg18[%add3A_29, %dma_start3A_66] : memref<10240x128xf32, #tpu.memory_space<vmem_shared>> -> memref<128x128xf32, #tpu.memory_space<vmem_shared>>
      tpu.enqueue_dma source(%arg16 : memref<128x128xf32, #tpu.memory_space<vmem>>) target(%dma_start3A_67 : memref<128x128xf32, #tpu.memory_space<vmem_shared>>) target_semaphore(%run_scoped3A : memref<!tpu.dma_semaphore, #tpu.memory_space<semaphore_mem>>)
      %dma_wait3A = arith.constant 0 : i32
      %dma_wait3A_68 = tpu.memref_slice %arg18[%add3A_29, %dma_wait3A] : memref<10240x128xf32, #tpu.memory_space<vmem_shared>> -> memref<128x128xf32, #tpu.memory_space<vmem_shared>>
      %dma_wait3A_69 = arith.constant 0 : i32
      %dma_wait3A_70 = tpu.memref_slice %arg18[%add3A_29, %dma_wait3A_69] : memref<10240x128xf32, #tpu.memory_space<vmem_shared>> -> memref<128x128xf32, #tpu.memory_space<vmem_shared>>
      tpu.wait_dma2 semaphore(%run_scoped3A : memref<!tpu.dma_semaphore, #tpu.memory_space<semaphore_mem>>) src(%arg16 : memref<128x128xf32, #tpu.memory_space<vmem>>) dst(%dma_wait3A_70 : memref<128x128xf32, #tpu.memory_space<vmem_shared>>)
      tpu.yield
    }) : () -> ()
    %mul3A_30 = arith.constant 640 : i32
    %mul3A_31 = arith.muli %mul3A_30, %arg1 : i32
    %add3A_32 = arith.constant 128 : i32
    %add3A_33 = arith.addi %mul3A_31, %add3A_32 : i32
    "tpu.region"() ({
      %run_scoped3A = tpu.sem_alloc : memref<!tpu.dma_semaphore, #tpu.memory_space<semaphore_mem>>
      %dma_start3A = arith.constant 0 : i32
      %dma_start3A_65 = tpu.memref_slice %arg18[%add3A_33, %dma_start3A] : memref<10240x128xf32, #tpu.memory_space<vmem_shared>> -> memref<128x128xf32, #tpu.memory_space<vmem_shared>>
      %dma_start3A_66 = arith.constant 0 : i32
      %dma_start3A_67 = tpu.memref_slice %arg18[%add3A_33, %dma_start3A_66] : memref<10240x128xf32, #tpu.memory_space<vmem_shared>> -> memref<128x128xf32, #tpu.memory_space<vmem_shared>>
      tpu.enqueue_dma source(%arg16 : memref<128x128xf32, #tpu.memory_space<vmem>>) target(%dma_start3A_67 : memref<128x128xf32, #tpu.memory_space<vmem_shared>>) target_semaphore(%run_scoped3A : memref<!tpu.dma_semaphore, #tpu.memory_space<semaphore_mem>>)
      %dma_wait3A = arith.constant 0 : i32
      %dma_wait3A_68 = tpu.memref_slice %arg18[%add3A_33, %dma_wait3A] : memref<10240x128xf32, #tpu.memory_space<vmem_shared>> -> memref<128x128xf32, #tpu.memory_space<vmem_shared>>
      %dma_wait3A_69 = arith.constant 0 : i32
      %dma_wait3A_70 = tpu.memref_slice %arg18[%add3A_33, %dma_wait3A_69] : memref<10240x128xf32, #tpu.memory_space<vmem_shared>> -> memref<128x128xf32, #tpu.memory_space<vmem_shared>>
      tpu.wait_dma2 semaphore(%run_scoped3A : memref<!tpu.dma_semaphore, #tpu.memory_space<semaphore_mem>>) src(%arg16 : memref<128x128xf32, #tpu.memory_space<vmem>>) dst(%dma_wait3A_70 : memref<128x128xf32, #tpu.memory_space<vmem_shared>>)
      tpu.yield
    }) : () -> ()
    %mul3A_34 = arith.constant 640 : i32
    %mul3A_35 = arith.muli %mul3A_34, %arg1 : i32
    %add3A_36 = arith.constant 256 : i32
    %add3A_37 = arith.addi %mul3A_35, %add3A_36 : i32
    "tpu.region"() ({
      %run_scoped3A = tpu.sem_alloc : memref<!tpu.dma_semaphore, #tpu.memory_space<semaphore_mem>>
      %dma_start3A = arith.constant 0 : i32
      %dma_start3A_65 = tpu.memref_slice %arg18[%add3A_37, %dma_start3A] : memref<10240x128xf32, #tpu.memory_space<vmem_shared>> -> memref<128x128xf32, #tpu.memory_space<vmem_shared>>
      %dma_start3A_66 = arith.constant 0 : i32
      %dma_start3A_67 = tpu.memref_slice %arg18[%add3A_37, %dma_start3A_66] : memref<10240x128xf32, #tpu.memory_space<vmem_shared>> -> memref<128x128xf32, #tpu.memory_space<vmem_shared>>
      tpu.enqueue_dma source(%arg16 : memref<128x128xf32, #tpu.memory_space<vmem>>) target(%dma_start3A_67 : memref<128x128xf32, #tpu.memory_space<vmem_shared>>) target_semaphore(%run_scoped3A : memref<!tpu.dma_semaphore, #tpu.memory_space<semaphore_mem>>)
      %dma_wait3A = arith.constant 0 : i32
      %dma_wait3A_68 = tpu.memref_slice %arg18[%add3A_37, %dma_wait3A] : memref<10240x128xf32, #tpu.memory_space<vmem_shared>> -> memref<128x128xf32, #tpu.memory_space<vmem_shared>>
      %dma_wait3A_69 = arith.constant 0 : i32
      %dma_wait3A_70 = tpu.memref_slice %arg18[%add3A_37, %dma_wait3A_69] : memref<10240x128xf32, #tpu.memory_space<vmem_shared>> -> memref<128x128xf32, #tpu.memory_space<vmem_shared>>
      tpu.wait_dma2 semaphore(%run_scoped3A : memref<!tpu.dma_semaphore, #tpu.memory_space<semaphore_mem>>) src(%arg16 : memref<128x128xf32, #tpu.memory_space<vmem>>) dst(%dma_wait3A_70 : memref<128x128xf32, #tpu.memory_space<vmem_shared>>)
      tpu.yield
    }) : () -> ()
    %mul3A_38 = arith.constant 640 : i32
    %mul3A_39 = arith.muli %mul3A_38, %arg1 : i32
    %add3A_40 = arith.constant 384 : i32
    %add3A_41 = arith.addi %mul3A_39, %add3A_40 : i32
    "tpu.region"() ({
      %run_scoped3A = tpu.sem_alloc : memref<!tpu.dma_semaphore, #tpu.memory_space<semaphore_mem>>
      %dma_start3A = arith.constant 0 : i32
      %dma_start3A_65 = tpu.memref_slice %arg18[%add3A_41, %dma_start3A] : memref<10240x128xf32, #tpu.memory_space<vmem_shared>> -> memref<128x128xf32, #tpu.memory_space<vmem_shared>>
      %dma_start3A_66 = arith.constant 0 : i32
      %dma_start3A_67 = tpu.memref_slice %arg18[%add3A_41, %dma_start3A_66] : memref<10240x128xf32, #tpu.memory_space<vmem_shared>> -> memref<128x128xf32, #tpu.memory_space<vmem_shared>>
      tpu.enqueue_dma source(%arg16 : memref<128x128xf32, #tpu.memory_space<vmem>>) target(%dma_start3A_67 : memref<128x128xf32, #tpu.memory_space<vmem_shared>>) target_semaphore(%run_scoped3A : memref<!tpu.dma_semaphore, #tpu.memory_space<semaphore_mem>>)
      %dma_wait3A = arith.constant 0 : i32
      %dma_wait3A_68 = tpu.memref_slice %arg18[%add3A_41, %dma_wait3A] : memref<10240x128xf32, #tpu.memory_space<vmem_shared>> -> memref<128x128xf32, #tpu.memory_space<vmem_shared>>
      %dma_wait3A_69 = arith.constant 0 : i32
      %dma_wait3A_70 = tpu.memref_slice %arg18[%add3A_41, %dma_wait3A_69] : memref<10240x128xf32, #tpu.memory_space<vmem_shared>> -> memref<128x128xf32, #tpu.memory_space<vmem_shared>>
      tpu.wait_dma2 semaphore(%run_scoped3A : memref<!tpu.dma_semaphore, #tpu.memory_space<semaphore_mem>>) src(%arg16 : memref<128x128xf32, #tpu.memory_space<vmem>>) dst(%dma_wait3A_70 : memref<128x128xf32, #tpu.memory_space<vmem_shared>>)
      tpu.yield
    }) : () -> ()
    %mul3A_42 = arith.constant 640 : i32
    %mul3A_43 = arith.muli %mul3A_42, %arg1 : i32
    %add3A_44 = arith.constant 512 : i32
    %add3A_45 = arith.addi %mul3A_43, %add3A_44 : i32
    "tpu.region"() ({
      %run_scoped3A = tpu.sem_alloc : memref<!tpu.dma_semaphore, #tpu.memory_space<semaphore_mem>>
      %dma_start3A = arith.constant 0 : i32
      %dma_start3A_65 = tpu.memref_slice %arg18[%add3A_45, %dma_start3A] : memref<10240x128xf32, #tpu.memory_space<vmem_shared>> -> memref<128x128xf32, #tpu.memory_space<vmem_shared>>
      %dma_start3A_66 = arith.constant 0 : i32
      %dma_start3A_67 = tpu.memref_slice %arg18[%add3A_45, %dma_start3A_66] : memref<10240x128xf32, #tpu.memory_space<vmem_shared>> -> memref<128x128xf32, #tpu.memory_space<vmem_shared>>
      tpu.enqueue_dma source(%arg16 : memref<128x128xf32, #tpu.memory_space<vmem>>) target(%dma_start3A_67 : memref<128x128xf32, #tpu.memory_space<vmem_shared>>) target_semaphore(%run_scoped3A : memref<!tpu.dma_semaphore, #tpu.memory_space<semaphore_mem>>)
      %dma_wait3A = arith.constant 0 : i32
      %dma_wait3A_68 = tpu.memref_slice %arg18[%add3A_45, %dma_wait3A] : memref<10240x128xf32, #tpu.memory_space<vmem_shared>> -> memref<128x128xf32, #tpu.memory_space<vmem_shared>>
      %dma_wait3A_69 = arith.constant 0 : i32
      %dma_wait3A_70 = tpu.memref_slice %arg18[%add3A_45, %dma_wait3A_69] : memref<10240x128xf32, #tpu.memory_space<vmem_shared>> -> memref<128x128xf32, #tpu.memory_space<vmem_shared>>
      tpu.wait_dma2 semaphore(%run_scoped3A : memref<!tpu.dma_semaphore, #tpu.memory_space<semaphore_mem>>) src(%arg16 : memref<128x128xf32, #tpu.memory_space<vmem>>) dst(%dma_wait3A_70 : memref<128x128xf32, #tpu.memory_space<vmem_shared>>)
      tpu.yield
    }) : () -> ()
    %barrier3A = arith.constant 0 : index
    tpu.barrier barrier_id(%barrier3A)
    "tpu.region"() ({
      %run_scoped3A = tpu.sem_alloc : memref<!tpu.dma_semaphore, #tpu.memory_space<semaphore_mem>>
      tpu.enqueue_dma source(%arg4 : memref<10240xf32, #tpu.memory_space<hbm>>) target(%arg10 : memref<10240xf32, #tpu.memory_space<vmem>>) target_semaphore(%run_scoped3A : memref<!tpu.dma_semaphore, #tpu.memory_space<semaphore_mem>>)
      tpu.wait_dma2 semaphore(%run_scoped3A : memref<!tpu.dma_semaphore, #tpu.memory_space<semaphore_mem>>) src(%arg4 : memref<10240xf32, #tpu.memory_space<hbm>>) dst(%arg10 : memref<10240xf32, #tpu.memory_space<vmem>>)
      tpu.yield
    }) : () -> ()
    "tpu.region"() ({
      %run_scoped3A = tpu.sem_alloc : memref<!tpu.dma_semaphore, #tpu.memory_space<semaphore_mem>>
      tpu.enqueue_dma source(%arg5 : memref<10240xf32, #tpu.memory_space<hbm>>) target(%arg11 : memref<10240xf32, #tpu.memory_space<vmem>>) target_semaphore(%run_scoped3A : memref<!tpu.dma_semaphore, #tpu.memory_space<semaphore_mem>>)
      tpu.wait_dma2 semaphore(%run_scoped3A : memref<!tpu.dma_semaphore, #tpu.memory_space<semaphore_mem>>) src(%arg5 : memref<10240xf32, #tpu.memory_space<hbm>>) dst(%arg11 : memref<10240xf32, #tpu.memory_space<vmem>>)
      tpu.yield
    }) : () -> ()
    "tpu.region"() ({
      %run_scoped3A = tpu.sem_alloc : memref<!tpu.dma_semaphore, #tpu.memory_space<semaphore_mem>>
      tpu.enqueue_dma source(%arg7 : memref<16xf32, #tpu.memory_space<hbm>>) target(%arg12 : memref<16xf32, #tpu.memory_space<vmem>>) target_semaphore(%run_scoped3A : memref<!tpu.dma_semaphore, #tpu.memory_space<semaphore_mem>>)
      tpu.wait_dma2 semaphore(%run_scoped3A : memref<!tpu.dma_semaphore, #tpu.memory_space<semaphore_mem>>) src(%arg7 : memref<16xf32, #tpu.memory_space<hbm>>) dst(%arg12 : memref<16xf32, #tpu.memory_space<vmem>>)
      tpu.yield
    }) : () -> ()
    %get3A = arith.constant 0 : index
    %get3A_46 = tpu.vector_load %arg12[%get3A] {strides = array<i32>} : memref<16xf32, #tpu.memory_space<vmem>>, vector<16xf32>,
    %while3A = arith.constant 0 : i32
    %while3A_47 = arith.constant 0 : i32
    %while3A_48 = arith.subi %select_n3A, %while3A : i32
    %while3A_49 = arith.addi %while3A, %while3A_48 : i32
    %while3A_50 = arith.constant 1 : i32
    %while3A_51 = arith.divsi %while3A_48, %while3A_50 : i32
    %while3A_52 = arith.muli %while3A_51, %while3A_50 : i32
    %while3A_53 = arith.addi %while3A, %while3A_52 : i32
    %while3A_54 = arith.constant 1 : i32
    %while3A_55 = scf.for %while3A_65 = %while3A to %while3A_53 step %while3A_54 iter_args(%while3A_66 = %while3A_47) -> (i32)  : i32 {
      %mul3A_67 = arith.constant 128 : i32
      %mul3A_68 = arith.muli %while3A_65, %mul3A_67 : i32
      %add3A_69 = arith.addi %mul3A_10, %mul3A_68 : i32
      %multiple_of3A = tpu.assume_multiple %add3A_69, 128 : i32
      "tpu.region"() ({
        %run_scoped3A = tpu.sem_alloc : memref<!tpu.dma_semaphore, #tpu.memory_space<semaphore_mem>>
        %dma_start3A_282 = tpu.memref_slice %arg2[%multiple_of3A] : memref<323584xi32, #tpu.memory_space<hbm>> -> memref<128xi32, #tpu.memory_space<hbm>>
        %dma_start3A_283 = tpu.memref_slice %arg2[%multiple_of3A] : memref<323584xi32, #tpu.memory_space<hbm>> -> memref<128xi32, #tpu.memory_space<hbm>>
        tpu.enqueue_dma source(%dma_start3A_283 : memref<128xi32, #tpu.memory_space<hbm>>) target(%arg13 : memref<128xi32, #tpu.memory_space<vmem>>) target_semaphore(%run_scoped3A : memref<!tpu.dma_semaphore, #tpu.memory_space<semaphore_mem>>)
        %dma_wait3A_284 = tpu.memref_slice %arg2[%multiple_of3A] : memref<323584xi32, #tpu.memory_space<hbm>> -> memref<128xi32, #tpu.memory_space<hbm>>
        %dma_wait3A_285 = tpu.memref_slice %arg2[%multiple_of3A] : memref<323584xi32, #tpu.memory_space<hbm>> -> memref<128xi32, #tpu.memory_space<hbm>>
        tpu.wait_dma2 semaphore(%run_scoped3A : memref<!tpu.dma_semaphore, #tpu.memory_space<semaphore_mem>>) src(%dma_wait3A_285 : memref<128xi32, #tpu.memory_space<hbm>>) dst(%arg13 : memref<128xi32, #tpu.memory_space<vmem>>)
        tpu.yield
      }) : () -> ()
      "tpu.region"() ({
        %run_scoped3A = tpu.sem_alloc : memref<!tpu.dma_semaphore, #tpu.memory_space<semaphore_mem>>
        %dma_start3A_282 = tpu.memref_slice %arg3[%multiple_of3A] : memref<323584xi32, #tpu.memory_space<hbm>> -> memref<128xi32, #tpu.memory_space<hbm>>
        %dma_start3A_283 = tpu.memref_slice %arg3[%multiple_of3A] : memref<323584xi32, #tpu.memory_space<hbm>> -> memref<128xi32, #tpu.memory_space<hbm>>
        tpu.enqueue_dma source(%dma_start3A_283 : memref<128xi32, #tpu.memory_space<hbm>>) target(%arg14 : memref<128xi32, #tpu.memory_space<vmem>>) target_semaphore(%run_scoped3A : memref<!tpu.dma_semaphore, #tpu.memory_space<semaphore_mem>>)
        %dma_wait3A_284 = tpu.memref_slice %arg3[%multiple_of3A] : memref<323584xi32, #tpu.memory_space<hbm>> -> memref<128xi32, #tpu.memory_space<hbm>>
        %dma_wait3A_285 = tpu.memref_slice %arg3[%multiple_of3A] : memref<323584xi32, #tpu.memory_space<hbm>> -> memref<128xi32, #tpu.memory_space<hbm>>
        tpu.wait_dma2 semaphore(%run_scoped3A : memref<!tpu.dma_semaphore, #tpu.memory_space<semaphore_mem>>) src(%dma_wait3A_285 : memref<128xi32, #tpu.memory_space<hbm>>) dst(%arg14 : memref<128xi32, #tpu.memory_space<vmem>>)
        tpu.yield
      }) : () -> ()
      %dma_start3A = arith.constant 0 : i32
      %dma_start3A_70 = arith.constant 0 : i32
      %dma_start3A_71 = tpu.memref_slice %arg6[%dma_start3A, %dma_start3A_70] : memref<10240x128xf32, #tpu.memory_space<hbm>> -> memref<10240x128xf32, #tpu.memory_space<hbm>>
      tpu.enqueue_indirect_dma source(%dma_start3A_71 : memref<10240x128xf32, #tpu.memory_space<hbm>>) target(%arg16 : memref<128x128xf32, #tpu.memory_space<vmem>>) offsets(%arg13 : memref<128xi32, #tpu.memory_space<vmem>>) semaphore(%arg20 : memref<!tpu.dma_semaphore, #tpu.memory_space<semaphore_mem>>)
      %get3A_72 = arith.constant 0 : index
      %get3A_73 = tpu.vector_load %arg13[%get3A_72] {strides = array<i32>} : memref<128xi32, #tpu.memory_space<vmem>>, vector<16xi32>,
      %get3A_74 = arith.constant 0 : index
      %get3A_75 = tpu.vector_load %arg14[%get3A_74] {strides = array<i32>} : memref<128xi32, #tpu.memory_space<vmem>>, vector<16xi32>,
      %gather3A = tpu.vector_load_idx %arg10[%get3A_73] : memref<10240xf32, #tpu.memory_space<vmem>>[vector<16xi32>], vector<16xf32>,
      %gather3A_76 = tpu.vector_load_idx %arg11[%get3A_75] : memref<10240xf32, #tpu.memory_space<vmem>>[vector<16xi32>], vector<16xf32>,
      %add3A_77 = arith.addf %gather3A, %gather3A_76 : vector<16xf32>
      %mul3A_78 = arith.constant 2.000000e-01 : f32
      %mul3A_79 = vector.broadcast %mul3A_78 : f32 to vector<16xf32>
      %mul3A_80 = arith.mulf %mul3A_79, %add3A_77 : vector<16xf32>
      %max3A = arith.maximumf %add3A_77, %mul3A_80 : vector<16xf32>
      %sub3A = arith.subf %max3A, %get3A_46 : vector<16xf32>
      %exp3A = math.exp %sub3A : vector<16xf32>
      %iota3A = tpu.iota {dimensions = array<i32: 0>} : vector<16xi32>
      %add3A_81 = arith.constant 0 : i32
      %add3A_82 = arith.addi %multiple_of3A, %add3A_81 : i32
      %add3A_83 = vector.broadcast %add3A_82 : i32 to vector<16xi32>
      %add3A_84 = arith.addi %iota3A, %add3A_83 : vector<16xi32>
      %lt3A = arith.constant 320000 : i32
      %lt3A_85 = vector.broadcast %lt3A : i32 to vector<16xi32>
      %lt3A_86 = arith.cmpi slt, %add3A_84, %lt3A_85 : vector<16xi32>
      %jit3A_87 = arith.constant 0.000000e+00 : f32
      %broadcast_in_dim3A = vector.broadcast %jit3A_87 : f32 to vector<16xf32>
      %select_n3A_88 = arith.select %lt3A_86, %exp3A, %broadcast_in_dim3A : vector<16xi1>, vector<16xf32>
      %swap3A = arith.constant 0 : index
      %swap3A_89 = tpu.vector_load %arg15[%swap3A] {strides = array<i32>} : memref<128xf32, #tpu.memory_space<vmem>>, vector<16xf32>,
      tpu.vector_store %arg15[%swap3A], %select_n3A_88 {strides = array<i32>} : memref<128xf32, #tpu.memory_space<vmem>>, vector<16xf32>,
      %get3A_90 = arith.constant 16 : index
      %get3A_91 = tpu.vector_load %arg13[%get3A_90] {strides = array<i32>} : memref<128xi32, #tpu.memory_space<vmem>>, vector<16xi32>,
      %get3A_92 = arith.constant 16 : index
      %get3A_93 = tpu.vector_load %arg14[%get3A_92] {strides = array<i32>} : memref<128xi32, #tpu.memory_space<vmem>>, vector<16xi32>,
      %gather3A_94 = tpu.vector_load_idx %arg10[%get3A_91] : memref<10240xf32, #tpu.memory_space<vmem>>[vector<16xi32>], vector<16xf32>,
      %gather3A_95 = tpu.vector_load_idx %arg11[%get3A_93] : memref<10240xf32, #tpu.memory_space<vmem>>[vector<16xi32>], vector<16xf32>,
      %add3A_96 = arith.addf %gather3A_94, %gather3A_95 : vector<16xf32>
      %mul3A_97 = arith.constant 2.000000e-01 : f32
      %mul3A_98 = vector.broadcast %mul3A_97 : f32 to vector<16xf32>
      %mul3A_99 = arith.mulf %mul3A_98, %add3A_96 : vector<16xf32>
      %max3A_100 = arith.maximumf %add3A_96, %mul3A_99 : vector<16xf32>
      %sub3A_101 = arith.subf %max3A_100, %get3A_46 : vector<16xf32>
      %exp3A_102 = math.exp %sub3A_101 : vector<16xf32>
      %iota3A_103 = tpu.iota {dimensions = array<i32: 0>} : vector<16xi32>
      %add3A_104 = arith.constant 16 : i32
      %add3A_105 = arith.addi %multiple_of3A, %add3A_104 : i32
      %add3A_106 = vector.broadcast %add3A_105 : i32 to vector<16xi32>
      %add3A_107 = arith.addi %iota3A_103, %add3A_106 : vector<16xi32>
      %lt3A_108 = arith.constant 320000 : i32
      %lt3A_109 = vector.broadcast %lt3A_108 : i32 to vector<16xi32>
      %lt3A_110 = arith.cmpi slt, %add3A_107, %lt3A_109 : vector<16xi32>
      %jit3A_111 = arith.constant 0.000000e+00 : f32
      %broadcast_in_dim3A_112 = vector.broadcast %jit3A_111 : f32 to vector<16xf32>
      %select_n3A_113 = arith.select %lt3A_110, %exp3A_102, %broadcast_in_dim3A_112 : vector<16xi1>, vector<16xf32>
      %swap3A_114 = arith.constant 16 : index
      %swap3A_115 = tpu.vector_load %arg15[%swap3A_114] {strides = array<i32>} : memref<128xf32, #tpu.memory_space<vmem>>, vector<16xf32>,
      tpu.vector_store %arg15[%swap3A_114], %select_n3A_113 {strides = array<i32>} : memref<128xf32, #tpu.memory_space<vmem>>, vector<16xf32>,
      %get3A_116 = arith.constant 32 : index
      %get3A_117 = tpu.vector_load %arg13[%get3A_116] {strides = array<i32>} : memref<128xi32, #tpu.memory_space<vmem>>, vector<16xi32>,
      %get3A_118 = arith.constant 32 : index
      %get3A_119 = tpu.vector_load %arg14[%get3A_118] {strides = array<i32>} : memref<128xi32, #tpu.memory_space<vmem>>, vector<16xi32>,
      %gather3A_120 = tpu.vector_load_idx %arg10[%get3A_117] : memref<10240xf32, #tpu.memory_space<vmem>>[vector<16xi32>], vector<16xf32>,
      %gather3A_121 = tpu.vector_load_idx %arg11[%get3A_119] : memref<10240xf32, #tpu.memory_space<vmem>>[vector<16xi32>], vector<16xf32>,
      %add3A_122 = arith.addf %gather3A_120, %gather3A_121 : vector<16xf32>
      %mul3A_123 = arith.constant 2.000000e-01 : f32
      %mul3A_124 = vector.broadcast %mul3A_123 : f32 to vector<16xf32>
      %mul3A_125 = arith.mulf %mul3A_124, %add3A_122 : vector<16xf32>
      %max3A_126 = arith.maximumf %add3A_122, %mul3A_125 : vector<16xf32>
      %sub3A_127 = arith.subf %max3A_126, %get3A_46 : vector<16xf32>
      %exp3A_128 = math.exp %sub3A_127 : vector<16xf32>
      %iota3A_129 = tpu.iota {dimensions = array<i32: 0>} : vector<16xi32>
      %add3A_130 = arith.constant 32 : i32
      %add3A_131 = arith.addi %multiple_of3A, %add3A_130 : i32
      %add3A_132 = vector.broadcast %add3A_131 : i32 to vector<16xi32>
      %add3A_133 = arith.addi %iota3A_129, %add3A_132 : vector<16xi32>
      %lt3A_134 = arith.constant 320000 : i32
      %lt3A_135 = vector.broadcast %lt3A_134 : i32 to vector<16xi32>
      %lt3A_136 = arith.cmpi slt, %add3A_133, %lt3A_135 : vector<16xi32>
      %jit3A_137 = arith.constant 0.000000e+00 : f32
      %broadcast_in_dim3A_138 = vector.broadcast %jit3A_137 : f32 to vector<16xf32>
      %select_n3A_139 = arith.select %lt3A_136, %exp3A_128, %broadcast_in_dim3A_138 : vector<16xi1>, vector<16xf32>
      %swap3A_140 = arith.constant 32 : index
      %swap3A_141 = tpu.vector_load %arg15[%swap3A_140] {strides = array<i32>} : memref<128xf32, #tpu.memory_space<vmem>>, vector<16xf32>,
      tpu.vector_store %arg15[%swap3A_140], %select_n3A_139 {strides = array<i32>} : memref<128xf32, #tpu.memory_space<vmem>>, vector<16xf32>,
      %get3A_142 = arith.constant 48 : index
      %get3A_143 = tpu.vector_load %arg13[%get3A_142] {strides = array<i32>} : memref<128xi32, #tpu.memory_space<vmem>>, vector<16xi32>,
      %get3A_144 = arith.constant 48 : index
      %get3A_145 = tpu.vector_load %arg14[%get3A_144] {strides = array<i32>} : memref<128xi32, #tpu.memory_space<vmem>>, vector<16xi32>,
      %gather3A_146 = tpu.vector_load_idx %arg10[%get3A_143] : memref<10240xf32, #tpu.memory_space<vmem>>[vector<16xi32>], vector<16xf32>,
      %gather3A_147 = tpu.vector_load_idx %arg11[%get3A_145] : memref<10240xf32, #tpu.memory_space<vmem>>[vector<16xi32>], vector<16xf32>,
      %add3A_148 = arith.addf %gather3A_146, %gather3A_147 : vector<16xf32>
      %mul3A_149 = arith.constant 2.000000e-01 : f32
      %mul3A_150 = vector.broadcast %mul3A_149 : f32 to vector<16xf32>
      %mul3A_151 = arith.mulf %mul3A_150, %add3A_148 : vector<16xf32>
      %max3A_152 = arith.maximumf %add3A_148, %mul3A_151 : vector<16xf32>
      %sub3A_153 = arith.subf %max3A_152, %get3A_46 : vector<16xf32>
      %exp3A_154 = math.exp %sub3A_153 : vector<16xf32>
      %iota3A_155 = tpu.iota {dimensions = array<i32: 0>} : vector<16xi32>
      %add3A_156 = arith.constant 48 : i32
      %add3A_157 = arith.addi %multiple_of3A, %add3A_156 : i32
      %add3A_158 = vector.broadcast %add3A_157 : i32 to vector<16xi32>
      %add3A_159 = arith.addi %iota3A_155, %add3A_158 : vector<16xi32>
      %lt3A_160 = arith.constant 320000 : i32
      %lt3A_161 = vector.broadcast %lt3A_160 : i32 to vector<16xi32>
      %lt3A_162 = arith.cmpi slt, %add3A_159, %lt3A_161 : vector<16xi32>
      %jit3A_163 = arith.constant 0.000000e+00 : f32
      %broadcast_in_dim3A_164 = vector.broadcast %jit3A_163 : f32 to vector<16xf32>
      %select_n3A_165 = arith.select %lt3A_162, %exp3A_154, %broadcast_in_dim3A_164 : vector<16xi1>, vector<16xf32>
      %swap3A_166 = arith.constant 48 : index
      %swap3A_167 = tpu.vector_load %arg15[%swap3A_166] {strides = array<i32>} : memref<128xf32, #tpu.memory_space<vmem>>, vector<16xf32>,
      tpu.vector_store %arg15[%swap3A_166], %select_n3A_165 {strides = array<i32>} : memref<128xf32, #tpu.memory_space<vmem>>, vector<16xf32>,
      %get3A_168 = arith.constant 64 : index
      %get3A_169 = tpu.vector_load %arg13[%get3A_168] {strides = array<i32>} : memref<128xi32, #tpu.memory_space<vmem>>, vector<16xi32>,
      %get3A_170 = arith.constant 64 : index
      %get3A_171 = tpu.vector_load %arg14[%get3A_170] {strides = array<i32>} : memref<128xi32, #tpu.memory_space<vmem>>, vector<16xi32>,
      %gather3A_172 = tpu.vector_load_idx %arg10[%get3A_169] : memref<10240xf32, #tpu.memory_space<vmem>>[vector<16xi32>], vector<16xf32>,
      %gather3A_173 = tpu.vector_load_idx %arg11[%get3A_171] : memref<10240xf32, #tpu.memory_space<vmem>>[vector<16xi32>], vector<16xf32>,
      %add3A_174 = arith.addf %gather3A_172, %gather3A_173 : vector<16xf32>
      %mul3A_175 = arith.constant 2.000000e-01 : f32
      %mul3A_176 = vector.broadcast %mul3A_175 : f32 to vector<16xf32>
      %mul3A_177 = arith.mulf %mul3A_176, %add3A_174 : vector<16xf32>
      %max3A_178 = arith.maximumf %add3A_174, %mul3A_177 : vector<16xf32>
      %sub3A_179 = arith.subf %max3A_178, %get3A_46 : vector<16xf32>
      %exp3A_180 = math.exp %sub3A_179 : vector<16xf32>
      %iota3A_181 = tpu.iota {dimensions = array<i32: 0>} : vector<16xi32>
      %add3A_182 = arith.constant 64 : i32
      %add3A_183 = arith.addi %multiple_of3A, %add3A_182 : i32
      %add3A_184 = vector.broadcast %add3A_183 : i32 to vector<16xi32>
      %add3A_185 = arith.addi %iota3A_181, %add3A_184 : vector<16xi32>
      %lt3A_186 = arith.constant 320000 : i32
      %lt3A_187 = vector.broadcast %lt3A_186 : i32 to vector<16xi32>
      %lt3A_188 = arith.cmpi slt, %add3A_185, %lt3A_187 : vector<16xi32>
      %jit3A_189 = arith.constant 0.000000e+00 : f32
      %broadcast_in_dim3A_190 = vector.broadcast %jit3A_189 : f32 to vector<16xf32>
      %select_n3A_191 = arith.select %lt3A_188, %exp3A_180, %broadcast_in_dim3A_190 : vector<16xi1>, vector<16xf32>
      %swap3A_192 = arith.constant 64 : index
      %swap3A_193 = tpu.vector_load %arg15[%swap3A_192] {strides = array<i32>} : memref<128xf32, #tpu.memory_space<vmem>>, vector<16xf32>,
      tpu.vector_store %arg15[%swap3A_192], %select_n3A_191 {strides = array<i32>} : memref<128xf32, #tpu.memory_space<vmem>>, vector<16xf32>,
      %get3A_194 = arith.constant 80 : index
      %get3A_195 = tpu.vector_load %arg13[%get3A_194] {strides = array<i32>} : memref<128xi32, #tpu.memory_space<vmem>>, vector<16xi32>,
      %get3A_196 = arith.constant 80 : index
      %get3A_197 = tpu.vector_load %arg14[%get3A_196] {strides = array<i32>} : memref<128xi32, #tpu.memory_space<vmem>>, vector<16xi32>,
      %gather3A_198 = tpu.vector_load_idx %arg10[%get3A_195] : memref<10240xf32, #tpu.memory_space<vmem>>[vector<16xi32>], vector<16xf32>,
      %gather3A_199 = tpu.vector_load_idx %arg11[%get3A_197] : memref<10240xf32, #tpu.memory_space<vmem>>[vector<16xi32>], vector<16xf32>,
      %add3A_200 = arith.addf %gather3A_198, %gather3A_199 : vector<16xf32>
      %mul3A_201 = arith.constant 2.000000e-01 : f32
      %mul3A_202 = vector.broadcast %mul3A_201 : f32 to vector<16xf32>
      %mul3A_203 = arith.mulf %mul3A_202, %add3A_200 : vector<16xf32>
      %max3A_204 = arith.maximumf %add3A_200, %mul3A_203 : vector<16xf32>
      %sub3A_205 = arith.subf %max3A_204, %get3A_46 : vector<16xf32>
      %exp3A_206 = math.exp %sub3A_205 : vector<16xf32>
      %iota3A_207 = tpu.iota {dimensions = array<i32: 0>} : vector<16xi32>
      %add3A_208 = arith.constant 80 : i32
      %add3A_209 = arith.addi %multiple_of3A, %add3A_208 : i32
      %add3A_210 = vector.broadcast %add3A_209 : i32 to vector<16xi32>
      %add3A_211 = arith.addi %iota3A_207, %add3A_210 : vector<16xi32>
      %lt3A_212 = arith.constant 320000 : i32
      %lt3A_213 = vector.broadcast %lt3A_212 : i32 to vector<16xi32>
      %lt3A_214 = arith.cmpi slt, %add3A_211, %lt3A_213 : vector<16xi32>
      %jit3A_215 = arith.constant 0.000000e+00 : f32
      %broadcast_in_dim3A_216 = vector.broadcast %jit3A_215 : f32 to vector<16xf32>
      %select_n3A_217 = arith.select %lt3A_214, %exp3A_206, %broadcast_in_dim3A_216 : vector<16xi1>, vector<16xf32>
      %swap3A_218 = arith.constant 80 : index
      %swap3A_219 = tpu.vector_load %arg15[%swap3A_218] {strides = array<i32>} : memref<128xf32, #tpu.memory_space<vmem>>, vector<16xf32>,
      tpu.vector_store %arg15[%swap3A_218], %select_n3A_217 {strides = array<i32>} : memref<128xf32, #tpu.memory_space<vmem>>, vector<16xf32>,
      %get3A_220 = arith.constant 96 : index
      %get3A_221 = tpu.vector_load %arg13[%get3A_220] {strides = array<i32>} : memref<128xi32, #tpu.memory_space<vmem>>, vector<16xi32>,
      %get3A_222 = arith.constant 96 : index
      %get3A_223 = tpu.vector_load %arg14[%get3A_222] {strides = array<i32>} : memref<128xi32, #tpu.memory_space<vmem>>, vector<16xi32>,
      %gather3A_224 = tpu.vector_load_idx %arg10[%get3A_221] : memref<10240xf32, #tpu.memory_space<vmem>>[vector<16xi32>], vector<16xf32>,
      %gather3A_225 = tpu.vector_load_idx %arg11[%get3A_223] : memref<10240xf32, #tpu.memory_space<vmem>>[vector<16xi32>], vector<16xf32>,
      %add3A_226 = arith.addf %gather3A_224, %gather3A_225 : vector<16xf32>
      %mul3A_227 = arith.constant 2.000000e-01 : f32
      %mul3A_228 = vector.broadcast %mul3A_227 : f32 to vector<16xf32>
      %mul3A_229 = arith.mulf %mul3A_228, %add3A_226 : vector<16xf32>
      %max3A_230 = arith.maximumf %add3A_226, %mul3A_229 : vector<16xf32>
      %sub3A_231 = arith.subf %max3A_230, %get3A_46 : vector<16xf32>
      %exp3A_232 = math.exp %sub3A_231 : vector<16xf32>
      %iota3A_233 = tpu.iota {dimensions = array<i32: 0>} : vector<16xi32>
      %add3A_234 = arith.constant 96 : i32
      %add3A_235 = arith.addi %multiple_of3A, %add3A_234 : i32
      %add3A_236 = vector.broadcast %add3A_235 : i32 to vector<16xi32>
      %add3A_237 = arith.addi %iota3A_233, %add3A_236 : vector<16xi32>
      %lt3A_238 = arith.constant 320000 : i32
      %lt3A_239 = vector.broadcast %lt3A_238 : i32 to vector<16xi32>
      %lt3A_240 = arith.cmpi slt, %add3A_237, %lt3A_239 : vector<16xi32>
      %jit3A_241 = arith.constant 0.000000e+00 : f32
      %broadcast_in_dim3A_242 = vector.broadcast %jit3A_241 : f32 to vector<16xf32>
      %select_n3A_243 = arith.select %lt3A_240, %exp3A_232, %broadcast_in_dim3A_242 : vector<16xi1>, vector<16xf32>
      %swap3A_244 = arith.constant 96 : index
      %swap3A_245 = tpu.vector_load %arg15[%swap3A_244] {strides = array<i32>} : memref<128xf32, #tpu.memory_space<vmem>>, vector<16xf32>,
      tpu.vector_store %arg15[%swap3A_244], %select_n3A_243 {strides = array<i32>} : memref<128xf32, #tpu.memory_space<vmem>>, vector<16xf32>,
      %get3A_246 = arith.constant 112 : index
      %get3A_247 = tpu.vector_load %arg13[%get3A_246] {strides = array<i32>} : memref<128xi32, #tpu.memory_space<vmem>>, vector<16xi32>,
      %get3A_248 = arith.constant 112 : index
      %get3A_249 = tpu.vector_load %arg14[%get3A_248] {strides = array<i32>} : memref<128xi32, #tpu.memory_space<vmem>>, vector<16xi32>,
      %gather3A_250 = tpu.vector_load_idx %arg10[%get3A_247] : memref<10240xf32, #tpu.memory_space<vmem>>[vector<16xi32>], vector<16xf32>,
      %gather3A_251 = tpu.vector_load_idx %arg11[%get3A_249] : memref<10240xf32, #tpu.memory_space<vmem>>[vector<16xi32>], vector<16xf32>,
      %add3A_252 = arith.addf %gather3A_250, %gather3A_251 : vector<16xf32>
      %mul3A_253 = arith.constant 2.000000e-01 : f32
      %mul3A_254 = vector.broadcast %mul3A_253 : f32 to vector<16xf32>
      %mul3A_255 = arith.mulf %mul3A_254, %add3A_252 : vector<16xf32>
      %max3A_256 = arith.maximumf %add3A_252, %mul3A_255 : vector<16xf32>
      %sub3A_257 = arith.subf %max3A_256, %get3A_46 : vector<16xf32>
      %exp3A_258 = math.exp %sub3A_257 : vector<16xf32>
      %iota3A_259 = tpu.iota {dimensions = array<i32: 0>} : vector<16xi32>
      %add3A_260 = arith.constant 112 : i32
      %add3A_261 = arith.addi %multiple_of3A, %add3A_260 : i32
      %add3A_262 = vector.broadcast %add3A_261 : i32 to vector<16xi32>
      %add3A_263 = arith.addi %iota3A_259, %add3A_262 : vector<16xi32>
      %lt3A_264 = arith.constant 320000 : i32
      %lt3A_265 = vector.broadcast %lt3A_264 : i32 to vector<16xi32>
      %lt3A_266 = arith.cmpi slt, %add3A_263, %lt3A_265 : vector<16xi32>
      %jit3A_267 = arith.constant 0.000000e+00 : f32
      %broadcast_in_dim3A_268 = vector.broadcast %jit3A_267 : f32 to vector<16xf32>
      %select_n3A_269 = arith.select %lt3A_266, %exp3A_258, %broadcast_in_dim3A_268 : vector<16xi1>, vector<16xf32>
      %swap3A_270 = arith.constant 112 : index
      %swap3A_271 = tpu.vector_load %arg15[%swap3A_270] {strides = array<i32>} : memref<128xf32, #tpu.memory_space<vmem>>, vector<16xf32>,
      tpu.vector_store %arg15[%swap3A_270], %select_n3A_269 {strides = array<i32>} : memref<128xf32, #tpu.memory_space<vmem>>, vector<16xf32>,
      "tpu.region"() ({
        %run_scoped3A = tpu.sem_alloc : memref<!tpu.dma_semaphore, #tpu.memory_space<semaphore_mem>>
        %dma_start3A_282 = arith.constant 0 : i32
        %dma_start3A_283 = tpu.memref_slice %arg19[%dma_start3A_282] : memref<10240xf32, #tpu.memory_space<vmem_shared>> -> memref<10240xf32, #tpu.memory_space<vmem_shared>>
        tpu.enqueue_indirect_dma source(%arg15 : memref<128xf32, #tpu.memory_space<vmem>>) target(%dma_start3A_283 : memref<10240xf32, #tpu.memory_space<vmem_shared>>) offsets(%arg14 : memref<128xi32, #tpu.memory_space<vmem>>) semaphore(%run_scoped3A : memref<!tpu.dma_semaphore, #tpu.memory_space<semaphore_mem>>) {add = true}
        %dma_wait3A_284 = arith.constant 0 : i32
        %dma_wait3A_285 = tpu.memref_slice %arg19[%dma_wait3A_284] : memref<10240xf32, #tpu.memory_space<vmem_shared>> -> memref<10240xf32, #tpu.memory_space<vmem_shared>>
        tpu.wait_indirect_dma semaphore(%run_scoped3A : memref<!tpu.dma_semaphore, #tpu.memory_space<semaphore_mem>>) src(%arg15 : memref<128xf32, #tpu.memory_space<vmem>>) dst(%dma_wait3A_285 : memref<10240xf32, #tpu.memory_space<vmem_shared>>)
        tpu.yield
      }) : () -> ()
      %dma_wait3A = arith.constant 0 : i32
      %dma_wait3A_272 = arith.constant 0 : i32
      %dma_wait3A_273 = tpu.memref_slice %arg6[%dma_wait3A, %dma_wait3A_272] : memref<10240x128xf32, #tpu.memory_space<hbm>> -> memref<10240x128xf32, #tpu.memory_space<hbm>>
      tpu.wait_indirect_dma semaphore(%arg20 : memref<!tpu.dma_semaphore, #tpu.memory_space<semaphore_mem>>) src(%dma_wait3A_273 : memref<10240x128xf32, #tpu.memory_space<hbm>>) dst(%arg16 : memref<128x128xf32, #tpu.memory_space<vmem>>)
      %scan3A_274 = arith.constant 0 : i32
      %scan3A_275 = arith.constant 0 : i32
      %scan3A_276 = arith.constant 8 : i32
      %scan3A_277 = arith.addi %scan3A_275, %scan3A_276 : i32
      %scan3A_278 = arith.constant 1 : i32
      %scan3A_279 = scf.for %scan3A_282 = %scan3A_275 to %scan3A_277 step %scan3A_278 iter_args(%scan3A_283 = %scan3A_274) -> (i32)  : i32 {
        %mul3A_284 = arith.constant 16 : i32
        %mul3A_285 = arith.muli %scan3A_282, %mul3A_284 : i32
        %get3A_286 = arith.index_cast %mul3A_285 : i32 to index
        %get3A_287 = tpu.vector_load %arg15[%get3A_286] {strides = array<i32>} : memref<128xf32, #tpu.memory_space<vmem>>, vector<16xf32>,
        %slice3A = vector.extract_strided_slice %get3A_287 {offsets = [0], sizes = [1], strides = [1]} : vector<16xf32> to vector<1xf32>
        %squeeze3A = vector.extract %slice3A[0] : f32 from vector<1xf32>
        %mul3A_288 = arith.constant 16 : i32
        %mul3A_289 = arith.muli %scan3A_282, %mul3A_288 : i32
        %add3A_290 = arith.constant 0 : i32
        %add3A_291 = arith.addi %mul3A_289, %add3A_290 : i32
        %get3A_292 = arith.index_cast %add3A_291 : i32 to index
        %get3A_293 = arith.constant 0 : index
        %get3A_294 = tpu.vector_load %arg16[%get3A_292, %get3A_293] {strides = array<i32>} : memref<128x128xf32, #tpu.memory_space<vmem>>, vector<16xf32>,
        %mul3A_295 = vector.broadcast %squeeze3A : f32 to vector<16xf32>
        %mul3A_296 = arith.mulf %get3A_294, %mul3A_295 : vector<16xf32>
        %swap3A_297 = arith.index_cast %add3A_291 : i32 to index
        %swap3A_298 = arith.constant 0 : index
        %swap3A_299 = tpu.vector_load %arg16[%swap3A_297, %swap3A_298] {strides = array<i32>} : memref<128x128xf32, #tpu.memory_space<vmem>>, vector<16xf32>,
        tpu.vector_store %arg16[%swap3A_297, %swap3A_298], %mul3A_296 {strides = array<i32>} : memref<128x128xf32, #tpu.memory_space<vmem>>, vector<16xf32>,
        %get3A_300 = arith.index_cast %add3A_291 : i32 to index
        %get3A_301 = arith.constant 16 : index
        %get3A_302 = tpu.vector_load %arg16[%get3A_300, %get3A_301] {strides = array<i32>} : memref<128x128xf32, #tpu.memory_space<vmem>>, vector<16xf32>,
        %mul3A_303 = vector.broadcast %squeeze3A : f32 to vector<16xf32>
        %mul3A_304 = arith.mulf %get3A_302, %mul3A_303 : vector<16xf32>
        %swap3A_305 = arith.index_cast %add3A_291 : i32 to index
        %swap3A_306 = arith.constant 16 : index
        %swap3A_307 = tpu.vector_load %arg16[%swap3A_305, %swap3A_306] {strides = array<i32>} : memref<128x128xf32, #tpu.memory_space<vmem>>, vector<16xf32>,
        tpu.vector_store %arg16[%swap3A_305, %swap3A_306], %mul3A_304 {strides = array<i32>} : memref<128x128xf32, #tpu.memory_space<vmem>>, vector<16xf32>,
        %get3A_308 = arith.index_cast %add3A_291 : i32 to index
        %get3A_309 = arith.constant 32 : index
        %get3A_310 = tpu.vector_load %arg16[%get3A_308, %get3A_309] {strides = array<i32>} : memref<128x128xf32, #tpu.memory_space<vmem>>, vector<16xf32>,
        %mul3A_311 = vector.broadcast %squeeze3A : f32 to vector<16xf32>
        %mul3A_312 = arith.mulf %get3A_310, %mul3A_311 : vector<16xf32>
        %swap3A_313 = arith.index_cast %add3A_291 : i32 to index
        %swap3A_314 = arith.constant 32 : index
        %swap3A_315 = tpu.vector_load %arg16[%swap3A_313, %swap3A_314] {strides = array<i32>} : memref<128x128xf32, #tpu.memory_space<vmem>>, vector<16xf32>,
        tpu.vector_store %arg16[%swap3A_313, %swap3A_314], %mul3A_312 {strides = array<i32>} : memref<128x128xf32, #tpu.memory_space<vmem>>, vector<16xf32>,
        %get3A_316 = arith.index_cast %add3A_291 : i32 to index
        %get3A_317 = arith.constant 48 : index
        %get3A_318 = tpu.vector_load %arg16[%get3A_316, %get3A_317] {strides = array<i32>} : memref<128x128xf32, #tpu.memory_space<vmem>>, vector<16xf32>,
        %mul3A_319 = vector.broadcast %squeeze3A : f32 to vector<16xf32>
        %mul3A_320 = arith.mulf %get3A_318, %mul3A_319 : vector<16xf32>
        %swap3A_321 = arith.index_cast %add3A_291 : i32 to index
        %swap3A_322 = arith.constant 48 : index
        %swap3A_323 = tpu.vector_load %arg16[%swap3A_321, %swap3A_322] {strides = array<i32>} : memref<128x128xf32, #tpu.memory_space<vmem>>, vector<16xf32>,
        tpu.vector_store %arg16[%swap3A_321, %swap3A_322], %mul3A_320 {strides = array<i32>} : memref<128x128xf32, #tpu.memory_space<vmem>>, vector<16xf32>,
        %get3A_324 = arith.index_cast %add3A_291 : i32 to index
        %get3A_325 = arith.constant 64 : index
        %get3A_326 = tpu.vector_load %arg16[%get3A_324, %get3A_325] {strides = array<i32>} : memref<128x128xf32, #tpu.memory_space<vmem>>, vector<16xf32>,
        %mul3A_327 = vector.broadcast %squeeze3A : f32 to vector<16xf32>
        %mul3A_328 = arith.mulf %get3A_326, %mul3A_327 : vector<16xf32>
        %swap3A_329 = arith.index_cast %add3A_291 : i32 to index
        %swap3A_330 = arith.constant 64 : index
        %swap3A_331 = tpu.vector_load %arg16[%swap3A_329, %swap3A_330] {strides = array<i32>} : memref<128x128xf32, #tpu.memory_space<vmem>>, vector<16xf32>,
        tpu.vector_store %arg16[%swap3A_329, %swap3A_330], %mul3A_328 {strides = array<i32>} : memref<128x128xf32, #tpu.memory_space<vmem>>, vector<16xf32>,
        %get3A_332 = arith.index_cast %add3A_291 : i32 to index
        %get3A_333 = arith.constant 80 : index
        %get3A_334 = tpu.vector_load %arg16[%get3A_332, %get3A_333] {strides = array<i32>} : memref<128x128xf32, #tpu.memory_space<vmem>>, vector<16xf32>,
        %mul3A_335 = vector.broadcast %squeeze3A : f32 to vector<16xf32>
        %mul3A_336 = arith.mulf %get3A_334, %mul3A_335 : vector<16xf32>
        %swap3A_337 = arith.index_cast %add3A_291 : i32 to index
        %swap3A_338 = arith.constant 80 : index
        %swap3A_339 = tpu.vector_load %arg16[%swap3A_337, %swap3A_338] {strides = array<i32>} : memref<128x128xf32, #tpu.memory_space<vmem>>, vector<16xf32>,
        tpu.vector_store %arg16[%swap3A_337, %swap3A_338], %mul3A_336 {strides = array<i32>} : memref<128x128xf32, #tpu.memory_space<vmem>>, vector<16xf32>,
        %get3A_340 = arith.index_cast %add3A_291 : i32 to index
        %get3A_341 = arith.constant 96 : index
        %get3A_342 = tpu.vector_load %arg16[%get3A_340, %get3A_341] {strides = array<i32>} : memref<128x128xf32, #tpu.memory_space<vmem>>, vector<16xf32>,
        %mul3A_343 = vector.broadcast %squeeze3A : f32 to vector<16xf32>
        %mul3A_344 = arith.mulf %get3A_342, %mul3A_343 : vector<16xf32>
        %swap3A_345 = arith.index_cast %add3A_291 : i32 to index
        %swap3A_346 = arith.constant 96 : index
        %swap3A_347 = tpu.vector_load %arg16[%swap3A_345, %swap3A_346] {strides = array<i32>} : memref<128x128xf32, #tpu.memory_space<vmem>>, vector<16xf32>,
        tpu.vector_store %arg16[%swap3A_345, %swap3A_346], %mul3A_344 {strides = array<i32>} : memref<128x128xf32, #tpu.memory_space<vmem>>, vector<16xf32>,
        %get3A_348 = arith.index_cast %add3A_291 : i32 to index
        %get3A_349 = arith.constant 112 : index
        %get3A_350 = tpu.vector_load %arg16[%get3A_348, %get3A_349] {strides = array<i32>} : memref<128x128xf32, #tpu.memory_space<vmem>>, vector<16xf32>,
        %mul3A_351 = vector.broadcast %squeeze3A : f32 to vector<16xf32>
        %mul3A_352 = arith.mulf %get3A_350, %mul3A_351 : vector<16xf32>
        %swap3A_353 = arith.index_cast %add3A_291 : i32 to index
        %swap3A_354 = arith.constant 112 : index
        %swap3A_355 = tpu.vector_load %arg16[%swap3A_353, %swap3A_354] {strides = array<i32>} : memref<128x128xf32, #tpu.memory_space<vmem>>, vector<16xf32>,
        tpu.vector_store %arg16[%swap3A_353, %swap3A_354], %mul3A_352 {strides = array<i32>} : memref<128x128xf32, #tpu.memory_space<vmem>>, vector<16xf32>,
        %slice3A_356 = vector.extract_strided_slice %get3A_287 {offsets = [1], sizes = [1], strides = [1]} : vector<16xf32> to vector<1xf32>
        %squeeze3A_357 = vector.extract %slice3A_356[0] : f32 from vector<1xf32>
        %mul3A_358 = arith.constant 16 : i32
        %mul3A_359 = arith.muli %scan3A_282, %mul3A_358 : i32
        %add3A_360 = arith.constant 1 : i32
        %add3A_361 = arith.addi %mul3A_359, %add3A_360 : i32
        %get3A_362 = arith.index_cast %add3A_361 : i32 to index
        %get3A_363 = arith.constant 0 : index
        %get3A_364 = tpu.vector_load %arg16[%get3A_362, %get3A_363] {strides = array<i32>} : memref<128x128xf32, #tpu.memory_space<vmem>>, vector<16xf32>,
        %mul3A_365 = vector.broadcast %squeeze3A_357 : f32 to vector<16xf32>
        %mul3A_366 = arith.mulf %get3A_364, %mul3A_365 : vector<16xf32>
        %swap3A_367 = arith.index_cast %add3A_361 : i32 to index
        %swap3A_368 = arith.constant 0 : index
        %swap3A_369 = tpu.vector_load %arg16[%swap3A_367, %swap3A_368] {strides = array<i32>} : memref<128x128xf32, #tpu.memory_space<vmem>>, vector<16xf32>,
        tpu.vector_store %arg16[%swap3A_367, %swap3A_368], %mul3A_366 {strides = array<i32>} : memref<128x128xf32, #tpu.memory_space<vmem>>, vector<16xf32>,
        %get3A_370 = arith.index_cast %add3A_361 : i32 to index
        %get3A_371 = arith.constant 16 : index
        %get3A_372 = tpu.vector_load %arg16[%get3A_370, %get3A_371] {strides = array<i32>} : memref<128x128xf32, #tpu.memory_space<vmem>>, vector<16xf32>,
        %mul3A_373 = vector.broadcast %squeeze3A_357 : f32 to vector<16xf32>
        %mul3A_374 = arith.mulf %get3A_372, %mul3A_373 : vector<16xf32>
        %swap3A_375 = arith.index_cast %add3A_361 : i32 to index
        %swap3A_376 = arith.constant 16 : index
        %swap3A_377 = tpu.vector_load %arg16[%swap3A_375, %swap3A_376] {strides = array<i32>} : memref<128x128xf32, #tpu.memory_space<vmem>>, vector<16xf32>,
        tpu.vector_store %arg16[%swap3A_375, %swap3A_376], %mul3A_374 {strides = array<i32>} : memref<128x128xf32, #tpu.memory_space<vmem>>, vector<16xf32>,
        %get3A_378 = arith.index_cast %add3A_361 : i32 to index
        %get3A_379 = arith.constant 32 : index
        %get3A_380 = tpu.vector_load %arg16[%get3A_378, %get3A_379] {strides = array<i32>} : memref<128x128xf32, #tpu.memory_space<vmem>>, vector<16xf32>,
        %mul3A_381 = vector.broadcast %squeeze3A_357 : f32 to vector<16xf32>
        %mul3A_382 = arith.mulf %get3A_380, %mul3A_381 : vector<16xf32>
        %swap3A_383 = arith.index_cast %add3A_361 : i32 to index
        %swap3A_384 = arith.constant 32 : index
        %swap3A_385 = tpu.vector_load %arg16[%swap3A_383, %swap3A_384] {strides = array<i32>} : memref<128x128xf32, #tpu.memory_space<vmem>>, vector<16xf32>,
        tpu.vector_store %arg16[%swap3A_383, %swap3A_384], %mul3A_382 {strides = array<i32>} : memref<128x128xf32, #tpu.memory_space<vmem>>, vector<16xf32>,
        %get3A_386 = arith.index_cast %add3A_361 : i32 to index
        %get3A_387 = arith.constant 48 : index
        %get3A_388 = tpu.vector_load %arg16[%get3A_386, %get3A_387] {strides = array<i32>} : memref<128x128xf32, #tpu.memory_space<vmem>>, vector<16xf32>,
        %mul3A_389 = vector.broadcast %squeeze3A_357 : f32 to vector<16xf32>
        %mul3A_390 = arith.mulf %get3A_388, %mul3A_389 : vector<16xf32>
        %swap3A_391 = arith.index_cast %add3A_361 : i32 to index
        %swap3A_392 = arith.constant 48 : index
        %swap3A_393 = tpu.vector_load %arg16[%swap3A_391, %swap3A_392] {strides = array<i32>} : memref<128x128xf32, #tpu.memory_space<vmem>>, vector<16xf32>,
        tpu.vector_store %arg16[%swap3A_391, %swap3A_392], %mul3A_390 {strides = array<i32>} : memref<128x128xf32, #tpu.memory_space<vmem>>, vector<16xf32>,
        %get3A_394 = arith.index_cast %add3A_361 : i32 to index
        %get3A_395 = arith.constant 64 : index
        %get3A_396 = tpu.vector_load %arg16[%get3A_394, %get3A_395] {strides = array<i32>} : memref<128x128xf32, #tpu.memory_space<vmem>>, vector<16xf32>,
        %mul3A_397 = vector.broadcast %squeeze3A_357 : f32 to vector<16xf32>
        %mul3A_398 = arith.mulf %get3A_396, %mul3A_397 : vector<16xf32>
        %swap3A_399 = arith.index_cast %add3A_361 : i32 to index
        %swap3A_400 = arith.constant 64 : index
        %swap3A_401 = tpu.vector_load %arg16[%swap3A_399, %swap3A_400] {strides = array<i32>} : memref<128x128xf32, #tpu.memory_space<vmem>>, vector<16xf32>,
        tpu.vector_store %arg16[%swap3A_399, %swap3A_400], %mul3A_398 {strides = array<i32>} : memref<128x128xf32, #tpu.memory_space<vmem>>, vector<16xf32>,
        %get3A_402 = arith.index_cast %add3A_361 : i32 to index
        %get3A_403 = arith.constant 80 : index
        %get3A_404 = tpu.vector_load %arg16[%get3A_402, %get3A_403] {strides = array<i32>} : memref<128x128xf32, #tpu.memory_space<vmem>>, vector<16xf32>,
        %mul3A_405 = vector.broadcast %squeeze3A_357 : f32 to vector<16xf32>
        %mul3A_406 = arith.mulf %get3A_404, %mul3A_405 : vector<16xf32>
        %swap3A_407 = arith.index_cast %add3A_361 : i32 to index
        %swap3A_408 = arith.constant 80 : index
        %swap3A_409 = tpu.vector_load %arg16[%swap3A_407, %swap3A_408] {strides = array<i32>} : memref<128x128xf32, #tpu.memory_space<vmem>>, vector<16xf32>,
        tpu.vector_store %arg16[%swap3A_407, %swap3A_408], %mul3A_406 {strides = array<i32>} : memref<128x128xf32, #tpu.memory_space<vmem>>, vector<16xf32>,
        %get3A_410 = arith.index_cast %add3A_361 : i32 to index
        %get3A_411 = arith.constant 96 : index
        %get3A_412 = tpu.vector_load %arg16[%get3A_410, %get3A_411] {strides = array<i32>} : memref<128x128xf32, #tpu.memory_space<vmem>>, vector<16xf32>,
        %mul3A_413 = vector.broadcast %squeeze3A_357 : f32 to vector<16xf32>
        %mul3A_414 = arith.mulf %get3A_412, %mul3A_413 : vector<16xf32>
        %swap3A_415 = arith.index_cast %add3A_361 : i32 to index
        %swap3A_416 = arith.constant 96 : index
        %swap3A_417 = tpu.vector_load %arg16[%swap3A_415, %swap3A_416] {strides = array<i32>} : memref<128x128xf32, #tpu.memory_space<vmem>>, vector<16xf32>,
        tpu.vector_store %arg16[%swap3A_415, %swap3A_416], %mul3A_414 {strides = array<i32>} : memref<128x128xf32, #tpu.memory_space<vmem>>, vector<16xf32>,
        %get3A_418 = arith.index_cast %add3A_361 : i32 to index
        %get3A_419 = arith.constant 112 : index
        %get3A_420 = tpu.vector_load %arg16[%get3A_418, %get3A_419] {strides = array<i32>} : memref<128x128xf32, #tpu.memory_space<vmem>>, vector<16xf32>,
        %mul3A_421 = vector.broadcast %squeeze3A_357 : f32 to vector<16xf32>
        %mul3A_422 = arith.mulf %get3A_420, %mul3A_421 : vector<16xf32>
        %swap3A_423 = arith.index_cast %add3A_361 : i32 to index
        %swap3A_424 = arith.constant 112 : index
        %swap3A_425 = tpu.vector_load %arg16[%swap3A_423, %swap3A_424] {strides = array<i32>} : memref<128x128xf32, #tpu.memory_space<vmem>>, vector<16xf32>,
        tpu.vector_store %arg16[%swap3A_423, %swap3A_424], %mul3A_422 {strides = array<i32>} : memref<128x128xf32, #tpu.memory_space<vmem>>, vector<16xf32>,
        %slice3A_426 = vector.extract_strided_slice %get3A_287 {offsets = [2], sizes = [1], strides = [1]} : vector<16xf32> to vector<1xf32>
        %squeeze3A_427 = vector.extract %slice3A_426[0] : f32 from vector<1xf32>
        %mul3A_428 = arith.constant 16 : i32
        %mul3A_429 = arith.muli %scan3A_282, %mul3A_428 : i32
        %add3A_430 = arith.constant 2 : i32
        %add3A_431 = arith.addi %mul3A_429, %add3A_430 : i32
        %get3A_432 = arith.index_cast %add3A_431 : i32 to index
        %get3A_433 = arith.constant 0 : index
        %get3A_434 = tpu.vector_load %arg16[%get3A_432, %get3A_433] {strides = array<i32>} : memref<128x128xf32, #tpu.memory_space<vmem>>, vector<16xf32>,
        %mul3A_435 = vector.broadcast %squeeze3A_427 : f32 to vector<16xf32>
        %mul3A_436 = arith.mulf %get3A_434, %mul3A_435 : vector<16xf32>
        %swap3A_437 = arith.index_cast %add3A_431 : i32 to index
        %swap3A_438 = arith.constant 0 : index
        %swap3A_439 = tpu.vector_load %arg16[%swap3A_437, %swap3A_438] {strides = array<i32>} : memref<128x128xf32, #tpu.memory_space<vmem>>, vector<16xf32>,
        tpu.vector_store %arg16[%swap3A_437, %swap3A_438], %mul3A_436 {strides = array<i32>} : memref<128x128xf32, #tpu.memory_space<vmem>>, vector<16xf32>,
        %get3A_440 = arith.index_cast %add3A_431 : i32 to index
        %get3A_441 = arith.constant 16 : index
        %get3A_442 = tpu.vector_load %arg16[%get3A_440, %get3A_441] {strides = array<i32>} : memref<128x128xf32, #tpu.memory_space<vmem>>, vector<16xf32>,
        %mul3A_443 = vector.broadcast %squeeze3A_427 : f32 to vector<16xf32>
        %mul3A_444 = arith.mulf %get3A_442, %mul3A_443 : vector<16xf32>
        %swap3A_445 = arith.index_cast %add3A_431 : i32 to index
        %swap3A_446 = arith.constant 16 : index
        %swap3A_447 = tpu.vector_load %arg16[%swap3A_445, %swap3A_446] {strides = array<i32>} : memref<128x128xf32, #tpu.memory_space<vmem>>, vector<16xf32>,
        tpu.vector_store %arg16[%swap3A_445, %swap3A_446], %mul3A_444 {strides = array<i32>} : memref<128x128xf32, #tpu.memory_space<vmem>>, vector<16xf32>,
        %get3A_448 = arith.index_cast %add3A_431 : i32 to index
        %get3A_449 = arith.constant 32 : index
        %get3A_450 = tpu.vector_load %arg16[%get3A_448, %get3A_449] {strides = array<i32>} : memref<128x128xf32, #tpu.memory_space<vmem>>, vector<16xf32>,
        %mul3A_451 = vector.broadcast %squeeze3A_427 : f32 to vector<16xf32>
        %mul3A_452 = arith.mulf %get3A_450, %mul3A_451 : vector<16xf32>
        %swap3A_453 = arith.index_cast %add3A_431 : i32 to index
        %swap3A_454 = arith.constant 32 : index
        %swap3A_455 = tpu.vector_load %arg16[%swap3A_453, %swap3A_454] {strides = array<i32>} : memref<128x128xf32, #tpu.memory_space<vmem>>, vector<16xf32>,
        tpu.vector_store %arg16[%swap3A_453, %swap3A_454], %mul3A_452 {strides = array<i32>} : memref<128x128xf32, #tpu.memory_space<vmem>>, vector<16xf32>,
        %get3A_456 = arith.index_cast %add3A_431 : i32 to index
        %get3A_457 = arith.constant 48 : index
        %get3A_458 = tpu.vector_load %arg16[%get3A_456, %get3A_457] {strides = array<i32>} : memref<128x128xf32, #tpu.memory_space<vmem>>, vector<16xf32>,
        %mul3A_459 = vector.broadcast %squeeze3A_427 : f32 to vector<16xf32>
        %mul3A_460 = arith.mulf %get3A_458, %mul3A_459 : vector<16xf32>
        %swap3A_461 = arith.index_cast %add3A_431 : i32 to index
        %swap3A_462 = arith.constant 48 : index
        %swap3A_463 = tpu.vector_load %arg16[%swap3A_461, %swap3A_462] {strides = array<i32>} : memref<128x128xf32, #tpu.memory_space<vmem>>, vector<16xf32>,
        tpu.vector_store %arg16[%swap3A_461, %swap3A_462], %mul3A_460 {strides = array<i32>} : memref<128x128xf32, #tpu.memory_space<vmem>>, vector<16xf32>,
        %get3A_464 = arith.index_cast %add3A_431 : i32 to index
        %get3A_465 = arith.constant 64 : index
        %get3A_466 = tpu.vector_load %arg16[%get3A_464, %get3A_465] {strides = array<i32>} : memref<128x128xf32, #tpu.memory_space<vmem>>, vector<16xf32>,
        %mul3A_467 = vector.broadcast %squeeze3A_427 : f32 to vector<16xf32>
        %mul3A_468 = arith.mulf %get3A_466, %mul3A_467 : vector<16xf32>
        %swap3A_469 = arith.index_cast %add3A_431 : i32 to index
        %swap3A_470 = arith.constant 64 : index
        %swap3A_471 = tpu.vector_load %arg16[%swap3A_469, %swap3A_470] {strides = array<i32>} : memref<128x128xf32, #tpu.memory_space<vmem>>, vector<16xf32>,
        tpu.vector_store %arg16[%swap3A_469, %swap3A_470], %mul3A_468 {strides = array<i32>} : memref<128x128xf32, #tpu.memory_space<vmem>>, vector<16xf32>,
        %get3A_472 = arith.index_cast %add3A_431 : i32 to index
        %get3A_473 = arith.constant 80 : index
        %get3A_474 = tpu.vector_load %arg16[%get3A_472, %get3A_473] {strides = array<i32>} : memref<128x128xf32, #tpu.memory_space<vmem>>, vector<16xf32>,
        %mul3A_475 = vector.broadcast %squeeze3A_427 : f32 to vector<16xf32>
        %mul3A_476 = arith.mulf %get3A_474, %mul3A_475 : vector<16xf32>
        %swap3A_477 = arith.index_cast %add3A_431 : i32 to index
        %swap3A_478 = arith.constant 80 : index
        %swap3A_479 = tpu.vector_load %arg16[%swap3A_477, %swap3A_478] {strides = array<i32>} : memref<128x128xf32, #tpu.memory_space<vmem>>, vector<16xf32>,
        tpu.vector_store %arg16[%swap3A_477, %swap3A_478], %mul3A_476 {strides = array<i32>} : memref<128x128xf32, #tpu.memory_space<vmem>>, vector<16xf32>,
        %get3A_480 = arith.index_cast %add3A_431 : i32 to index
        %get3A_481 = arith.constant 96 : index
        %get3A_482 = tpu.vector_load %arg16[%get3A_480, %get3A_481] {strides = array<i32>} : memref<128x128xf32, #tpu.memory_space<vmem>>, vector<16xf32>,
        %mul3A_483 = vector.broadcast %squeeze3A_427 : f32 to vector<16xf32>
        %mul3A_484 = arith.mulf %get3A_482, %mul3A_483 : vector<16xf32>
        %swap3A_485 = arith.index_cast %add3A_431 : i32 to index
        %swap3A_486 = arith.constant 96 : index
        %swap3A_487 = tpu.vector_load %arg16[%swap3A_485, %swap3A_486] {strides = array<i32>} : memref<128x128xf32, #tpu.memory_space<vmem>>, vector<16xf32>,
        tpu.vector_store %arg16[%swap3A_485, %swap3A_486], %mul3A_484 {strides = array<i32>} : memref<128x128xf32, #tpu.memory_space<vmem>>, vector<16xf32>,
        %get3A_488 = arith.index_cast %add3A_431 : i32 to index
        %get3A_489 = arith.constant 112 : index
        %get3A_490 = tpu.vector_load %arg16[%get3A_488, %get3A_489] {strides = array<i32>} : memref<128x128xf32, #tpu.memory_space<vmem>>, vector<16xf32>,
        %mul3A_491 = vector.broadcast %squeeze3A_427 : f32 to vector<16xf32>
        %mul3A_492 = arith.mulf %get3A_490, %mul3A_491 : vector<16xf32>
        %swap3A_493 = arith.index_cast %add3A_431 : i32 to index
        %swap3A_494 = arith.constant 112 : index
        %swap3A_495 = tpu.vector_load %arg16[%swap3A_493, %swap3A_494] {strides = array<i32>} : memref<128x128xf32, #tpu.memory_space<vmem>>, vector<16xf32>,
        tpu.vector_store %arg16[%swap3A_493, %swap3A_494], %mul3A_492 {strides = array<i32>} : memref<128x128xf32, #tpu.memory_space<vmem>>, vector<16xf32>,
        %slice3A_496 = vector.extract_strided_slice %get3A_287 {offsets = [3], sizes = [1], strides = [1]} : vector<16xf32> to vector<1xf32>
        %squeeze3A_497 = vector.extract %slice3A_496[0] : f32 from vector<1xf32>
        %mul3A_498 = arith.constant 16 : i32
        %mul3A_499 = arith.muli %scan3A_282, %mul3A_498 : i32
        %add3A_500 = arith.constant 3 : i32
        %add3A_501 = arith.addi %mul3A_499, %add3A_500 : i32
        %get3A_502 = arith.index_cast %add3A_501 : i32 to index
        %get3A_503 = arith.constant 0 : index
        %get3A_504 = tpu.vector_load %arg16[%get3A_502, %get3A_503] {strides = array<i32>} : memref<128x128xf32, #tpu.memory_space<vmem>>, vector<16xf32>,
        %mul3A_505 = vector.broadcast %squeeze3A_497 : f32 to vector<16xf32>
        %mul3A_506 = arith.mulf %get3A_504, %mul3A_505 : vector<16xf32>
        %swap3A_507 = arith.index_cast %add3A_501 : i32 to index
        %swap3A_508 = arith.constant 0 : index
        %swap3A_509 = tpu.vector_load %arg16[%swap3A_507, %swap3A_508] {strides = array<i32>} : memref<128x128xf32, #tpu.memory_space<vmem>>, vector<16xf32>,
        tpu.vector_store %arg16[%swap3A_507, %swap3A_508], %mul3A_506 {strides = array<i32>} : memref<128x128xf32, #tpu.memory_space<vmem>>, vector<16xf32>,
        %get3A_510 = arith.index_cast %add3A_501 : i32 to index
        %get3A_511 = arith.constant 16 : index
        %get3A_512 = tpu.vector_load %arg16[%get3A_510, %get3A_511] {strides = array<i32>} : memref<128x128xf32, #tpu.memory_space<vmem>>, vector<16xf32>,
        %mul3A_513 = vector.broadcast %squeeze3A_497 : f32 to vector<16xf32>
        %mul3A_514 = arith.mulf %get3A_512, %mul3A_513 : vector<16xf32>
        %swap3A_515 = arith.index_cast %add3A_501 : i32 to index
        %swap3A_516 = arith.constant 16 : index
        %swap3A_517 = tpu.vector_load %arg16[%swap3A_515, %swap3A_516] {strides = array<i32>} : memref<128x128xf32, #tpu.memory_space<vmem>>, vector<16xf32>,
        tpu.vector_store %arg16[%swap3A_515, %swap3A_516], %mul3A_514 {strides = array<i32>} : memref<128x128xf32, #tpu.memory_space<vmem>>, vector<16xf32>,
        %get3A_518 = arith.index_cast %add3A_501 : i32 to index
        %get3A_519 = arith.constant 32 : index
        %get3A_520 = tpu.vector_load %arg16[%get3A_518, %get3A_519] {strides = array<i32>} : memref<128x128xf32, #tpu.memory_space<vmem>>, vector<16xf32>,
        %mul3A_521 = vector.broadcast %squeeze3A_497 : f32 to vector<16xf32>
        %mul3A_522 = arith.mulf %get3A_520, %mul3A_521 : vector<16xf32>
        %swap3A_523 = arith.index_cast %add3A_501 : i32 to index
        %swap3A_524 = arith.constant 32 : index
        %swap3A_525 = tpu.vector_load %arg16[%swap3A_523, %swap3A_524] {strides = array<i32>} : memref<128x128xf32, #tpu.memory_space<vmem>>, vector<16xf32>,
        tpu.vector_store %arg16[%swap3A_523, %swap3A_524], %mul3A_522 {strides = array<i32>} : memref<128x128xf32, #tpu.memory_space<vmem>>, vector<16xf32>,
        %get3A_526 = arith.index_cast %add3A_501 : i32 to index
        %get3A_527 = arith.constant 48 : index
        %get3A_528 = tpu.vector_load %arg16[%get3A_526, %get3A_527] {strides = array<i32>} : memref<128x128xf32, #tpu.memory_space<vmem>>, vector<16xf32>,
        %mul3A_529 = vector.broadcast %squeeze3A_497 : f32 to vector<16xf32>
        %mul3A_530 = arith.mulf %get3A_528, %mul3A_529 : vector<16xf32>
        %swap3A_531 = arith.index_cast %add3A_501 : i32 to index
        %swap3A_532 = arith.constant 48 : index
        %swap3A_533 = tpu.vector_load %arg16[%swap3A_531, %swap3A_532] {strides = array<i32>} : memref<128x128xf32, #tpu.memory_space<vmem>>, vector<16xf32>,
        tpu.vector_store %arg16[%swap3A_531, %swap3A_532], %mul3A_530 {strides = array<i32>} : memref<128x128xf32, #tpu.memory_space<vmem>>, vector<16xf32>,
        %get3A_534 = arith.index_cast %add3A_501 : i32 to index
        %get3A_535 = arith.constant 64 : index
        %get3A_536 = tpu.vector_load %arg16[%get3A_534, %get3A_535] {strides = array<i32>} : memref<128x128xf32, #tpu.memory_space<vmem>>, vector<16xf32>,
        %mul3A_537 = vector.broadcast %squeeze3A_497 : f32 to vector<16xf32>
        %mul3A_538 = arith.mulf %get3A_536, %mul3A_537 : vector<16xf32>
        %swap3A_539 = arith.index_cast %add3A_501 : i32 to index
        %swap3A_540 = arith.constant 64 : index
        %swap3A_541 = tpu.vector_load %arg16[%swap3A_539, %swap3A_540] {strides = array<i32>} : memref<128x128xf32, #tpu.memory_space<vmem>>, vector<16xf32>,
        tpu.vector_store %arg16[%swap3A_539, %swap3A_540], %mul3A_538 {strides = array<i32>} : memref<128x128xf32, #tpu.memory_space<vmem>>, vector<16xf32>,
        %get3A_542 = arith.index_cast %add3A_501 : i32 to index
        %get3A_543 = arith.constant 80 : index
        %get3A_544 = tpu.vector_load %arg16[%get3A_542, %get3A_543] {strides = array<i32>} : memref<128x128xf32, #tpu.memory_space<vmem>>, vector<16xf32>,
        %mul3A_545 = vector.broadcast %squeeze3A_497 : f32 to vector<16xf32>
        %mul3A_546 = arith.mulf %get3A_544, %mul3A_545 : vector<16xf32>
        %swap3A_547 = arith.index_cast %add3A_501 : i32 to index
        %swap3A_548 = arith.constant 80 : index
        %swap3A_549 = tpu.vector_load %arg16[%swap3A_547, %swap3A_548] {strides = array<i32>} : memref<128x128xf32, #tpu.memory_space<vmem>>, vector<16xf32>,
        tpu.vector_store %arg16[%swap3A_547, %swap3A_548], %mul3A_546 {strides = array<i32>} : memref<128x128xf32, #tpu.memory_space<vmem>>, vector<16xf32>,
        %get3A_550 = arith.index_cast %add3A_501 : i32 to index
        %get3A_551 = arith.constant 96 : index
        %get3A_552 = tpu.vector_load %arg16[%get3A_550, %get3A_551] {strides = array<i32>} : memref<128x128xf32, #tpu.memory_space<vmem>>, vector<16xf32>,
        %mul3A_553 = vector.broadcast %squeeze3A_497 : f32 to vector<16xf32>
        %mul3A_554 = arith.mulf %get3A_552, %mul3A_553 : vector<16xf32>
        %swap3A_555 = arith.index_cast %add3A_501 : i32 to index
        %swap3A_556 = arith.constant 96 : index
        %swap3A_557 = tpu.vector_load %arg16[%swap3A_555, %swap3A_556] {strides = array<i32>} : memref<128x128xf32, #tpu.memory_space<vmem>>, vector<16xf32>,
        tpu.vector_store %arg16[%swap3A_555, %swap3A_556], %mul3A_554 {strides = array<i32>} : memref<128x128xf32, #tpu.memory_space<vmem>>, vector<16xf32>,
        %get3A_558 = arith.index_cast %add3A_501 : i32 to index
        %get3A_559 = arith.constant 112 : index
        %get3A_560 = tpu.vector_load %arg16[%get3A_558, %get3A_559] {strides = array<i32>} : memref<128x128xf32, #tpu.memory_space<vmem>>, vector<16xf32>,
        %mul3A_561 = vector.broadcast %squeeze3A_497 : f32 to vector<16xf32>
        %mul3A_562 = arith.mulf %get3A_560, %mul3A_561 : vector<16xf32>
        %swap3A_563 = arith.index_cast %add3A_501 : i32 to index
        %swap3A_564 = arith.constant 112 : index
        %swap3A_565 = tpu.vector_load %arg16[%swap3A_563, %swap3A_564] {strides = array<i32>} : memref<128x128xf32, #tpu.memory_space<vmem>>, vector<16xf32>,
        tpu.vector_store %arg16[%swap3A_563, %swap3A_564], %mul3A_562 {strides = array<i32>} : memref<128x128xf32, #tpu.memory_space<vmem>>, vector<16xf32>,
        %slice3A_566 = vector.extract_strided_slice %get3A_287 {offsets = [4], sizes = [1], strides = [1]} : vector<16xf32> to vector<1xf32>
        %squeeze3A_567 = vector.extract %slice3A_566[0] : f32 from vector<1xf32>
        %mul3A_568 = arith.constant 16 : i32
        %mul3A_569 = arith.muli %scan3A_282, %mul3A_568 : i32
        %add3A_570 = arith.constant 4 : i32
        %add3A_571 = arith.addi %mul3A_569, %add3A_570 : i32
        %get3A_572 = arith.index_cast %add3A_571 : i32 to index
        %get3A_573 = arith.constant 0 : index
        %get3A_574 = tpu.vector_load %arg16[%get3A_572, %get3A_573] {strides = array<i32>} : memref<128x128xf32, #tpu.memory_space<vmem>>, vector<16xf32>,
        %mul3A_575 = vector.broadcast %squeeze3A_567 : f32 to vector<16xf32>
        %mul3A_576 = arith.mulf %get3A_574, %mul3A_575 : vector<16xf32>
        %swap3A_577 = arith.index_cast %add3A_571 : i32 to index
        %swap3A_578 = arith.constant 0 : index
        %swap3A_579 = tpu.vector_load %arg16[%swap3A_577, %swap3A_578] {strides = array<i32>} : memref<128x128xf32, #tpu.memory_space<vmem>>, vector<16xf32>,
        tpu.vector_store %arg16[%swap3A_577, %swap3A_578], %mul3A_576 {strides = array<i32>} : memref<128x128xf32, #tpu.memory_space<vmem>>, vector<16xf32>,
        %get3A_580 = arith.index_cast %add3A_571 : i32 to index
        %get3A_581 = arith.constant 16 : index
        %get3A_582 = tpu.vector_load %arg16[%get3A_580, %get3A_581] {strides = array<i32>} : memref<128x128xf32, #tpu.memory_space<vmem>>, vector<16xf32>,
        %mul3A_583 = vector.broadcast %squeeze3A_567 : f32 to vector<16xf32>
        %mul3A_584 = arith.mulf %get3A_582, %mul3A_583 : vector<16xf32>
        %swap3A_585 = arith.index_cast %add3A_571 : i32 to index
        %swap3A_586 = arith.constant 16 : index
        %swap3A_587 = tpu.vector_load %arg16[%swap3A_585, %swap3A_586] {strides = array<i32>} : memref<128x128xf32, #tpu.memory_space<vmem>>, vector<16xf32>,
        tpu.vector_store %arg16[%swap3A_585, %swap3A_586], %mul3A_584 {strides = array<i32>} : memref<128x128xf32, #tpu.memory_space<vmem>>, vector<16xf32>,
        %get3A_588 = arith.index_cast %add3A_571 : i32 to index
        %get3A_589 = arith.constant 32 : index
        %get3A_590 = tpu.vector_load %arg16[%get3A_588, %get3A_589] {strides = array<i32>} : memref<128x128xf32, #tpu.memory_space<vmem>>, vector<16xf32>,
        %mul3A_591 = vector.broadcast %squeeze3A_567 : f32 to vector<16xf32>
        %mul3A_592 = arith.mulf %get3A_590, %mul3A_591 : vector<16xf32>
        %swap3A_593 = arith.index_cast %add3A_571 : i32 to index
        %swap3A_594 = arith.constant 32 : index
        %swap3A_595 = tpu.vector_load %arg16[%swap3A_593, %swap3A_594] {strides = array<i32>} : memref<128x128xf32, #tpu.memory_space<vmem>>, vector<16xf32>,
        tpu.vector_store %arg16[%swap3A_593, %swap3A_594], %mul3A_592 {strides = array<i32>} : memref<128x128xf32, #tpu.memory_space<vmem>>, vector<16xf32>,
        %get3A_596 = arith.index_cast %add3A_571 : i32 to index
        %get3A_597 = arith.constant 48 : index
        %get3A_598 = tpu.vector_load %arg16[%get3A_596, %get3A_597] {strides = array<i32>} : memref<128x128xf32, #tpu.memory_space<vmem>>, vector<16xf32>,
        %mul3A_599 = vector.broadcast %squeeze3A_567 : f32 to vector<16xf32>
        %mul3A_600 = arith.mulf %get3A_598, %mul3A_599 : vector<16xf32>
        %swap3A_601 = arith.index_cast %add3A_571 : i32 to index
        %swap3A_602 = arith.constant 48 : index
        %swap3A_603 = tpu.vector_load %arg16[%swap3A_601, %swap3A_602] {strides = array<i32>} : memref<128x128xf32, #tpu.memory_space<vmem>>, vector<16xf32>,
        tpu.vector_store %arg16[%swap3A_601, %swap3A_602], %mul3A_600 {strides = array<i32>} : memref<128x128xf32, #tpu.memory_space<vmem>>, vector<16xf32>,
        %get3A_604 = arith.index_cast %add3A_571 : i32 to index
        %get3A_605 = arith.constant 64 : index
        %get3A_606 = tpu.vector_load %arg16[%get3A_604, %get3A_605] {strides = array<i32>} : memref<128x128xf32, #tpu.memory_space<vmem>>, vector<16xf32>,
        %mul3A_607 = vector.broadcast %squeeze3A_567 : f32 to vector<16xf32>
        %mul3A_608 = arith.mulf %get3A_606, %mul3A_607 : vector<16xf32>
        %swap3A_609 = arith.index_cast %add3A_571 : i32 to index
        %swap3A_610 = arith.constant 64 : index
        %swap3A_611 = tpu.vector_load %arg16[%swap3A_609, %swap3A_610] {strides = array<i32>} : memref<128x128xf32, #tpu.memory_space<vmem>>, vector<16xf32>,
        tpu.vector_store %arg16[%swap3A_609, %swap3A_610], %mul3A_608 {strides = array<i32>} : memref<128x128xf32, #tpu.memory_space<vmem>>, vector<16xf32>,
        %get3A_612 = arith.index_cast %add3A_571 : i32 to index
        %get3A_613 = arith.constant 80 : index
        %get3A_614 = tpu.vector_load %arg16[%get3A_612, %get3A_613] {strides = array<i32>} : memref<128x128xf32, #tpu.memory_space<vmem>>, vector<16xf32>,
        %mul3A_615 = vector.broadcast %squeeze3A_567 : f32 to vector<16xf32>
        %mul3A_616 = arith.mulf %get3A_614, %mul3A_615 : vector<16xf32>
        %swap3A_617 = arith.index_cast %add3A_571 : i32 to index
        %swap3A_618 = arith.constant 80 : index
        %swap3A_619 = tpu.vector_load %arg16[%swap3A_617, %swap3A_618] {strides = array<i32>} : memref<128x128xf32, #tpu.memory_space<vmem>>, vector<16xf32>,
        tpu.vector_store %arg16[%swap3A_617, %swap3A_618], %mul3A_616 {strides = array<i32>} : memref<128x128xf32, #tpu.memory_space<vmem>>, vector<16xf32>,
        %get3A_620 = arith.index_cast %add3A_571 : i32 to index
        %get3A_621 = arith.constant 96 : index
        %get3A_622 = tpu.vector_load %arg16[%get3A_620, %get3A_621] {strides = array<i32>} : memref<128x128xf32, #tpu.memory_space<vmem>>, vector<16xf32>,
        %mul3A_623 = vector.broadcast %squeeze3A_567 : f32 to vector<16xf32>
        %mul3A_624 = arith.mulf %get3A_622, %mul3A_623 : vector<16xf32>
        %swap3A_625 = arith.index_cast %add3A_571 : i32 to index
        %swap3A_626 = arith.constant 96 : index
        %swap3A_627 = tpu.vector_load %arg16[%swap3A_625, %swap3A_626] {strides = array<i32>} : memref<128x128xf32, #tpu.memory_space<vmem>>, vector<16xf32>,
        tpu.vector_store %arg16[%swap3A_625, %swap3A_626], %mul3A_624 {strides = array<i32>} : memref<128x128xf32, #tpu.memory_space<vmem>>, vector<16xf32>,
        %get3A_628 = arith.index_cast %add3A_571 : i32 to index
        %get3A_629 = arith.constant 112 : index
        %get3A_630 = tpu.vector_load %arg16[%get3A_628, %get3A_629] {strides = array<i32>} : memref<128x128xf32, #tpu.memory_space<vmem>>, vector<16xf32>,
        %mul3A_631 = vector.broadcast %squeeze3A_567 : f32 to vector<16xf32>
        %mul3A_632 = arith.mulf %get3A_630, %mul3A_631 : vector<16xf32>
        %swap3A_633 = arith.index_cast %add3A_571 : i32 to index
        %swap3A_634 = arith.constant 112 : index
        %swap3A_635 = tpu.vector_load %arg16[%swap3A_633, %swap3A_634] {strides = array<i32>} : memref<128x128xf32, #tpu.memory_space<vmem>>, vector<16xf32>,
        tpu.vector_store %arg16[%swap3A_633, %swap3A_634], %mul3A_632 {strides = array<i32>} : memref<128x128xf32, #tpu.memory_space<vmem>>, vector<16xf32>,
        %slice3A_636 = vector.extract_strided_slice %get3A_287 {offsets = [5], sizes = [1], strides = [1]} : vector<16xf32> to vector<1xf32>
        %squeeze3A_637 = vector.extract %slice3A_636[0] : f32 from vector<1xf32>
        %mul3A_638 = arith.constant 16 : i32
        %mul3A_639 = arith.muli %scan3A_282, %mul3A_638 : i32
        %add3A_640 = arith.constant 5 : i32
        %add3A_641 = arith.addi %mul3A_639, %add3A_640 : i32
        %get3A_642 = arith.index_cast %add3A_641 : i32 to index
        %get3A_643 = arith.constant 0 : index
        %get3A_644 = tpu.vector_load %arg16[%get3A_642, %get3A_643] {strides = array<i32>} : memref<128x128xf32, #tpu.memory_space<vmem>>, vector<16xf32>,
        %mul3A_645 = vector.broadcast %squeeze3A_637 : f32 to vector<16xf32>
        %mul3A_646 = arith.mulf %get3A_644, %mul3A_645 : vector<16xf32>
        %swap3A_647 = arith.index_cast %add3A_641 : i32 to index
        %swap3A_648 = arith.constant 0 : index
        %swap3A_649 = tpu.vector_load %arg16[%swap3A_647, %swap3A_648] {strides = array<i32>} : memref<128x128xf32, #tpu.memory_space<vmem>>, vector<16xf32>,
        tpu.vector_store %arg16[%swap3A_647, %swap3A_648], %mul3A_646 {strides = array<i32>} : memref<128x128xf32, #tpu.memory_space<vmem>>, vector<16xf32>,
        %get3A_650 = arith.index_cast %add3A_641 : i32 to index
        %get3A_651 = arith.constant 16 : index
        %get3A_652 = tpu.vector_load %arg16[%get3A_650, %get3A_651] {strides = array<i32>} : memref<128x128xf32, #tpu.memory_space<vmem>>, vector<16xf32>,
        %mul3A_653 = vector.broadcast %squeeze3A_637 : f32 to vector<16xf32>
        %mul3A_654 = arith.mulf %get3A_652, %mul3A_653 : vector<16xf32>
        %swap3A_655 = arith.index_cast %add3A_641 : i32 to index
        %swap3A_656 = arith.constant 16 : index
        %swap3A_657 = tpu.vector_load %arg16[%swap3A_655, %swap3A_656] {strides = array<i32>} : memref<128x128xf32, #tpu.memory_space<vmem>>, vector<16xf32>,
        tpu.vector_store %arg16[%swap3A_655, %swap3A_656], %mul3A_654 {strides = array<i32>} : memref<128x128xf32, #tpu.memory_space<vmem>>, vector<16xf32>,
        %get3A_658 = arith.index_cast %add3A_641 : i32 to index
        %get3A_659 = arith.constant 32 : index
        %get3A_660 = tpu.vector_load %arg16[%get3A_658, %get3A_659] {strides = array<i32>} : memref<128x128xf32, #tpu.memory_space<vmem>>, vector<16xf32>,
        %mul3A_661 = vector.broadcast %squeeze3A_637 : f32 to vector<16xf32>
        %mul3A_662 = arith.mulf %get3A_660, %mul3A_661 : vector<16xf32>
        %swap3A_663 = arith.index_cast %add3A_641 : i32 to index
        %swap3A_664 = arith.constant 32 : index
        %swap3A_665 = tpu.vector_load %arg16[%swap3A_663, %swap3A_664] {strides = array<i32>} : memref<128x128xf32, #tpu.memory_space<vmem>>, vector<16xf32>,
        tpu.vector_store %arg16[%swap3A_663, %swap3A_664], %mul3A_662 {strides = array<i32>} : memref<128x128xf32, #tpu.memory_space<vmem>>, vector<16xf32>,
        %get3A_666 = arith.index_cast %add3A_641 : i32 to index
        %get3A_667 = arith.constant 48 : index
        %get3A_668 = tpu.vector_load %arg16[%get3A_666, %get3A_667] {strides = array<i32>} : memref<128x128xf32, #tpu.memory_space<vmem>>, vector<16xf32>,
        %mul3A_669 = vector.broadcast %squeeze3A_637 : f32 to vector<16xf32>
        %mul3A_670 = arith.mulf %get3A_668, %mul3A_669 : vector<16xf32>
        %swap3A_671 = arith.index_cast %add3A_641 : i32 to index
        %swap3A_672 = arith.constant 48 : index
        %swap3A_673 = tpu.vector_load %arg16[%swap3A_671, %swap3A_672] {strides = array<i32>} : memref<128x128xf32, #tpu.memory_space<vmem>>, vector<16xf32>,
        tpu.vector_store %arg16[%swap3A_671, %swap3A_672], %mul3A_670 {strides = array<i32>} : memref<128x128xf32, #tpu.memory_space<vmem>>, vector<16xf32>,
        %get3A_674 = arith.index_cast %add3A_641 : i32 to index
        %get3A_675 = arith.constant 64 : index
        %get3A_676 = tpu.vector_load %arg16[%get3A_674, %get3A_675] {strides = array<i32>} : memref<128x128xf32, #tpu.memory_space<vmem>>, vector<16xf32>,
        %mul3A_677 = vector.broadcast %squeeze3A_637 : f32 to vector<16xf32>
        %mul3A_678 = arith.mulf %get3A_676, %mul3A_677 : vector<16xf32>
        %swap3A_679 = arith.index_cast %add3A_641 : i32 to index
        %swap3A_680 = arith.constant 64 : index
        %swap3A_681 = tpu.vector_load %arg16[%swap3A_679, %swap3A_680] {strides = array<i32>} : memref<128x128xf32, #tpu.memory_space<vmem>>, vector<16xf32>,
        tpu.vector_store %arg16[%swap3A_679, %swap3A_680], %mul3A_678 {strides = array<i32>} : memref<128x128xf32, #tpu.memory_space<vmem>>, vector<16xf32>,
        %get3A_682 = arith.index_cast %add3A_641 : i32 to index
        %get3A_683 = arith.constant 80 : index
        %get3A_684 = tpu.vector_load %arg16[%get3A_682, %get3A_683] {strides = array<i32>} : memref<128x128xf32, #tpu.memory_space<vmem>>, vector<16xf32>,
        %mul3A_685 = vector.broadcast %squeeze3A_637 : f32 to vector<16xf32>
        %mul3A_686 = arith.mulf %get3A_684, %mul3A_685 : vector<16xf32>
        %swap3A_687 = arith.index_cast %add3A_641 : i32 to index
        %swap3A_688 = arith.constant 80 : index
        %swap3A_689 = tpu.vector_load %arg16[%swap3A_687, %swap3A_688] {strides = array<i32>} : memref<128x128xf32, #tpu.memory_space<vmem>>, vector<16xf32>,
        tpu.vector_store %arg16[%swap3A_687, %swap3A_688], %mul3A_686 {strides = array<i32>} : memref<128x128xf32, #tpu.memory_space<vmem>>, vector<16xf32>,
        %get3A_690 = arith.index_cast %add3A_641 : i32 to index
        %get3A_691 = arith.constant 96 : index
        %get3A_692 = tpu.vector_load %arg16[%get3A_690, %get3A_691] {strides = array<i32>} : memref<128x128xf32, #tpu.memory_space<vmem>>, vector<16xf32>,
        %mul3A_693 = vector.broadcast %squeeze3A_637 : f32 to vector<16xf32>
        %mul3A_694 = arith.mulf %get3A_692, %mul3A_693 : vector<16xf32>
        %swap3A_695 = arith.index_cast %add3A_641 : i32 to index
        %swap3A_696 = arith.constant 96 : index
        %swap3A_697 = tpu.vector_load %arg16[%swap3A_695, %swap3A_696] {strides = array<i32>} : memref<128x128xf32, #tpu.memory_space<vmem>>, vector<16xf32>,
        tpu.vector_store %arg16[%swap3A_695, %swap3A_696], %mul3A_694 {strides = array<i32>} : memref<128x128xf32, #tpu.memory_space<vmem>>, vector<16xf32>,
        %get3A_698 = arith.index_cast %add3A_641 : i32 to index
        %get3A_699 = arith.constant 112 : index
        %get3A_700 = tpu.vector_load %arg16[%get3A_698, %get3A_699] {strides = array<i32>} : memref<128x128xf32, #tpu.memory_space<vmem>>, vector<16xf32>,
        %mul3A_701 = vector.broadcast %squeeze3A_637 : f32 to vector<16xf32>
        %mul3A_702 = arith.mulf %get3A_700, %mul3A_701 : vector<16xf32>
        %swap3A_703 = arith.index_cast %add3A_641 : i32 to index
        %swap3A_704 = arith.constant 112 : index
        %swap3A_705 = tpu.vector_load %arg16[%swap3A_703, %swap3A_704] {strides = array<i32>} : memref<128x128xf32, #tpu.memory_space<vmem>>, vector<16xf32>,
        tpu.vector_store %arg16[%swap3A_703, %swap3A_704], %mul3A_702 {strides = array<i32>} : memref<128x128xf32, #tpu.memory_space<vmem>>, vector<16xf32>,
        %slice3A_706 = vector.extract_strided_slice %get3A_287 {offsets = [6], sizes = [1], strides = [1]} : vector<16xf32> to vector<1xf32>
        %squeeze3A_707 = vector.extract %slice3A_706[0] : f32 from vector<1xf32>
        %mul3A_708 = arith.constant 16 : i32
        %mul3A_709 = arith.muli %scan3A_282, %mul3A_708 : i32
        %add3A_710 = arith.constant 6 : i32
        %add3A_711 = arith.addi %mul3A_709, %add3A_710 : i32
        %get3A_712 = arith.index_cast %add3A_711 : i32 to index
        %get3A_713 = arith.constant 0 : index
        %get3A_714 = tpu.vector_load %arg16[%get3A_712, %get3A_713] {strides = array<i32>} : memref<128x128xf32, #tpu.memory_space<vmem>>, vector<16xf32>,
        %mul3A_715 = vector.broadcast %squeeze3A_707 : f32 to vector<16xf32>
        %mul3A_716 = arith.mulf %get3A_714, %mul3A_715 : vector<16xf32>
        %swap3A_717 = arith.index_cast %add3A_711 : i32 to index
        %swap3A_718 = arith.constant 0 : index
        %swap3A_719 = tpu.vector_load %arg16[%swap3A_717, %swap3A_718] {strides = array<i32>} : memref<128x128xf32, #tpu.memory_space<vmem>>, vector<16xf32>,
        tpu.vector_store %arg16[%swap3A_717, %swap3A_718], %mul3A_716 {strides = array<i32>} : memref<128x128xf32, #tpu.memory_space<vmem>>, vector<16xf32>,
        %get3A_720 = arith.index_cast %add3A_711 : i32 to index
        %get3A_721 = arith.constant 16 : index
        %get3A_722 = tpu.vector_load %arg16[%get3A_720, %get3A_721] {strides = array<i32>} : memref<128x128xf32, #tpu.memory_space<vmem>>, vector<16xf32>,
        %mul3A_723 = vector.broadcast %squeeze3A_707 : f32 to vector<16xf32>
        %mul3A_724 = arith.mulf %get3A_722, %mul3A_723 : vector<16xf32>
        %swap3A_725 = arith.index_cast %add3A_711 : i32 to index
        %swap3A_726 = arith.constant 16 : index
        %swap3A_727 = tpu.vector_load %arg16[%swap3A_725, %swap3A_726] {strides = array<i32>} : memref<128x128xf32, #tpu.memory_space<vmem>>, vector<16xf32>,
        tpu.vector_store %arg16[%swap3A_725, %swap3A_726], %mul3A_724 {strides = array<i32>} : memref<128x128xf32, #tpu.memory_space<vmem>>, vector<16xf32>,
        %get3A_728 = arith.index_cast %add3A_711 : i32 to index
        %get3A_729 = arith.constant 32 : index
        %get3A_730 = tpu.vector_load %arg16[%get3A_728, %get3A_729] {strides = array<i32>} : memref<128x128xf32, #tpu.memory_space<vmem>>, vector<16xf32>,
        %mul3A_731 = vector.broadcast %squeeze3A_707 : f32 to vector<16xf32>
        %mul3A_732 = arith.mulf %get3A_730, %mul3A_731 : vector<16xf32>
        %swap3A_733 = arith.index_cast %add3A_711 : i32 to index
        %swap3A_734 = arith.constant 32 : index
        %swap3A_735 = tpu.vector_load %arg16[%swap3A_733, %swap3A_734] {strides = array<i32>} : memref<128x128xf32, #tpu.memory_space<vmem>>, vector<16xf32>,
        tpu.vector_store %arg16[%swap3A_733, %swap3A_734], %mul3A_732 {strides = array<i32>} : memref<128x128xf32, #tpu.memory_space<vmem>>, vector<16xf32>,
        %get3A_736 = arith.index_cast %add3A_711 : i32 to index
        %get3A_737 = arith.constant 48 : index
        %get3A_738 = tpu.vector_load %arg16[%get3A_736, %get3A_737] {strides = array<i32>} : memref<128x128xf32, #tpu.memory_space<vmem>>, vector<16xf32>,
        %mul3A_739 = vector.broadcast %squeeze3A_707 : f32 to vector<16xf32>
        %mul3A_740 = arith.mulf %get3A_738, %mul3A_739 : vector<16xf32>
        %swap3A_741 = arith.index_cast %add3A_711 : i32 to index
        %swap3A_742 = arith.constant 48 : index
        %swap3A_743 = tpu.vector_load %arg16[%swap3A_741, %swap3A_742] {strides = array<i32>} : memref<128x128xf32, #tpu.memory_space<vmem>>, vector<16xf32>,
        tpu.vector_store %arg16[%swap3A_741, %swap3A_742], %mul3A_740 {strides = array<i32>} : memref<128x128xf32, #tpu.memory_space<vmem>>, vector<16xf32>,
        %get3A_744 = arith.index_cast %add3A_711 : i32 to index
        %get3A_745 = arith.constant 64 : index
        %get3A_746 = tpu.vector_load %arg16[%get3A_744, %get3A_745] {strides = array<i32>} : memref<128x128xf32, #tpu.memory_space<vmem>>, vector<16xf32>,
        %mul3A_747 = vector.broadcast %squeeze3A_707 : f32 to vector<16xf32>
        %mul3A_748 = arith.mulf %get3A_746, %mul3A_747 : vector<16xf32>
        %swap3A_749 = arith.index_cast %add3A_711 : i32 to index
        %swap3A_750 = arith.constant 64 : index
        %swap3A_751 = tpu.vector_load %arg16[%swap3A_749, %swap3A_750] {strides = array<i32>} : memref<128x128xf32, #tpu.memory_space<vmem>>, vector<16xf32>,
        tpu.vector_store %arg16[%swap3A_749, %swap3A_750], %mul3A_748 {strides = array<i32>} : memref<128x128xf32, #tpu.memory_space<vmem>>, vector<16xf32>,
        %get3A_752 = arith.index_cast %add3A_711 : i32 to index
        %get3A_753 = arith.constant 80 : index
        %get3A_754 = tpu.vector_load %arg16[%get3A_752, %get3A_753] {strides = array<i32>} : memref<128x128xf32, #tpu.memory_space<vmem>>, vector<16xf32>,
        %mul3A_755 = vector.broadcast %squeeze3A_707 : f32 to vector<16xf32>
        %mul3A_756 = arith.mulf %get3A_754, %mul3A_755 : vector<16xf32>
        %swap3A_757 = arith.index_cast %add3A_711 : i32 to index
        %swap3A_758 = arith.constant 80 : index
        %swap3A_759 = tpu.vector_load %arg16[%swap3A_757, %swap3A_758] {strides = array<i32>} : memref<128x128xf32, #tpu.memory_space<vmem>>, vector<16xf32>,
        tpu.vector_store %arg16[%swap3A_757, %swap3A_758], %mul3A_756 {strides = array<i32>} : memref<128x128xf32, #tpu.memory_space<vmem>>, vector<16xf32>,
        %get3A_760 = arith.index_cast %add3A_711 : i32 to index
        %get3A_761 = arith.constant 96 : index
        %get3A_762 = tpu.vector_load %arg16[%get3A_760, %get3A_761] {strides = array<i32>} : memref<128x128xf32, #tpu.memory_space<vmem>>, vector<16xf32>,
        %mul3A_763 = vector.broadcast %squeeze3A_707 : f32 to vector<16xf32>
        %mul3A_764 = arith.mulf %get3A_762, %mul3A_763 : vector<16xf32>
        %swap3A_765 = arith.index_cast %add3A_711 : i32 to index
        %swap3A_766 = arith.constant 96 : index
        %swap3A_767 = tpu.vector_load %arg16[%swap3A_765, %swap3A_766] {strides = array<i32>} : memref<128x128xf32, #tpu.memory_space<vmem>>, vector<16xf32>,
        tpu.vector_store %arg16[%swap3A_765, %swap3A_766], %mul3A_764 {strides = array<i32>} : memref<128x128xf32, #tpu.memory_space<vmem>>, vector<16xf32>,
        %get3A_768 = arith.index_cast %add3A_711 : i32 to index
        %get3A_769 = arith.constant 112 : index
        %get3A_770 = tpu.vector_load %arg16[%get3A_768, %get3A_769] {strides = array<i32>} : memref<128x128xf32, #tpu.memory_space<vmem>>, vector<16xf32>,
        %mul3A_771 = vector.broadcast %squeeze3A_707 : f32 to vector<16xf32>
        %mul3A_772 = arith.mulf %get3A_770, %mul3A_771 : vector<16xf32>
        %swap3A_773 = arith.index_cast %add3A_711 : i32 to index
        %swap3A_774 = arith.constant 112 : index
        %swap3A_775 = tpu.vector_load %arg16[%swap3A_773, %swap3A_774] {strides = array<i32>} : memref<128x128xf32, #tpu.memory_space<vmem>>, vector<16xf32>,
        tpu.vector_store %arg16[%swap3A_773, %swap3A_774], %mul3A_772 {strides = array<i32>} : memref<128x128xf32, #tpu.memory_space<vmem>>, vector<16xf32>,
        %slice3A_776 = vector.extract_strided_slice %get3A_287 {offsets = [7], sizes = [1], strides = [1]} : vector<16xf32> to vector<1xf32>
        %squeeze3A_777 = vector.extract %slice3A_776[0] : f32 from vector<1xf32>
        %mul3A_778 = arith.constant 16 : i32
        %mul3A_779 = arith.muli %scan3A_282, %mul3A_778 : i32
        %add3A_780 = arith.constant 7 : i32
        %add3A_781 = arith.addi %mul3A_779, %add3A_780 : i32
        %get3A_782 = arith.index_cast %add3A_781 : i32 to index
        %get3A_783 = arith.constant 0 : index
        %get3A_784 = tpu.vector_load %arg16[%get3A_782, %get3A_783] {strides = array<i32>} : memref<128x128xf32, #tpu.memory_space<vmem>>, vector<16xf32>,
        %mul3A_785 = vector.broadcast %squeeze3A_777 : f32 to vector<16xf32>
        %mul3A_786 = arith.mulf %get3A_784, %mul3A_785 : vector<16xf32>
        %swap3A_787 = arith.index_cast %add3A_781 : i32 to index
        %swap3A_788 = arith.constant 0 : index
        %swap3A_789 = tpu.vector_load %arg16[%swap3A_787, %swap3A_788] {strides = array<i32>} : memref<128x128xf32, #tpu.memory_space<vmem>>, vector<16xf32>,
        tpu.vector_store %arg16[%swap3A_787, %swap3A_788], %mul3A_786 {strides = array<i32>} : memref<128x128xf32, #tpu.memory_space<vmem>>, vector<16xf32>,
        %get3A_790 = arith.index_cast %add3A_781 : i32 to index
        %get3A_791 = arith.constant 16 : index
        %get3A_792 = tpu.vector_load %arg16[%get3A_790, %get3A_791] {strides = array<i32>} : memref<128x128xf32, #tpu.memory_space<vmem>>, vector<16xf32>,
        %mul3A_793 = vector.broadcast %squeeze3A_777 : f32 to vector<16xf32>
        %mul3A_794 = arith.mulf %get3A_792, %mul3A_793 : vector<16xf32>
        %swap3A_795 = arith.index_cast %add3A_781 : i32 to index
        %swap3A_796 = arith.constant 16 : index
        %swap3A_797 = tpu.vector_load %arg16[%swap3A_795, %swap3A_796] {strides = array<i32>} : memref<128x128xf32, #tpu.memory_space<vmem>>, vector<16xf32>,
        tpu.vector_store %arg16[%swap3A_795, %swap3A_796], %mul3A_794 {strides = array<i32>} : memref<128x128xf32, #tpu.memory_space<vmem>>, vector<16xf32>,
        %get3A_798 = arith.index_cast %add3A_781 : i32 to index
        %get3A_799 = arith.constant 32 : index
        %get3A_800 = tpu.vector_load %arg16[%get3A_798, %get3A_799] {strides = array<i32>} : memref<128x128xf32, #tpu.memory_space<vmem>>, vector<16xf32>,
        %mul3A_801 = vector.broadcast %squeeze3A_777 : f32 to vector<16xf32>
        %mul3A_802 = arith.mulf %get3A_800, %mul3A_801 : vector<16xf32>
        %swap3A_803 = arith.index_cast %add3A_781 : i32 to index
        %swap3A_804 = arith.constant 32 : index
        %swap3A_805 = tpu.vector_load %arg16[%swap3A_803, %swap3A_804] {strides = array<i32>} : memref<128x128xf32, #tpu.memory_space<vmem>>, vector<16xf32>,
        tpu.vector_store %arg16[%swap3A_803, %swap3A_804], %mul3A_802 {strides = array<i32>} : memref<128x128xf32, #tpu.memory_space<vmem>>, vector<16xf32>,
        %get3A_806 = arith.index_cast %add3A_781 : i32 to index
        %get3A_807 = arith.constant 48 : index
        %get3A_808 = tpu.vector_load %arg16[%get3A_806, %get3A_807] {strides = array<i32>} : memref<128x128xf32, #tpu.memory_space<vmem>>, vector<16xf32>,
        %mul3A_809 = vector.broadcast %squeeze3A_777 : f32 to vector<16xf32>
        %mul3A_810 = arith.mulf %get3A_808, %mul3A_809 : vector<16xf32>
        %swap3A_811 = arith.index_cast %add3A_781 : i32 to index
        %swap3A_812 = arith.constant 48 : index
        %swap3A_813 = tpu.vector_load %arg16[%swap3A_811, %swap3A_812] {strides = array<i32>} : memref<128x128xf32, #tpu.memory_space<vmem>>, vector<16xf32>,
        tpu.vector_store %arg16[%swap3A_811, %swap3A_812], %mul3A_810 {strides = array<i32>} : memref<128x128xf32, #tpu.memory_space<vmem>>, vector<16xf32>,
        %get3A_814 = arith.index_cast %add3A_781 : i32 to index
        %get3A_815 = arith.constant 64 : index
        %get3A_816 = tpu.vector_load %arg16[%get3A_814, %get3A_815] {strides = array<i32>} : memref<128x128xf32, #tpu.memory_space<vmem>>, vector<16xf32>,
        %mul3A_817 = vector.broadcast %squeeze3A_777 : f32 to vector<16xf32>
        %mul3A_818 = arith.mulf %get3A_816, %mul3A_817 : vector<16xf32>
        %swap3A_819 = arith.index_cast %add3A_781 : i32 to index
        %swap3A_820 = arith.constant 64 : index
        %swap3A_821 = tpu.vector_load %arg16[%swap3A_819, %swap3A_820] {strides = array<i32>} : memref<128x128xf32, #tpu.memory_space<vmem>>, vector<16xf32>,
        tpu.vector_store %arg16[%swap3A_819, %swap3A_820], %mul3A_818 {strides = array<i32>} : memref<128x128xf32, #tpu.memory_space<vmem>>, vector<16xf32>,
        %get3A_822 = arith.index_cast %add3A_781 : i32 to index
        %get3A_823 = arith.constant 80 : index
        %get3A_824 = tpu.vector_load %arg16[%get3A_822, %get3A_823] {strides = array<i32>} : memref<128x128xf32, #tpu.memory_space<vmem>>, vector<16xf32>,
        %mul3A_825 = vector.broadcast %squeeze3A_777 : f32 to vector<16xf32>
        %mul3A_826 = arith.mulf %get3A_824, %mul3A_825 : vector<16xf32>
        %swap3A_827 = arith.index_cast %add3A_781 : i32 to index
        %swap3A_828 = arith.constant 80 : index
        %swap3A_829 = tpu.vector_load %arg16[%swap3A_827, %swap3A_828] {strides = array<i32>} : memref<128x128xf32, #tpu.memory_space<vmem>>, vector<16xf32>,
        tpu.vector_store %arg16[%swap3A_827, %swap3A_828], %mul3A_826 {strides = array<i32>} : memref<128x128xf32, #tpu.memory_space<vmem>>, vector<16xf32>,
        %get3A_830 = arith.index_cast %add3A_781 : i32 to index
        %get3A_831 = arith.constant 96 : index
        %get3A_832 = tpu.vector_load %arg16[%get3A_830, %get3A_831] {strides = array<i32>} : memref<128x128xf32, #tpu.memory_space<vmem>>, vector<16xf32>,
        %mul3A_833 = vector.broadcast %squeeze3A_777 : f32 to vector<16xf32>
        %mul3A_834 = arith.mulf %get3A_832, %mul3A_833 : vector<16xf32>
        %swap3A_835 = arith.index_cast %add3A_781 : i32 to index
        %swap3A_836 = arith.constant 96 : index
        %swap3A_837 = tpu.vector_load %arg16[%swap3A_835, %swap3A_836] {strides = array<i32>} : memref<128x128xf32, #tpu.memory_space<vmem>>, vector<16xf32>,
        tpu.vector_store %arg16[%swap3A_835, %swap3A_836], %mul3A_834 {strides = array<i32>} : memref<128x128xf32, #tpu.memory_space<vmem>>, vector<16xf32>,
        %get3A_838 = arith.index_cast %add3A_781 : i32 to index
        %get3A_839 = arith.constant 112 : index
        %get3A_840 = tpu.vector_load %arg16[%get3A_838, %get3A_839] {strides = array<i32>} : memref<128x128xf32, #tpu.memory_space<vmem>>, vector<16xf32>,
        %mul3A_841 = vector.broadcast %squeeze3A_777 : f32 to vector<16xf32>
        %mul3A_842 = arith.mulf %get3A_840, %mul3A_841 : vector<16xf32>
        %swap3A_843 = arith.index_cast %add3A_781 : i32 to index
        %swap3A_844 = arith.constant 112 : index
        %swap3A_845 = tpu.vector_load %arg16[%swap3A_843, %swap3A_844] {strides = array<i32>} : memref<128x128xf32, #tpu.memory_space<vmem>>, vector<16xf32>,
        tpu.vector_store %arg16[%swap3A_843, %swap3A_844], %mul3A_842 {strides = array<i32>} : memref<128x128xf32, #tpu.memory_space<vmem>>, vector<16xf32>,
        %slice3A_846 = vector.extract_strided_slice %get3A_287 {offsets = [8], sizes = [1], strides = [1]} : vector<16xf32> to vector<1xf32>
        %squeeze3A_847 = vector.extract %slice3A_846[0] : f32 from vector<1xf32>
        %mul3A_848 = arith.constant 16 : i32
        %mul3A_849 = arith.muli %scan3A_282, %mul3A_848 : i32
        %add3A_850 = arith.constant 8 : i32
        %add3A_851 = arith.addi %mul3A_849, %add3A_850 : i32
        %get3A_852 = arith.index_cast %add3A_851 : i32 to index
        %get3A_853 = arith.constant 0 : index
        %get3A_854 = tpu.vector_load %arg16[%get3A_852, %get3A_853] {strides = array<i32>} : memref<128x128xf32, #tpu.memory_space<vmem>>, vector<16xf32>,
        %mul3A_855 = vector.broadcast %squeeze3A_847 : f32 to vector<16xf32>
        %mul3A_856 = arith.mulf %get3A_854, %mul3A_855 : vector<16xf32>
        %swap3A_857 = arith.index_cast %add3A_851 : i32 to index
        %swap3A_858 = arith.constant 0 : index
        %swap3A_859 = tpu.vector_load %arg16[%swap3A_857, %swap3A_858] {strides = array<i32>} : memref<128x128xf32, #tpu.memory_space<vmem>>, vector<16xf32>,
        tpu.vector_store %arg16[%swap3A_857, %swap3A_858], %mul3A_856 {strides = array<i32>} : memref<128x128xf32, #tpu.memory_space<vmem>>, vector<16xf32>,
        %get3A_860 = arith.index_cast %add3A_851 : i32 to index
        %get3A_861 = arith.constant 16 : index
        %get3A_862 = tpu.vector_load %arg16[%get3A_860, %get3A_861] {strides = array<i32>} : memref<128x128xf32, #tpu.memory_space<vmem>>, vector<16xf32>,
        %mul3A_863 = vector.broadcast %squeeze3A_847 : f32 to vector<16xf32>
        %mul3A_864 = arith.mulf %get3A_862, %mul3A_863 : vector<16xf32>
        %swap3A_865 = arith.index_cast %add3A_851 : i32 to index
        %swap3A_866 = arith.constant 16 : index
        %swap3A_867 = tpu.vector_load %arg16[%swap3A_865, %swap3A_866] {strides = array<i32>} : memref<128x128xf32, #tpu.memory_space<vmem>>, vector<16xf32>,
        tpu.vector_store %arg16[%swap3A_865, %swap3A_866], %mul3A_864 {strides = array<i32>} : memref<128x128xf32, #tpu.memory_space<vmem>>, vector<16xf32>,
        %get3A_868 = arith.index_cast %add3A_851 : i32 to index
        %get3A_869 = arith.constant 32 : index
        %get3A_870 = tpu.vector_load %arg16[%get3A_868, %get3A_869] {strides = array<i32>} : memref<128x128xf32, #tpu.memory_space<vmem>>, vector<16xf32>,
        %mul3A_871 = vector.broadcast %squeeze3A_847 : f32 to vector<16xf32>
        %mul3A_872 = arith.mulf %get3A_870, %mul3A_871 : vector<16xf32>
        %swap3A_873 = arith.index_cast %add3A_851 : i32 to index
        %swap3A_874 = arith.constant 32 : index
        %swap3A_875 = tpu.vector_load %arg16[%swap3A_873, %swap3A_874] {strides = array<i32>} : memref<128x128xf32, #tpu.memory_space<vmem>>, vector<16xf32>,
        tpu.vector_store %arg16[%swap3A_873, %swap3A_874], %mul3A_872 {strides = array<i32>} : memref<128x128xf32, #tpu.memory_space<vmem>>, vector<16xf32>,
        %get3A_876 = arith.index_cast %add3A_851 : i32 to index
        %get3A_877 = arith.constant 48 : index
        %get3A_878 = tpu.vector_load %arg16[%get3A_876, %get3A_877] {strides = array<i32>} : memref<128x128xf32, #tpu.memory_space<vmem>>, vector<16xf32>,
        %mul3A_879 = vector.broadcast %squeeze3A_847 : f32 to vector<16xf32>
        %mul3A_880 = arith.mulf %get3A_878, %mul3A_879 : vector<16xf32>
        %swap3A_881 = arith.index_cast %add3A_851 : i32 to index
        %swap3A_882 = arith.constant 48 : index
        %swap3A_883 = tpu.vector_load %arg16[%swap3A_881, %swap3A_882] {strides = array<i32>} : memref<128x128xf32, #tpu.memory_space<vmem>>, vector<16xf32>,
        tpu.vector_store %arg16[%swap3A_881, %swap3A_882], %mul3A_880 {strides = array<i32>} : memref<128x128xf32, #tpu.memory_space<vmem>>, vector<16xf32>,
        %get3A_884 = arith.index_cast %add3A_851 : i32 to index
        %get3A_885 = arith.constant 64 : index
        %get3A_886 = tpu.vector_load %arg16[%get3A_884, %get3A_885] {strides = array<i32>} : memref<128x128xf32, #tpu.memory_space<vmem>>, vector<16xf32>,
        %mul3A_887 = vector.broadcast %squeeze3A_847 : f32 to vector<16xf32>
        %mul3A_888 = arith.mulf %get3A_886, %mul3A_887 : vector<16xf32>
        %swap3A_889 = arith.index_cast %add3A_851 : i32 to index
        %swap3A_890 = arith.constant 64 : index
        %swap3A_891 = tpu.vector_load %arg16[%swap3A_889, %swap3A_890] {strides = array<i32>} : memref<128x128xf32, #tpu.memory_space<vmem>>, vector<16xf32>,
        tpu.vector_store %arg16[%swap3A_889, %swap3A_890], %mul3A_888 {strides = array<i32>} : memref<128x128xf32, #tpu.memory_space<vmem>>, vector<16xf32>,
        %get3A_892 = arith.index_cast %add3A_851 : i32 to index
        %get3A_893 = arith.constant 80 : index
        %get3A_894 = tpu.vector_load %arg16[%get3A_892, %get3A_893] {strides = array<i32>} : memref<128x128xf32, #tpu.memory_space<vmem>>, vector<16xf32>,
        %mul3A_895 = vector.broadcast %squeeze3A_847 : f32 to vector<16xf32>
        %mul3A_896 = arith.mulf %get3A_894, %mul3A_895 : vector<16xf32>
        %swap3A_897 = arith.index_cast %add3A_851 : i32 to index
        %swap3A_898 = arith.constant 80 : index
        %swap3A_899 = tpu.vector_load %arg16[%swap3A_897, %swap3A_898] {strides = array<i32>} : memref<128x128xf32, #tpu.memory_space<vmem>>, vector<16xf32>,
        tpu.vector_store %arg16[%swap3A_897, %swap3A_898], %mul3A_896 {strides = array<i32>} : memref<128x128xf32, #tpu.memory_space<vmem>>, vector<16xf32>,
        %get3A_900 = arith.index_cast %add3A_851 : i32 to index
        %get3A_901 = arith.constant 96 : index
        %get3A_902 = tpu.vector_load %arg16[%get3A_900, %get3A_901] {strides = array<i32>} : memref<128x128xf32, #tpu.memory_space<vmem>>, vector<16xf32>,
        %mul3A_903 = vector.broadcast %squeeze3A_847 : f32 to vector<16xf32>
        %mul3A_904 = arith.mulf %get3A_902, %mul3A_903 : vector<16xf32>
        %swap3A_905 = arith.index_cast %add3A_851 : i32 to index
        %swap3A_906 = arith.constant 96 : index
        %swap3A_907 = tpu.vector_load %arg16[%swap3A_905, %swap3A_906] {strides = array<i32>} : memref<128x128xf32, #tpu.memory_space<vmem>>, vector<16xf32>,
        tpu.vector_store %arg16[%swap3A_905, %swap3A_906], %mul3A_904 {strides = array<i32>} : memref<128x128xf32, #tpu.memory_space<vmem>>, vector<16xf32>,
        %get3A_908 = arith.index_cast %add3A_851 : i32 to index
        %get3A_909 = arith.constant 112 : index
        %get3A_910 = tpu.vector_load %arg16[%get3A_908, %get3A_909] {strides = array<i32>} : memref<128x128xf32, #tpu.memory_space<vmem>>, vector<16xf32>,
        %mul3A_911 = vector.broadcast %squeeze3A_847 : f32 to vector<16xf32>
        %mul3A_912 = arith.mulf %get3A_910, %mul3A_911 : vector<16xf32>
        %swap3A_913 = arith.index_cast %add3A_851 : i32 to index
        %swap3A_914 = arith.constant 112 : index
        %swap3A_915 = tpu.vector_load %arg16[%swap3A_913, %swap3A_914] {strides = array<i32>} : memref<128x128xf32, #tpu.memory_space<vmem>>, vector<16xf32>,
        tpu.vector_store %arg16[%swap3A_913, %swap3A_914], %mul3A_912 {strides = array<i32>} : memref<128x128xf32, #tpu.memory_space<vmem>>, vector<16xf32>,
        %slice3A_916 = vector.extract_strided_slice %get3A_287 {offsets = [9], sizes = [1], strides = [1]} : vector<16xf32> to vector<1xf32>
        %squeeze3A_917 = vector.extract %slice3A_916[0] : f32 from vector<1xf32>
        %mul3A_918 = arith.constant 16 : i32
        %mul3A_919 = arith.muli %scan3A_282, %mul3A_918 : i32
        %add3A_920 = arith.constant 9 : i32
        %add3A_921 = arith.addi %mul3A_919, %add3A_920 : i32
        %get3A_922 = arith.index_cast %add3A_921 : i32 to index
        %get3A_923 = arith.constant 0 : index
        %get3A_924 = tpu.vector_load %arg16[%get3A_922, %get3A_923] {strides = array<i32>} : memref<128x128xf32, #tpu.memory_space<vmem>>, vector<16xf32>,
        %mul3A_925 = vector.broadcast %squeeze3A_917 : f32 to vector<16xf32>
        %mul3A_926 = arith.mulf %get3A_924, %mul3A_925 : vector<16xf32>
        %swap3A_927 = arith.index_cast %add3A_921 : i32 to index
        %swap3A_928 = arith.constant 0 : index
        %swap3A_929 = tpu.vector_load %arg16[%swap3A_927, %swap3A_928] {strides = array<i32>} : memref<128x128xf32, #tpu.memory_space<vmem>>, vector<16xf32>,
        tpu.vector_store %arg16[%swap3A_927, %swap3A_928], %mul3A_926 {strides = array<i32>} : memref<128x128xf32, #tpu.memory_space<vmem>>, vector<16xf32>,
        %get3A_930 = arith.index_cast %add3A_921 : i32 to index
        %get3A_931 = arith.constant 16 : index
        %get3A_932 = tpu.vector_load %arg16[%get3A_930, %get3A_931] {strides = array<i32>} : memref<128x128xf32, #tpu.memory_space<vmem>>, vector<16xf32>,
        %mul3A_933 = vector.broadcast %squeeze3A_917 : f32 to vector<16xf32>
        %mul3A_934 = arith.mulf %get3A_932, %mul3A_933 : vector<16xf32>
        %swap3A_935 = arith.index_cast %add3A_921 : i32 to index
        %swap3A_936 = arith.constant 16 : index
        %swap3A_937 = tpu.vector_load %arg16[%swap3A_935, %swap3A_936] {strides = array<i32>} : memref<128x128xf32, #tpu.memory_space<vmem>>, vector<16xf32>,
        tpu.vector_store %arg16[%swap3A_935, %swap3A_936], %mul3A_934 {strides = array<i32>} : memref<128x128xf32, #tpu.memory_space<vmem>>, vector<16xf32>,
        %get3A_938 = arith.index_cast %add3A_921 : i32 to index
        %get3A_939 = arith.constant 32 : index
        %get3A_940 = tpu.vector_load %arg16[%get3A_938, %get3A_939] {strides = array<i32>} : memref<128x128xf32, #tpu.memory_space<vmem>>, vector<16xf32>,
        %mul3A_941 = vector.broadcast %squeeze3A_917 : f32 to vector<16xf32>
        %mul3A_942 = arith.mulf %get3A_940, %mul3A_941 : vector<16xf32>
        %swap3A_943 = arith.index_cast %add3A_921 : i32 to index
        %swap3A_944 = arith.constant 32 : index
        %swap3A_945 = tpu.vector_load %arg16[%swap3A_943, %swap3A_944] {strides = array<i32>} : memref<128x128xf32, #tpu.memory_space<vmem>>, vector<16xf32>,
        tpu.vector_store %arg16[%swap3A_943, %swap3A_944], %mul3A_942 {strides = array<i32>} : memref<128x128xf32, #tpu.memory_space<vmem>>, vector<16xf32>,
        %get3A_946 = arith.index_cast %add3A_921 : i32 to index
        %get3A_947 = arith.constant 48 : index
        %get3A_948 = tpu.vector_load %arg16[%get3A_946, %get3A_947] {strides = array<i32>} : memref<128x128xf32, #tpu.memory_space<vmem>>, vector<16xf32>,
        %mul3A_949 = vector.broadcast %squeeze3A_917 : f32 to vector<16xf32>
        %mul3A_950 = arith.mulf %get3A_948, %mul3A_949 : vector<16xf32>
        %swap3A_951 = arith.index_cast %add3A_921 : i32 to index
        %swap3A_952 = arith.constant 48 : index
        %swap3A_953 = tpu.vector_load %arg16[%swap3A_951, %swap3A_952] {strides = array<i32>} : memref<128x128xf32, #tpu.memory_space<vmem>>, vector<16xf32>,
        tpu.vector_store %arg16[%swap3A_951, %swap3A_952], %mul3A_950 {strides = array<i32>} : memref<128x128xf32, #tpu.memory_space<vmem>>, vector<16xf32>,
        %get3A_954 = arith.index_cast %add3A_921 : i32 to index
        %get3A_955 = arith.constant 64 : index
        %get3A_956 = tpu.vector_load %arg16[%get3A_954, %get3A_955] {strides = array<i32>} : memref<128x128xf32, #tpu.memory_space<vmem>>, vector<16xf32>,
        %mul3A_957 = vector.broadcast %squeeze3A_917 : f32 to vector<16xf32>
        %mul3A_958 = arith.mulf %get3A_956, %mul3A_957 : vector<16xf32>
        %swap3A_959 = arith.index_cast %add3A_921 : i32 to index
        %swap3A_960 = arith.constant 64 : index
        %swap3A_961 = tpu.vector_load %arg16[%swap3A_959, %swap3A_960] {strides = array<i32>} : memref<128x128xf32, #tpu.memory_space<vmem>>, vector<16xf32>,
        tpu.vector_store %arg16[%swap3A_959, %swap3A_960], %mul3A_958 {strides = array<i32>} : memref<128x128xf32, #tpu.memory_space<vmem>>, vector<16xf32>,
        %get3A_962 = arith.index_cast %add3A_921 : i32 to index
        %get3A_963 = arith.constant 80 : index
        %get3A_964 = tpu.vector_load %arg16[%get3A_962, %get3A_963] {strides = array<i32>} : memref<128x128xf32, #tpu.memory_space<vmem>>, vector<16xf32>,
        %mul3A_965 = vector.broadcast %squeeze3A_917 : f32 to vector<16xf32>
        %mul3A_966 = arith.mulf %get3A_964, %mul3A_965 : vector<16xf32>
        %swap3A_967 = arith.index_cast %add3A_921 : i32 to index
        %swap3A_968 = arith.constant 80 : index
        %swap3A_969 = tpu.vector_load %arg16[%swap3A_967, %swap3A_968] {strides = array<i32>} : memref<128x128xf32, #tpu.memory_space<vmem>>, vector<16xf32>,
        tpu.vector_store %arg16[%swap3A_967, %swap3A_968], %mul3A_966 {strides = array<i32>} : memref<128x128xf32, #tpu.memory_space<vmem>>, vector<16xf32>,
        %get3A_970 = arith.index_cast %add3A_921 : i32 to index
        %get3A_971 = arith.constant 96 : index
        %get3A_972 = tpu.vector_load %arg16[%get3A_970, %get3A_971] {strides = array<i32>} : memref<128x128xf32, #tpu.memory_space<vmem>>, vector<16xf32>,
        %mul3A_973 = vector.broadcast %squeeze3A_917 : f32 to vector<16xf32>
        %mul3A_974 = arith.mulf %get3A_972, %mul3A_973 : vector<16xf32>
        %swap3A_975 = arith.index_cast %add3A_921 : i32 to index
        %swap3A_976 = arith.constant 96 : index
        %swap3A_977 = tpu.vector_load %arg16[%swap3A_975, %swap3A_976] {strides = array<i32>} : memref<128x128xf32, #tpu.memory_space<vmem>>, vector<16xf32>,
        tpu.vector_store %arg16[%swap3A_975, %swap3A_976], %mul3A_974 {strides = array<i32>} : memref<128x128xf32, #tpu.memory_space<vmem>>, vector<16xf32>,
        %get3A_978 = arith.index_cast %add3A_921 : i32 to index
        %get3A_979 = arith.constant 112 : index
        %get3A_980 = tpu.vector_load %arg16[%get3A_978, %get3A_979] {strides = array<i32>} : memref<128x128xf32, #tpu.memory_space<vmem>>, vector<16xf32>,
        %mul3A_981 = vector.broadcast %squeeze3A_917 : f32 to vector<16xf32>
        %mul3A_982 = arith.mulf %get3A_980, %mul3A_981 : vector<16xf32>
        %swap3A_983 = arith.index_cast %add3A_921 : i32 to index
        %swap3A_984 = arith.constant 112 : index
        %swap3A_985 = tpu.vector_load %arg16[%swap3A_983, %swap3A_984] {strides = array<i32>} : memref<128x128xf32, #tpu.memory_space<vmem>>, vector<16xf32>,
        tpu.vector_store %arg16[%swap3A_983, %swap3A_984], %mul3A_982 {strides = array<i32>} : memref<128x128xf32, #tpu.memory_space<vmem>>, vector<16xf32>,
        %slice3A_986 = vector.extract_strided_slice %get3A_287 {offsets = [10], sizes = [1], strides = [1]} : vector<16xf32> to vector<1xf32>
        %squeeze3A_987 = vector.extract %slice3A_986[0] : f32 from vector<1xf32>
        %mul3A_988 = arith.constant 16 : i32
        %mul3A_989 = arith.muli %scan3A_282, %mul3A_988 : i32
        %add3A_990 = arith.constant 10 : i32
        %add3A_991 = arith.addi %mul3A_989, %add3A_990 : i32
        %get3A_992 = arith.index_cast %add3A_991 : i32 to index
        %get3A_993 = arith.constant 0 : index
        %get3A_994 = tpu.vector_load %arg16[%get3A_992, %get3A_993] {strides = array<i32>} : memref<128x128xf32, #tpu.memory_space<vmem>>, vector<16xf32>,
        %mul3A_995 = vector.broadcast %squeeze3A_987 : f32 to vector<16xf32>
        %mul3A_996 = arith.mulf %get3A_994, %mul3A_995 : vector<16xf32>
        %swap3A_997 = arith.index_cast %add3A_991 : i32 to index
        %swap3A_998 = arith.constant 0 : index
        %swap3A_999 = tpu.vector_load %arg16[%swap3A_997, %swap3A_998] {strides = array<i32>} : memref<128x128xf32, #tpu.memory_space<vmem>>, vector<16xf32>,
        tpu.vector_store %arg16[%swap3A_997, %swap3A_998], %mul3A_996 {strides = array<i32>} : memref<128x128xf32, #tpu.memory_space<vmem>>, vector<16xf32>,
        %get3A_1000 = arith.index_cast %add3A_991 : i32 to index
        %get3A_1001 = arith.constant 16 : index
        %get3A_1002 = tpu.vector_load %arg16[%get3A_1000, %get3A_1001] {strides = array<i32>} : memref<128x128xf32, #tpu.memory_space<vmem>>, vector<16xf32>,
        %mul3A_1003 = vector.broadcast %squeeze3A_987 : f32 to vector<16xf32>
        %mul3A_1004 = arith.mulf %get3A_1002, %mul3A_1003 : vector<16xf32>
        %swap3A_1005 = arith.index_cast %add3A_991 : i32 to index
        %swap3A_1006 = arith.constant 16 : index
        %swap3A_1007 = tpu.vector_load %arg16[%swap3A_1005, %swap3A_1006] {strides = array<i32>} : memref<128x128xf32, #tpu.memory_space<vmem>>, vector<16xf32>,
        tpu.vector_store %arg16[%swap3A_1005, %swap3A_1006], %mul3A_1004 {strides = array<i32>} : memref<128x128xf32, #tpu.memory_space<vmem>>, vector<16xf32>,
        %get3A_1008 = arith.index_cast %add3A_991 : i32 to index
        %get3A_1009 = arith.constant 32 : index
        %get3A_1010 = tpu.vector_load %arg16[%get3A_1008, %get3A_1009] {strides = array<i32>} : memref<128x128xf32, #tpu.memory_space<vmem>>, vector<16xf32>,
        %mul3A_1011 = vector.broadcast %squeeze3A_987 : f32 to vector<16xf32>
        %mul3A_1012 = arith.mulf %get3A_1010, %mul3A_1011 : vector<16xf32>
        %swap3A_1013 = arith.index_cast %add3A_991 : i32 to index
        %swap3A_1014 = arith.constant 32 : index
        %swap3A_1015 = tpu.vector_load %arg16[%swap3A_1013, %swap3A_1014] {strides = array<i32>} : memref<128x128xf32, #tpu.memory_space<vmem>>, vector<16xf32>,
        tpu.vector_store %arg16[%swap3A_1013, %swap3A_1014], %mul3A_1012 {strides = array<i32>} : memref<128x128xf32, #tpu.memory_space<vmem>>, vector<16xf32>,
        %get3A_1016 = arith.index_cast %add3A_991 : i32 to index
        %get3A_1017 = arith.constant 48 : index
        %get3A_1018 = tpu.vector_load %arg16[%get3A_1016, %get3A_1017] {strides = array<i32>} : memref<128x128xf32, #tpu.memory_space<vmem>>, vector<16xf32>,
        %mul3A_1019 = vector.broadcast %squeeze3A_987 : f32 to vector<16xf32>
        %mul3A_1020 = arith.mulf %get3A_1018, %mul3A_1019 : vector<16xf32>
        %swap3A_1021 = arith.index_cast %add3A_991 : i32 to index
        %swap3A_1022 = arith.constant 48 : index
        %swap3A_1023 = tpu.vector_load %arg16[%swap3A_1021, %swap3A_1022] {strides = array<i32>} : memref<128x128xf32, #tpu.memory_space<vmem>>, vector<16xf32>,
        tpu.vector_store %arg16[%swap3A_1021, %swap3A_1022], %mul3A_1020 {strides = array<i32>} : memref<128x128xf32, #tpu.memory_space<vmem>>, vector<16xf32>,
        %get3A_1024 = arith.index_cast %add3A_991 : i32 to index
        %get3A_1025 = arith.constant 64 : index
        %get3A_1026 = tpu.vector_load %arg16[%get3A_1024, %get3A_1025] {strides = array<i32>} : memref<128x128xf32, #tpu.memory_space<vmem>>, vector<16xf32>,
        %mul3A_1027 = vector.broadcast %squeeze3A_987 : f32 to vector<16xf32>
        %mul3A_1028 = arith.mulf %get3A_1026, %mul3A_1027 : vector<16xf32>
        %swap3A_1029 = arith.index_cast %add3A_991 : i32 to index
        %swap3A_1030 = arith.constant 64 : index
        %swap3A_1031 = tpu.vector_load %arg16[%swap3A_1029, %swap3A_1030] {strides = array<i32>} : memref<128x128xf32, #tpu.memory_space<vmem>>, vector<16xf32>,
        tpu.vector_store %arg16[%swap3A_1029, %swap3A_1030], %mul3A_1028 {strides = array<i32>} : memref<128x128xf32, #tpu.memory_space<vmem>>, vector<16xf32>,
        %get3A_1032 = arith.index_cast %add3A_991 : i32 to index
        %get3A_1033 = arith.constant 80 : index
        %get3A_1034 = tpu.vector_load %arg16[%get3A_1032, %get3A_1033] {strides = array<i32>} : memref<128x128xf32, #tpu.memory_space<vmem>>, vector<16xf32>,
        %mul3A_1035 = vector.broadcast %squeeze3A_987 : f32 to vector<16xf32>
        %mul3A_1036 = arith.mulf %get3A_1034, %mul3A_1035 : vector<16xf32>
        %swap3A_1037 = arith.index_cast %add3A_991 : i32 to index
        %swap3A_1038 = arith.constant 80 : index
        %swap3A_1039 = tpu.vector_load %arg16[%swap3A_1037, %swap3A_1038] {strides = array<i32>} : memref<128x128xf32, #tpu.memory_space<vmem>>, vector<16xf32>,
        tpu.vector_store %arg16[%swap3A_1037, %swap3A_1038], %mul3A_1036 {strides = array<i32>} : memref<128x128xf32, #tpu.memory_space<vmem>>, vector<16xf32>,
        %get3A_1040 = arith.index_cast %add3A_991 : i32 to index
        %get3A_1041 = arith.constant 96 : index
        %get3A_1042 = tpu.vector_load %arg16[%get3A_1040, %get3A_1041] {strides = array<i32>} : memref<128x128xf32, #tpu.memory_space<vmem>>, vector<16xf32>,
        %mul3A_1043 = vector.broadcast %squeeze3A_987 : f32 to vector<16xf32>
        %mul3A_1044 = arith.mulf %get3A_1042, %mul3A_1043 : vector<16xf32>
        %swap3A_1045 = arith.index_cast %add3A_991 : i32 to index
        %swap3A_1046 = arith.constant 96 : index
        %swap3A_1047 = tpu.vector_load %arg16[%swap3A_1045, %swap3A_1046] {strides = array<i32>} : memref<128x128xf32, #tpu.memory_space<vmem>>, vector<16xf32>,
        tpu.vector_store %arg16[%swap3A_1045, %swap3A_1046], %mul3A_1044 {strides = array<i32>} : memref<128x128xf32, #tpu.memory_space<vmem>>, vector<16xf32>,
        %get3A_1048 = arith.index_cast %add3A_991 : i32 to index
        %get3A_1049 = arith.constant 112 : index
        %get3A_1050 = tpu.vector_load %arg16[%get3A_1048, %get3A_1049] {strides = array<i32>} : memref<128x128xf32, #tpu.memory_space<vmem>>, vector<16xf32>,
        %mul3A_1051 = vector.broadcast %squeeze3A_987 : f32 to vector<16xf32>
        %mul3A_1052 = arith.mulf %get3A_1050, %mul3A_1051 : vector<16xf32>
        %swap3A_1053 = arith.index_cast %add3A_991 : i32 to index
        %swap3A_1054 = arith.constant 112 : index
        %swap3A_1055 = tpu.vector_load %arg16[%swap3A_1053, %swap3A_1054] {strides = array<i32>} : memref<128x128xf32, #tpu.memory_space<vmem>>, vector<16xf32>,
        tpu.vector_store %arg16[%swap3A_1053, %swap3A_1054], %mul3A_1052 {strides = array<i32>} : memref<128x128xf32, #tpu.memory_space<vmem>>, vector<16xf32>,
        %slice3A_1056 = vector.extract_strided_slice %get3A_287 {offsets = [11], sizes = [1], strides = [1]} : vector<16xf32> to vector<1xf32>
        %squeeze3A_1057 = vector.extract %slice3A_1056[0] : f32 from vector<1xf32>
        %mul3A_1058 = arith.constant 16 : i32
        %mul3A_1059 = arith.muli %scan3A_282, %mul3A_1058 : i32
        %add3A_1060 = arith.constant 11 : i32
        %add3A_1061 = arith.addi %mul3A_1059, %add3A_1060 : i32
        %get3A_1062 = arith.index_cast %add3A_1061 : i32 to index
        %get3A_1063 = arith.constant 0 : index
        %get3A_1064 = tpu.vector_load %arg16[%get3A_1062, %get3A_1063] {strides = array<i32>} : memref<128x128xf32, #tpu.memory_space<vmem>>, vector<16xf32>,
        %mul3A_1065 = vector.broadcast %squeeze3A_1057 : f32 to vector<16xf32>
        %mul3A_1066 = arith.mulf %get3A_1064, %mul3A_1065 : vector<16xf32>
        %swap3A_1067 = arith.index_cast %add3A_1061 : i32 to index
        %swap3A_1068 = arith.constant 0 : index
        %swap3A_1069 = tpu.vector_load %arg16[%swap3A_1067, %swap3A_1068] {strides = array<i32>} : memref<128x128xf32, #tpu.memory_space<vmem>>, vector<16xf32>,
        tpu.vector_store %arg16[%swap3A_1067, %swap3A_1068], %mul3A_1066 {strides = array<i32>} : memref<128x128xf32, #tpu.memory_space<vmem>>, vector<16xf32>,
        %get3A_1070 = arith.index_cast %add3A_1061 : i32 to index
        %get3A_1071 = arith.constant 16 : index
        %get3A_1072 = tpu.vector_load %arg16[%get3A_1070, %get3A_1071] {strides = array<i32>} : memref<128x128xf32, #tpu.memory_space<vmem>>, vector<16xf32>,
        %mul3A_1073 = vector.broadcast %squeeze3A_1057 : f32 to vector<16xf32>
        %mul3A_1074 = arith.mulf %get3A_1072, %mul3A_1073 : vector<16xf32>
        %swap3A_1075 = arith.index_cast %add3A_1061 : i32 to index
        %swap3A_1076 = arith.constant 16 : index
        %swap3A_1077 = tpu.vector_load %arg16[%swap3A_1075, %swap3A_1076] {strides = array<i32>} : memref<128x128xf32, #tpu.memory_space<vmem>>, vector<16xf32>,
        tpu.vector_store %arg16[%swap3A_1075, %swap3A_1076], %mul3A_1074 {strides = array<i32>} : memref<128x128xf32, #tpu.memory_space<vmem>>, vector<16xf32>,
        %get3A_1078 = arith.index_cast %add3A_1061 : i32 to index
        %get3A_1079 = arith.constant 32 : index
        %get3A_1080 = tpu.vector_load %arg16[%get3A_1078, %get3A_1079] {strides = array<i32>} : memref<128x128xf32, #tpu.memory_space<vmem>>, vector<16xf32>,
        %mul3A_1081 = vector.broadcast %squeeze3A_1057 : f32 to vector<16xf32>
        %mul3A_1082 = arith.mulf %get3A_1080, %mul3A_1081 : vector<16xf32>
        %swap3A_1083 = arith.index_cast %add3A_1061 : i32 to index
        %swap3A_1084 = arith.constant 32 : index
        %swap3A_1085 = tpu.vector_load %arg16[%swap3A_1083, %swap3A_1084] {strides = array<i32>} : memref<128x128xf32, #tpu.memory_space<vmem>>, vector<16xf32>,
        tpu.vector_store %arg16[%swap3A_1083, %swap3A_1084], %mul3A_1082 {strides = array<i32>} : memref<128x128xf32, #tpu.memory_space<vmem>>, vector<16xf32>,
        %get3A_1086 = arith.index_cast %add3A_1061 : i32 to index
        %get3A_1087 = arith.constant 48 : index
        %get3A_1088 = tpu.vector_load %arg16[%get3A_1086, %get3A_1087] {strides = array<i32>} : memref<128x128xf32, #tpu.memory_space<vmem>>, vector<16xf32>,
        %mul3A_1089 = vector.broadcast %squeeze3A_1057 : f32 to vector<16xf32>
        %mul3A_1090 = arith.mulf %get3A_1088, %mul3A_1089 : vector<16xf32>
        %swap3A_1091 = arith.index_cast %add3A_1061 : i32 to index
        %swap3A_1092 = arith.constant 48 : index
        %swap3A_1093 = tpu.vector_load %arg16[%swap3A_1091, %swap3A_1092] {strides = array<i32>} : memref<128x128xf32, #tpu.memory_space<vmem>>, vector<16xf32>,
        tpu.vector_store %arg16[%swap3A_1091, %swap3A_1092], %mul3A_1090 {strides = array<i32>} : memref<128x128xf32, #tpu.memory_space<vmem>>, vector<16xf32>,
        %get3A_1094 = arith.index_cast %add3A_1061 : i32 to index
        %get3A_1095 = arith.constant 64 : index
        %get3A_1096 = tpu.vector_load %arg16[%get3A_1094, %get3A_1095] {strides = array<i32>} : memref<128x128xf32, #tpu.memory_space<vmem>>, vector<16xf32>,
        %mul3A_1097 = vector.broadcast %squeeze3A_1057 : f32 to vector<16xf32>
        %mul3A_1098 = arith.mulf %get3A_1096, %mul3A_1097 : vector<16xf32>
        %swap3A_1099 = arith.index_cast %add3A_1061 : i32 to index
        %swap3A_1100 = arith.constant 64 : index
        %swap3A_1101 = tpu.vector_load %arg16[%swap3A_1099, %swap3A_1100] {strides = array<i32>} : memref<128x128xf32, #tpu.memory_space<vmem>>, vector<16xf32>,
        tpu.vector_store %arg16[%swap3A_1099, %swap3A_1100], %mul3A_1098 {strides = array<i32>} : memref<128x128xf32, #tpu.memory_space<vmem>>, vector<16xf32>,
        %get3A_1102 = arith.index_cast %add3A_1061 : i32 to index
        %get3A_1103 = arith.constant 80 : index
        %get3A_1104 = tpu.vector_load %arg16[%get3A_1102, %get3A_1103] {strides = array<i32>} : memref<128x128xf32, #tpu.memory_space<vmem>>, vector<16xf32>,
        %mul3A_1105 = vector.broadcast %squeeze3A_1057 : f32 to vector<16xf32>
        %mul3A_1106 = arith.mulf %get3A_1104, %mul3A_1105 : vector<16xf32>
        %swap3A_1107 = arith.index_cast %add3A_1061 : i32 to index
        %swap3A_1108 = arith.constant 80 : index
        %swap3A_1109 = tpu.vector_load %arg16[%swap3A_1107, %swap3A_1108] {strides = array<i32>} : memref<128x128xf32, #tpu.memory_space<vmem>>, vector<16xf32>,
        tpu.vector_store %arg16[%swap3A_1107, %swap3A_1108], %mul3A_1106 {strides = array<i32>} : memref<128x128xf32, #tpu.memory_space<vmem>>, vector<16xf32>,
        %get3A_1110 = arith.index_cast %add3A_1061 : i32 to index
        %get3A_1111 = arith.constant 96 : index
        %get3A_1112 = tpu.vector_load %arg16[%get3A_1110, %get3A_1111] {strides = array<i32>} : memref<128x128xf32, #tpu.memory_space<vmem>>, vector<16xf32>,
        %mul3A_1113 = vector.broadcast %squeeze3A_1057 : f32 to vector<16xf32>
        %mul3A_1114 = arith.mulf %get3A_1112, %mul3A_1113 : vector<16xf32>
        %swap3A_1115 = arith.index_cast %add3A_1061 : i32 to index
        %swap3A_1116 = arith.constant 96 : index
        %swap3A_1117 = tpu.vector_load %arg16[%swap3A_1115, %swap3A_1116] {strides = array<i32>} : memref<128x128xf32, #tpu.memory_space<vmem>>, vector<16xf32>,
        tpu.vector_store %arg16[%swap3A_1115, %swap3A_1116], %mul3A_1114 {strides = array<i32>} : memref<128x128xf32, #tpu.memory_space<vmem>>, vector<16xf32>,
        %get3A_1118 = arith.index_cast %add3A_1061 : i32 to index
        %get3A_1119 = arith.constant 112 : index
        %get3A_1120 = tpu.vector_load %arg16[%get3A_1118, %get3A_1119] {strides = array<i32>} : memref<128x128xf32, #tpu.memory_space<vmem>>, vector<16xf32>,
        %mul3A_1121 = vector.broadcast %squeeze3A_1057 : f32 to vector<16xf32>
        %mul3A_1122 = arith.mulf %get3A_1120, %mul3A_1121 : vector<16xf32>
        %swap3A_1123 = arith.index_cast %add3A_1061 : i32 to index
        %swap3A_1124 = arith.constant 112 : index
        %swap3A_1125 = tpu.vector_load %arg16[%swap3A_1123, %swap3A_1124] {strides = array<i32>} : memref<128x128xf32, #tpu.memory_space<vmem>>, vector<16xf32>,
        tpu.vector_store %arg16[%swap3A_1123, %swap3A_1124], %mul3A_1122 {strides = array<i32>} : memref<128x128xf32, #tpu.memory_space<vmem>>, vector<16xf32>,
        %slice3A_1126 = vector.extract_strided_slice %get3A_287 {offsets = [12], sizes = [1], strides = [1]} : vector<16xf32> to vector<1xf32>
        %squeeze3A_1127 = vector.extract %slice3A_1126[0] : f32 from vector<1xf32>
        %mul3A_1128 = arith.constant 16 : i32
        %mul3A_1129 = arith.muli %scan3A_282, %mul3A_1128 : i32
        %add3A_1130 = arith.constant 12 : i32
        %add3A_1131 = arith.addi %mul3A_1129, %add3A_1130 : i32
        %get3A_1132 = arith.index_cast %add3A_1131 : i32 to index
        %get3A_1133 = arith.constant 0 : index
        %get3A_1134 = tpu.vector_load %arg16[%get3A_1132, %get3A_1133] {strides = array<i32>} : memref<128x128xf32, #tpu.memory_space<vmem>>, vector<16xf32>,
        %mul3A_1135 = vector.broadcast %squeeze3A_1127 : f32 to vector<16xf32>
        %mul3A_1136 = arith.mulf %get3A_1134, %mul3A_1135 : vector<16xf32>
        %swap3A_1137 = arith.index_cast %add3A_1131 : i32 to index
        %swap3A_1138 = arith.constant 0 : index
        %swap3A_1139 = tpu.vector_load %arg16[%swap3A_1137, %swap3A_1138] {strides = array<i32>} : memref<128x128xf32, #tpu.memory_space<vmem>>, vector<16xf32>,
        tpu.vector_store %arg16[%swap3A_1137, %swap3A_1138], %mul3A_1136 {strides = array<i32>} : memref<128x128xf32, #tpu.memory_space<vmem>>, vector<16xf32>,
        %get3A_1140 = arith.index_cast %add3A_1131 : i32 to index
        %get3A_1141 = arith.constant 16 : index
        %get3A_1142 = tpu.vector_load %arg16[%get3A_1140, %get3A_1141] {strides = array<i32>} : memref<128x128xf32, #tpu.memory_space<vmem>>, vector<16xf32>,
        %mul3A_1143 = vector.broadcast %squeeze3A_1127 : f32 to vector<16xf32>
        %mul3A_1144 = arith.mulf %get3A_1142, %mul3A_1143 : vector<16xf32>
        %swap3A_1145 = arith.index_cast %add3A_1131 : i32 to index
        %swap3A_1146 = arith.constant 16 : index
        %swap3A_1147 = tpu.vector_load %arg16[%swap3A_1145, %swap3A_1146] {strides = array<i32>} : memref<128x128xf32, #tpu.memory_space<vmem>>, vector<16xf32>,
        tpu.vector_store %arg16[%swap3A_1145, %swap3A_1146], %mul3A_1144 {strides = array<i32>} : memref<128x128xf32, #tpu.memory_space<vmem>>, vector<16xf32>,
        %get3A_1148 = arith.index_cast %add3A_1131 : i32 to index
        %get3A_1149 = arith.constant 32 : index
        %get3A_1150 = tpu.vector_load %arg16[%get3A_1148, %get3A_1149] {strides = array<i32>} : memref<128x128xf32, #tpu.memory_space<vmem>>, vector<16xf32>,
        %mul3A_1151 = vector.broadcast %squeeze3A_1127 : f32 to vector<16xf32>
        %mul3A_1152 = arith.mulf %get3A_1150, %mul3A_1151 : vector<16xf32>
        %swap3A_1153 = arith.index_cast %add3A_1131 : i32 to index
        %swap3A_1154 = arith.constant 32 : index
        %swap3A_1155 = tpu.vector_load %arg16[%swap3A_1153, %swap3A_1154] {strides = array<i32>} : memref<128x128xf32, #tpu.memory_space<vmem>>, vector<16xf32>,
        tpu.vector_store %arg16[%swap3A_1153, %swap3A_1154], %mul3A_1152 {strides = array<i32>} : memref<128x128xf32, #tpu.memory_space<vmem>>, vector<16xf32>,
        %get3A_1156 = arith.index_cast %add3A_1131 : i32 to index
        %get3A_1157 = arith.constant 48 : index
        %get3A_1158 = tpu.vector_load %arg16[%get3A_1156, %get3A_1157] {strides = array<i32>} : memref<128x128xf32, #tpu.memory_space<vmem>>, vector<16xf32>,
        %mul3A_1159 = vector.broadcast %squeeze3A_1127 : f32 to vector<16xf32>
        %mul3A_1160 = arith.mulf %get3A_1158, %mul3A_1159 : vector<16xf32>
        %swap3A_1161 = arith.index_cast %add3A_1131 : i32 to index
        %swap3A_1162 = arith.constant 48 : index
        %swap3A_1163 = tpu.vector_load %arg16[%swap3A_1161, %swap3A_1162] {strides = array<i32>} : memref<128x128xf32, #tpu.memory_space<vmem>>, vector<16xf32>,
        tpu.vector_store %arg16[%swap3A_1161, %swap3A_1162], %mul3A_1160 {strides = array<i32>} : memref<128x128xf32, #tpu.memory_space<vmem>>, vector<16xf32>,
        %get3A_1164 = arith.index_cast %add3A_1131 : i32 to index
        %get3A_1165 = arith.constant 64 : index
        %get3A_1166 = tpu.vector_load %arg16[%get3A_1164, %get3A_1165] {strides = array<i32>} : memref<128x128xf32, #tpu.memory_space<vmem>>, vector<16xf32>,
        %mul3A_1167 = vector.broadcast %squeeze3A_1127 : f32 to vector<16xf32>
        %mul3A_1168 = arith.mulf %get3A_1166, %mul3A_1167 : vector<16xf32>
        %swap3A_1169 = arith.index_cast %add3A_1131 : i32 to index
        %swap3A_1170 = arith.constant 64 : index
        %swap3A_1171 = tpu.vector_load %arg16[%swap3A_1169, %swap3A_1170] {strides = array<i32>} : memref<128x128xf32, #tpu.memory_space<vmem>>, vector<16xf32>,
        tpu.vector_store %arg16[%swap3A_1169, %swap3A_1170], %mul3A_1168 {strides = array<i32>} : memref<128x128xf32, #tpu.memory_space<vmem>>, vector<16xf32>,
        %get3A_1172 = arith.index_cast %add3A_1131 : i32 to index
        %get3A_1173 = arith.constant 80 : index
        %get3A_1174 = tpu.vector_load %arg16[%get3A_1172, %get3A_1173] {strides = array<i32>} : memref<128x128xf32, #tpu.memory_space<vmem>>, vector<16xf32>,
        %mul3A_1175 = vector.broadcast %squeeze3A_1127 : f32 to vector<16xf32>
        %mul3A_1176 = arith.mulf %get3A_1174, %mul3A_1175 : vector<16xf32>
        %swap3A_1177 = arith.index_cast %add3A_1131 : i32 to index
        %swap3A_1178 = arith.constant 80 : index
        %swap3A_1179 = tpu.vector_load %arg16[%swap3A_1177, %swap3A_1178] {strides = array<i32>} : memref<128x128xf32, #tpu.memory_space<vmem>>, vector<16xf32>,
        tpu.vector_store %arg16[%swap3A_1177, %swap3A_1178], %mul3A_1176 {strides = array<i32>} : memref<128x128xf32, #tpu.memory_space<vmem>>, vector<16xf32>,
        %get3A_1180 = arith.index_cast %add3A_1131 : i32 to index
        %get3A_1181 = arith.constant 96 : index
        %get3A_1182 = tpu.vector_load %arg16[%get3A_1180, %get3A_1181] {strides = array<i32>} : memref<128x128xf32, #tpu.memory_space<vmem>>, vector<16xf32>,
        %mul3A_1183 = vector.broadcast %squeeze3A_1127 : f32 to vector<16xf32>
        %mul3A_1184 = arith.mulf %get3A_1182, %mul3A_1183 : vector<16xf32>
        %swap3A_1185 = arith.index_cast %add3A_1131 : i32 to index
        %swap3A_1186 = arith.constant 96 : index
        %swap3A_1187 = tpu.vector_load %arg16[%swap3A_1185, %swap3A_1186] {strides = array<i32>} : memref<128x128xf32, #tpu.memory_space<vmem>>, vector<16xf32>,
        tpu.vector_store %arg16[%swap3A_1185, %swap3A_1186], %mul3A_1184 {strides = array<i32>} : memref<128x128xf32, #tpu.memory_space<vmem>>, vector<16xf32>,
        %get3A_1188 = arith.index_cast %add3A_1131 : i32 to index
        %get3A_1189 = arith.constant 112 : index
        %get3A_1190 = tpu.vector_load %arg16[%get3A_1188, %get3A_1189] {strides = array<i32>} : memref<128x128xf32, #tpu.memory_space<vmem>>, vector<16xf32>,
        %mul3A_1191 = vector.broadcast %squeeze3A_1127 : f32 to vector<16xf32>
        %mul3A_1192 = arith.mulf %get3A_1190, %mul3A_1191 : vector<16xf32>
        %swap3A_1193 = arith.index_cast %add3A_1131 : i32 to index
        %swap3A_1194 = arith.constant 112 : index
        %swap3A_1195 = tpu.vector_load %arg16[%swap3A_1193, %swap3A_1194] {strides = array<i32>} : memref<128x128xf32, #tpu.memory_space<vmem>>, vector<16xf32>,
        tpu.vector_store %arg16[%swap3A_1193, %swap3A_1194], %mul3A_1192 {strides = array<i32>} : memref<128x128xf32, #tpu.memory_space<vmem>>, vector<16xf32>,
        %slice3A_1196 = vector.extract_strided_slice %get3A_287 {offsets = [13], sizes = [1], strides = [1]} : vector<16xf32> to vector<1xf32>
        %squeeze3A_1197 = vector.extract %slice3A_1196[0] : f32 from vector<1xf32>
        %mul3A_1198 = arith.constant 16 : i32
        %mul3A_1199 = arith.muli %scan3A_282, %mul3A_1198 : i32
        %add3A_1200 = arith.constant 13 : i32
        %add3A_1201 = arith.addi %mul3A_1199, %add3A_1200 : i32
        %get3A_1202 = arith.index_cast %add3A_1201 : i32 to index
        %get3A_1203 = arith.constant 0 : index
        %get3A_1204 = tpu.vector_load %arg16[%get3A_1202, %get3A_1203] {strides = array<i32>} : memref<128x128xf32, #tpu.memory_space<vmem>>, vector<16xf32>,
        %mul3A_1205 = vector.broadcast %squeeze3A_1197 : f32 to vector<16xf32>
        %mul3A_1206 = arith.mulf %get3A_1204, %mul3A_1205 : vector<16xf32>
        %swap3A_1207 = arith.index_cast %add3A_1201 : i32 to index
        %swap3A_1208 = arith.constant 0 : index
        %swap3A_1209 = tpu.vector_load %arg16[%swap3A_1207, %swap3A_1208] {strides = array<i32>} : memref<128x128xf32, #tpu.memory_space<vmem>>, vector<16xf32>,
        tpu.vector_store %arg16[%swap3A_1207, %swap3A_1208], %mul3A_1206 {strides = array<i32>} : memref<128x128xf32, #tpu.memory_space<vmem>>, vector<16xf32>,
        %get3A_1210 = arith.index_cast %add3A_1201 : i32 to index
        %get3A_1211 = arith.constant 16 : index
        %get3A_1212 = tpu.vector_load %arg16[%get3A_1210, %get3A_1211] {strides = array<i32>} : memref<128x128xf32, #tpu.memory_space<vmem>>, vector<16xf32>,
        %mul3A_1213 = vector.broadcast %squeeze3A_1197 : f32 to vector<16xf32>
        %mul3A_1214 = arith.mulf %get3A_1212, %mul3A_1213 : vector<16xf32>
        %swap3A_1215 = arith.index_cast %add3A_1201 : i32 to index
        %swap3A_1216 = arith.constant 16 : index
        %swap3A_1217 = tpu.vector_load %arg16[%swap3A_1215, %swap3A_1216] {strides = array<i32>} : memref<128x128xf32, #tpu.memory_space<vmem>>, vector<16xf32>,
        tpu.vector_store %arg16[%swap3A_1215, %swap3A_1216], %mul3A_1214 {strides = array<i32>} : memref<128x128xf32, #tpu.memory_space<vmem>>, vector<16xf32>,
        %get3A_1218 = arith.index_cast %add3A_1201 : i32 to index
        %get3A_1219 = arith.constant 32 : index
        %get3A_1220 = tpu.vector_load %arg16[%get3A_1218, %get3A_1219] {strides = array<i32>} : memref<128x128xf32, #tpu.memory_space<vmem>>, vector<16xf32>,
        %mul3A_1221 = vector.broadcast %squeeze3A_1197 : f32 to vector<16xf32>
        %mul3A_1222 = arith.mulf %get3A_1220, %mul3A_1221 : vector<16xf32>
        %swap3A_1223 = arith.index_cast %add3A_1201 : i32 to index
        %swap3A_1224 = arith.constant 32 : index
        %swap3A_1225 = tpu.vector_load %arg16[%swap3A_1223, %swap3A_1224] {strides = array<i32>} : memref<128x128xf32, #tpu.memory_space<vmem>>, vector<16xf32>,
        tpu.vector_store %arg16[%swap3A_1223, %swap3A_1224], %mul3A_1222 {strides = array<i32>} : memref<128x128xf32, #tpu.memory_space<vmem>>, vector<16xf32>,
        %get3A_1226 = arith.index_cast %add3A_1201 : i32 to index
        %get3A_1227 = arith.constant 48 : index
        %get3A_1228 = tpu.vector_load %arg16[%get3A_1226, %get3A_1227] {strides = array<i32>} : memref<128x128xf32, #tpu.memory_space<vmem>>, vector<16xf32>,
        %mul3A_1229 = vector.broadcast %squeeze3A_1197 : f32 to vector<16xf32>
        %mul3A_1230 = arith.mulf %get3A_1228, %mul3A_1229 : vector<16xf32>
        %swap3A_1231 = arith.index_cast %add3A_1201 : i32 to index
        %swap3A_1232 = arith.constant 48 : index
        %swap3A_1233 = tpu.vector_load %arg16[%swap3A_1231, %swap3A_1232] {strides = array<i32>} : memref<128x128xf32, #tpu.memory_space<vmem>>, vector<16xf32>,
        tpu.vector_store %arg16[%swap3A_1231, %swap3A_1232], %mul3A_1230 {strides = array<i32>} : memref<128x128xf32, #tpu.memory_space<vmem>>, vector<16xf32>,
        %get3A_1234 = arith.index_cast %add3A_1201 : i32 to index
        %get3A_1235 = arith.constant 64 : index
        %get3A_1236 = tpu.vector_load %arg16[%get3A_1234, %get3A_1235] {strides = array<i32>} : memref<128x128xf32, #tpu.memory_space<vmem>>, vector<16xf32>,
        %mul3A_1237 = vector.broadcast %squeeze3A_1197 : f32 to vector<16xf32>
        %mul3A_1238 = arith.mulf %get3A_1236, %mul3A_1237 : vector<16xf32>
        %swap3A_1239 = arith.index_cast %add3A_1201 : i32 to index
        %swap3A_1240 = arith.constant 64 : index
        %swap3A_1241 = tpu.vector_load %arg16[%swap3A_1239, %swap3A_1240] {strides = array<i32>} : memref<128x128xf32, #tpu.memory_space<vmem>>, vector<16xf32>,
        tpu.vector_store %arg16[%swap3A_1239, %swap3A_1240], %mul3A_1238 {strides = array<i32>} : memref<128x128xf32, #tpu.memory_space<vmem>>, vector<16xf32>,
        %get3A_1242 = arith.index_cast %add3A_1201 : i32 to index
        %get3A_1243 = arith.constant 80 : index
        %get3A_1244 = tpu.vector_load %arg16[%get3A_1242, %get3A_1243] {strides = array<i32>} : memref<128x128xf32, #tpu.memory_space<vmem>>, vector<16xf32>,
        %mul3A_1245 = vector.broadcast %squeeze3A_1197 : f32 to vector<16xf32>
        %mul3A_1246 = arith.mulf %get3A_1244, %mul3A_1245 : vector<16xf32>
        %swap3A_1247 = arith.index_cast %add3A_1201 : i32 to index
        %swap3A_1248 = arith.constant 80 : index
        %swap3A_1249 = tpu.vector_load %arg16[%swap3A_1247, %swap3A_1248] {strides = array<i32>} : memref<128x128xf32, #tpu.memory_space<vmem>>, vector<16xf32>,
        tpu.vector_store %arg16[%swap3A_1247, %swap3A_1248], %mul3A_1246 {strides = array<i32>} : memref<128x128xf32, #tpu.memory_space<vmem>>, vector<16xf32>,
        %get3A_1250 = arith.index_cast %add3A_1201 : i32 to index
        %get3A_1251 = arith.constant 96 : index
        %get3A_1252 = tpu.vector_load %arg16[%get3A_1250, %get3A_1251] {strides = array<i32>} : memref<128x128xf32, #tpu.memory_space<vmem>>, vector<16xf32>,
        %mul3A_1253 = vector.broadcast %squeeze3A_1197 : f32 to vector<16xf32>
        %mul3A_1254 = arith.mulf %get3A_1252, %mul3A_1253 : vector<16xf32>
        %swap3A_1255 = arith.index_cast %add3A_1201 : i32 to index
        %swap3A_1256 = arith.constant 96 : index
        %swap3A_1257 = tpu.vector_load %arg16[%swap3A_1255, %swap3A_1256] {strides = array<i32>} : memref<128x128xf32, #tpu.memory_space<vmem>>, vector<16xf32>,
        tpu.vector_store %arg16[%swap3A_1255, %swap3A_1256], %mul3A_1254 {strides = array<i32>} : memref<128x128xf32, #tpu.memory_space<vmem>>, vector<16xf32>,
        %get3A_1258 = arith.index_cast %add3A_1201 : i32 to index
        %get3A_1259 = arith.constant 112 : index
        %get3A_1260 = tpu.vector_load %arg16[%get3A_1258, %get3A_1259] {strides = array<i32>} : memref<128x128xf32, #tpu.memory_space<vmem>>, vector<16xf32>,
        %mul3A_1261 = vector.broadcast %squeeze3A_1197 : f32 to vector<16xf32>
        %mul3A_1262 = arith.mulf %get3A_1260, %mul3A_1261 : vector<16xf32>
        %swap3A_1263 = arith.index_cast %add3A_1201 : i32 to index
        %swap3A_1264 = arith.constant 112 : index
        %swap3A_1265 = tpu.vector_load %arg16[%swap3A_1263, %swap3A_1264] {strides = array<i32>} : memref<128x128xf32, #tpu.memory_space<vmem>>, vector<16xf32>,
        tpu.vector_store %arg16[%swap3A_1263, %swap3A_1264], %mul3A_1262 {strides = array<i32>} : memref<128x128xf32, #tpu.memory_space<vmem>>, vector<16xf32>,
        %slice3A_1266 = vector.extract_strided_slice %get3A_287 {offsets = [14], sizes = [1], strides = [1]} : vector<16xf32> to vector<1xf32>
        %squeeze3A_1267 = vector.extract %slice3A_1266[0] : f32 from vector<1xf32>
        %mul3A_1268 = arith.constant 16 : i32
        %mul3A_1269 = arith.muli %scan3A_282, %mul3A_1268 : i32
        %add3A_1270 = arith.constant 14 : i32
        %add3A_1271 = arith.addi %mul3A_1269, %add3A_1270 : i32
        %get3A_1272 = arith.index_cast %add3A_1271 : i32 to index
        %get3A_1273 = arith.constant 0 : index
        %get3A_1274 = tpu.vector_load %arg16[%get3A_1272, %get3A_1273] {strides = array<i32>} : memref<128x128xf32, #tpu.memory_space<vmem>>, vector<16xf32>,
        %mul3A_1275 = vector.broadcast %squeeze3A_1267 : f32 to vector<16xf32>
        %mul3A_1276 = arith.mulf %get3A_1274, %mul3A_1275 : vector<16xf32>
        %swap3A_1277 = arith.index_cast %add3A_1271 : i32 to index
        %swap3A_1278 = arith.constant 0 : index
        %swap3A_1279 = tpu.vector_load %arg16[%swap3A_1277, %swap3A_1278] {strides = array<i32>} : memref<128x128xf32, #tpu.memory_space<vmem>>, vector<16xf32>,
        tpu.vector_store %arg16[%swap3A_1277, %swap3A_1278], %mul3A_1276 {strides = array<i32>} : memref<128x128xf32, #tpu.memory_space<vmem>>, vector<16xf32>,
        %get3A_1280 = arith.index_cast %add3A_1271 : i32 to index
        %get3A_1281 = arith.constant 16 : index
        %get3A_1282 = tpu.vector_load %arg16[%get3A_1280, %get3A_1281] {strides = array<i32>} : memref<128x128xf32, #tpu.memory_space<vmem>>, vector<16xf32>,
        %mul3A_1283 = vector.broadcast %squeeze3A_1267 : f32 to vector<16xf32>
        %mul3A_1284 = arith.mulf %get3A_1282, %mul3A_1283 : vector<16xf32>
        %swap3A_1285 = arith.index_cast %add3A_1271 : i32 to index
        %swap3A_1286 = arith.constant 16 : index
        %swap3A_1287 = tpu.vector_load %arg16[%swap3A_1285, %swap3A_1286] {strides = array<i32>} : memref<128x128xf32, #tpu.memory_space<vmem>>, vector<16xf32>,
        tpu.vector_store %arg16[%swap3A_1285, %swap3A_1286], %mul3A_1284 {strides = array<i32>} : memref<128x128xf32, #tpu.memory_space<vmem>>, vector<16xf32>,
        %get3A_1288 = arith.index_cast %add3A_1271 : i32 to index
        %get3A_1289 = arith.constant 32 : index
        %get3A_1290 = tpu.vector_load %arg16[%get3A_1288, %get3A_1289] {strides = array<i32>} : memref<128x128xf32, #tpu.memory_space<vmem>>, vector<16xf32>,
        %mul3A_1291 = vector.broadcast %squeeze3A_1267 : f32 to vector<16xf32>
        %mul3A_1292 = arith.mulf %get3A_1290, %mul3A_1291 : vector<16xf32>
        %swap3A_1293 = arith.index_cast %add3A_1271 : i32 to index
        %swap3A_1294 = arith.constant 32 : index
        %swap3A_1295 = tpu.vector_load %arg16[%swap3A_1293, %swap3A_1294] {strides = array<i32>} : memref<128x128xf32, #tpu.memory_space<vmem>>, vector<16xf32>,
        tpu.vector_store %arg16[%swap3A_1293, %swap3A_1294], %mul3A_1292 {strides = array<i32>} : memref<128x128xf32, #tpu.memory_space<vmem>>, vector<16xf32>,
        %get3A_1296 = arith.index_cast %add3A_1271 : i32 to index
        %get3A_1297 = arith.constant 48 : index
        %get3A_1298 = tpu.vector_load %arg16[%get3A_1296, %get3A_1297] {strides = array<i32>} : memref<128x128xf32, #tpu.memory_space<vmem>>, vector<16xf32>,
        %mul3A_1299 = vector.broadcast %squeeze3A_1267 : f32 to vector<16xf32>
        %mul3A_1300 = arith.mulf %get3A_1298, %mul3A_1299 : vector<16xf32>
        %swap3A_1301 = arith.index_cast %add3A_1271 : i32 to index
        %swap3A_1302 = arith.constant 48 : index
        %swap3A_1303 = tpu.vector_load %arg16[%swap3A_1301, %swap3A_1302] {strides = array<i32>} : memref<128x128xf32, #tpu.memory_space<vmem>>, vector<16xf32>,
        tpu.vector_store %arg16[%swap3A_1301, %swap3A_1302], %mul3A_1300 {strides = array<i32>} : memref<128x128xf32, #tpu.memory_space<vmem>>, vector<16xf32>,
        %get3A_1304 = arith.index_cast %add3A_1271 : i32 to index
        %get3A_1305 = arith.constant 64 : index
        %get3A_1306 = tpu.vector_load %arg16[%get3A_1304, %get3A_1305] {strides = array<i32>} : memref<128x128xf32, #tpu.memory_space<vmem>>, vector<16xf32>,
        %mul3A_1307 = vector.broadcast %squeeze3A_1267 : f32 to vector<16xf32>
        %mul3A_1308 = arith.mulf %get3A_1306, %mul3A_1307 : vector<16xf32>
        %swap3A_1309 = arith.index_cast %add3A_1271 : i32 to index
        %swap3A_1310 = arith.constant 64 : index
        %swap3A_1311 = tpu.vector_load %arg16[%swap3A_1309, %swap3A_1310] {strides = array<i32>} : memref<128x128xf32, #tpu.memory_space<vmem>>, vector<16xf32>,
        tpu.vector_store %arg16[%swap3A_1309, %swap3A_1310], %mul3A_1308 {strides = array<i32>} : memref<128x128xf32, #tpu.memory_space<vmem>>, vector<16xf32>,
        %get3A_1312 = arith.index_cast %add3A_1271 : i32 to index
        %get3A_1313 = arith.constant 80 : index
        %get3A_1314 = tpu.vector_load %arg16[%get3A_1312, %get3A_1313] {strides = array<i32>} : memref<128x128xf32, #tpu.memory_space<vmem>>, vector<16xf32>,
        %mul3A_1315 = vector.broadcast %squeeze3A_1267 : f32 to vector<16xf32>
        %mul3A_1316 = arith.mulf %get3A_1314, %mul3A_1315 : vector<16xf32>
        %swap3A_1317 = arith.index_cast %add3A_1271 : i32 to index
        %swap3A_1318 = arith.constant 80 : index
        %swap3A_1319 = tpu.vector_load %arg16[%swap3A_1317, %swap3A_1318] {strides = array<i32>} : memref<128x128xf32, #tpu.memory_space<vmem>>, vector<16xf32>,
        tpu.vector_store %arg16[%swap3A_1317, %swap3A_1318], %mul3A_1316 {strides = array<i32>} : memref<128x128xf32, #tpu.memory_space<vmem>>, vector<16xf32>,
        %get3A_1320 = arith.index_cast %add3A_1271 : i32 to index
        %get3A_1321 = arith.constant 96 : index
        %get3A_1322 = tpu.vector_load %arg16[%get3A_1320, %get3A_1321] {strides = array<i32>} : memref<128x128xf32, #tpu.memory_space<vmem>>, vector<16xf32>,
        %mul3A_1323 = vector.broadcast %squeeze3A_1267 : f32 to vector<16xf32>
        %mul3A_1324 = arith.mulf %get3A_1322, %mul3A_1323 : vector<16xf32>
        %swap3A_1325 = arith.index_cast %add3A_1271 : i32 to index
        %swap3A_1326 = arith.constant 96 : index
        %swap3A_1327 = tpu.vector_load %arg16[%swap3A_1325, %swap3A_1326] {strides = array<i32>} : memref<128x128xf32, #tpu.memory_space<vmem>>, vector<16xf32>,
        tpu.vector_store %arg16[%swap3A_1325, %swap3A_1326], %mul3A_1324 {strides = array<i32>} : memref<128x128xf32, #tpu.memory_space<vmem>>, vector<16xf32>,
        %get3A_1328 = arith.index_cast %add3A_1271 : i32 to index
        %get3A_1329 = arith.constant 112 : index
        %get3A_1330 = tpu.vector_load %arg16[%get3A_1328, %get3A_1329] {strides = array<i32>} : memref<128x128xf32, #tpu.memory_space<vmem>>, vector<16xf32>,
        %mul3A_1331 = vector.broadcast %squeeze3A_1267 : f32 to vector<16xf32>
        %mul3A_1332 = arith.mulf %get3A_1330, %mul3A_1331 : vector<16xf32>
        %swap3A_1333 = arith.index_cast %add3A_1271 : i32 to index
        %swap3A_1334 = arith.constant 112 : index
        %swap3A_1335 = tpu.vector_load %arg16[%swap3A_1333, %swap3A_1334] {strides = array<i32>} : memref<128x128xf32, #tpu.memory_space<vmem>>, vector<16xf32>,
        tpu.vector_store %arg16[%swap3A_1333, %swap3A_1334], %mul3A_1332 {strides = array<i32>} : memref<128x128xf32, #tpu.memory_space<vmem>>, vector<16xf32>,
        %slice3A_1336 = vector.extract_strided_slice %get3A_287 {offsets = [15], sizes = [1], strides = [1]} : vector<16xf32> to vector<1xf32>
        %squeeze3A_1337 = vector.extract %slice3A_1336[0] : f32 from vector<1xf32>
        %mul3A_1338 = arith.constant 16 : i32
        %mul3A_1339 = arith.muli %scan3A_282, %mul3A_1338 : i32
        %add3A_1340 = arith.constant 15 : i32
        %add3A_1341 = arith.addi %mul3A_1339, %add3A_1340 : i32
        %get3A_1342 = arith.index_cast %add3A_1341 : i32 to index
        %get3A_1343 = arith.constant 0 : index
        %get3A_1344 = tpu.vector_load %arg16[%get3A_1342, %get3A_1343] {strides = array<i32>} : memref<128x128xf32, #tpu.memory_space<vmem>>, vector<16xf32>,
        %mul3A_1345 = vector.broadcast %squeeze3A_1337 : f32 to vector<16xf32>
        %mul3A_1346 = arith.mulf %get3A_1344, %mul3A_1345 : vector<16xf32>
        %swap3A_1347 = arith.index_cast %add3A_1341 : i32 to index
        %swap3A_1348 = arith.constant 0 : index
        %swap3A_1349 = tpu.vector_load %arg16[%swap3A_1347, %swap3A_1348] {strides = array<i32>} : memref<128x128xf32, #tpu.memory_space<vmem>>, vector<16xf32>,
        tpu.vector_store %arg16[%swap3A_1347, %swap3A_1348], %mul3A_1346 {strides = array<i32>} : memref<128x128xf32, #tpu.memory_space<vmem>>, vector<16xf32>,
        %get3A_1350 = arith.index_cast %add3A_1341 : i32 to index
        %get3A_1351 = arith.constant 16 : index
        %get3A_1352 = tpu.vector_load %arg16[%get3A_1350, %get3A_1351] {strides = array<i32>} : memref<128x128xf32, #tpu.memory_space<vmem>>, vector<16xf32>,
        %mul3A_1353 = vector.broadcast %squeeze3A_1337 : f32 to vector<16xf32>
        %mul3A_1354 = arith.mulf %get3A_1352, %mul3A_1353 : vector<16xf32>
        %swap3A_1355 = arith.index_cast %add3A_1341 : i32 to index
        %swap3A_1356 = arith.constant 16 : index
        %swap3A_1357 = tpu.vector_load %arg16[%swap3A_1355, %swap3A_1356] {strides = array<i32>} : memref<128x128xf32, #tpu.memory_space<vmem>>, vector<16xf32>,
        tpu.vector_store %arg16[%swap3A_1355, %swap3A_1356], %mul3A_1354 {strides = array<i32>} : memref<128x128xf32, #tpu.memory_space<vmem>>, vector<16xf32>,
        %get3A_1358 = arith.index_cast %add3A_1341 : i32 to index
        %get3A_1359 = arith.constant 32 : index
        %get3A_1360 = tpu.vector_load %arg16[%get3A_1358, %get3A_1359] {strides = array<i32>} : memref<128x128xf32, #tpu.memory_space<vmem>>, vector<16xf32>,
        %mul3A_1361 = vector.broadcast %squeeze3A_1337 : f32 to vector<16xf32>
        %mul3A_1362 = arith.mulf %get3A_1360, %mul3A_1361 : vector<16xf32>
        %swap3A_1363 = arith.index_cast %add3A_1341 : i32 to index
        %swap3A_1364 = arith.constant 32 : index
        %swap3A_1365 = tpu.vector_load %arg16[%swap3A_1363, %swap3A_1364] {strides = array<i32>} : memref<128x128xf32, #tpu.memory_space<vmem>>, vector<16xf32>,
        tpu.vector_store %arg16[%swap3A_1363, %swap3A_1364], %mul3A_1362 {strides = array<i32>} : memref<128x128xf32, #tpu.memory_space<vmem>>, vector<16xf32>,
        %get3A_1366 = arith.index_cast %add3A_1341 : i32 to index
        %get3A_1367 = arith.constant 48 : index
        %get3A_1368 = tpu.vector_load %arg16[%get3A_1366, %get3A_1367] {strides = array<i32>} : memref<128x128xf32, #tpu.memory_space<vmem>>, vector<16xf32>,
        %mul3A_1369 = vector.broadcast %squeeze3A_1337 : f32 to vector<16xf32>
        %mul3A_1370 = arith.mulf %get3A_1368, %mul3A_1369 : vector<16xf32>
        %swap3A_1371 = arith.index_cast %add3A_1341 : i32 to index
        %swap3A_1372 = arith.constant 48 : index
        %swap3A_1373 = tpu.vector_load %arg16[%swap3A_1371, %swap3A_1372] {strides = array<i32>} : memref<128x128xf32, #tpu.memory_space<vmem>>, vector<16xf32>,
        tpu.vector_store %arg16[%swap3A_1371, %swap3A_1372], %mul3A_1370 {strides = array<i32>} : memref<128x128xf32, #tpu.memory_space<vmem>>, vector<16xf32>,
        %get3A_1374 = arith.index_cast %add3A_1341 : i32 to index
        %get3A_1375 = arith.constant 64 : index
        %get3A_1376 = tpu.vector_load %arg16[%get3A_1374, %get3A_1375] {strides = array<i32>} : memref<128x128xf32, #tpu.memory_space<vmem>>, vector<16xf32>,
        %mul3A_1377 = vector.broadcast %squeeze3A_1337 : f32 to vector<16xf32>
        %mul3A_1378 = arith.mulf %get3A_1376, %mul3A_1377 : vector<16xf32>
        %swap3A_1379 = arith.index_cast %add3A_1341 : i32 to index
        %swap3A_1380 = arith.constant 64 : index
        %swap3A_1381 = tpu.vector_load %arg16[%swap3A_1379, %swap3A_1380] {strides = array<i32>} : memref<128x128xf32, #tpu.memory_space<vmem>>, vector<16xf32>,
        tpu.vector_store %arg16[%swap3A_1379, %swap3A_1380], %mul3A_1378 {strides = array<i32>} : memref<128x128xf32, #tpu.memory_space<vmem>>, vector<16xf32>,
        %get3A_1382 = arith.index_cast %add3A_1341 : i32 to index
        %get3A_1383 = arith.constant 80 : index
        %get3A_1384 = tpu.vector_load %arg16[%get3A_1382, %get3A_1383] {strides = array<i32>} : memref<128x128xf32, #tpu.memory_space<vmem>>, vector<16xf32>,
        %mul3A_1385 = vector.broadcast %squeeze3A_1337 : f32 to vector<16xf32>
        %mul3A_1386 = arith.mulf %get3A_1384, %mul3A_1385 : vector<16xf32>
        %swap3A_1387 = arith.index_cast %add3A_1341 : i32 to index
        %swap3A_1388 = arith.constant 80 : index
        %swap3A_1389 = tpu.vector_load %arg16[%swap3A_1387, %swap3A_1388] {strides = array<i32>} : memref<128x128xf32, #tpu.memory_space<vmem>>, vector<16xf32>,
        tpu.vector_store %arg16[%swap3A_1387, %swap3A_1388], %mul3A_1386 {strides = array<i32>} : memref<128x128xf32, #tpu.memory_space<vmem>>, vector<16xf32>,
        %get3A_1390 = arith.index_cast %add3A_1341 : i32 to index
        %get3A_1391 = arith.constant 96 : index
        %get3A_1392 = tpu.vector_load %arg16[%get3A_1390, %get3A_1391] {strides = array<i32>} : memref<128x128xf32, #tpu.memory_space<vmem>>, vector<16xf32>,
        %mul3A_1393 = vector.broadcast %squeeze3A_1337 : f32 to vector<16xf32>
        %mul3A_1394 = arith.mulf %get3A_1392, %mul3A_1393 : vector<16xf32>
        %swap3A_1395 = arith.index_cast %add3A_1341 : i32 to index
        %swap3A_1396 = arith.constant 96 : index
        %swap3A_1397 = tpu.vector_load %arg16[%swap3A_1395, %swap3A_1396] {strides = array<i32>} : memref<128x128xf32, #tpu.memory_space<vmem>>, vector<16xf32>,
        tpu.vector_store %arg16[%swap3A_1395, %swap3A_1396], %mul3A_1394 {strides = array<i32>} : memref<128x128xf32, #tpu.memory_space<vmem>>, vector<16xf32>,
        %get3A_1398 = arith.index_cast %add3A_1341 : i32 to index
        %get3A_1399 = arith.constant 112 : index
        %get3A_1400 = tpu.vector_load %arg16[%get3A_1398, %get3A_1399] {strides = array<i32>} : memref<128x128xf32, #tpu.memory_space<vmem>>, vector<16xf32>,
        %mul3A_1401 = vector.broadcast %squeeze3A_1337 : f32 to vector<16xf32>
        %mul3A_1402 = arith.mulf %get3A_1400, %mul3A_1401 : vector<16xf32>
        %swap3A_1403 = arith.index_cast %add3A_1341 : i32 to index
        %swap3A_1404 = arith.constant 112 : index
        %swap3A_1405 = tpu.vector_load %arg16[%swap3A_1403, %swap3A_1404] {strides = array<i32>} : memref<128x128xf32, #tpu.memory_space<vmem>>, vector<16xf32>,
        tpu.vector_store %arg16[%swap3A_1403, %swap3A_1404], %mul3A_1402 {strides = array<i32>} : memref<128x128xf32, #tpu.memory_space<vmem>>, vector<16xf32>,
        %scan3A_1406 = arith.constant 0 : i32
        scf.yield %scan3A_1406 : i32
      }
      %scan3A_280 = arith.constant 8 : i32
      "tpu.region"() ({
        %run_scoped3A = tpu.sem_alloc : memref<!tpu.dma_semaphore, #tpu.memory_space<semaphore_mem>>
        %dma_start3A_282 = arith.constant 0 : i32
        %dma_start3A_283 = arith.constant 0 : i32
        %dma_start3A_284 = tpu.memref_slice %arg18[%dma_start3A_282, %dma_start3A_283] : memref<10240x128xf32, #tpu.memory_space<vmem_shared>> -> memref<10240x128xf32, #tpu.memory_space<vmem_shared>>
        tpu.enqueue_indirect_dma source(%arg16 : memref<128x128xf32, #tpu.memory_space<vmem>>) target(%dma_start3A_284 : memref<10240x128xf32, #tpu.memory_space<vmem_shared>>) offsets(%arg14 : memref<128xi32, #tpu.memory_space<vmem>>) semaphore(%run_scoped3A : memref<!tpu.dma_semaphore, #tpu.memory_space<semaphore_mem>>) {add = true}
        %dma_wait3A_285 = arith.constant 0 : i32
        %dma_wait3A_286 = arith.constant 0 : i32
        %dma_wait3A_287 = tpu.memref_slice %arg18[%dma_wait3A_285, %dma_wait3A_286] : memref<10240x128xf32, #tpu.memory_space<vmem_shared>> -> memref<10240x128xf32, #tpu.memory_space<vmem_shared>>
        tpu.wait_indirect_dma semaphore(%run_scoped3A : memref<!tpu.dma_semaphore, #tpu.memory_space<semaphore_mem>>) src(%arg16 : memref<128x128xf32, #tpu.memory_space<vmem>>) dst(%dma_wait3A_287 : memref<10240x128xf32, #tpu.memory_space<vmem_shared>>)
        tpu.yield
      }) : () -> ()
      %while3A_281 = arith.constant 0 : i32
      scf.yield %while3A_281 : i32
    }
    %while3A_56 = arith.constant 1 : i32
    %while3A_57 = scf.for %while3A_65 = %while3A_53 to %while3A_49 step %while3A_56 iter_args(%while3A_66 = %while3A_55) -> (i32)  : i32 {
      %mul3A_67 = arith.constant 128 : i32
      %mul3A_68 = arith.muli %while3A_65, %mul3A_67 : i32
      %add3A_69 = arith.addi %mul3A_10, %mul3A_68 : i32
      %multiple_of3A = tpu.assume_multiple %add3A_69, 128 : i32
      "tpu.region"() ({
        %run_scoped3A = tpu.sem_alloc : memref<!tpu.dma_semaphore, #tpu.memory_space<semaphore_mem>>
        %dma_start3A_282 = tpu.memref_slice %arg2[%multiple_of3A] : memref<323584xi32, #tpu.memory_space<hbm>> -> memref<128xi32, #tpu.memory_space<hbm>>
        %dma_start3A_283 = tpu.memref_slice %arg2[%multiple_of3A] : memref<323584xi32, #tpu.memory_space<hbm>> -> memref<128xi32, #tpu.memory_space<hbm>>
        tpu.enqueue_dma source(%dma_start3A_283 : memref<128xi32, #tpu.memory_space<hbm>>) target(%arg13 : memref<128xi32, #tpu.memory_space<vmem>>) target_semaphore(%run_scoped3A : memref<!tpu.dma_semaphore, #tpu.memory_space<semaphore_mem>>)
        %dma_wait3A_284 = tpu.memref_slice %arg2[%multiple_of3A] : memref<323584xi32, #tpu.memory_space<hbm>> -> memref<128xi32, #tpu.memory_space<hbm>>
        %dma_wait3A_285 = tpu.memref_slice %arg2[%multiple_of3A] : memref<323584xi32, #tpu.memory_space<hbm>> -> memref<128xi32, #tpu.memory_space<hbm>>
        tpu.wait_dma2 semaphore(%run_scoped3A : memref<!tpu.dma_semaphore, #tpu.memory_space<semaphore_mem>>) src(%dma_wait3A_285 : memref<128xi32, #tpu.memory_space<hbm>>) dst(%arg13 : memref<128xi32, #tpu.memory_space<vmem>>)
        tpu.yield
      }) : () -> ()
      "tpu.region"() ({
        %run_scoped3A = tpu.sem_alloc : memref<!tpu.dma_semaphore, #tpu.memory_space<semaphore_mem>>
        %dma_start3A_282 = tpu.memref_slice %arg3[%multiple_of3A] : memref<323584xi32, #tpu.memory_space<hbm>> -> memref<128xi32, #tpu.memory_space<hbm>>
        %dma_start3A_283 = tpu.memref_slice %arg3[%multiple_of3A] : memref<323584xi32, #tpu.memory_space<hbm>> -> memref<128xi32, #tpu.memory_space<hbm>>
        tpu.enqueue_dma source(%dma_start3A_283 : memref<128xi32, #tpu.memory_space<hbm>>) target(%arg14 : memref<128xi32, #tpu.memory_space<vmem>>) target_semaphore(%run_scoped3A : memref<!tpu.dma_semaphore, #tpu.memory_space<semaphore_mem>>)
        %dma_wait3A_284 = tpu.memref_slice %arg3[%multiple_of3A] : memref<323584xi32, #tpu.memory_space<hbm>> -> memref<128xi32, #tpu.memory_space<hbm>>
        %dma_wait3A_285 = tpu.memref_slice %arg3[%multiple_of3A] : memref<323584xi32, #tpu.memory_space<hbm>> -> memref<128xi32, #tpu.memory_space<hbm>>
        tpu.wait_dma2 semaphore(%run_scoped3A : memref<!tpu.dma_semaphore, #tpu.memory_space<semaphore_mem>>) src(%dma_wait3A_285 : memref<128xi32, #tpu.memory_space<hbm>>) dst(%arg14 : memref<128xi32, #tpu.memory_space<vmem>>)
        tpu.yield
      }) : () -> ()
      %dma_start3A = arith.constant 0 : i32
      %dma_start3A_70 = arith.constant 0 : i32
      %dma_start3A_71 = tpu.memref_slice %arg6[%dma_start3A, %dma_start3A_70] : memref<10240x128xf32, #tpu.memory_space<hbm>> -> memref<10240x128xf32, #tpu.memory_space<hbm>>
      tpu.enqueue_indirect_dma source(%dma_start3A_71 : memref<10240x128xf32, #tpu.memory_space<hbm>>) target(%arg16 : memref<128x128xf32, #tpu.memory_space<vmem>>) offsets(%arg13 : memref<128xi32, #tpu.memory_space<vmem>>) semaphore(%arg20 : memref<!tpu.dma_semaphore, #tpu.memory_space<semaphore_mem>>)
      %get3A_72 = arith.constant 0 : index
      %get3A_73 = tpu.vector_load %arg13[%get3A_72] {strides = array<i32>} : memref<128xi32, #tpu.memory_space<vmem>>, vector<16xi32>,
      %get3A_74 = arith.constant 0 : index
      %get3A_75 = tpu.vector_load %arg14[%get3A_74] {strides = array<i32>} : memref<128xi32, #tpu.memory_space<vmem>>, vector<16xi32>,
      %gather3A = tpu.vector_load_idx %arg10[%get3A_73] : memref<10240xf32, #tpu.memory_space<vmem>>[vector<16xi32>], vector<16xf32>,
      %gather3A_76 = tpu.vector_load_idx %arg11[%get3A_75] : memref<10240xf32, #tpu.memory_space<vmem>>[vector<16xi32>], vector<16xf32>,
      %add3A_77 = arith.addf %gather3A, %gather3A_76 : vector<16xf32>
      %mul3A_78 = arith.constant 2.000000e-01 : f32
      %mul3A_79 = vector.broadcast %mul3A_78 : f32 to vector<16xf32>
      %mul3A_80 = arith.mulf %mul3A_79, %add3A_77 : vector<16xf32>
      %max3A = arith.maximumf %add3A_77, %mul3A_80 : vector<16xf32>
      %sub3A = arith.subf %max3A, %get3A_46 : vector<16xf32>
      %exp3A = math.exp %sub3A : vector<16xf32>
      %iota3A = tpu.iota {dimensions = array<i32: 0>} : vector<16xi32>
      %add3A_81 = arith.constant 0 : i32
      %add3A_82 = arith.addi %multiple_of3A, %add3A_81 : i32
      %add3A_83 = vector.broadcast %add3A_82 : i32 to vector<16xi32>
      %add3A_84 = arith.addi %iota3A, %add3A_83 : vector<16xi32>
      %lt3A = arith.constant 320000 : i32
      %lt3A_85 = vector.broadcast %lt3A : i32 to vector<16xi32>
      %lt3A_86 = arith.cmpi slt, %add3A_84, %lt3A_85 : vector<16xi32>
      %jit3A_87 = arith.constant 0.000000e+00 : f32
      %broadcast_in_dim3A = vector.broadcast %jit3A_87 : f32 to vector<16xf32>
      %select_n3A_88 = arith.select %lt3A_86, %exp3A, %broadcast_in_dim3A : vector<16xi1>, vector<16xf32>
      %swap3A = arith.constant 0 : index
      %swap3A_89 = tpu.vector_load %arg15[%swap3A] {strides = array<i32>} : memref<128xf32, #tpu.memory_space<vmem>>, vector<16xf32>,
      tpu.vector_store %arg15[%swap3A], %select_n3A_88 {strides = array<i32>} : memref<128xf32, #tpu.memory_space<vmem>>, vector<16xf32>,
      %get3A_90 = arith.constant 16 : index
      %get3A_91 = tpu.vector_load %arg13[%get3A_90] {strides = array<i32>} : memref<128xi32, #tpu.memory_space<vmem>>, vector<16xi32>,
      %get3A_92 = arith.constant 16 : index
      %get3A_93 = tpu.vector_load %arg14[%get3A_92] {strides = array<i32>} : memref<128xi32, #tpu.memory_space<vmem>>, vector<16xi32>,
      %gather3A_94 = tpu.vector_load_idx %arg10[%get3A_91] : memref<10240xf32, #tpu.memory_space<vmem>>[vector<16xi32>], vector<16xf32>,
      %gather3A_95 = tpu.vector_load_idx %arg11[%get3A_93] : memref<10240xf32, #tpu.memory_space<vmem>>[vector<16xi32>], vector<16xf32>,
      %add3A_96 = arith.addf %gather3A_94, %gather3A_95 : vector<16xf32>
      %mul3A_97 = arith.constant 2.000000e-01 : f32
      %mul3A_98 = vector.broadcast %mul3A_97 : f32 to vector<16xf32>
      %mul3A_99 = arith.mulf %mul3A_98, %add3A_96 : vector<16xf32>
      %max3A_100 = arith.maximumf %add3A_96, %mul3A_99 : vector<16xf32>
      %sub3A_101 = arith.subf %max3A_100, %get3A_46 : vector<16xf32>
      %exp3A_102 = math.exp %sub3A_101 : vector<16xf32>
      %iota3A_103 = tpu.iota {dimensions = array<i32: 0>} : vector<16xi32>
      %add3A_104 = arith.constant 16 : i32
      %add3A_105 = arith.addi %multiple_of3A, %add3A_104 : i32
      %add3A_106 = vector.broadcast %add3A_105 : i32 to vector<16xi32>
      %add3A_107 = arith.addi %iota3A_103, %add3A_106 : vector<16xi32>
      %lt3A_108 = arith.constant 320000 : i32
      %lt3A_109 = vector.broadcast %lt3A_108 : i32 to vector<16xi32>
      %lt3A_110 = arith.cmpi slt, %add3A_107, %lt3A_109 : vector<16xi32>
      %jit3A_111 = arith.constant 0.000000e+00 : f32
      %broadcast_in_dim3A_112 = vector.broadcast %jit3A_111 : f32 to vector<16xf32>
      %select_n3A_113 = arith.select %lt3A_110, %exp3A_102, %broadcast_in_dim3A_112 : vector<16xi1>, vector<16xf32>
      %swap3A_114 = arith.constant 16 : index
      %swap3A_115 = tpu.vector_load %arg15[%swap3A_114] {strides = array<i32>} : memref<128xf32, #tpu.memory_space<vmem>>, vector<16xf32>,
      tpu.vector_store %arg15[%swap3A_114], %select_n3A_113 {strides = array<i32>} : memref<128xf32, #tpu.memory_space<vmem>>, vector<16xf32>,
      %get3A_116 = arith.constant 32 : index
      %get3A_117 = tpu.vector_load %arg13[%get3A_116] {strides = array<i32>} : memref<128xi32, #tpu.memory_space<vmem>>, vector<16xi32>,
      %get3A_118 = arith.constant 32 : index
      %get3A_119 = tpu.vector_load %arg14[%get3A_118] {strides = array<i32>} : memref<128xi32, #tpu.memory_space<vmem>>, vector<16xi32>,
      %gather3A_120 = tpu.vector_load_idx %arg10[%get3A_117] : memref<10240xf32, #tpu.memory_space<vmem>>[vector<16xi32>], vector<16xf32>,
      %gather3A_121 = tpu.vector_load_idx %arg11[%get3A_119] : memref<10240xf32, #tpu.memory_space<vmem>>[vector<16xi32>], vector<16xf32>,
      %add3A_122 = arith.addf %gather3A_120, %gather3A_121 : vector<16xf32>
      %mul3A_123 = arith.constant 2.000000e-01 : f32
      %mul3A_124 = vector.broadcast %mul3A_123 : f32 to vector<16xf32>
      %mul3A_125 = arith.mulf %mul3A_124, %add3A_122 : vector<16xf32>
      %max3A_126 = arith.maximumf %add3A_122, %mul3A_125 : vector<16xf32>
      %sub3A_127 = arith.subf %max3A_126, %get3A_46 : vector<16xf32>
      %exp3A_128 = math.exp %sub3A_127 : vector<16xf32>
      %iota3A_129 = tpu.iota {dimensions = array<i32: 0>} : vector<16xi32>
      %add3A_130 = arith.constant 32 : i32
      %add3A_131 = arith.addi %multiple_of3A, %add3A_130 : i32
      %add3A_132 = vector.broadcast %add3A_131 : i32 to vector<16xi32>
      %add3A_133 = arith.addi %iota3A_129, %add3A_132 : vector<16xi32>
      %lt3A_134 = arith.constant 320000 : i32
      %lt3A_135 = vector.broadcast %lt3A_134 : i32 to vector<16xi32>
      %lt3A_136 = arith.cmpi slt, %add3A_133, %lt3A_135 : vector<16xi32>
      %jit3A_137 = arith.constant 0.000000e+00 : f32
      %broadcast_in_dim3A_138 = vector.broadcast %jit3A_137 : f32 to vector<16xf32>
      %select_n3A_139 = arith.select %lt3A_136, %exp3A_128, %broadcast_in_dim3A_138 : vector<16xi1>, vector<16xf32>
      %swap3A_140 = arith.constant 32 : index
      %swap3A_141 = tpu.vector_load %arg15[%swap3A_140] {strides = array<i32>} : memref<128xf32, #tpu.memory_space<vmem>>, vector<16xf32>,
      tpu.vector_store %arg15[%swap3A_140], %select_n3A_139 {strides = array<i32>} : memref<128xf32, #tpu.memory_space<vmem>>, vector<16xf32>,
      %get3A_142 = arith.constant 48 : index
      %get3A_143 = tpu.vector_load %arg13[%get3A_142] {strides = array<i32>} : memref<128xi32, #tpu.memory_space<vmem>>, vector<16xi32>,
      %get3A_144 = arith.constant 48 : index
      %get3A_145 = tpu.vector_load %arg14[%get3A_144] {strides = array<i32>} : memref<128xi32, #tpu.memory_space<vmem>>, vector<16xi32>,
      %gather3A_146 = tpu.vector_load_idx %arg10[%get3A_143] : memref<10240xf32, #tpu.memory_space<vmem>>[vector<16xi32>], vector<16xf32>,
      %gather3A_147 = tpu.vector_load_idx %arg11[%get3A_145] : memref<10240xf32, #tpu.memory_space<vmem>>[vector<16xi32>], vector<16xf32>,
      %add3A_148 = arith.addf %gather3A_146, %gather3A_147 : vector<16xf32>
      %mul3A_149 = arith.constant 2.000000e-01 : f32
      %mul3A_150 = vector.broadcast %mul3A_149 : f32 to vector<16xf32>
      %mul3A_151 = arith.mulf %mul3A_150, %add3A_148 : vector<16xf32>
      %max3A_152 = arith.maximumf %add3A_148, %mul3A_151 : vector<16xf32>
      %sub3A_153 = arith.subf %max3A_152, %get3A_46 : vector<16xf32>
      %exp3A_154 = math.exp %sub3A_153 : vector<16xf32>
      %iota3A_155 = tpu.iota {dimensions = array<i32: 0>} : vector<16xi32>
      %add3A_156 = arith.constant 48 : i32
      %add3A_157 = arith.addi %multiple_of3A, %add3A_156 : i32
      %add3A_158 = vector.broadcast %add3A_157 : i32 to vector<16xi32>
      %add3A_159 = arith.addi %iota3A_155, %add3A_158 : vector<16xi32>
      %lt3A_160 = arith.constant 320000 : i32
      %lt3A_161 = vector.broadcast %lt3A_160 : i32 to vector<16xi32>
      %lt3A_162 = arith.cmpi slt, %add3A_159, %lt3A_161 : vector<16xi32>
      %jit3A_163 = arith.constant 0.000000e+00 : f32
      %broadcast_in_dim3A_164 = vector.broadcast %jit3A_163 : f32 to vector<16xf32>
      %select_n3A_165 = arith.select %lt3A_162, %exp3A_154, %broadcast_in_dim3A_164 : vector<16xi1>, vector<16xf32>
      %swap3A_166 = arith.constant 48 : index
      %swap3A_167 = tpu.vector_load %arg15[%swap3A_166] {strides = array<i32>} : memref<128xf32, #tpu.memory_space<vmem>>, vector<16xf32>,
      tpu.vector_store %arg15[%swap3A_166], %select_n3A_165 {strides = array<i32>} : memref<128xf32, #tpu.memory_space<vmem>>, vector<16xf32>,
      %get3A_168 = arith.constant 64 : index
      %get3A_169 = tpu.vector_load %arg13[%get3A_168] {strides = array<i32>} : memref<128xi32, #tpu.memory_space<vmem>>, vector<16xi32>,
      %get3A_170 = arith.constant 64 : index
      %get3A_171 = tpu.vector_load %arg14[%get3A_170] {strides = array<i32>} : memref<128xi32, #tpu.memory_space<vmem>>, vector<16xi32>,
      %gather3A_172 = tpu.vector_load_idx %arg10[%get3A_169] : memref<10240xf32, #tpu.memory_space<vmem>>[vector<16xi32>], vector<16xf32>,
      %gather3A_173 = tpu.vector_load_idx %arg11[%get3A_171] : memref<10240xf32, #tpu.memory_space<vmem>>[vector<16xi32>], vector<16xf32>,
      %add3A_174 = arith.addf %gather3A_172, %gather3A_173 : vector<16xf32>
      %mul3A_175 = arith.constant 2.000000e-01 : f32
      %mul3A_176 = vector.broadcast %mul3A_175 : f32 to vector<16xf32>
      %mul3A_177 = arith.mulf %mul3A_176, %add3A_174 : vector<16xf32>
      %max3A_178 = arith.maximumf %add3A_174, %mul3A_177 : vector<16xf32>
      %sub3A_179 = arith.subf %max3A_178, %get3A_46 : vector<16xf32>
      %exp3A_180 = math.exp %sub3A_179 : vector<16xf32>
      %iota3A_181 = tpu.iota {dimensions = array<i32: 0>} : vector<16xi32>
      %add3A_182 = arith.constant 64 : i32
      %add3A_183 = arith.addi %multiple_of3A, %add3A_182 : i32
      %add3A_184 = vector.broadcast %add3A_183 : i32 to vector<16xi32>
      %add3A_185 = arith.addi %iota3A_181, %add3A_184 : vector<16xi32>
      %lt3A_186 = arith.constant 320000 : i32
      %lt3A_187 = vector.broadcast %lt3A_186 : i32 to vector<16xi32>
      %lt3A_188 = arith.cmpi slt, %add3A_185, %lt3A_187 : vector<16xi32>
      %jit3A_189 = arith.constant 0.000000e+00 : f32
      %broadcast_in_dim3A_190 = vector.broadcast %jit3A_189 : f32 to vector<16xf32>
      %select_n3A_191 = arith.select %lt3A_188, %exp3A_180, %broadcast_in_dim3A_190 : vector<16xi1>, vector<16xf32>
      %swap3A_192 = arith.constant 64 : index
      %swap3A_193 = tpu.vector_load %arg15[%swap3A_192] {strides = array<i32>} : memref<128xf32, #tpu.memory_space<vmem>>, vector<16xf32>,
      tpu.vector_store %arg15[%swap3A_192], %select_n3A_191 {strides = array<i32>} : memref<128xf32, #tpu.memory_space<vmem>>, vector<16xf32>,
      %get3A_194 = arith.constant 80 : index
      %get3A_195 = tpu.vector_load %arg13[%get3A_194] {strides = array<i32>} : memref<128xi32, #tpu.memory_space<vmem>>, vector<16xi32>,
      %get3A_196 = arith.constant 80 : index
      %get3A_197 = tpu.vector_load %arg14[%get3A_196] {strides = array<i32>} : memref<128xi32, #tpu.memory_space<vmem>>, vector<16xi32>,
      %gather3A_198 = tpu.vector_load_idx %arg10[%get3A_195] : memref<10240xf32, #tpu.memory_space<vmem>>[vector<16xi32>], vector<16xf32>,
      %gather3A_199 = tpu.vector_load_idx %arg11[%get3A_197] : memref<10240xf32, #tpu.memory_space<vmem>>[vector<16xi32>], vector<16xf32>,
      %add3A_200 = arith.addf %gather3A_198, %gather3A_199 : vector<16xf32>
      %mul3A_201 = arith.constant 2.000000e-01 : f32
      %mul3A_202 = vector.broadcast %mul3A_201 : f32 to vector<16xf32>
      %mul3A_203 = arith.mulf %mul3A_202, %add3A_200 : vector<16xf32>
      %max3A_204 = arith.maximumf %add3A_200, %mul3A_203 : vector<16xf32>
      %sub3A_205 = arith.subf %max3A_204, %get3A_46 : vector<16xf32>
      %exp3A_206 = math.exp %sub3A_205 : vector<16xf32>
      %iota3A_207 = tpu.iota {dimensions = array<i32: 0>} : vector<16xi32>
      %add3A_208 = arith.constant 80 : i32
      %add3A_209 = arith.addi %multiple_of3A, %add3A_208 : i32
      %add3A_210 = vector.broadcast %add3A_209 : i32 to vector<16xi32>
      %add3A_211 = arith.addi %iota3A_207, %add3A_210 : vector<16xi32>
      %lt3A_212 = arith.constant 320000 : i32
      %lt3A_213 = vector.broadcast %lt3A_212 : i32 to vector<16xi32>
      %lt3A_214 = arith.cmpi slt, %add3A_211, %lt3A_213 : vector<16xi32>
      %jit3A_215 = arith.constant 0.000000e+00 : f32
      %broadcast_in_dim3A_216 = vector.broadcast %jit3A_215 : f32 to vector<16xf32>
      %select_n3A_217 = arith.select %lt3A_214, %exp3A_206, %broadcast_in_dim3A_216 : vector<16xi1>, vector<16xf32>
      %swap3A_218 = arith.constant 80 : index
      %swap3A_219 = tpu.vector_load %arg15[%swap3A_218] {strides = array<i32>} : memref<128xf32, #tpu.memory_space<vmem>>, vector<16xf32>,
      tpu.vector_store %arg15[%swap3A_218], %select_n3A_217 {strides = array<i32>} : memref<128xf32, #tpu.memory_space<vmem>>, vector<16xf32>,
      %get3A_220 = arith.constant 96 : index
      %get3A_221 = tpu.vector_load %arg13[%get3A_220] {strides = array<i32>} : memref<128xi32, #tpu.memory_space<vmem>>, vector<16xi32>,
      %get3A_222 = arith.constant 96 : index
      %get3A_223 = tpu.vector_load %arg14[%get3A_222] {strides = array<i32>} : memref<128xi32, #tpu.memory_space<vmem>>, vector<16xi32>,
      %gather3A_224 = tpu.vector_load_idx %arg10[%get3A_221] : memref<10240xf32, #tpu.memory_space<vmem>>[vector<16xi32>], vector<16xf32>,
      %gather3A_225 = tpu.vector_load_idx %arg11[%get3A_223] : memref<10240xf32, #tpu.memory_space<vmem>>[vector<16xi32>], vector<16xf32>,
      %add3A_226 = arith.addf %gather3A_224, %gather3A_225 : vector<16xf32>
      %mul3A_227 = arith.constant 2.000000e-01 : f32
      %mul3A_228 = vector.broadcast %mul3A_227 : f32 to vector<16xf32>
      %mul3A_229 = arith.mulf %mul3A_228, %add3A_226 : vector<16xf32>
      %max3A_230 = arith.maximumf %add3A_226, %mul3A_229 : vector<16xf32>
      %sub3A_231 = arith.subf %max3A_230, %get3A_46 : vector<16xf32>
      %exp3A_232 = math.exp %sub3A_231 : vector<16xf32>
      %iota3A_233 = tpu.iota {dimensions = array<i32: 0>} : vector<16xi32>
      %add3A_234 = arith.constant 96 : i32
      %add3A_235 = arith.addi %multiple_of3A, %add3A_234 : i32
      %add3A_236 = vector.broadcast %add3A_235 : i32 to vector<16xi32>
      %add3A_237 = arith.addi %iota3A_233, %add3A_236 : vector<16xi32>
      %lt3A_238 = arith.constant 320000 : i32
      %lt3A_239 = vector.broadcast %lt3A_238 : i32 to vector<16xi32>
      %lt3A_240 = arith.cmpi slt, %add3A_237, %lt3A_239 : vector<16xi32>
      %jit3A_241 = arith.constant 0.000000e+00 : f32
      %broadcast_in_dim3A_242 = vector.broadcast %jit3A_241 : f32 to vector<16xf32>
      %select_n3A_243 = arith.select %lt3A_240, %exp3A_232, %broadcast_in_dim3A_242 : vector<16xi1>, vector<16xf32>
      %swap3A_244 = arith.constant 96 : index
      %swap3A_245 = tpu.vector_load %arg15[%swap3A_244] {strides = array<i32>} : memref<128xf32, #tpu.memory_space<vmem>>, vector<16xf32>,
      tpu.vector_store %arg15[%swap3A_244], %select_n3A_243 {strides = array<i32>} : memref<128xf32, #tpu.memory_space<vmem>>, vector<16xf32>,
      %get3A_246 = arith.constant 112 : index
      %get3A_247 = tpu.vector_load %arg13[%get3A_246] {strides = array<i32>} : memref<128xi32, #tpu.memory_space<vmem>>, vector<16xi32>,
      %get3A_248 = arith.constant 112 : index
      %get3A_249 = tpu.vector_load %arg14[%get3A_248] {strides = array<i32>} : memref<128xi32, #tpu.memory_space<vmem>>, vector<16xi32>,
      %gather3A_250 = tpu.vector_load_idx %arg10[%get3A_247] : memref<10240xf32, #tpu.memory_space<vmem>>[vector<16xi32>], vector<16xf32>,
      %gather3A_251 = tpu.vector_load_idx %arg11[%get3A_249] : memref<10240xf32, #tpu.memory_space<vmem>>[vector<16xi32>], vector<16xf32>,
      %add3A_252 = arith.addf %gather3A_250, %gather3A_251 : vector<16xf32>
      %mul3A_253 = arith.constant 2.000000e-01 : f32
      %mul3A_254 = vector.broadcast %mul3A_253 : f32 to vector<16xf32>
      %mul3A_255 = arith.mulf %mul3A_254, %add3A_252 : vector<16xf32>
      %max3A_256 = arith.maximumf %add3A_252, %mul3A_255 : vector<16xf32>
      %sub3A_257 = arith.subf %max3A_256, %get3A_46 : vector<16xf32>
      %exp3A_258 = math.exp %sub3A_257 : vector<16xf32>
      %iota3A_259 = tpu.iota {dimensions = array<i32: 0>} : vector<16xi32>
      %add3A_260 = arith.constant 112 : i32
      %add3A_261 = arith.addi %multiple_of3A, %add3A_260 : i32
      %add3A_262 = vector.broadcast %add3A_261 : i32 to vector<16xi32>
      %add3A_263 = arith.addi %iota3A_259, %add3A_262 : vector<16xi32>
      %lt3A_264 = arith.constant 320000 : i32
      %lt3A_265 = vector.broadcast %lt3A_264 : i32 to vector<16xi32>
      %lt3A_266 = arith.cmpi slt, %add3A_263, %lt3A_265 : vector<16xi32>
      %jit3A_267 = arith.constant 0.000000e+00 : f32
      %broadcast_in_dim3A_268 = vector.broadcast %jit3A_267 : f32 to vector<16xf32>
      %select_n3A_269 = arith.select %lt3A_266, %exp3A_258, %broadcast_in_dim3A_268 : vector<16xi1>, vector<16xf32>
      %swap3A_270 = arith.constant 112 : index
      %swap3A_271 = tpu.vector_load %arg15[%swap3A_270] {strides = array<i32>} : memref<128xf32, #tpu.memory_space<vmem>>, vector<16xf32>,
      tpu.vector_store %arg15[%swap3A_270], %select_n3A_269 {strides = array<i32>} : memref<128xf32, #tpu.memory_space<vmem>>, vector<16xf32>,
      "tpu.region"() ({
        %run_scoped3A = tpu.sem_alloc : memref<!tpu.dma_semaphore, #tpu.memory_space<semaphore_mem>>
        %dma_start3A_282 = arith.constant 0 : i32
        %dma_start3A_283 = tpu.memref_slice %arg19[%dma_start3A_282] : memref<10240xf32, #tpu.memory_space<vmem_shared>> -> memref<10240xf32, #tpu.memory_space<vmem_shared>>
        tpu.enqueue_indirect_dma source(%arg15 : memref<128xf32, #tpu.memory_space<vmem>>) target(%dma_start3A_283 : memref<10240xf32, #tpu.memory_space<vmem_shared>>) offsets(%arg14 : memref<128xi32, #tpu.memory_space<vmem>>) semaphore(%run_scoped3A : memref<!tpu.dma_semaphore, #tpu.memory_space<semaphore_mem>>) {add = true}
        %dma_wait3A_284 = arith.constant 0 : i32
        %dma_wait3A_285 = tpu.memref_slice %arg19[%dma_wait3A_284] : memref<10240xf32, #tpu.memory_space<vmem_shared>> -> memref<10240xf32, #tpu.memory_space<vmem_shared>>
        tpu.wait_indirect_dma semaphore(%run_scoped3A : memref<!tpu.dma_semaphore, #tpu.memory_space<semaphore_mem>>) src(%arg15 : memref<128xf32, #tpu.memory_space<vmem>>) dst(%dma_wait3A_285 : memref<10240xf32, #tpu.memory_space<vmem_shared>>)
        tpu.yield
      }) : () -> ()
      %dma_wait3A = arith.constant 0 : i32
      %dma_wait3A_272 = arith.constant 0 : i32
      %dma_wait3A_273 = tpu.memref_slice %arg6[%dma_wait3A, %dma_wait3A_272] : memref<10240x128xf32, #tpu.memory_space<hbm>> -> memref<10240x128xf32, #tpu.memory_space<hbm>>
      tpu.wait_indirect_dma semaphore(%arg20 : memref<!tpu.dma_semaphore, #tpu.memory_space<semaphore_mem>>) src(%dma_wait3A_273 : memref<10240x128xf32, #tpu.memory_space<hbm>>) dst(%arg16 : memref<128x128xf32, #tpu.memory_space<vmem>>)
      %scan3A_274 = arith.constant 0 : i32
      %scan3A_275 = arith.constant 0 : i32
      %scan3A_276 = arith.constant 8 : i32
      %scan3A_277 = arith.addi %scan3A_275, %scan3A_276 : i32
      %scan3A_278 = arith.constant 1 : i32
      %scan3A_279 = scf.for %scan3A_282 = %scan3A_275 to %scan3A_277 step %scan3A_278 iter_args(%scan3A_283 = %scan3A_274) -> (i32)  : i32 {
        %mul3A_284 = arith.constant 16 : i32
        %mul3A_285 = arith.muli %scan3A_282, %mul3A_284 : i32
        %get3A_286 = arith.index_cast %mul3A_285 : i32 to index
        %get3A_287 = tpu.vector_load %arg15[%get3A_286] {strides = array<i32>} : memref<128xf32, #tpu.memory_space<vmem>>, vector<16xf32>,
        %slice3A = vector.extract_strided_slice %get3A_287 {offsets = [0], sizes = [1], strides = [1]} : vector<16xf32> to vector<1xf32>
        %squeeze3A = vector.extract %slice3A[0] : f32 from vector<1xf32>
        %mul3A_288 = arith.constant 16 : i32
        %mul3A_289 = arith.muli %scan3A_282, %mul3A_288 : i32
        %add3A_290 = arith.constant 0 : i32
        %add3A_291 = arith.addi %mul3A_289, %add3A_290 : i32
        %get3A_292 = arith.index_cast %add3A_291 : i32 to index
        %get3A_293 = arith.constant 0 : index
        %get3A_294 = tpu.vector_load %arg16[%get3A_292, %get3A_293] {strides = array<i32>} : memref<128x128xf32, #tpu.memory_space<vmem>>, vector<16xf32>,
        %mul3A_295 = vector.broadcast %squeeze3A : f32 to vector<16xf32>
        %mul3A_296 = arith.mulf %get3A_294, %mul3A_295 : vector<16xf32>
        %swap3A_297 = arith.index_cast %add3A_291 : i32 to index
        %swap3A_298 = arith.constant 0 : index
        %swap3A_299 = tpu.vector_load %arg16[%swap3A_297, %swap3A_298] {strides = array<i32>} : memref<128x128xf32, #tpu.memory_space<vmem>>, vector<16xf32>,
        tpu.vector_store %arg16[%swap3A_297, %swap3A_298], %mul3A_296 {strides = array<i32>} : memref<128x128xf32, #tpu.memory_space<vmem>>, vector<16xf32>,
        %get3A_300 = arith.index_cast %add3A_291 : i32 to index
        %get3A_301 = arith.constant 16 : index
        %get3A_302 = tpu.vector_load %arg16[%get3A_300, %get3A_301] {strides = array<i32>} : memref<128x128xf32, #tpu.memory_space<vmem>>, vector<16xf32>,
        %mul3A_303 = vector.broadcast %squeeze3A : f32 to vector<16xf32>
        %mul3A_304 = arith.mulf %get3A_302, %mul3A_303 : vector<16xf32>
        %swap3A_305 = arith.index_cast %add3A_291 : i32 to index
        %swap3A_306 = arith.constant 16 : index
        %swap3A_307 = tpu.vector_load %arg16[%swap3A_305, %swap3A_306] {strides = array<i32>} : memref<128x128xf32, #tpu.memory_space<vmem>>, vector<16xf32>,
        tpu.vector_store %arg16[%swap3A_305, %swap3A_306], %mul3A_304 {strides = array<i32>} : memref<128x128xf32, #tpu.memory_space<vmem>>, vector<16xf32>,
        %get3A_308 = arith.index_cast %add3A_291 : i32 to index
        %get3A_309 = arith.constant 32 : index
        %get3A_310 = tpu.vector_load %arg16[%get3A_308, %get3A_309] {strides = array<i32>} : memref<128x128xf32, #tpu.memory_space<vmem>>, vector<16xf32>,
        %mul3A_311 = vector.broadcast %squeeze3A : f32 to vector<16xf32>
        %mul3A_312 = arith.mulf %get3A_310, %mul3A_311 : vector<16xf32>
        %swap3A_313 = arith.index_cast %add3A_291 : i32 to index
        %swap3A_314 = arith.constant 32 : index
        %swap3A_315 = tpu.vector_load %arg16[%swap3A_313, %swap3A_314] {strides = array<i32>} : memref<128x128xf32, #tpu.memory_space<vmem>>, vector<16xf32>,
        tpu.vector_store %arg16[%swap3A_313, %swap3A_314], %mul3A_312 {strides = array<i32>} : memref<128x128xf32, #tpu.memory_space<vmem>>, vector<16xf32>,
        %get3A_316 = arith.index_cast %add3A_291 : i32 to index
        %get3A_317 = arith.constant 48 : index
        %get3A_318 = tpu.vector_load %arg16[%get3A_316, %get3A_317] {strides = array<i32>} : memref<128x128xf32, #tpu.memory_space<vmem>>, vector<16xf32>,
        %mul3A_319 = vector.broadcast %squeeze3A : f32 to vector<16xf32>
        %mul3A_320 = arith.mulf %get3A_318, %mul3A_319 : vector<16xf32>
        %swap3A_321 = arith.index_cast %add3A_291 : i32 to index
        %swap3A_322 = arith.constant 48 : index
        %swap3A_323 = tpu.vector_load %arg16[%swap3A_321, %swap3A_322] {strides = array<i32>} : memref<128x128xf32, #tpu.memory_space<vmem>>, vector<16xf32>,
        tpu.vector_store %arg16[%swap3A_321, %swap3A_322], %mul3A_320 {strides = array<i32>} : memref<128x128xf32, #tpu.memory_space<vmem>>, vector<16xf32>,
        %get3A_324 = arith.index_cast %add3A_291 : i32 to index
        %get3A_325 = arith.constant 64 : index
        %get3A_326 = tpu.vector_load %arg16[%get3A_324, %get3A_325] {strides = array<i32>} : memref<128x128xf32, #tpu.memory_space<vmem>>, vector<16xf32>,
        %mul3A_327 = vector.broadcast %squeeze3A : f32 to vector<16xf32>
        %mul3A_328 = arith.mulf %get3A_326, %mul3A_327 : vector<16xf32>
        %swap3A_329 = arith.index_cast %add3A_291 : i32 to index
        %swap3A_330 = arith.constant 64 : index
        %swap3A_331 = tpu.vector_load %arg16[%swap3A_329, %swap3A_330] {strides = array<i32>} : memref<128x128xf32, #tpu.memory_space<vmem>>, vector<16xf32>,
        tpu.vector_store %arg16[%swap3A_329, %swap3A_330], %mul3A_328 {strides = array<i32>} : memref<128x128xf32, #tpu.memory_space<vmem>>, vector<16xf32>,
        %get3A_332 = arith.index_cast %add3A_291 : i32 to index
        %get3A_333 = arith.constant 80 : index
        %get3A_334 = tpu.vector_load %arg16[%get3A_332, %get3A_333] {strides = array<i32>} : memref<128x128xf32, #tpu.memory_space<vmem>>, vector<16xf32>,
        %mul3A_335 = vector.broadcast %squeeze3A : f32 to vector<16xf32>
        %mul3A_336 = arith.mulf %get3A_334, %mul3A_335 : vector<16xf32>
        %swap3A_337 = arith.index_cast %add3A_291 : i32 to index
        %swap3A_338 = arith.constant 80 : index
        %swap3A_339 = tpu.vector_load %arg16[%swap3A_337, %swap3A_338] {strides = array<i32>} : memref<128x128xf32, #tpu.memory_space<vmem>>, vector<16xf32>,
        tpu.vector_store %arg16[%swap3A_337, %swap3A_338], %mul3A_336 {strides = array<i32>} : memref<128x128xf32, #tpu.memory_space<vmem>>, vector<16xf32>,
        %get3A_340 = arith.index_cast %add3A_291 : i32 to index
        %get3A_341 = arith.constant 96 : index
        %get3A_342 = tpu.vector_load %arg16[%get3A_340, %get3A_341] {strides = array<i32>} : memref<128x128xf32, #tpu.memory_space<vmem>>, vector<16xf32>,
        %mul3A_343 = vector.broadcast %squeeze3A : f32 to vector<16xf32>
        %mul3A_344 = arith.mulf %get3A_342, %mul3A_343 : vector<16xf32>
        %swap3A_345 = arith.index_cast %add3A_291 : i32 to index
        %swap3A_346 = arith.constant 96 : index
        %swap3A_347 = tpu.vector_load %arg16[%swap3A_345, %swap3A_346] {strides = array<i32>} : memref<128x128xf32, #tpu.memory_space<vmem>>, vector<16xf32>,
        tpu.vector_store %arg16[%swap3A_345, %swap3A_346], %mul3A_344 {strides = array<i32>} : memref<128x128xf32, #tpu.memory_space<vmem>>, vector<16xf32>,
        %get3A_348 = arith.index_cast %add3A_291 : i32 to index
        %get3A_349 = arith.constant 112 : index
        %get3A_350 = tpu.vector_load %arg16[%get3A_348, %get3A_349] {strides = array<i32>} : memref<128x128xf32, #tpu.memory_space<vmem>>, vector<16xf32>,
        %mul3A_351 = vector.broadcast %squeeze3A : f32 to vector<16xf32>
        %mul3A_352 = arith.mulf %get3A_350, %mul3A_351 : vector<16xf32>
        %swap3A_353 = arith.index_cast %add3A_291 : i32 to index
        %swap3A_354 = arith.constant 112 : index
        %swap3A_355 = tpu.vector_load %arg16[%swap3A_353, %swap3A_354] {strides = array<i32>} : memref<128x128xf32, #tpu.memory_space<vmem>>, vector<16xf32>,
        tpu.vector_store %arg16[%swap3A_353, %swap3A_354], %mul3A_352 {strides = array<i32>} : memref<128x128xf32, #tpu.memory_space<vmem>>, vector<16xf32>,
        %slice3A_356 = vector.extract_strided_slice %get3A_287 {offsets = [1], sizes = [1], strides = [1]} : vector<16xf32> to vector<1xf32>
        %squeeze3A_357 = vector.extract %slice3A_356[0] : f32 from vector<1xf32>
        %mul3A_358 = arith.constant 16 : i32
        %mul3A_359 = arith.muli %scan3A_282, %mul3A_358 : i32
        %add3A_360 = arith.constant 1 : i32
        %add3A_361 = arith.addi %mul3A_359, %add3A_360 : i32
        %get3A_362 = arith.index_cast %add3A_361 : i32 to index
        %get3A_363 = arith.constant 0 : index
        %get3A_364 = tpu.vector_load %arg16[%get3A_362, %get3A_363] {strides = array<i32>} : memref<128x128xf32, #tpu.memory_space<vmem>>, vector<16xf32>,
        %mul3A_365 = vector.broadcast %squeeze3A_357 : f32 to vector<16xf32>
        %mul3A_366 = arith.mulf %get3A_364, %mul3A_365 : vector<16xf32>
        %swap3A_367 = arith.index_cast %add3A_361 : i32 to index
        %swap3A_368 = arith.constant 0 : index
        %swap3A_369 = tpu.vector_load %arg16[%swap3A_367, %swap3A_368] {strides = array<i32>} : memref<128x128xf32, #tpu.memory_space<vmem>>, vector<16xf32>,
        tpu.vector_store %arg16[%swap3A_367, %swap3A_368], %mul3A_366 {strides = array<i32>} : memref<128x128xf32, #tpu.memory_space<vmem>>, vector<16xf32>,
        %get3A_370 = arith.index_cast %add3A_361 : i32 to index
        %get3A_371 = arith.constant 16 : index
        %get3A_372 = tpu.vector_load %arg16[%get3A_370, %get3A_371] {strides = array<i32>} : memref<128x128xf32, #tpu.memory_space<vmem>>, vector<16xf32>,
        %mul3A_373 = vector.broadcast %squeeze3A_357 : f32 to vector<16xf32>
        %mul3A_374 = arith.mulf %get3A_372, %mul3A_373 : vector<16xf32>
        %swap3A_375 = arith.index_cast %add3A_361 : i32 to index
        %swap3A_376 = arith.constant 16 : index
        %swap3A_377 = tpu.vector_load %arg16[%swap3A_375, %swap3A_376] {strides = array<i32>} : memref<128x128xf32, #tpu.memory_space<vmem>>, vector<16xf32>,
        tpu.vector_store %arg16[%swap3A_375, %swap3A_376], %mul3A_374 {strides = array<i32>} : memref<128x128xf32, #tpu.memory_space<vmem>>, vector<16xf32>,
        %get3A_378 = arith.index_cast %add3A_361 : i32 to index
        %get3A_379 = arith.constant 32 : index
        %get3A_380 = tpu.vector_load %arg16[%get3A_378, %get3A_379] {strides = array<i32>} : memref<128x128xf32, #tpu.memory_space<vmem>>, vector<16xf32>,
        %mul3A_381 = vector.broadcast %squeeze3A_357 : f32 to vector<16xf32>
        %mul3A_382 = arith.mulf %get3A_380, %mul3A_381 : vector<16xf32>
        %swap3A_383 = arith.index_cast %add3A_361 : i32 to index
        %swap3A_384 = arith.constant 32 : index
        %swap3A_385 = tpu.vector_load %arg16[%swap3A_383, %swap3A_384] {strides = array<i32>} : memref<128x128xf32, #tpu.memory_space<vmem>>, vector<16xf32>,
        tpu.vector_store %arg16[%swap3A_383, %swap3A_384], %mul3A_382 {strides = array<i32>} : memref<128x128xf32, #tpu.memory_space<vmem>>, vector<16xf32>,
        %get3A_386 = arith.index_cast %add3A_361 : i32 to index
        %get3A_387 = arith.constant 48 : index
        %get3A_388 = tpu.vector_load %arg16[%get3A_386, %get3A_387] {strides = array<i32>} : memref<128x128xf32, #tpu.memory_space<vmem>>, vector<16xf32>,
        %mul3A_389 = vector.broadcast %squeeze3A_357 : f32 to vector<16xf32>
        %mul3A_390 = arith.mulf %get3A_388, %mul3A_389 : vector<16xf32>
        %swap3A_391 = arith.index_cast %add3A_361 : i32 to index
        %swap3A_392 = arith.constant 48 : index
        %swap3A_393 = tpu.vector_load %arg16[%swap3A_391, %swap3A_392] {strides = array<i32>} : memref<128x128xf32, #tpu.memory_space<vmem>>, vector<16xf32>,
        tpu.vector_store %arg16[%swap3A_391, %swap3A_392], %mul3A_390 {strides = array<i32>} : memref<128x128xf32, #tpu.memory_space<vmem>>, vector<16xf32>,
        %get3A_394 = arith.index_cast %add3A_361 : i32 to index
        %get3A_395 = arith.constant 64 : index
        %get3A_396 = tpu.vector_load %arg16[%get3A_394, %get3A_395] {strides = array<i32>} : memref<128x128xf32, #tpu.memory_space<vmem>>, vector<16xf32>,
        %mul3A_397 = vector.broadcast %squeeze3A_357 : f32 to vector<16xf32>
        %mul3A_398 = arith.mulf %get3A_396, %mul3A_397 : vector<16xf32>
        %swap3A_399 = arith.index_cast %add3A_361 : i32 to index
        %swap3A_400 = arith.constant 64 : index
        %swap3A_401 = tpu.vector_load %arg16[%swap3A_399, %swap3A_400] {strides = array<i32>} : memref<128x128xf32, #tpu.memory_space<vmem>>, vector<16xf32>,
        tpu.vector_store %arg16[%swap3A_399, %swap3A_400], %mul3A_398 {strides = array<i32>} : memref<128x128xf32, #tpu.memory_space<vmem>>, vector<16xf32>,
        %get3A_402 = arith.index_cast %add3A_361 : i32 to index
        %get3A_403 = arith.constant 80 : index
        %get3A_404 = tpu.vector_load %arg16[%get3A_402, %get3A_403] {strides = array<i32>} : memref<128x128xf32, #tpu.memory_space<vmem>>, vector<16xf32>,
        %mul3A_405 = vector.broadcast %squeeze3A_357 : f32 to vector<16xf32>
        %mul3A_406 = arith.mulf %get3A_404, %mul3A_405 : vector<16xf32>
        %swap3A_407 = arith.index_cast %add3A_361 : i32 to index
        %swap3A_408 = arith.constant 80 : index
        %swap3A_409 = tpu.vector_load %arg16[%swap3A_407, %swap3A_408] {strides = array<i32>} : memref<128x128xf32, #tpu.memory_space<vmem>>, vector<16xf32>,
        tpu.vector_store %arg16[%swap3A_407, %swap3A_408], %mul3A_406 {strides = array<i32>} : memref<128x128xf32, #tpu.memory_space<vmem>>, vector<16xf32>,
        %get3A_410 = arith.index_cast %add3A_361 : i32 to index
        %get3A_411 = arith.constant 96 : index
        %get3A_412 = tpu.vector_load %arg16[%get3A_410, %get3A_411] {strides = array<i32>} : memref<128x128xf32, #tpu.memory_space<vmem>>, vector<16xf32>,
        %mul3A_413 = vector.broadcast %squeeze3A_357 : f32 to vector<16xf32>
        %mul3A_414 = arith.mulf %get3A_412, %mul3A_413 : vector<16xf32>
        %swap3A_415 = arith.index_cast %add3A_361 : i32 to index
        %swap3A_416 = arith.constant 96 : index
        %swap3A_417 = tpu.vector_load %arg16[%swap3A_415, %swap3A_416] {strides = array<i32>} : memref<128x128xf32, #tpu.memory_space<vmem>>, vector<16xf32>,
        tpu.vector_store %arg16[%swap3A_415, %swap3A_416], %mul3A_414 {strides = array<i32>} : memref<128x128xf32, #tpu.memory_space<vmem>>, vector<16xf32>,
        %get3A_418 = arith.index_cast %add3A_361 : i32 to index
        %get3A_419 = arith.constant 112 : index
        %get3A_420 = tpu.vector_load %arg16[%get3A_418, %get3A_419] {strides = array<i32>} : memref<128x128xf32, #tpu.memory_space<vmem>>, vector<16xf32>,
        %mul3A_421 = vector.broadcast %squeeze3A_357 : f32 to vector<16xf32>
        %mul3A_422 = arith.mulf %get3A_420, %mul3A_421 : vector<16xf32>
        %swap3A_423 = arith.index_cast %add3A_361 : i32 to index
        %swap3A_424 = arith.constant 112 : index
        %swap3A_425 = tpu.vector_load %arg16[%swap3A_423, %swap3A_424] {strides = array<i32>} : memref<128x128xf32, #tpu.memory_space<vmem>>, vector<16xf32>,
        tpu.vector_store %arg16[%swap3A_423, %swap3A_424], %mul3A_422 {strides = array<i32>} : memref<128x128xf32, #tpu.memory_space<vmem>>, vector<16xf32>,
        %slice3A_426 = vector.extract_strided_slice %get3A_287 {offsets = [2], sizes = [1], strides = [1]} : vector<16xf32> to vector<1xf32>
        %squeeze3A_427 = vector.extract %slice3A_426[0] : f32 from vector<1xf32>
        %mul3A_428 = arith.constant 16 : i32
        %mul3A_429 = arith.muli %scan3A_282, %mul3A_428 : i32
        %add3A_430 = arith.constant 2 : i32
        %add3A_431 = arith.addi %mul3A_429, %add3A_430 : i32
        %get3A_432 = arith.index_cast %add3A_431 : i32 to index
        %get3A_433 = arith.constant 0 : index
        %get3A_434 = tpu.vector_load %arg16[%get3A_432, %get3A_433] {strides = array<i32>} : memref<128x128xf32, #tpu.memory_space<vmem>>, vector<16xf32>,
        %mul3A_435 = vector.broadcast %squeeze3A_427 : f32 to vector<16xf32>
        %mul3A_436 = arith.mulf %get3A_434, %mul3A_435 : vector<16xf32>
        %swap3A_437 = arith.index_cast %add3A_431 : i32 to index
        %swap3A_438 = arith.constant 0 : index
        %swap3A_439 = tpu.vector_load %arg16[%swap3A_437, %swap3A_438] {strides = array<i32>} : memref<128x128xf32, #tpu.memory_space<vmem>>, vector<16xf32>,
        tpu.vector_store %arg16[%swap3A_437, %swap3A_438], %mul3A_436 {strides = array<i32>} : memref<128x128xf32, #tpu.memory_space<vmem>>, vector<16xf32>,
        %get3A_440 = arith.index_cast %add3A_431 : i32 to index
        %get3A_441 = arith.constant 16 : index
        %get3A_442 = tpu.vector_load %arg16[%get3A_440, %get3A_441] {strides = array<i32>} : memref<128x128xf32, #tpu.memory_space<vmem>>, vector<16xf32>,
        %mul3A_443 = vector.broadcast %squeeze3A_427 : f32 to vector<16xf32>
        %mul3A_444 = arith.mulf %get3A_442, %mul3A_443 : vector<16xf32>
        %swap3A_445 = arith.index_cast %add3A_431 : i32 to index
        %swap3A_446 = arith.constant 16 : index
        %swap3A_447 = tpu.vector_load %arg16[%swap3A_445, %swap3A_446] {strides = array<i32>} : memref<128x128xf32, #tpu.memory_space<vmem>>, vector<16xf32>,
        tpu.vector_store %arg16[%swap3A_445, %swap3A_446], %mul3A_444 {strides = array<i32>} : memref<128x128xf32, #tpu.memory_space<vmem>>, vector<16xf32>,
        %get3A_448 = arith.index_cast %add3A_431 : i32 to index
        %get3A_449 = arith.constant 32 : index
        %get3A_450 = tpu.vector_load %arg16[%get3A_448, %get3A_449] {strides = array<i32>} : memref<128x128xf32, #tpu.memory_space<vmem>>, vector<16xf32>,
        %mul3A_451 = vector.broadcast %squeeze3A_427 : f32 to vector<16xf32>
        %mul3A_452 = arith.mulf %get3A_450, %mul3A_451 : vector<16xf32>
        %swap3A_453 = arith.index_cast %add3A_431 : i32 to index
        %swap3A_454 = arith.constant 32 : index
        %swap3A_455 = tpu.vector_load %arg16[%swap3A_453, %swap3A_454] {strides = array<i32>} : memref<128x128xf32, #tpu.memory_space<vmem>>, vector<16xf32>,
        tpu.vector_store %arg16[%swap3A_453, %swap3A_454], %mul3A_452 {strides = array<i32>} : memref<128x128xf32, #tpu.memory_space<vmem>>, vector<16xf32>,
        %get3A_456 = arith.index_cast %add3A_431 : i32 to index
        %get3A_457 = arith.constant 48 : index
        %get3A_458 = tpu.vector_load %arg16[%get3A_456, %get3A_457] {strides = array<i32>} : memref<128x128xf32, #tpu.memory_space<vmem>>, vector<16xf32>,
        %mul3A_459 = vector.broadcast %squeeze3A_427 : f32 to vector<16xf32>
        %mul3A_460 = arith.mulf %get3A_458, %mul3A_459 : vector<16xf32>
        %swap3A_461 = arith.index_cast %add3A_431 : i32 to index
        %swap3A_462 = arith.constant 48 : index
        %swap3A_463 = tpu.vector_load %arg16[%swap3A_461, %swap3A_462] {strides = array<i32>} : memref<128x128xf32, #tpu.memory_space<vmem>>, vector<16xf32>,
        tpu.vector_store %arg16[%swap3A_461, %swap3A_462], %mul3A_460 {strides = array<i32>} : memref<128x128xf32, #tpu.memory_space<vmem>>, vector<16xf32>,
        %get3A_464 = arith.index_cast %add3A_431 : i32 to index
        %get3A_465 = arith.constant 64 : index
        %get3A_466 = tpu.vector_load %arg16[%get3A_464, %get3A_465] {strides = array<i32>} : memref<128x128xf32, #tpu.memory_space<vmem>>, vector<16xf32>,
        %mul3A_467 = vector.broadcast %squeeze3A_427 : f32 to vector<16xf32>
        %mul3A_468 = arith.mulf %get3A_466, %mul3A_467 : vector<16xf32>
        %swap3A_469 = arith.index_cast %add3A_431 : i32 to index
        %swap3A_470 = arith.constant 64 : index
        %swap3A_471 = tpu.vector_load %arg16[%swap3A_469, %swap3A_470] {strides = array<i32>} : memref<128x128xf32, #tpu.memory_space<vmem>>, vector<16xf32>,
        tpu.vector_store %arg16[%swap3A_469, %swap3A_470], %mul3A_468 {strides = array<i32>} : memref<128x128xf32, #tpu.memory_space<vmem>>, vector<16xf32>,
        %get3A_472 = arith.index_cast %add3A_431 : i32 to index
        %get3A_473 = arith.constant 80 : index
        %get3A_474 = tpu.vector_load %arg16[%get3A_472, %get3A_473] {strides = array<i32>} : memref<128x128xf32, #tpu.memory_space<vmem>>, vector<16xf32>,
        %mul3A_475 = vector.broadcast %squeeze3A_427 : f32 to vector<16xf32>
        %mul3A_476 = arith.mulf %get3A_474, %mul3A_475 : vector<16xf32>
        %swap3A_477 = arith.index_cast %add3A_431 : i32 to index
        %swap3A_478 = arith.constant 80 : index
        %swap3A_479 = tpu.vector_load %arg16[%swap3A_477, %swap3A_478] {strides = array<i32>} : memref<128x128xf32, #tpu.memory_space<vmem>>, vector<16xf32>,
        tpu.vector_store %arg16[%swap3A_477, %swap3A_478], %mul3A_476 {strides = array<i32>} : memref<128x128xf32, #tpu.memory_space<vmem>>, vector<16xf32>,
        %get3A_480 = arith.index_cast %add3A_431 : i32 to index
        %get3A_481 = arith.constant 96 : index
        %get3A_482 = tpu.vector_load %arg16[%get3A_480, %get3A_481] {strides = array<i32>} : memref<128x128xf32, #tpu.memory_space<vmem>>, vector<16xf32>,
        %mul3A_483 = vector.broadcast %squeeze3A_427 : f32 to vector<16xf32>
        %mul3A_484 = arith.mulf %get3A_482, %mul3A_483 : vector<16xf32>
        %swap3A_485 = arith.index_cast %add3A_431 : i32 to index
        %swap3A_486 = arith.constant 96 : index
        %swap3A_487 = tpu.vector_load %arg16[%swap3A_485, %swap3A_486] {strides = array<i32>} : memref<128x128xf32, #tpu.memory_space<vmem>>, vector<16xf32>,
        tpu.vector_store %arg16[%swap3A_485, %swap3A_486], %mul3A_484 {strides = array<i32>} : memref<128x128xf32, #tpu.memory_space<vmem>>, vector<16xf32>,
        %get3A_488 = arith.index_cast %add3A_431 : i32 to index
        %get3A_489 = arith.constant 112 : index
        %get3A_490 = tpu.vector_load %arg16[%get3A_488, %get3A_489] {strides = array<i32>} : memref<128x128xf32, #tpu.memory_space<vmem>>, vector<16xf32>,
        %mul3A_491 = vector.broadcast %squeeze3A_427 : f32 to vector<16xf32>
        %mul3A_492 = arith.mulf %get3A_490, %mul3A_491 : vector<16xf32>
        %swap3A_493 = arith.index_cast %add3A_431 : i32 to index
        %swap3A_494 = arith.constant 112 : index
        %swap3A_495 = tpu.vector_load %arg16[%swap3A_493, %swap3A_494] {strides = array<i32>} : memref<128x128xf32, #tpu.memory_space<vmem>>, vector<16xf32>,
        tpu.vector_store %arg16[%swap3A_493, %swap3A_494], %mul3A_492 {strides = array<i32>} : memref<128x128xf32, #tpu.memory_space<vmem>>, vector<16xf32>,
        %slice3A_496 = vector.extract_strided_slice %get3A_287 {offsets = [3], sizes = [1], strides = [1]} : vector<16xf32> to vector<1xf32>
        %squeeze3A_497 = vector.extract %slice3A_496[0] : f32 from vector<1xf32>
        %mul3A_498 = arith.constant 16 : i32
        %mul3A_499 = arith.muli %scan3A_282, %mul3A_498 : i32
        %add3A_500 = arith.constant 3 : i32
        %add3A_501 = arith.addi %mul3A_499, %add3A_500 : i32
        %get3A_502 = arith.index_cast %add3A_501 : i32 to index
        %get3A_503 = arith.constant 0 : index
        %get3A_504 = tpu.vector_load %arg16[%get3A_502, %get3A_503] {strides = array<i32>} : memref<128x128xf32, #tpu.memory_space<vmem>>, vector<16xf32>,
        %mul3A_505 = vector.broadcast %squeeze3A_497 : f32 to vector<16xf32>
        %mul3A_506 = arith.mulf %get3A_504, %mul3A_505 : vector<16xf32>
        %swap3A_507 = arith.index_cast %add3A_501 : i32 to index
        %swap3A_508 = arith.constant 0 : index
        %swap3A_509 = tpu.vector_load %arg16[%swap3A_507, %swap3A_508] {strides = array<i32>} : memref<128x128xf32, #tpu.memory_space<vmem>>, vector<16xf32>,
        tpu.vector_store %arg16[%swap3A_507, %swap3A_508], %mul3A_506 {strides = array<i32>} : memref<128x128xf32, #tpu.memory_space<vmem>>, vector<16xf32>,
        %get3A_510 = arith.index_cast %add3A_501 : i32 to index
        %get3A_511 = arith.constant 16 : index
        %get3A_512 = tpu.vector_load %arg16[%get3A_510, %get3A_511] {strides = array<i32>} : memref<128x128xf32, #tpu.memory_space<vmem>>, vector<16xf32>,
        %mul3A_513 = vector.broadcast %squeeze3A_497 : f32 to vector<16xf32>
        %mul3A_514 = arith.mulf %get3A_512, %mul3A_513 : vector<16xf32>
        %swap3A_515 = arith.index_cast %add3A_501 : i32 to index
        %swap3A_516 = arith.constant 16 : index
        %swap3A_517 = tpu.vector_load %arg16[%swap3A_515, %swap3A_516] {strides = array<i32>} : memref<128x128xf32, #tpu.memory_space<vmem>>, vector<16xf32>,
        tpu.vector_store %arg16[%swap3A_515, %swap3A_516], %mul3A_514 {strides = array<i32>} : memref<128x128xf32, #tpu.memory_space<vmem>>, vector<16xf32>,
        %get3A_518 = arith.index_cast %add3A_501 : i32 to index
        %get3A_519 = arith.constant 32 : index
        %get3A_520 = tpu.vector_load %arg16[%get3A_518, %get3A_519] {strides = array<i32>} : memref<128x128xf32, #tpu.memory_space<vmem>>, vector<16xf32>,
        %mul3A_521 = vector.broadcast %squeeze3A_497 : f32 to vector<16xf32>
        %mul3A_522 = arith.mulf %get3A_520, %mul3A_521 : vector<16xf32>
        %swap3A_523 = arith.index_cast %add3A_501 : i32 to index
        %swap3A_524 = arith.constant 32 : index
        %swap3A_525 = tpu.vector_load %arg16[%swap3A_523, %swap3A_524] {strides = array<i32>} : memref<128x128xf32, #tpu.memory_space<vmem>>, vector<16xf32>,
        tpu.vector_store %arg16[%swap3A_523, %swap3A_524], %mul3A_522 {strides = array<i32>} : memref<128x128xf32, #tpu.memory_space<vmem>>, vector<16xf32>,
        %get3A_526 = arith.index_cast %add3A_501 : i32 to index
        %get3A_527 = arith.constant 48 : index
        %get3A_528 = tpu.vector_load %arg16[%get3A_526, %get3A_527] {strides = array<i32>} : memref<128x128xf32, #tpu.memory_space<vmem>>, vector<16xf32>,
        %mul3A_529 = vector.broadcast %squeeze3A_497 : f32 to vector<16xf32>
        %mul3A_530 = arith.mulf %get3A_528, %mul3A_529 : vector<16xf32>
        %swap3A_531 = arith.index_cast %add3A_501 : i32 to index
        %swap3A_532 = arith.constant 48 : index
        %swap3A_533 = tpu.vector_load %arg16[%swap3A_531, %swap3A_532] {strides = array<i32>} : memref<128x128xf32, #tpu.memory_space<vmem>>, vector<16xf32>,
        tpu.vector_store %arg16[%swap3A_531, %swap3A_532], %mul3A_530 {strides = array<i32>} : memref<128x128xf32, #tpu.memory_space<vmem>>, vector<16xf32>,
        %get3A_534 = arith.index_cast %add3A_501 : i32 to index
        %get3A_535 = arith.constant 64 : index
        %get3A_536 = tpu.vector_load %arg16[%get3A_534, %get3A_535] {strides = array<i32>} : memref<128x128xf32, #tpu.memory_space<vmem>>, vector<16xf32>,
        %mul3A_537 = vector.broadcast %squeeze3A_497 : f32 to vector<16xf32>
        %mul3A_538 = arith.mulf %get3A_536, %mul3A_537 : vector<16xf32>
        %swap3A_539 = arith.index_cast %add3A_501 : i32 to index
        %swap3A_540 = arith.constant 64 : index
        %swap3A_541 = tpu.vector_load %arg16[%swap3A_539, %swap3A_540] {strides = array<i32>} : memref<128x128xf32, #tpu.memory_space<vmem>>, vector<16xf32>,
        tpu.vector_store %arg16[%swap3A_539, %swap3A_540], %mul3A_538 {strides = array<i32>} : memref<128x128xf32, #tpu.memory_space<vmem>>, vector<16xf32>,
        %get3A_542 = arith.index_cast %add3A_501 : i32 to index
        %get3A_543 = arith.constant 80 : index
        %get3A_544 = tpu.vector_load %arg16[%get3A_542, %get3A_543] {strides = array<i32>} : memref<128x128xf32, #tpu.memory_space<vmem>>, vector<16xf32>,
        %mul3A_545 = vector.broadcast %squeeze3A_497 : f32 to vector<16xf32>
        %mul3A_546 = arith.mulf %get3A_544, %mul3A_545 : vector<16xf32>
        %swap3A_547 = arith.index_cast %add3A_501 : i32 to index
        %swap3A_548 = arith.constant 80 : index
        %swap3A_549 = tpu.vector_load %arg16[%swap3A_547, %swap3A_548] {strides = array<i32>} : memref<128x128xf32, #tpu.memory_space<vmem>>, vector<16xf32>,
        tpu.vector_store %arg16[%swap3A_547, %swap3A_548], %mul3A_546 {strides = array<i32>} : memref<128x128xf32, #tpu.memory_space<vmem>>, vector<16xf32>,
        %get3A_550 = arith.index_cast %add3A_501 : i32 to index
        %get3A_551 = arith.constant 96 : index
        %get3A_552 = tpu.vector_load %arg16[%get3A_550, %get3A_551] {strides = array<i32>} : memref<128x128xf32, #tpu.memory_space<vmem>>, vector<16xf32>,
        %mul3A_553 = vector.broadcast %squeeze3A_497 : f32 to vector<16xf32>
        %mul3A_554 = arith.mulf %get3A_552, %mul3A_553 : vector<16xf32>
        %swap3A_555 = arith.index_cast %add3A_501 : i32 to index
        %swap3A_556 = arith.constant 96 : index
        %swap3A_557 = tpu.vector_load %arg16[%swap3A_555, %swap3A_556] {strides = array<i32>} : memref<128x128xf32, #tpu.memory_space<vmem>>, vector<16xf32>,
        tpu.vector_store %arg16[%swap3A_555, %swap3A_556], %mul3A_554 {strides = array<i32>} : memref<128x128xf32, #tpu.memory_space<vmem>>, vector<16xf32>,
        %get3A_558 = arith.index_cast %add3A_501 : i32 to index
        %get3A_559 = arith.constant 112 : index
        %get3A_560 = tpu.vector_load %arg16[%get3A_558, %get3A_559] {strides = array<i32>} : memref<128x128xf32, #tpu.memory_space<vmem>>, vector<16xf32>,
        %mul3A_561 = vector.broadcast %squeeze3A_497 : f32 to vector<16xf32>
        %mul3A_562 = arith.mulf %get3A_560, %mul3A_561 : vector<16xf32>
        %swap3A_563 = arith.index_cast %add3A_501 : i32 to index
        %swap3A_564 = arith.constant 112 : index
        %swap3A_565 = tpu.vector_load %arg16[%swap3A_563, %swap3A_564] {strides = array<i32>} : memref<128x128xf32, #tpu.memory_space<vmem>>, vector<16xf32>,
        tpu.vector_store %arg16[%swap3A_563, %swap3A_564], %mul3A_562 {strides = array<i32>} : memref<128x128xf32, #tpu.memory_space<vmem>>, vector<16xf32>,
        %slice3A_566 = vector.extract_strided_slice %get3A_287 {offsets = [4], sizes = [1], strides = [1]} : vector<16xf32> to vector<1xf32>
        %squeeze3A_567 = vector.extract %slice3A_566[0] : f32 from vector<1xf32>
        %mul3A_568 = arith.constant 16 : i32
        %mul3A_569 = arith.muli %scan3A_282, %mul3A_568 : i32
        %add3A_570 = arith.constant 4 : i32
        %add3A_571 = arith.addi %mul3A_569, %add3A_570 : i32
        %get3A_572 = arith.index_cast %add3A_571 : i32 to index
        %get3A_573 = arith.constant 0 : index
        %get3A_574 = tpu.vector_load %arg16[%get3A_572, %get3A_573] {strides = array<i32>} : memref<128x128xf32, #tpu.memory_space<vmem>>, vector<16xf32>,
        %mul3A_575 = vector.broadcast %squeeze3A_567 : f32 to vector<16xf32>
        %mul3A_576 = arith.mulf %get3A_574, %mul3A_575 : vector<16xf32>
        %swap3A_577 = arith.index_cast %add3A_571 : i32 to index
        %swap3A_578 = arith.constant 0 : index
        %swap3A_579 = tpu.vector_load %arg16[%swap3A_577, %swap3A_578] {strides = array<i32>} : memref<128x128xf32, #tpu.memory_space<vmem>>, vector<16xf32>,
        tpu.vector_store %arg16[%swap3A_577, %swap3A_578], %mul3A_576 {strides = array<i32>} : memref<128x128xf32, #tpu.memory_space<vmem>>, vector<16xf32>,
        %get3A_580 = arith.index_cast %add3A_571 : i32 to index
        %get3A_581 = arith.constant 16 : index
        %get3A_582 = tpu.vector_load %arg16[%get3A_580, %get3A_581] {strides = array<i32>} : memref<128x128xf32, #tpu.memory_space<vmem>>, vector<16xf32>,
        %mul3A_583 = vector.broadcast %squeeze3A_567 : f32 to vector<16xf32>
        %mul3A_584 = arith.mulf %get3A_582, %mul3A_583 : vector<16xf32>
        %swap3A_585 = arith.index_cast %add3A_571 : i32 to index
        %swap3A_586 = arith.constant 16 : index
        %swap3A_587 = tpu.vector_load %arg16[%swap3A_585, %swap3A_586] {strides = array<i32>} : memref<128x128xf32, #tpu.memory_space<vmem>>, vector<16xf32>,
        tpu.vector_store %arg16[%swap3A_585, %swap3A_586], %mul3A_584 {strides = array<i32>} : memref<128x128xf32, #tpu.memory_space<vmem>>, vector<16xf32>,
        %get3A_588 = arith.index_cast %add3A_571 : i32 to index
        %get3A_589 = arith.constant 32 : index
        %get3A_590 = tpu.vector_load %arg16[%get3A_588, %get3A_589] {strides = array<i32>} : memref<128x128xf32, #tpu.memory_space<vmem>>, vector<16xf32>,
        %mul3A_591 = vector.broadcast %squeeze3A_567 : f32 to vector<16xf32>
        %mul3A_592 = arith.mulf %get3A_590, %mul3A_591 : vector<16xf32>
        %swap3A_593 = arith.index_cast %add3A_571 : i32 to index
        %swap3A_594 = arith.constant 32 : index
        %swap3A_595 = tpu.vector_load %arg16[%swap3A_593, %swap3A_594] {strides = array<i32>} : memref<128x128xf32, #tpu.memory_space<vmem>>, vector<16xf32>,
        tpu.vector_store %arg16[%swap3A_593, %swap3A_594], %mul3A_592 {strides = array<i32>} : memref<128x128xf32, #tpu.memory_space<vmem>>, vector<16xf32>,
        %get3A_596 = arith.index_cast %add3A_571 : i32 to index
        %get3A_597 = arith.constant 48 : index
        %get3A_598 = tpu.vector_load %arg16[%get3A_596, %get3A_597] {strides = array<i32>} : memref<128x128xf32, #tpu.memory_space<vmem>>, vector<16xf32>,
        %mul3A_599 = vector.broadcast %squeeze3A_567 : f32 to vector<16xf32>
        %mul3A_600 = arith.mulf %get3A_598, %mul3A_599 : vector<16xf32>
        %swap3A_601 = arith.index_cast %add3A_571 : i32 to index
        %swap3A_602 = arith.constant 48 : index
        %swap3A_603 = tpu.vector_load %arg16[%swap3A_601, %swap3A_602] {strides = array<i32>} : memref<128x128xf32, #tpu.memory_space<vmem>>, vector<16xf32>,
        tpu.vector_store %arg16[%swap3A_601, %swap3A_602], %mul3A_600 {strides = array<i32>} : memref<128x128xf32, #tpu.memory_space<vmem>>, vector<16xf32>,
        %get3A_604 = arith.index_cast %add3A_571 : i32 to index
        %get3A_605 = arith.constant 64 : index
        %get3A_606 = tpu.vector_load %arg16[%get3A_604, %get3A_605] {strides = array<i32>} : memref<128x128xf32, #tpu.memory_space<vmem>>, vector<16xf32>,
        %mul3A_607 = vector.broadcast %squeeze3A_567 : f32 to vector<16xf32>
        %mul3A_608 = arith.mulf %get3A_606, %mul3A_607 : vector<16xf32>
        %swap3A_609 = arith.index_cast %add3A_571 : i32 to index
        %swap3A_610 = arith.constant 64 : index
        %swap3A_611 = tpu.vector_load %arg16[%swap3A_609, %swap3A_610] {strides = array<i32>} : memref<128x128xf32, #tpu.memory_space<vmem>>, vector<16xf32>,
        tpu.vector_store %arg16[%swap3A_609, %swap3A_610], %mul3A_608 {strides = array<i32>} : memref<128x128xf32, #tpu.memory_space<vmem>>, vector<16xf32>,
        %get3A_612 = arith.index_cast %add3A_571 : i32 to index
        %get3A_613 = arith.constant 80 : index
        %get3A_614 = tpu.vector_load %arg16[%get3A_612, %get3A_613] {strides = array<i32>} : memref<128x128xf32, #tpu.memory_space<vmem>>, vector<16xf32>,
        %mul3A_615 = vector.broadcast %squeeze3A_567 : f32 to vector<16xf32>
        %mul3A_616 = arith.mulf %get3A_614, %mul3A_615 : vector<16xf32>
        %swap3A_617 = arith.index_cast %add3A_571 : i32 to index
        %swap3A_618 = arith.constant 80 : index
        %swap3A_619 = tpu.vector_load %arg16[%swap3A_617, %swap3A_618] {strides = array<i32>} : memref<128x128xf32, #tpu.memory_space<vmem>>, vector<16xf32>,
        tpu.vector_store %arg16[%swap3A_617, %swap3A_618], %mul3A_616 {strides = array<i32>} : memref<128x128xf32, #tpu.memory_space<vmem>>, vector<16xf32>,
        %get3A_620 = arith.index_cast %add3A_571 : i32 to index
        %get3A_621 = arith.constant 96 : index
        %get3A_622 = tpu.vector_load %arg16[%get3A_620, %get3A_621] {strides = array<i32>} : memref<128x128xf32, #tpu.memory_space<vmem>>, vector<16xf32>,
        %mul3A_623 = vector.broadcast %squeeze3A_567 : f32 to vector<16xf32>
        %mul3A_624 = arith.mulf %get3A_622, %mul3A_623 : vector<16xf32>
        %swap3A_625 = arith.index_cast %add3A_571 : i32 to index
        %swap3A_626 = arith.constant 96 : index
        %swap3A_627 = tpu.vector_load %arg16[%swap3A_625, %swap3A_626] {strides = array<i32>} : memref<128x128xf32, #tpu.memory_space<vmem>>, vector<16xf32>,
        tpu.vector_store %arg16[%swap3A_625, %swap3A_626], %mul3A_624 {strides = array<i32>} : memref<128x128xf32, #tpu.memory_space<vmem>>, vector<16xf32>,
        %get3A_628 = arith.index_cast %add3A_571 : i32 to index
        %get3A_629 = arith.constant 112 : index
        %get3A_630 = tpu.vector_load %arg16[%get3A_628, %get3A_629] {strides = array<i32>} : memref<128x128xf32, #tpu.memory_space<vmem>>, vector<16xf32>,
        %mul3A_631 = vector.broadcast %squeeze3A_567 : f32 to vector<16xf32>
        %mul3A_632 = arith.mulf %get3A_630, %mul3A_631 : vector<16xf32>
        %swap3A_633 = arith.index_cast %add3A_571 : i32 to index
        %swap3A_634 = arith.constant 112 : index
        %swap3A_635 = tpu.vector_load %arg16[%swap3A_633, %swap3A_634] {strides = array<i32>} : memref<128x128xf32, #tpu.memory_space<vmem>>, vector<16xf32>,
        tpu.vector_store %arg16[%swap3A_633, %swap3A_634], %mul3A_632 {strides = array<i32>} : memref<128x128xf32, #tpu.memory_space<vmem>>, vector<16xf32>,
        %slice3A_636 = vector.extract_strided_slice %get3A_287 {offsets = [5], sizes = [1], strides = [1]} : vector<16xf32> to vector<1xf32>
        %squeeze3A_637 = vector.extract %slice3A_636[0] : f32 from vector<1xf32>
        %mul3A_638 = arith.constant 16 : i32
        %mul3A_639 = arith.muli %scan3A_282, %mul3A_638 : i32
        %add3A_640 = arith.constant 5 : i32
        %add3A_641 = arith.addi %mul3A_639, %add3A_640 : i32
        %get3A_642 = arith.index_cast %add3A_641 : i32 to index
        %get3A_643 = arith.constant 0 : index
        %get3A_644 = tpu.vector_load %arg16[%get3A_642, %get3A_643] {strides = array<i32>} : memref<128x128xf32, #tpu.memory_space<vmem>>, vector<16xf32>,
        %mul3A_645 = vector.broadcast %squeeze3A_637 : f32 to vector<16xf32>
        %mul3A_646 = arith.mulf %get3A_644, %mul3A_645 : vector<16xf32>
        %swap3A_647 = arith.index_cast %add3A_641 : i32 to index
        %swap3A_648 = arith.constant 0 : index
        %swap3A_649 = tpu.vector_load %arg16[%swap3A_647, %swap3A_648] {strides = array<i32>} : memref<128x128xf32, #tpu.memory_space<vmem>>, vector<16xf32>,
        tpu.vector_store %arg16[%swap3A_647, %swap3A_648], %mul3A_646 {strides = array<i32>} : memref<128x128xf32, #tpu.memory_space<vmem>>, vector<16xf32>,
        %get3A_650 = arith.index_cast %add3A_641 : i32 to index
        %get3A_651 = arith.constant 16 : index
        %get3A_652 = tpu.vector_load %arg16[%get3A_650, %get3A_651] {strides = array<i32>} : memref<128x128xf32, #tpu.memory_space<vmem>>, vector<16xf32>,
        %mul3A_653 = vector.broadcast %squeeze3A_637 : f32 to vector<16xf32>
        %mul3A_654 = arith.mulf %get3A_652, %mul3A_653 : vector<16xf32>
        %swap3A_655 = arith.index_cast %add3A_641 : i32 to index
        %swap3A_656 = arith.constant 16 : index
        %swap3A_657 = tpu.vector_load %arg16[%swap3A_655, %swap3A_656] {strides = array<i32>} : memref<128x128xf32, #tpu.memory_space<vmem>>, vector<16xf32>,
        tpu.vector_store %arg16[%swap3A_655, %swap3A_656], %mul3A_654 {strides = array<i32>} : memref<128x128xf32, #tpu.memory_space<vmem>>, vector<16xf32>,
        %get3A_658 = arith.index_cast %add3A_641 : i32 to index
        %get3A_659 = arith.constant 32 : index
        %get3A_660 = tpu.vector_load %arg16[%get3A_658, %get3A_659] {strides = array<i32>} : memref<128x128xf32, #tpu.memory_space<vmem>>, vector<16xf32>,
        %mul3A_661 = vector.broadcast %squeeze3A_637 : f32 to vector<16xf32>
        %mul3A_662 = arith.mulf %get3A_660, %mul3A_661 : vector<16xf32>
        %swap3A_663 = arith.index_cast %add3A_641 : i32 to index
        %swap3A_664 = arith.constant 32 : index
        %swap3A_665 = tpu.vector_load %arg16[%swap3A_663, %swap3A_664] {strides = array<i32>} : memref<128x128xf32, #tpu.memory_space<vmem>>, vector<16xf32>,
        tpu.vector_store %arg16[%swap3A_663, %swap3A_664], %mul3A_662 {strides = array<i32>} : memref<128x128xf32, #tpu.memory_space<vmem>>, vector<16xf32>,
        %get3A_666 = arith.index_cast %add3A_641 : i32 to index
        %get3A_667 = arith.constant 48 : index
        %get3A_668 = tpu.vector_load %arg16[%get3A_666, %get3A_667] {strides = array<i32>} : memref<128x128xf32, #tpu.memory_space<vmem>>, vector<16xf32>,
        %mul3A_669 = vector.broadcast %squeeze3A_637 : f32 to vector<16xf32>
        %mul3A_670 = arith.mulf %get3A_668, %mul3A_669 : vector<16xf32>
        %swap3A_671 = arith.index_cast %add3A_641 : i32 to index
        %swap3A_672 = arith.constant 48 : index
        %swap3A_673 = tpu.vector_load %arg16[%swap3A_671, %swap3A_672] {strides = array<i32>} : memref<128x128xf32, #tpu.memory_space<vmem>>, vector<16xf32>,
        tpu.vector_store %arg16[%swap3A_671, %swap3A_672], %mul3A_670 {strides = array<i32>} : memref<128x128xf32, #tpu.memory_space<vmem>>, vector<16xf32>,
        %get3A_674 = arith.index_cast %add3A_641 : i32 to index
        %get3A_675 = arith.constant 64 : index
        %get3A_676 = tpu.vector_load %arg16[%get3A_674, %get3A_675] {strides = array<i32>} : memref<128x128xf32, #tpu.memory_space<vmem>>, vector<16xf32>,
        %mul3A_677 = vector.broadcast %squeeze3A_637 : f32 to vector<16xf32>
        %mul3A_678 = arith.mulf %get3A_676, %mul3A_677 : vector<16xf32>
        %swap3A_679 = arith.index_cast %add3A_641 : i32 to index
        %swap3A_680 = arith.constant 64 : index
        %swap3A_681 = tpu.vector_load %arg16[%swap3A_679, %swap3A_680] {strides = array<i32>} : memref<128x128xf32, #tpu.memory_space<vmem>>, vector<16xf32>,
        tpu.vector_store %arg16[%swap3A_679, %swap3A_680], %mul3A_678 {strides = array<i32>} : memref<128x128xf32, #tpu.memory_space<vmem>>, vector<16xf32>,
        %get3A_682 = arith.index_cast %add3A_641 : i32 to index
        %get3A_683 = arith.constant 80 : index
        %get3A_684 = tpu.vector_load %arg16[%get3A_682, %get3A_683] {strides = array<i32>} : memref<128x128xf32, #tpu.memory_space<vmem>>, vector<16xf32>,
        %mul3A_685 = vector.broadcast %squeeze3A_637 : f32 to vector<16xf32>
        %mul3A_686 = arith.mulf %get3A_684, %mul3A_685 : vector<16xf32>
        %swap3A_687 = arith.index_cast %add3A_641 : i32 to index
        %swap3A_688 = arith.constant 80 : index
        %swap3A_689 = tpu.vector_load %arg16[%swap3A_687, %swap3A_688] {strides = array<i32>} : memref<128x128xf32, #tpu.memory_space<vmem>>, vector<16xf32>,
        tpu.vector_store %arg16[%swap3A_687, %swap3A_688], %mul3A_686 {strides = array<i32>} : memref<128x128xf32, #tpu.memory_space<vmem>>, vector<16xf32>,
        %get3A_690 = arith.index_cast %add3A_641 : i32 to index
        %get3A_691 = arith.constant 96 : index
        %get3A_692 = tpu.vector_load %arg16[%get3A_690, %get3A_691] {strides = array<i32>} : memref<128x128xf32, #tpu.memory_space<vmem>>, vector<16xf32>,
        %mul3A_693 = vector.broadcast %squeeze3A_637 : f32 to vector<16xf32>
        %mul3A_694 = arith.mulf %get3A_692, %mul3A_693 : vector<16xf32>
        %swap3A_695 = arith.index_cast %add3A_641 : i32 to index
        %swap3A_696 = arith.constant 96 : index
        %swap3A_697 = tpu.vector_load %arg16[%swap3A_695, %swap3A_696] {strides = array<i32>} : memref<128x128xf32, #tpu.memory_space<vmem>>, vector<16xf32>,
        tpu.vector_store %arg16[%swap3A_695, %swap3A_696], %mul3A_694 {strides = array<i32>} : memref<128x128xf32, #tpu.memory_space<vmem>>, vector<16xf32>,
        %get3A_698 = arith.index_cast %add3A_641 : i32 to index
        %get3A_699 = arith.constant 112 : index
        %get3A_700 = tpu.vector_load %arg16[%get3A_698, %get3A_699] {strides = array<i32>} : memref<128x128xf32, #tpu.memory_space<vmem>>, vector<16xf32>,
        %mul3A_701 = vector.broadcast %squeeze3A_637 : f32 to vector<16xf32>
        %mul3A_702 = arith.mulf %get3A_700, %mul3A_701 : vector<16xf32>
        %swap3A_703 = arith.index_cast %add3A_641 : i32 to index
        %swap3A_704 = arith.constant 112 : index
        %swap3A_705 = tpu.vector_load %arg16[%swap3A_703, %swap3A_704] {strides = array<i32>} : memref<128x128xf32, #tpu.memory_space<vmem>>, vector<16xf32>,
        tpu.vector_store %arg16[%swap3A_703, %swap3A_704], %mul3A_702 {strides = array<i32>} : memref<128x128xf32, #tpu.memory_space<vmem>>, vector<16xf32>,
        %slice3A_706 = vector.extract_strided_slice %get3A_287 {offsets = [6], sizes = [1], strides = [1]} : vector<16xf32> to vector<1xf32>
        %squeeze3A_707 = vector.extract %slice3A_706[0] : f32 from vector<1xf32>
        %mul3A_708 = arith.constant 16 : i32
        %mul3A_709 = arith.muli %scan3A_282, %mul3A_708 : i32
        %add3A_710 = arith.constant 6 : i32
        %add3A_711 = arith.addi %mul3A_709, %add3A_710 : i32
        %get3A_712 = arith.index_cast %add3A_711 : i32 to index
        %get3A_713 = arith.constant 0 : index
        %get3A_714 = tpu.vector_load %arg16[%get3A_712, %get3A_713] {strides = array<i32>} : memref<128x128xf32, #tpu.memory_space<vmem>>, vector<16xf32>,
        %mul3A_715 = vector.broadcast %squeeze3A_707 : f32 to vector<16xf32>
        %mul3A_716 = arith.mulf %get3A_714, %mul3A_715 : vector<16xf32>
        %swap3A_717 = arith.index_cast %add3A_711 : i32 to index
        %swap3A_718 = arith.constant 0 : index
        %swap3A_719 = tpu.vector_load %arg16[%swap3A_717, %swap3A_718] {strides = array<i32>} : memref<128x128xf32, #tpu.memory_space<vmem>>, vector<16xf32>,
        tpu.vector_store %arg16[%swap3A_717, %swap3A_718], %mul3A_716 {strides = array<i32>} : memref<128x128xf32, #tpu.memory_space<vmem>>, vector<16xf32>,
        %get3A_720 = arith.index_cast %add3A_711 : i32 to index
        %get3A_721 = arith.constant 16 : index
        %get3A_722 = tpu.vector_load %arg16[%get3A_720, %get3A_721] {strides = array<i32>} : memref<128x128xf32, #tpu.memory_space<vmem>>, vector<16xf32>,
        %mul3A_723 = vector.broadcast %squeeze3A_707 : f32 to vector<16xf32>
        %mul3A_724 = arith.mulf %get3A_722, %mul3A_723 : vector<16xf32>
        %swap3A_725 = arith.index_cast %add3A_711 : i32 to index
        %swap3A_726 = arith.constant 16 : index
        %swap3A_727 = tpu.vector_load %arg16[%swap3A_725, %swap3A_726] {strides = array<i32>} : memref<128x128xf32, #tpu.memory_space<vmem>>, vector<16xf32>,
        tpu.vector_store %arg16[%swap3A_725, %swap3A_726], %mul3A_724 {strides = array<i32>} : memref<128x128xf32, #tpu.memory_space<vmem>>, vector<16xf32>,
        %get3A_728 = arith.index_cast %add3A_711 : i32 to index
        %get3A_729 = arith.constant 32 : index
        %get3A_730 = tpu.vector_load %arg16[%get3A_728, %get3A_729] {strides = array<i32>} : memref<128x128xf32, #tpu.memory_space<vmem>>, vector<16xf32>,
        %mul3A_731 = vector.broadcast %squeeze3A_707 : f32 to vector<16xf32>
        %mul3A_732 = arith.mulf %get3A_730, %mul3A_731 : vector<16xf32>
        %swap3A_733 = arith.index_cast %add3A_711 : i32 to index
        %swap3A_734 = arith.constant 32 : index
        %swap3A_735 = tpu.vector_load %arg16[%swap3A_733, %swap3A_734] {strides = array<i32>} : memref<128x128xf32, #tpu.memory_space<vmem>>, vector<16xf32>,
        tpu.vector_store %arg16[%swap3A_733, %swap3A_734], %mul3A_732 {strides = array<i32>} : memref<128x128xf32, #tpu.memory_space<vmem>>, vector<16xf32>,
        %get3A_736 = arith.index_cast %add3A_711 : i32 to index
        %get3A_737 = arith.constant 48 : index
        %get3A_738 = tpu.vector_load %arg16[%get3A_736, %get3A_737] {strides = array<i32>} : memref<128x128xf32, #tpu.memory_space<vmem>>, vector<16xf32>,
        %mul3A_739 = vector.broadcast %squeeze3A_707 : f32 to vector<16xf32>
        %mul3A_740 = arith.mulf %get3A_738, %mul3A_739 : vector<16xf32>
        %swap3A_741 = arith.index_cast %add3A_711 : i32 to index
        %swap3A_742 = arith.constant 48 : index
        %swap3A_743 = tpu.vector_load %arg16[%swap3A_741, %swap3A_742] {strides = array<i32>} : memref<128x128xf32, #tpu.memory_space<vmem>>, vector<16xf32>,
        tpu.vector_store %arg16[%swap3A_741, %swap3A_742], %mul3A_740 {strides = array<i32>} : memref<128x128xf32, #tpu.memory_space<vmem>>, vector<16xf32>,
        %get3A_744 = arith.index_cast %add3A_711 : i32 to index
        %get3A_745 = arith.constant 64 : index
        %get3A_746 = tpu.vector_load %arg16[%get3A_744, %get3A_745] {strides = array<i32>} : memref<128x128xf32, #tpu.memory_space<vmem>>, vector<16xf32>,
        %mul3A_747 = vector.broadcast %squeeze3A_707 : f32 to vector<16xf32>
        %mul3A_748 = arith.mulf %get3A_746, %mul3A_747 : vector<16xf32>
        %swap3A_749 = arith.index_cast %add3A_711 : i32 to index
        %swap3A_750 = arith.constant 64 : index
        %swap3A_751 = tpu.vector_load %arg16[%swap3A_749, %swap3A_750] {strides = array<i32>} : memref<128x128xf32, #tpu.memory_space<vmem>>, vector<16xf32>,
        tpu.vector_store %arg16[%swap3A_749, %swap3A_750], %mul3A_748 {strides = array<i32>} : memref<128x128xf32, #tpu.memory_space<vmem>>, vector<16xf32>,
        %get3A_752 = arith.index_cast %add3A_711 : i32 to index
        %get3A_753 = arith.constant 80 : index
        %get3A_754 = tpu.vector_load %arg16[%get3A_752, %get3A_753] {strides = array<i32>} : memref<128x128xf32, #tpu.memory_space<vmem>>, vector<16xf32>,
        %mul3A_755 = vector.broadcast %squeeze3A_707 : f32 to vector<16xf32>
        %mul3A_756 = arith.mulf %get3A_754, %mul3A_755 : vector<16xf32>
        %swap3A_757 = arith.index_cast %add3A_711 : i32 to index
        %swap3A_758 = arith.constant 80 : index
        %swap3A_759 = tpu.vector_load %arg16[%swap3A_757, %swap3A_758] {strides = array<i32>} : memref<128x128xf32, #tpu.memory_space<vmem>>, vector<16xf32>,
        tpu.vector_store %arg16[%swap3A_757, %swap3A_758], %mul3A_756 {strides = array<i32>} : memref<128x128xf32, #tpu.memory_space<vmem>>, vector<16xf32>,
        %get3A_760 = arith.index_cast %add3A_711 : i32 to index
        %get3A_761 = arith.constant 96 : index
        %get3A_762 = tpu.vector_load %arg16[%get3A_760, %get3A_761] {strides = array<i32>} : memref<128x128xf32, #tpu.memory_space<vmem>>, vector<16xf32>,
        %mul3A_763 = vector.broadcast %squeeze3A_707 : f32 to vector<16xf32>
        %mul3A_764 = arith.mulf %get3A_762, %mul3A_763 : vector<16xf32>
        %swap3A_765 = arith.index_cast %add3A_711 : i32 to index
        %swap3A_766 = arith.constant 96 : index
        %swap3A_767 = tpu.vector_load %arg16[%swap3A_765, %swap3A_766] {strides = array<i32>} : memref<128x128xf32, #tpu.memory_space<vmem>>, vector<16xf32>,
        tpu.vector_store %arg16[%swap3A_765, %swap3A_766], %mul3A_764 {strides = array<i32>} : memref<128x128xf32, #tpu.memory_space<vmem>>, vector<16xf32>,
        %get3A_768 = arith.index_cast %add3A_711 : i32 to index
        %get3A_769 = arith.constant 112 : index
        %get3A_770 = tpu.vector_load %arg16[%get3A_768, %get3A_769] {strides = array<i32>} : memref<128x128xf32, #tpu.memory_space<vmem>>, vector<16xf32>,
        %mul3A_771 = vector.broadcast %squeeze3A_707 : f32 to vector<16xf32>
        %mul3A_772 = arith.mulf %get3A_770, %mul3A_771 : vector<16xf32>
        %swap3A_773 = arith.index_cast %add3A_711 : i32 to index
        %swap3A_774 = arith.constant 112 : index
        %swap3A_775 = tpu.vector_load %arg16[%swap3A_773, %swap3A_774] {strides = array<i32>} : memref<128x128xf32, #tpu.memory_space<vmem>>, vector<16xf32>,
        tpu.vector_store %arg16[%swap3A_773, %swap3A_774], %mul3A_772 {strides = array<i32>} : memref<128x128xf32, #tpu.memory_space<vmem>>, vector<16xf32>,
        %slice3A_776 = vector.extract_strided_slice %get3A_287 {offsets = [7], sizes = [1], strides = [1]} : vector<16xf32> to vector<1xf32>
        %squeeze3A_777 = vector.extract %slice3A_776[0] : f32 from vector<1xf32>
        %mul3A_778 = arith.constant 16 : i32
        %mul3A_779 = arith.muli %scan3A_282, %mul3A_778 : i32
        %add3A_780 = arith.constant 7 : i32
        %add3A_781 = arith.addi %mul3A_779, %add3A_780 : i32
        %get3A_782 = arith.index_cast %add3A_781 : i32 to index
        %get3A_783 = arith.constant 0 : index
        %get3A_784 = tpu.vector_load %arg16[%get3A_782, %get3A_783] {strides = array<i32>} : memref<128x128xf32, #tpu.memory_space<vmem>>, vector<16xf32>,
        %mul3A_785 = vector.broadcast %squeeze3A_777 : f32 to vector<16xf32>
        %mul3A_786 = arith.mulf %get3A_784, %mul3A_785 : vector<16xf32>
        %swap3A_787 = arith.index_cast %add3A_781 : i32 to index
        %swap3A_788 = arith.constant 0 : index
        %swap3A_789 = tpu.vector_load %arg16[%swap3A_787, %swap3A_788] {strides = array<i32>} : memref<128x128xf32, #tpu.memory_space<vmem>>, vector<16xf32>,
        tpu.vector_store %arg16[%swap3A_787, %swap3A_788], %mul3A_786 {strides = array<i32>} : memref<128x128xf32, #tpu.memory_space<vmem>>, vector<16xf32>,
        %get3A_790 = arith.index_cast %add3A_781 : i32 to index
        %get3A_791 = arith.constant 16 : index
        %get3A_792 = tpu.vector_load %arg16[%get3A_790, %get3A_791] {strides = array<i32>} : memref<128x128xf32, #tpu.memory_space<vmem>>, vector<16xf32>,
        %mul3A_793 = vector.broadcast %squeeze3A_777 : f32 to vector<16xf32>
        %mul3A_794 = arith.mulf %get3A_792, %mul3A_793 : vector<16xf32>
        %swap3A_795 = arith.index_cast %add3A_781 : i32 to index
        %swap3A_796 = arith.constant 16 : index
        %swap3A_797 = tpu.vector_load %arg16[%swap3A_795, %swap3A_796] {strides = array<i32>} : memref<128x128xf32, #tpu.memory_space<vmem>>, vector<16xf32>,
        tpu.vector_store %arg16[%swap3A_795, %swap3A_796], %mul3A_794 {strides = array<i32>} : memref<128x128xf32, #tpu.memory_space<vmem>>, vector<16xf32>,
        %get3A_798 = arith.index_cast %add3A_781 : i32 to index
        %get3A_799 = arith.constant 32 : index
        %get3A_800 = tpu.vector_load %arg16[%get3A_798, %get3A_799] {strides = array<i32>} : memref<128x128xf32, #tpu.memory_space<vmem>>, vector<16xf32>,
        %mul3A_801 = vector.broadcast %squeeze3A_777 : f32 to vector<16xf32>
        %mul3A_802 = arith.mulf %get3A_800, %mul3A_801 : vector<16xf32>
        %swap3A_803 = arith.index_cast %add3A_781 : i32 to index
        %swap3A_804 = arith.constant 32 : index
        %swap3A_805 = tpu.vector_load %arg16[%swap3A_803, %swap3A_804] {strides = array<i32>} : memref<128x128xf32, #tpu.memory_space<vmem>>, vector<16xf32>,
        tpu.vector_store %arg16[%swap3A_803, %swap3A_804], %mul3A_802 {strides = array<i32>} : memref<128x128xf32, #tpu.memory_space<vmem>>, vector<16xf32>,
        %get3A_806 = arith.index_cast %add3A_781 : i32 to index
        %get3A_807 = arith.constant 48 : index
        %get3A_808 = tpu.vector_load %arg16[%get3A_806, %get3A_807] {strides = array<i32>} : memref<128x128xf32, #tpu.memory_space<vmem>>, vector<16xf32>,
        %mul3A_809 = vector.broadcast %squeeze3A_777 : f32 to vector<16xf32>
        %mul3A_810 = arith.mulf %get3A_808, %mul3A_809 : vector<16xf32>
        %swap3A_811 = arith.index_cast %add3A_781 : i32 to index
        %swap3A_812 = arith.constant 48 : index
        %swap3A_813 = tpu.vector_load %arg16[%swap3A_811, %swap3A_812] {strides = array<i32>} : memref<128x128xf32, #tpu.memory_space<vmem>>, vector<16xf32>,
        tpu.vector_store %arg16[%swap3A_811, %swap3A_812], %mul3A_810 {strides = array<i32>} : memref<128x128xf32, #tpu.memory_space<vmem>>, vector<16xf32>,
        %get3A_814 = arith.index_cast %add3A_781 : i32 to index
        %get3A_815 = arith.constant 64 : index
        %get3A_816 = tpu.vector_load %arg16[%get3A_814, %get3A_815] {strides = array<i32>} : memref<128x128xf32, #tpu.memory_space<vmem>>, vector<16xf32>,
        %mul3A_817 = vector.broadcast %squeeze3A_777 : f32 to vector<16xf32>
        %mul3A_818 = arith.mulf %get3A_816, %mul3A_817 : vector<16xf32>
        %swap3A_819 = arith.index_cast %add3A_781 : i32 to index
        %swap3A_820 = arith.constant 64 : index
        %swap3A_821 = tpu.vector_load %arg16[%swap3A_819, %swap3A_820] {strides = array<i32>} : memref<128x128xf32, #tpu.memory_space<vmem>>, vector<16xf32>,
        tpu.vector_store %arg16[%swap3A_819, %swap3A_820], %mul3A_818 {strides = array<i32>} : memref<128x128xf32, #tpu.memory_space<vmem>>, vector<16xf32>,
        %get3A_822 = arith.index_cast %add3A_781 : i32 to index
        %get3A_823 = arith.constant 80 : index
        %get3A_824 = tpu.vector_load %arg16[%get3A_822, %get3A_823] {strides = array<i32>} : memref<128x128xf32, #tpu.memory_space<vmem>>, vector<16xf32>,
        %mul3A_825 = vector.broadcast %squeeze3A_777 : f32 to vector<16xf32>
        %mul3A_826 = arith.mulf %get3A_824, %mul3A_825 : vector<16xf32>
        %swap3A_827 = arith.index_cast %add3A_781 : i32 to index
        %swap3A_828 = arith.constant 80 : index
        %swap3A_829 = tpu.vector_load %arg16[%swap3A_827, %swap3A_828] {strides = array<i32>} : memref<128x128xf32, #tpu.memory_space<vmem>>, vector<16xf32>,
        tpu.vector_store %arg16[%swap3A_827, %swap3A_828], %mul3A_826 {strides = array<i32>} : memref<128x128xf32, #tpu.memory_space<vmem>>, vector<16xf32>,
        %get3A_830 = arith.index_cast %add3A_781 : i32 to index
        %get3A_831 = arith.constant 96 : index
        %get3A_832 = tpu.vector_load %arg16[%get3A_830, %get3A_831] {strides = array<i32>} : memref<128x128xf32, #tpu.memory_space<vmem>>, vector<16xf32>,
        %mul3A_833 = vector.broadcast %squeeze3A_777 : f32 to vector<16xf32>
        %mul3A_834 = arith.mulf %get3A_832, %mul3A_833 : vector<16xf32>
        %swap3A_835 = arith.index_cast %add3A_781 : i32 to index
        %swap3A_836 = arith.constant 96 : index
        %swap3A_837 = tpu.vector_load %arg16[%swap3A_835, %swap3A_836] {strides = array<i32>} : memref<128x128xf32, #tpu.memory_space<vmem>>, vector<16xf32>,
        tpu.vector_store %arg16[%swap3A_835, %swap3A_836], %mul3A_834 {strides = array<i32>} : memref<128x128xf32, #tpu.memory_space<vmem>>, vector<16xf32>,
        %get3A_838 = arith.index_cast %add3A_781 : i32 to index
        %get3A_839 = arith.constant 112 : index
        %get3A_840 = tpu.vector_load %arg16[%get3A_838, %get3A_839] {strides = array<i32>} : memref<128x128xf32, #tpu.memory_space<vmem>>, vector<16xf32>,
        %mul3A_841 = vector.broadcast %squeeze3A_777 : f32 to vector<16xf32>
        %mul3A_842 = arith.mulf %get3A_840, %mul3A_841 : vector<16xf32>
        %swap3A_843 = arith.index_cast %add3A_781 : i32 to index
        %swap3A_844 = arith.constant 112 : index
        %swap3A_845 = tpu.vector_load %arg16[%swap3A_843, %swap3A_844] {strides = array<i32>} : memref<128x128xf32, #tpu.memory_space<vmem>>, vector<16xf32>,
        tpu.vector_store %arg16[%swap3A_843, %swap3A_844], %mul3A_842 {strides = array<i32>} : memref<128x128xf32, #tpu.memory_space<vmem>>, vector<16xf32>,
        %slice3A_846 = vector.extract_strided_slice %get3A_287 {offsets = [8], sizes = [1], strides = [1]} : vector<16xf32> to vector<1xf32>
        %squeeze3A_847 = vector.extract %slice3A_846[0] : f32 from vector<1xf32>
        %mul3A_848 = arith.constant 16 : i32
        %mul3A_849 = arith.muli %scan3A_282, %mul3A_848 : i32
        %add3A_850 = arith.constant 8 : i32
        %add3A_851 = arith.addi %mul3A_849, %add3A_850 : i32
        %get3A_852 = arith.index_cast %add3A_851 : i32 to index
        %get3A_853 = arith.constant 0 : index
        %get3A_854 = tpu.vector_load %arg16[%get3A_852, %get3A_853] {strides = array<i32>} : memref<128x128xf32, #tpu.memory_space<vmem>>, vector<16xf32>,
        %mul3A_855 = vector.broadcast %squeeze3A_847 : f32 to vector<16xf32>
        %mul3A_856 = arith.mulf %get3A_854, %mul3A_855 : vector<16xf32>
        %swap3A_857 = arith.index_cast %add3A_851 : i32 to index
        %swap3A_858 = arith.constant 0 : index
        %swap3A_859 = tpu.vector_load %arg16[%swap3A_857, %swap3A_858] {strides = array<i32>} : memref<128x128xf32, #tpu.memory_space<vmem>>, vector<16xf32>,
        tpu.vector_store %arg16[%swap3A_857, %swap3A_858], %mul3A_856 {strides = array<i32>} : memref<128x128xf32, #tpu.memory_space<vmem>>, vector<16xf32>,
        %get3A_860 = arith.index_cast %add3A_851 : i32 to index
        %get3A_861 = arith.constant 16 : index
        %get3A_862 = tpu.vector_load %arg16[%get3A_860, %get3A_861] {strides = array<i32>} : memref<128x128xf32, #tpu.memory_space<vmem>>, vector<16xf32>,
        %mul3A_863 = vector.broadcast %squeeze3A_847 : f32 to vector<16xf32>
        %mul3A_864 = arith.mulf %get3A_862, %mul3A_863 : vector<16xf32>
        %swap3A_865 = arith.index_cast %add3A_851 : i32 to index
        %swap3A_866 = arith.constant 16 : index
        %swap3A_867 = tpu.vector_load %arg16[%swap3A_865, %swap3A_866] {strides = array<i32>} : memref<128x128xf32, #tpu.memory_space<vmem>>, vector<16xf32>,
        tpu.vector_store %arg16[%swap3A_865, %swap3A_866], %mul3A_864 {strides = array<i32>} : memref<128x128xf32, #tpu.memory_space<vmem>>, vector<16xf32>,
        %get3A_868 = arith.index_cast %add3A_851 : i32 to index
        %get3A_869 = arith.constant 32 : index
        %get3A_870 = tpu.vector_load %arg16[%get3A_868, %get3A_869] {strides = array<i32>} : memref<128x128xf32, #tpu.memory_space<vmem>>, vector<16xf32>,
        %mul3A_871 = vector.broadcast %squeeze3A_847 : f32 to vector<16xf32>
        %mul3A_872 = arith.mulf %get3A_870, %mul3A_871 : vector<16xf32>
        %swap3A_873 = arith.index_cast %add3A_851 : i32 to index
        %swap3A_874 = arith.constant 32 : index
        %swap3A_875 = tpu.vector_load %arg16[%swap3A_873, %swap3A_874] {strides = array<i32>} : memref<128x128xf32, #tpu.memory_space<vmem>>, vector<16xf32>,
        tpu.vector_store %arg16[%swap3A_873, %swap3A_874], %mul3A_872 {strides = array<i32>} : memref<128x128xf32, #tpu.memory_space<vmem>>, vector<16xf32>,
        %get3A_876 = arith.index_cast %add3A_851 : i32 to index
        %get3A_877 = arith.constant 48 : index
        %get3A_878 = tpu.vector_load %arg16[%get3A_876, %get3A_877] {strides = array<i32>} : memref<128x128xf32, #tpu.memory_space<vmem>>, vector<16xf32>,
        %mul3A_879 = vector.broadcast %squeeze3A_847 : f32 to vector<16xf32>
        %mul3A_880 = arith.mulf %get3A_878, %mul3A_879 : vector<16xf32>
        %swap3A_881 = arith.index_cast %add3A_851 : i32 to index
        %swap3A_882 = arith.constant 48 : index
        %swap3A_883 = tpu.vector_load %arg16[%swap3A_881, %swap3A_882] {strides = array<i32>} : memref<128x128xf32, #tpu.memory_space<vmem>>, vector<16xf32>,
        tpu.vector_store %arg16[%swap3A_881, %swap3A_882], %mul3A_880 {strides = array<i32>} : memref<128x128xf32, #tpu.memory_space<vmem>>, vector<16xf32>,
        %get3A_884 = arith.index_cast %add3A_851 : i32 to index
        %get3A_885 = arith.constant 64 : index
        %get3A_886 = tpu.vector_load %arg16[%get3A_884, %get3A_885] {strides = array<i32>} : memref<128x128xf32, #tpu.memory_space<vmem>>, vector<16xf32>,
        %mul3A_887 = vector.broadcast %squeeze3A_847 : f32 to vector<16xf32>
        %mul3A_888 = arith.mulf %get3A_886, %mul3A_887 : vector<16xf32>
        %swap3A_889 = arith.index_cast %add3A_851 : i32 to index
        %swap3A_890 = arith.constant 64 : index
        %swap3A_891 = tpu.vector_load %arg16[%swap3A_889, %swap3A_890] {strides = array<i32>} : memref<128x128xf32, #tpu.memory_space<vmem>>, vector<16xf32>,
        tpu.vector_store %arg16[%swap3A_889, %swap3A_890], %mul3A_888 {strides = array<i32>} : memref<128x128xf32, #tpu.memory_space<vmem>>, vector<16xf32>,
        %get3A_892 = arith.index_cast %add3A_851 : i32 to index
        %get3A_893 = arith.constant 80 : index
        %get3A_894 = tpu.vector_load %arg16[%get3A_892, %get3A_893] {strides = array<i32>} : memref<128x128xf32, #tpu.memory_space<vmem>>, vector<16xf32>,
        %mul3A_895 = vector.broadcast %squeeze3A_847 : f32 to vector<16xf32>
        %mul3A_896 = arith.mulf %get3A_894, %mul3A_895 : vector<16xf32>
        %swap3A_897 = arith.index_cast %add3A_851 : i32 to index
        %swap3A_898 = arith.constant 80 : index
        %swap3A_899 = tpu.vector_load %arg16[%swap3A_897, %swap3A_898] {strides = array<i32>} : memref<128x128xf32, #tpu.memory_space<vmem>>, vector<16xf32>,
        tpu.vector_store %arg16[%swap3A_897, %swap3A_898], %mul3A_896 {strides = array<i32>} : memref<128x128xf32, #tpu.memory_space<vmem>>, vector<16xf32>,
        %get3A_900 = arith.index_cast %add3A_851 : i32 to index
        %get3A_901 = arith.constant 96 : index
        %get3A_902 = tpu.vector_load %arg16[%get3A_900, %get3A_901] {strides = array<i32>} : memref<128x128xf32, #tpu.memory_space<vmem>>, vector<16xf32>,
        %mul3A_903 = vector.broadcast %squeeze3A_847 : f32 to vector<16xf32>
        %mul3A_904 = arith.mulf %get3A_902, %mul3A_903 : vector<16xf32>
        %swap3A_905 = arith.index_cast %add3A_851 : i32 to index
        %swap3A_906 = arith.constant 96 : index
        %swap3A_907 = tpu.vector_load %arg16[%swap3A_905, %swap3A_906] {strides = array<i32>} : memref<128x128xf32, #tpu.memory_space<vmem>>, vector<16xf32>,
        tpu.vector_store %arg16[%swap3A_905, %swap3A_906], %mul3A_904 {strides = array<i32>} : memref<128x128xf32, #tpu.memory_space<vmem>>, vector<16xf32>,
        %get3A_908 = arith.index_cast %add3A_851 : i32 to index
        %get3A_909 = arith.constant 112 : index
        %get3A_910 = tpu.vector_load %arg16[%get3A_908, %get3A_909] {strides = array<i32>} : memref<128x128xf32, #tpu.memory_space<vmem>>, vector<16xf32>,
        %mul3A_911 = vector.broadcast %squeeze3A_847 : f32 to vector<16xf32>
        %mul3A_912 = arith.mulf %get3A_910, %mul3A_911 : vector<16xf32>
        %swap3A_913 = arith.index_cast %add3A_851 : i32 to index
        %swap3A_914 = arith.constant 112 : index
        %swap3A_915 = tpu.vector_load %arg16[%swap3A_913, %swap3A_914] {strides = array<i32>} : memref<128x128xf32, #tpu.memory_space<vmem>>, vector<16xf32>,
        tpu.vector_store %arg16[%swap3A_913, %swap3A_914], %mul3A_912 {strides = array<i32>} : memref<128x128xf32, #tpu.memory_space<vmem>>, vector<16xf32>,
        %slice3A_916 = vector.extract_strided_slice %get3A_287 {offsets = [9], sizes = [1], strides = [1]} : vector<16xf32> to vector<1xf32>
        %squeeze3A_917 = vector.extract %slice3A_916[0] : f32 from vector<1xf32>
        %mul3A_918 = arith.constant 16 : i32
        %mul3A_919 = arith.muli %scan3A_282, %mul3A_918 : i32
        %add3A_920 = arith.constant 9 : i32
        %add3A_921 = arith.addi %mul3A_919, %add3A_920 : i32
        %get3A_922 = arith.index_cast %add3A_921 : i32 to index
        %get3A_923 = arith.constant 0 : index
        %get3A_924 = tpu.vector_load %arg16[%get3A_922, %get3A_923] {strides = array<i32>} : memref<128x128xf32, #tpu.memory_space<vmem>>, vector<16xf32>,
        %mul3A_925 = vector.broadcast %squeeze3A_917 : f32 to vector<16xf32>
        %mul3A_926 = arith.mulf %get3A_924, %mul3A_925 : vector<16xf32>
        %swap3A_927 = arith.index_cast %add3A_921 : i32 to index
        %swap3A_928 = arith.constant 0 : index
        %swap3A_929 = tpu.vector_load %arg16[%swap3A_927, %swap3A_928] {strides = array<i32>} : memref<128x128xf32, #tpu.memory_space<vmem>>, vector<16xf32>,
        tpu.vector_store %arg16[%swap3A_927, %swap3A_928], %mul3A_926 {strides = array<i32>} : memref<128x128xf32, #tpu.memory_space<vmem>>, vector<16xf32>,
        %get3A_930 = arith.index_cast %add3A_921 : i32 to index
        %get3A_931 = arith.constant 16 : index
        %get3A_932 = tpu.vector_load %arg16[%get3A_930, %get3A_931] {strides = array<i32>} : memref<128x128xf32, #tpu.memory_space<vmem>>, vector<16xf32>,
        %mul3A_933 = vector.broadcast %squeeze3A_917 : f32 to vector<16xf32>
        %mul3A_934 = arith.mulf %get3A_932, %mul3A_933 : vector<16xf32>
        %swap3A_935 = arith.index_cast %add3A_921 : i32 to index
        %swap3A_936 = arith.constant 16 : index
        %swap3A_937 = tpu.vector_load %arg16[%swap3A_935, %swap3A_936] {strides = array<i32>} : memref<128x128xf32, #tpu.memory_space<vmem>>, vector<16xf32>,
        tpu.vector_store %arg16[%swap3A_935, %swap3A_936], %mul3A_934 {strides = array<i32>} : memref<128x128xf32, #tpu.memory_space<vmem>>, vector<16xf32>,
        %get3A_938 = arith.index_cast %add3A_921 : i32 to index
        %get3A_939 = arith.constant 32 : index
        %get3A_940 = tpu.vector_load %arg16[%get3A_938, %get3A_939] {strides = array<i32>} : memref<128x128xf32, #tpu.memory_space<vmem>>, vector<16xf32>,
        %mul3A_941 = vector.broadcast %squeeze3A_917 : f32 to vector<16xf32>
        %mul3A_942 = arith.mulf %get3A_940, %mul3A_941 : vector<16xf32>
        %swap3A_943 = arith.index_cast %add3A_921 : i32 to index
        %swap3A_944 = arith.constant 32 : index
        %swap3A_945 = tpu.vector_load %arg16[%swap3A_943, %swap3A_944] {strides = array<i32>} : memref<128x128xf32, #tpu.memory_space<vmem>>, vector<16xf32>,
        tpu.vector_store %arg16[%swap3A_943, %swap3A_944], %mul3A_942 {strides = array<i32>} : memref<128x128xf32, #tpu.memory_space<vmem>>, vector<16xf32>,
        %get3A_946 = arith.index_cast %add3A_921 : i32 to index
        %get3A_947 = arith.constant 48 : index
        %get3A_948 = tpu.vector_load %arg16[%get3A_946, %get3A_947] {strides = array<i32>} : memref<128x128xf32, #tpu.memory_space<vmem>>, vector<16xf32>,
        %mul3A_949 = vector.broadcast %squeeze3A_917 : f32 to vector<16xf32>
        %mul3A_950 = arith.mulf %get3A_948, %mul3A_949 : vector<16xf32>
        %swap3A_951 = arith.index_cast %add3A_921 : i32 to index
        %swap3A_952 = arith.constant 48 : index
        %swap3A_953 = tpu.vector_load %arg16[%swap3A_951, %swap3A_952] {strides = array<i32>} : memref<128x128xf32, #tpu.memory_space<vmem>>, vector<16xf32>,
        tpu.vector_store %arg16[%swap3A_951, %swap3A_952], %mul3A_950 {strides = array<i32>} : memref<128x128xf32, #tpu.memory_space<vmem>>, vector<16xf32>,
        %get3A_954 = arith.index_cast %add3A_921 : i32 to index
        %get3A_955 = arith.constant 64 : index
        %get3A_956 = tpu.vector_load %arg16[%get3A_954, %get3A_955] {strides = array<i32>} : memref<128x128xf32, #tpu.memory_space<vmem>>, vector<16xf32>,
        %mul3A_957 = vector.broadcast %squeeze3A_917 : f32 to vector<16xf32>
        %mul3A_958 = arith.mulf %get3A_956, %mul3A_957 : vector<16xf32>
        %swap3A_959 = arith.index_cast %add3A_921 : i32 to index
        %swap3A_960 = arith.constant 64 : index
        %swap3A_961 = tpu.vector_load %arg16[%swap3A_959, %swap3A_960] {strides = array<i32>} : memref<128x128xf32, #tpu.memory_space<vmem>>, vector<16xf32>,
        tpu.vector_store %arg16[%swap3A_959, %swap3A_960], %mul3A_958 {strides = array<i32>} : memref<128x128xf32, #tpu.memory_space<vmem>>, vector<16xf32>,
        %get3A_962 = arith.index_cast %add3A_921 : i32 to index
        %get3A_963 = arith.constant 80 : index
        %get3A_964 = tpu.vector_load %arg16[%get3A_962, %get3A_963] {strides = array<i32>} : memref<128x128xf32, #tpu.memory_space<vmem>>, vector<16xf32>,
        %mul3A_965 = vector.broadcast %squeeze3A_917 : f32 to vector<16xf32>
        %mul3A_966 = arith.mulf %get3A_964, %mul3A_965 : vector<16xf32>
        %swap3A_967 = arith.index_cast %add3A_921 : i32 to index
        %swap3A_968 = arith.constant 80 : index
        %swap3A_969 = tpu.vector_load %arg16[%swap3A_967, %swap3A_968] {strides = array<i32>} : memref<128x128xf32, #tpu.memory_space<vmem>>, vector<16xf32>,
        tpu.vector_store %arg16[%swap3A_967, %swap3A_968], %mul3A_966 {strides = array<i32>} : memref<128x128xf32, #tpu.memory_space<vmem>>, vector<16xf32>,
        %get3A_970 = arith.index_cast %add3A_921 : i32 to index
        %get3A_971 = arith.constant 96 : index
        %get3A_972 = tpu.vector_load %arg16[%get3A_970, %get3A_971] {strides = array<i32>} : memref<128x128xf32, #tpu.memory_space<vmem>>, vector<16xf32>,
        %mul3A_973 = vector.broadcast %squeeze3A_917 : f32 to vector<16xf32>
        %mul3A_974 = arith.mulf %get3A_972, %mul3A_973 : vector<16xf32>
        %swap3A_975 = arith.index_cast %add3A_921 : i32 to index
        %swap3A_976 = arith.constant 96 : index
        %swap3A_977 = tpu.vector_load %arg16[%swap3A_975, %swap3A_976] {strides = array<i32>} : memref<128x128xf32, #tpu.memory_space<vmem>>, vector<16xf32>,
        tpu.vector_store %arg16[%swap3A_975, %swap3A_976], %mul3A_974 {strides = array<i32>} : memref<128x128xf32, #tpu.memory_space<vmem>>, vector<16xf32>,
        %get3A_978 = arith.index_cast %add3A_921 : i32 to index
        %get3A_979 = arith.constant 112 : index
        %get3A_980 = tpu.vector_load %arg16[%get3A_978, %get3A_979] {strides = array<i32>} : memref<128x128xf32, #tpu.memory_space<vmem>>, vector<16xf32>,
        %mul3A_981 = vector.broadcast %squeeze3A_917 : f32 to vector<16xf32>
        %mul3A_982 = arith.mulf %get3A_980, %mul3A_981 : vector<16xf32>
        %swap3A_983 = arith.index_cast %add3A_921 : i32 to index
        %swap3A_984 = arith.constant 112 : index
        %swap3A_985 = tpu.vector_load %arg16[%swap3A_983, %swap3A_984] {strides = array<i32>} : memref<128x128xf32, #tpu.memory_space<vmem>>, vector<16xf32>,
        tpu.vector_store %arg16[%swap3A_983, %swap3A_984], %mul3A_982 {strides = array<i32>} : memref<128x128xf32, #tpu.memory_space<vmem>>, vector<16xf32>,
        %slice3A_986 = vector.extract_strided_slice %get3A_287 {offsets = [10], sizes = [1], strides = [1]} : vector<16xf32> to vector<1xf32>
        %squeeze3A_987 = vector.extract %slice3A_986[0] : f32 from vector<1xf32>
        %mul3A_988 = arith.constant 16 : i32
        %mul3A_989 = arith.muli %scan3A_282, %mul3A_988 : i32
        %add3A_990 = arith.constant 10 : i32
        %add3A_991 = arith.addi %mul3A_989, %add3A_990 : i32
        %get3A_992 = arith.index_cast %add3A_991 : i32 to index
        %get3A_993 = arith.constant 0 : index
        %get3A_994 = tpu.vector_load %arg16[%get3A_992, %get3A_993] {strides = array<i32>} : memref<128x128xf32, #tpu.memory_space<vmem>>, vector<16xf32>,
        %mul3A_995 = vector.broadcast %squeeze3A_987 : f32 to vector<16xf32>
        %mul3A_996 = arith.mulf %get3A_994, %mul3A_995 : vector<16xf32>
        %swap3A_997 = arith.index_cast %add3A_991 : i32 to index
        %swap3A_998 = arith.constant 0 : index
        %swap3A_999 = tpu.vector_load %arg16[%swap3A_997, %swap3A_998] {strides = array<i32>} : memref<128x128xf32, #tpu.memory_space<vmem>>, vector<16xf32>,
        tpu.vector_store %arg16[%swap3A_997, %swap3A_998], %mul3A_996 {strides = array<i32>} : memref<128x128xf32, #tpu.memory_space<vmem>>, vector<16xf32>,
        %get3A_1000 = arith.index_cast %add3A_991 : i32 to index
        %get3A_1001 = arith.constant 16 : index
        %get3A_1002 = tpu.vector_load %arg16[%get3A_1000, %get3A_1001] {strides = array<i32>} : memref<128x128xf32, #tpu.memory_space<vmem>>, vector<16xf32>,
        %mul3A_1003 = vector.broadcast %squeeze3A_987 : f32 to vector<16xf32>
        %mul3A_1004 = arith.mulf %get3A_1002, %mul3A_1003 : vector<16xf32>
        %swap3A_1005 = arith.index_cast %add3A_991 : i32 to index
        %swap3A_1006 = arith.constant 16 : index
        %swap3A_1007 = tpu.vector_load %arg16[%swap3A_1005, %swap3A_1006] {strides = array<i32>} : memref<128x128xf32, #tpu.memory_space<vmem>>, vector<16xf32>,
        tpu.vector_store %arg16[%swap3A_1005, %swap3A_1006], %mul3A_1004 {strides = array<i32>} : memref<128x128xf32, #tpu.memory_space<vmem>>, vector<16xf32>,
        %get3A_1008 = arith.index_cast %add3A_991 : i32 to index
        %get3A_1009 = arith.constant 32 : index
        %get3A_1010 = tpu.vector_load %arg16[%get3A_1008, %get3A_1009] {strides = array<i32>} : memref<128x128xf32, #tpu.memory_space<vmem>>, vector<16xf32>,
        %mul3A_1011 = vector.broadcast %squeeze3A_987 : f32 to vector<16xf32>
        %mul3A_1012 = arith.mulf %get3A_1010, %mul3A_1011 : vector<16xf32>
        %swap3A_1013 = arith.index_cast %add3A_991 : i32 to index
        %swap3A_1014 = arith.constant 32 : index
        %swap3A_1015 = tpu.vector_load %arg16[%swap3A_1013, %swap3A_1014] {strides = array<i32>} : memref<128x128xf32, #tpu.memory_space<vmem>>, vector<16xf32>,
        tpu.vector_store %arg16[%swap3A_1013, %swap3A_1014], %mul3A_1012 {strides = array<i32>} : memref<128x128xf32, #tpu.memory_space<vmem>>, vector<16xf32>,
        %get3A_1016 = arith.index_cast %add3A_991 : i32 to index
        %get3A_1017 = arith.constant 48 : index
        %get3A_1018 = tpu.vector_load %arg16[%get3A_1016, %get3A_1017] {strides = array<i32>} : memref<128x128xf32, #tpu.memory_space<vmem>>, vector<16xf32>,
        %mul3A_1019 = vector.broadcast %squeeze3A_987 : f32 to vector<16xf32>
        %mul3A_1020 = arith.mulf %get3A_1018, %mul3A_1019 : vector<16xf32>
        %swap3A_1021 = arith.index_cast %add3A_991 : i32 to index
        %swap3A_1022 = arith.constant 48 : index
        %swap3A_1023 = tpu.vector_load %arg16[%swap3A_1021, %swap3A_1022] {strides = array<i32>} : memref<128x128xf32, #tpu.memory_space<vmem>>, vector<16xf32>,
        tpu.vector_store %arg16[%swap3A_1021, %swap3A_1022], %mul3A_1020 {strides = array<i32>} : memref<128x128xf32, #tpu.memory_space<vmem>>, vector<16xf32>,
        %get3A_1024 = arith.index_cast %add3A_991 : i32 to index
        %get3A_1025 = arith.constant 64 : index
        %get3A_1026 = tpu.vector_load %arg16[%get3A_1024, %get3A_1025] {strides = array<i32>} : memref<128x128xf32, #tpu.memory_space<vmem>>, vector<16xf32>,
        %mul3A_1027 = vector.broadcast %squeeze3A_987 : f32 to vector<16xf32>
        %mul3A_1028 = arith.mulf %get3A_1026, %mul3A_1027 : vector<16xf32>
        %swap3A_1029 = arith.index_cast %add3A_991 : i32 to index
        %swap3A_1030 = arith.constant 64 : index
        %swap3A_1031 = tpu.vector_load %arg16[%swap3A_1029, %swap3A_1030] {strides = array<i32>} : memref<128x128xf32, #tpu.memory_space<vmem>>, vector<16xf32>,
        tpu.vector_store %arg16[%swap3A_1029, %swap3A_1030], %mul3A_1028 {strides = array<i32>} : memref<128x128xf32, #tpu.memory_space<vmem>>, vector<16xf32>,
        %get3A_1032 = arith.index_cast %add3A_991 : i32 to index
        %get3A_1033 = arith.constant 80 : index
        %get3A_1034 = tpu.vector_load %arg16[%get3A_1032, %get3A_1033] {strides = array<i32>} : memref<128x128xf32, #tpu.memory_space<vmem>>, vector<16xf32>,
        %mul3A_1035 = vector.broadcast %squeeze3A_987 : f32 to vector<16xf32>
        %mul3A_1036 = arith.mulf %get3A_1034, %mul3A_1035 : vector<16xf32>
        %swap3A_1037 = arith.index_cast %add3A_991 : i32 to index
        %swap3A_1038 = arith.constant 80 : index
        %swap3A_1039 = tpu.vector_load %arg16[%swap3A_1037, %swap3A_1038] {strides = array<i32>} : memref<128x128xf32, #tpu.memory_space<vmem>>, vector<16xf32>,
        tpu.vector_store %arg16[%swap3A_1037, %swap3A_1038], %mul3A_1036 {strides = array<i32>} : memref<128x128xf32, #tpu.memory_space<vmem>>, vector<16xf32>,
        %get3A_1040 = arith.index_cast %add3A_991 : i32 to index
        %get3A_1041 = arith.constant 96 : index
        %get3A_1042 = tpu.vector_load %arg16[%get3A_1040, %get3A_1041] {strides = array<i32>} : memref<128x128xf32, #tpu.memory_space<vmem>>, vector<16xf32>,
        %mul3A_1043 = vector.broadcast %squeeze3A_987 : f32 to vector<16xf32>
        %mul3A_1044 = arith.mulf %get3A_1042, %mul3A_1043 : vector<16xf32>
        %swap3A_1045 = arith.index_cast %add3A_991 : i32 to index
        %swap3A_1046 = arith.constant 96 : index
        %swap3A_1047 = tpu.vector_load %arg16[%swap3A_1045, %swap3A_1046] {strides = array<i32>} : memref<128x128xf32, #tpu.memory_space<vmem>>, vector<16xf32>,
        tpu.vector_store %arg16[%swap3A_1045, %swap3A_1046], %mul3A_1044 {strides = array<i32>} : memref<128x128xf32, #tpu.memory_space<vmem>>, vector<16xf32>,
        %get3A_1048 = arith.index_cast %add3A_991 : i32 to index
        %get3A_1049 = arith.constant 112 : index
        %get3A_1050 = tpu.vector_load %arg16[%get3A_1048, %get3A_1049] {strides = array<i32>} : memref<128x128xf32, #tpu.memory_space<vmem>>, vector<16xf32>,
        %mul3A_1051 = vector.broadcast %squeeze3A_987 : f32 to vector<16xf32>
        %mul3A_1052 = arith.mulf %get3A_1050, %mul3A_1051 : vector<16xf32>
        %swap3A_1053 = arith.index_cast %add3A_991 : i32 to index
        %swap3A_1054 = arith.constant 112 : index
        %swap3A_1055 = tpu.vector_load %arg16[%swap3A_1053, %swap3A_1054] {strides = array<i32>} : memref<128x128xf32, #tpu.memory_space<vmem>>, vector<16xf32>,
        tpu.vector_store %arg16[%swap3A_1053, %swap3A_1054], %mul3A_1052 {strides = array<i32>} : memref<128x128xf32, #tpu.memory_space<vmem>>, vector<16xf32>,
        %slice3A_1056 = vector.extract_strided_slice %get3A_287 {offsets = [11], sizes = [1], strides = [1]} : vector<16xf32> to vector<1xf32>
        %squeeze3A_1057 = vector.extract %slice3A_1056[0] : f32 from vector<1xf32>
        %mul3A_1058 = arith.constant 16 : i32
        %mul3A_1059 = arith.muli %scan3A_282, %mul3A_1058 : i32
        %add3A_1060 = arith.constant 11 : i32
        %add3A_1061 = arith.addi %mul3A_1059, %add3A_1060 : i32
        %get3A_1062 = arith.index_cast %add3A_1061 : i32 to index
        %get3A_1063 = arith.constant 0 : index
        %get3A_1064 = tpu.vector_load %arg16[%get3A_1062, %get3A_1063] {strides = array<i32>} : memref<128x128xf32, #tpu.memory_space<vmem>>, vector<16xf32>,
        %mul3A_1065 = vector.broadcast %squeeze3A_1057 : f32 to vector<16xf32>
        %mul3A_1066 = arith.mulf %get3A_1064, %mul3A_1065 : vector<16xf32>
        %swap3A_1067 = arith.index_cast %add3A_1061 : i32 to index
        %swap3A_1068 = arith.constant 0 : index
        %swap3A_1069 = tpu.vector_load %arg16[%swap3A_1067, %swap3A_1068] {strides = array<i32>} : memref<128x128xf32, #tpu.memory_space<vmem>>, vector<16xf32>,
        tpu.vector_store %arg16[%swap3A_1067, %swap3A_1068], %mul3A_1066 {strides = array<i32>} : memref<128x128xf32, #tpu.memory_space<vmem>>, vector<16xf32>,
        %get3A_1070 = arith.index_cast %add3A_1061 : i32 to index
        %get3A_1071 = arith.constant 16 : index
        %get3A_1072 = tpu.vector_load %arg16[%get3A_1070, %get3A_1071] {strides = array<i32>} : memref<128x128xf32, #tpu.memory_space<vmem>>, vector<16xf32>,
        %mul3A_1073 = vector.broadcast %squeeze3A_1057 : f32 to vector<16xf32>
        %mul3A_1074 = arith.mulf %get3A_1072, %mul3A_1073 : vector<16xf32>
        %swap3A_1075 = arith.index_cast %add3A_1061 : i32 to index
        %swap3A_1076 = arith.constant 16 : index
        %swap3A_1077 = tpu.vector_load %arg16[%swap3A_1075, %swap3A_1076] {strides = array<i32>} : memref<128x128xf32, #tpu.memory_space<vmem>>, vector<16xf32>,
        tpu.vector_store %arg16[%swap3A_1075, %swap3A_1076], %mul3A_1074 {strides = array<i32>} : memref<128x128xf32, #tpu.memory_space<vmem>>, vector<16xf32>,
        %get3A_1078 = arith.index_cast %add3A_1061 : i32 to index
        %get3A_1079 = arith.constant 32 : index
        %get3A_1080 = tpu.vector_load %arg16[%get3A_1078, %get3A_1079] {strides = array<i32>} : memref<128x128xf32, #tpu.memory_space<vmem>>, vector<16xf32>,
        %mul3A_1081 = vector.broadcast %squeeze3A_1057 : f32 to vector<16xf32>
        %mul3A_1082 = arith.mulf %get3A_1080, %mul3A_1081 : vector<16xf32>
        %swap3A_1083 = arith.index_cast %add3A_1061 : i32 to index
        %swap3A_1084 = arith.constant 32 : index
        %swap3A_1085 = tpu.vector_load %arg16[%swap3A_1083, %swap3A_1084] {strides = array<i32>} : memref<128x128xf32, #tpu.memory_space<vmem>>, vector<16xf32>,
        tpu.vector_store %arg16[%swap3A_1083, %swap3A_1084], %mul3A_1082 {strides = array<i32>} : memref<128x128xf32, #tpu.memory_space<vmem>>, vector<16xf32>,
        %get3A_1086 = arith.index_cast %add3A_1061 : i32 to index
        %get3A_1087 = arith.constant 48 : index
        %get3A_1088 = tpu.vector_load %arg16[%get3A_1086, %get3A_1087] {strides = array<i32>} : memref<128x128xf32, #tpu.memory_space<vmem>>, vector<16xf32>,
        %mul3A_1089 = vector.broadcast %squeeze3A_1057 : f32 to vector<16xf32>
        %mul3A_1090 = arith.mulf %get3A_1088, %mul3A_1089 : vector<16xf32>
        %swap3A_1091 = arith.index_cast %add3A_1061 : i32 to index
        %swap3A_1092 = arith.constant 48 : index
        %swap3A_1093 = tpu.vector_load %arg16[%swap3A_1091, %swap3A_1092] {strides = array<i32>} : memref<128x128xf32, #tpu.memory_space<vmem>>, vector<16xf32>,
        tpu.vector_store %arg16[%swap3A_1091, %swap3A_1092], %mul3A_1090 {strides = array<i32>} : memref<128x128xf32, #tpu.memory_space<vmem>>, vector<16xf32>,
        %get3A_1094 = arith.index_cast %add3A_1061 : i32 to index
        %get3A_1095 = arith.constant 64 : index
        %get3A_1096 = tpu.vector_load %arg16[%get3A_1094, %get3A_1095] {strides = array<i32>} : memref<128x128xf32, #tpu.memory_space<vmem>>, vector<16xf32>,
        %mul3A_1097 = vector.broadcast %squeeze3A_1057 : f32 to vector<16xf32>
        %mul3A_1098 = arith.mulf %get3A_1096, %mul3A_1097 : vector<16xf32>
        %swap3A_1099 = arith.index_cast %add3A_1061 : i32 to index
        %swap3A_1100 = arith.constant 64 : index
        %swap3A_1101 = tpu.vector_load %arg16[%swap3A_1099, %swap3A_1100] {strides = array<i32>} : memref<128x128xf32, #tpu.memory_space<vmem>>, vector<16xf32>,
        tpu.vector_store %arg16[%swap3A_1099, %swap3A_1100], %mul3A_1098 {strides = array<i32>} : memref<128x128xf32, #tpu.memory_space<vmem>>, vector<16xf32>,
        %get3A_1102 = arith.index_cast %add3A_1061 : i32 to index
        %get3A_1103 = arith.constant 80 : index
        %get3A_1104 = tpu.vector_load %arg16[%get3A_1102, %get3A_1103] {strides = array<i32>} : memref<128x128xf32, #tpu.memory_space<vmem>>, vector<16xf32>,
        %mul3A_1105 = vector.broadcast %squeeze3A_1057 : f32 to vector<16xf32>
        %mul3A_1106 = arith.mulf %get3A_1104, %mul3A_1105 : vector<16xf32>
        %swap3A_1107 = arith.index_cast %add3A_1061 : i32 to index
        %swap3A_1108 = arith.constant 80 : index
        %swap3A_1109 = tpu.vector_load %arg16[%swap3A_1107, %swap3A_1108] {strides = array<i32>} : memref<128x128xf32, #tpu.memory_space<vmem>>, vector<16xf32>,
        tpu.vector_store %arg16[%swap3A_1107, %swap3A_1108], %mul3A_1106 {strides = array<i32>} : memref<128x128xf32, #tpu.memory_space<vmem>>, vector<16xf32>,
        %get3A_1110 = arith.index_cast %add3A_1061 : i32 to index
        %get3A_1111 = arith.constant 96 : index
        %get3A_1112 = tpu.vector_load %arg16[%get3A_1110, %get3A_1111] {strides = array<i32>} : memref<128x128xf32, #tpu.memory_space<vmem>>, vector<16xf32>,
        %mul3A_1113 = vector.broadcast %squeeze3A_1057 : f32 to vector<16xf32>
        %mul3A_1114 = arith.mulf %get3A_1112, %mul3A_1113 : vector<16xf32>
        %swap3A_1115 = arith.index_cast %add3A_1061 : i32 to index
        %swap3A_1116 = arith.constant 96 : index
        %swap3A_1117 = tpu.vector_load %arg16[%swap3A_1115, %swap3A_1116] {strides = array<i32>} : memref<128x128xf32, #tpu.memory_space<vmem>>, vector<16xf32>,
        tpu.vector_store %arg16[%swap3A_1115, %swap3A_1116], %mul3A_1114 {strides = array<i32>} : memref<128x128xf32, #tpu.memory_space<vmem>>, vector<16xf32>,
        %get3A_1118 = arith.index_cast %add3A_1061 : i32 to index
        %get3A_1119 = arith.constant 112 : index
        %get3A_1120 = tpu.vector_load %arg16[%get3A_1118, %get3A_1119] {strides = array<i32>} : memref<128x128xf32, #tpu.memory_space<vmem>>, vector<16xf32>,
        %mul3A_1121 = vector.broadcast %squeeze3A_1057 : f32 to vector<16xf32>
        %mul3A_1122 = arith.mulf %get3A_1120, %mul3A_1121 : vector<16xf32>
        %swap3A_1123 = arith.index_cast %add3A_1061 : i32 to index
        %swap3A_1124 = arith.constant 112 : index
        %swap3A_1125 = tpu.vector_load %arg16[%swap3A_1123, %swap3A_1124] {strides = array<i32>} : memref<128x128xf32, #tpu.memory_space<vmem>>, vector<16xf32>,
        tpu.vector_store %arg16[%swap3A_1123, %swap3A_1124], %mul3A_1122 {strides = array<i32>} : memref<128x128xf32, #tpu.memory_space<vmem>>, vector<16xf32>,
        %slice3A_1126 = vector.extract_strided_slice %get3A_287 {offsets = [12], sizes = [1], strides = [1]} : vector<16xf32> to vector<1xf32>
        %squeeze3A_1127 = vector.extract %slice3A_1126[0] : f32 from vector<1xf32>
        %mul3A_1128 = arith.constant 16 : i32
        %mul3A_1129 = arith.muli %scan3A_282, %mul3A_1128 : i32
        %add3A_1130 = arith.constant 12 : i32
        %add3A_1131 = arith.addi %mul3A_1129, %add3A_1130 : i32
        %get3A_1132 = arith.index_cast %add3A_1131 : i32 to index
        %get3A_1133 = arith.constant 0 : index
        %get3A_1134 = tpu.vector_load %arg16[%get3A_1132, %get3A_1133] {strides = array<i32>} : memref<128x128xf32, #tpu.memory_space<vmem>>, vector<16xf32>,
        %mul3A_1135 = vector.broadcast %squeeze3A_1127 : f32 to vector<16xf32>
        %mul3A_1136 = arith.mulf %get3A_1134, %mul3A_1135 : vector<16xf32>
        %swap3A_1137 = arith.index_cast %add3A_1131 : i32 to index
        %swap3A_1138 = arith.constant 0 : index
        %swap3A_1139 = tpu.vector_load %arg16[%swap3A_1137, %swap3A_1138] {strides = array<i32>} : memref<128x128xf32, #tpu.memory_space<vmem>>, vector<16xf32>,
        tpu.vector_store %arg16[%swap3A_1137, %swap3A_1138], %mul3A_1136 {strides = array<i32>} : memref<128x128xf32, #tpu.memory_space<vmem>>, vector<16xf32>,
        %get3A_1140 = arith.index_cast %add3A_1131 : i32 to index
        %get3A_1141 = arith.constant 16 : index
        %get3A_1142 = tpu.vector_load %arg16[%get3A_1140, %get3A_1141] {strides = array<i32>} : memref<128x128xf32, #tpu.memory_space<vmem>>, vector<16xf32>,
        %mul3A_1143 = vector.broadcast %squeeze3A_1127 : f32 to vector<16xf32>
        %mul3A_1144 = arith.mulf %get3A_1142, %mul3A_1143 : vector<16xf32>
        %swap3A_1145 = arith.index_cast %add3A_1131 : i32 to index
        %swap3A_1146 = arith.constant 16 : index
        %swap3A_1147 = tpu.vector_load %arg16[%swap3A_1145, %swap3A_1146] {strides = array<i32>} : memref<128x128xf32, #tpu.memory_space<vmem>>, vector<16xf32>,
        tpu.vector_store %arg16[%swap3A_1145, %swap3A_1146], %mul3A_1144 {strides = array<i32>} : memref<128x128xf32, #tpu.memory_space<vmem>>, vector<16xf32>,
        %get3A_1148 = arith.index_cast %add3A_1131 : i32 to index
        %get3A_1149 = arith.constant 32 : index
        %get3A_1150 = tpu.vector_load %arg16[%get3A_1148, %get3A_1149] {strides = array<i32>} : memref<128x128xf32, #tpu.memory_space<vmem>>, vector<16xf32>,
        %mul3A_1151 = vector.broadcast %squeeze3A_1127 : f32 to vector<16xf32>
        %mul3A_1152 = arith.mulf %get3A_1150, %mul3A_1151 : vector<16xf32>
        %swap3A_1153 = arith.index_cast %add3A_1131 : i32 to index
        %swap3A_1154 = arith.constant 32 : index
        %swap3A_1155 = tpu.vector_load %arg16[%swap3A_1153, %swap3A_1154] {strides = array<i32>} : memref<128x128xf32, #tpu.memory_space<vmem>>, vector<16xf32>,
        tpu.vector_store %arg16[%swap3A_1153, %swap3A_1154], %mul3A_1152 {strides = array<i32>} : memref<128x128xf32, #tpu.memory_space<vmem>>, vector<16xf32>,
        %get3A_1156 = arith.index_cast %add3A_1131 : i32 to index
        %get3A_1157 = arith.constant 48 : index
        %get3A_1158 = tpu.vector_load %arg16[%get3A_1156, %get3A_1157] {strides = array<i32>} : memref<128x128xf32, #tpu.memory_space<vmem>>, vector<16xf32>,
        %mul3A_1159 = vector.broadcast %squeeze3A_1127 : f32 to vector<16xf32>
        %mul3A_1160 = arith.mulf %get3A_1158, %mul3A_1159 : vector<16xf32>
        %swap3A_1161 = arith.index_cast %add3A_1131 : i32 to index
        %swap3A_1162 = arith.constant 48 : index
        %swap3A_1163 = tpu.vector_load %arg16[%swap3A_1161, %swap3A_1162] {strides = array<i32>} : memref<128x128xf32, #tpu.memory_space<vmem>>, vector<16xf32>,
        tpu.vector_store %arg16[%swap3A_1161, %swap3A_1162], %mul3A_1160 {strides = array<i32>} : memref<128x128xf32, #tpu.memory_space<vmem>>, vector<16xf32>,
        %get3A_1164 = arith.index_cast %add3A_1131 : i32 to index
        %get3A_1165 = arith.constant 64 : index
        %get3A_1166 = tpu.vector_load %arg16[%get3A_1164, %get3A_1165] {strides = array<i32>} : memref<128x128xf32, #tpu.memory_space<vmem>>, vector<16xf32>,
        %mul3A_1167 = vector.broadcast %squeeze3A_1127 : f32 to vector<16xf32>
        %mul3A_1168 = arith.mulf %get3A_1166, %mul3A_1167 : vector<16xf32>
        %swap3A_1169 = arith.index_cast %add3A_1131 : i32 to index
        %swap3A_1170 = arith.constant 64 : index
        %swap3A_1171 = tpu.vector_load %arg16[%swap3A_1169, %swap3A_1170] {strides = array<i32>} : memref<128x128xf32, #tpu.memory_space<vmem>>, vector<16xf32>,
        tpu.vector_store %arg16[%swap3A_1169, %swap3A_1170], %mul3A_1168 {strides = array<i32>} : memref<128x128xf32, #tpu.memory_space<vmem>>, vector<16xf32>,
        %get3A_1172 = arith.index_cast %add3A_1131 : i32 to index
        %get3A_1173 = arith.constant 80 : index
        %get3A_1174 = tpu.vector_load %arg16[%get3A_1172, %get3A_1173] {strides = array<i32>} : memref<128x128xf32, #tpu.memory_space<vmem>>, vector<16xf32>,
        %mul3A_1175 = vector.broadcast %squeeze3A_1127 : f32 to vector<16xf32>
        %mul3A_1176 = arith.mulf %get3A_1174, %mul3A_1175 : vector<16xf32>
        %swap3A_1177 = arith.index_cast %add3A_1131 : i32 to index
        %swap3A_1178 = arith.constant 80 : index
        %swap3A_1179 = tpu.vector_load %arg16[%swap3A_1177, %swap3A_1178] {strides = array<i32>} : memref<128x128xf32, #tpu.memory_space<vmem>>, vector<16xf32>,
        tpu.vector_store %arg16[%swap3A_1177, %swap3A_1178], %mul3A_1176 {strides = array<i32>} : memref<128x128xf32, #tpu.memory_space<vmem>>, vector<16xf32>,
        %get3A_1180 = arith.index_cast %add3A_1131 : i32 to index
        %get3A_1181 = arith.constant 96 : index
        %get3A_1182 = tpu.vector_load %arg16[%get3A_1180, %get3A_1181] {strides = array<i32>} : memref<128x128xf32, #tpu.memory_space<vmem>>, vector<16xf32>,
        %mul3A_1183 = vector.broadcast %squeeze3A_1127 : f32 to vector<16xf32>
        %mul3A_1184 = arith.mulf %get3A_1182, %mul3A_1183 : vector<16xf32>
        %swap3A_1185 = arith.index_cast %add3A_1131 : i32 to index
        %swap3A_1186 = arith.constant 96 : index
        %swap3A_1187 = tpu.vector_load %arg16[%swap3A_1185, %swap3A_1186] {strides = array<i32>} : memref<128x128xf32, #tpu.memory_space<vmem>>, vector<16xf32>,
        tpu.vector_store %arg16[%swap3A_1185, %swap3A_1186], %mul3A_1184 {strides = array<i32>} : memref<128x128xf32, #tpu.memory_space<vmem>>, vector<16xf32>,
        %get3A_1188 = arith.index_cast %add3A_1131 : i32 to index
        %get3A_1189 = arith.constant 112 : index
        %get3A_1190 = tpu.vector_load %arg16[%get3A_1188, %get3A_1189] {strides = array<i32>} : memref<128x128xf32, #tpu.memory_space<vmem>>, vector<16xf32>,
        %mul3A_1191 = vector.broadcast %squeeze3A_1127 : f32 to vector<16xf32>
        %mul3A_1192 = arith.mulf %get3A_1190, %mul3A_1191 : vector<16xf32>
        %swap3A_1193 = arith.index_cast %add3A_1131 : i32 to index
        %swap3A_1194 = arith.constant 112 : index
        %swap3A_1195 = tpu.vector_load %arg16[%swap3A_1193, %swap3A_1194] {strides = array<i32>} : memref<128x128xf32, #tpu.memory_space<vmem>>, vector<16xf32>,
        tpu.vector_store %arg16[%swap3A_1193, %swap3A_1194], %mul3A_1192 {strides = array<i32>} : memref<128x128xf32, #tpu.memory_space<vmem>>, vector<16xf32>,
        %slice3A_1196 = vector.extract_strided_slice %get3A_287 {offsets = [13], sizes = [1], strides = [1]} : vector<16xf32> to vector<1xf32>
        %squeeze3A_1197 = vector.extract %slice3A_1196[0] : f32 from vector<1xf32>
        %mul3A_1198 = arith.constant 16 : i32
        %mul3A_1199 = arith.muli %scan3A_282, %mul3A_1198 : i32
        %add3A_1200 = arith.constant 13 : i32
        %add3A_1201 = arith.addi %mul3A_1199, %add3A_1200 : i32
        %get3A_1202 = arith.index_cast %add3A_1201 : i32 to index
        %get3A_1203 = arith.constant 0 : index
        %get3A_1204 = tpu.vector_load %arg16[%get3A_1202, %get3A_1203] {strides = array<i32>} : memref<128x128xf32, #tpu.memory_space<vmem>>, vector<16xf32>,
        %mul3A_1205 = vector.broadcast %squeeze3A_1197 : f32 to vector<16xf32>
        %mul3A_1206 = arith.mulf %get3A_1204, %mul3A_1205 : vector<16xf32>
        %swap3A_1207 = arith.index_cast %add3A_1201 : i32 to index
        %swap3A_1208 = arith.constant 0 : index
        %swap3A_1209 = tpu.vector_load %arg16[%swap3A_1207, %swap3A_1208] {strides = array<i32>} : memref<128x128xf32, #tpu.memory_space<vmem>>, vector<16xf32>,
        tpu.vector_store %arg16[%swap3A_1207, %swap3A_1208], %mul3A_1206 {strides = array<i32>} : memref<128x128xf32, #tpu.memory_space<vmem>>, vector<16xf32>,
        %get3A_1210 = arith.index_cast %add3A_1201 : i32 to index
        %get3A_1211 = arith.constant 16 : index
        %get3A_1212 = tpu.vector_load %arg16[%get3A_1210, %get3A_1211] {strides = array<i32>} : memref<128x128xf32, #tpu.memory_space<vmem>>, vector<16xf32>,
        %mul3A_1213 = vector.broadcast %squeeze3A_1197 : f32 to vector<16xf32>
        %mul3A_1214 = arith.mulf %get3A_1212, %mul3A_1213 : vector<16xf32>
        %swap3A_1215 = arith.index_cast %add3A_1201 : i32 to index
        %swap3A_1216 = arith.constant 16 : index
        %swap3A_1217 = tpu.vector_load %arg16[%swap3A_1215, %swap3A_1216] {strides = array<i32>} : memref<128x128xf32, #tpu.memory_space<vmem>>, vector<16xf32>,
        tpu.vector_store %arg16[%swap3A_1215, %swap3A_1216], %mul3A_1214 {strides = array<i32>} : memref<128x128xf32, #tpu.memory_space<vmem>>, vector<16xf32>,
        %get3A_1218 = arith.index_cast %add3A_1201 : i32 to index
        %get3A_1219 = arith.constant 32 : index
        %get3A_1220 = tpu.vector_load %arg16[%get3A_1218, %get3A_1219] {strides = array<i32>} : memref<128x128xf32, #tpu.memory_space<vmem>>, vector<16xf32>,
        %mul3A_1221 = vector.broadcast %squeeze3A_1197 : f32 to vector<16xf32>
        %mul3A_1222 = arith.mulf %get3A_1220, %mul3A_1221 : vector<16xf32>
        %swap3A_1223 = arith.index_cast %add3A_1201 : i32 to index
        %swap3A_1224 = arith.constant 32 : index
        %swap3A_1225 = tpu.vector_load %arg16[%swap3A_1223, %swap3A_1224] {strides = array<i32>} : memref<128x128xf32, #tpu.memory_space<vmem>>, vector<16xf32>,
        tpu.vector_store %arg16[%swap3A_1223, %swap3A_1224], %mul3A_1222 {strides = array<i32>} : memref<128x128xf32, #tpu.memory_space<vmem>>, vector<16xf32>,
        %get3A_1226 = arith.index_cast %add3A_1201 : i32 to index
        %get3A_1227 = arith.constant 48 : index
        %get3A_1228 = tpu.vector_load %arg16[%get3A_1226, %get3A_1227] {strides = array<i32>} : memref<128x128xf32, #tpu.memory_space<vmem>>, vector<16xf32>,
        %mul3A_1229 = vector.broadcast %squeeze3A_1197 : f32 to vector<16xf32>
        %mul3A_1230 = arith.mulf %get3A_1228, %mul3A_1229 : vector<16xf32>
        %swap3A_1231 = arith.index_cast %add3A_1201 : i32 to index
        %swap3A_1232 = arith.constant 48 : index
        %swap3A_1233 = tpu.vector_load %arg16[%swap3A_1231, %swap3A_1232] {strides = array<i32>} : memref<128x128xf32, #tpu.memory_space<vmem>>, vector<16xf32>,
        tpu.vector_store %arg16[%swap3A_1231, %swap3A_1232], %mul3A_1230 {strides = array<i32>} : memref<128x128xf32, #tpu.memory_space<vmem>>, vector<16xf32>,
        %get3A_1234 = arith.index_cast %add3A_1201 : i32 to index
        %get3A_1235 = arith.constant 64 : index
        %get3A_1236 = tpu.vector_load %arg16[%get3A_1234, %get3A_1235] {strides = array<i32>} : memref<128x128xf32, #tpu.memory_space<vmem>>, vector<16xf32>,
        %mul3A_1237 = vector.broadcast %squeeze3A_1197 : f32 to vector<16xf32>
        %mul3A_1238 = arith.mulf %get3A_1236, %mul3A_1237 : vector<16xf32>
        %swap3A_1239 = arith.index_cast %add3A_1201 : i32 to index
        %swap3A_1240 = arith.constant 64 : index
        %swap3A_1241 = tpu.vector_load %arg16[%swap3A_1239, %swap3A_1240] {strides = array<i32>} : memref<128x128xf32, #tpu.memory_space<vmem>>, vector<16xf32>,
        tpu.vector_store %arg16[%swap3A_1239, %swap3A_1240], %mul3A_1238 {strides = array<i32>} : memref<128x128xf32, #tpu.memory_space<vmem>>, vector<16xf32>,
        %get3A_1242 = arith.index_cast %add3A_1201 : i32 to index
        %get3A_1243 = arith.constant 80 : index
        %get3A_1244 = tpu.vector_load %arg16[%get3A_1242, %get3A_1243] {strides = array<i32>} : memref<128x128xf32, #tpu.memory_space<vmem>>, vector<16xf32>,
        %mul3A_1245 = vector.broadcast %squeeze3A_1197 : f32 to vector<16xf32>
        %mul3A_1246 = arith.mulf %get3A_1244, %mul3A_1245 : vector<16xf32>
        %swap3A_1247 = arith.index_cast %add3A_1201 : i32 to index
        %swap3A_1248 = arith.constant 80 : index
        %swap3A_1249 = tpu.vector_load %arg16[%swap3A_1247, %swap3A_1248] {strides = array<i32>} : memref<128x128xf32, #tpu.memory_space<vmem>>, vector<16xf32>,
        tpu.vector_store %arg16[%swap3A_1247, %swap3A_1248], %mul3A_1246 {strides = array<i32>} : memref<128x128xf32, #tpu.memory_space<vmem>>, vector<16xf32>,
        %get3A_1250 = arith.index_cast %add3A_1201 : i32 to index
        %get3A_1251 = arith.constant 96 : index
        %get3A_1252 = tpu.vector_load %arg16[%get3A_1250, %get3A_1251] {strides = array<i32>} : memref<128x128xf32, #tpu.memory_space<vmem>>, vector<16xf32>,
        %mul3A_1253 = vector.broadcast %squeeze3A_1197 : f32 to vector<16xf32>
        %mul3A_1254 = arith.mulf %get3A_1252, %mul3A_1253 : vector<16xf32>
        %swap3A_1255 = arith.index_cast %add3A_1201 : i32 to index
        %swap3A_1256 = arith.constant 96 : index
        %swap3A_1257 = tpu.vector_load %arg16[%swap3A_1255, %swap3A_1256] {strides = array<i32>} : memref<128x128xf32, #tpu.memory_space<vmem>>, vector<16xf32>,
        tpu.vector_store %arg16[%swap3A_1255, %swap3A_1256], %mul3A_1254 {strides = array<i32>} : memref<128x128xf32, #tpu.memory_space<vmem>>, vector<16xf32>,
        %get3A_1258 = arith.index_cast %add3A_1201 : i32 to index
        %get3A_1259 = arith.constant 112 : index
        %get3A_1260 = tpu.vector_load %arg16[%get3A_1258, %get3A_1259] {strides = array<i32>} : memref<128x128xf32, #tpu.memory_space<vmem>>, vector<16xf32>,
        %mul3A_1261 = vector.broadcast %squeeze3A_1197 : f32 to vector<16xf32>
        %mul3A_1262 = arith.mulf %get3A_1260, %mul3A_1261 : vector<16xf32>
        %swap3A_1263 = arith.index_cast %add3A_1201 : i32 to index
        %swap3A_1264 = arith.constant 112 : index
        %swap3A_1265 = tpu.vector_load %arg16[%swap3A_1263, %swap3A_1264] {strides = array<i32>} : memref<128x128xf32, #tpu.memory_space<vmem>>, vector<16xf32>,
        tpu.vector_store %arg16[%swap3A_1263, %swap3A_1264], %mul3A_1262 {strides = array<i32>} : memref<128x128xf32, #tpu.memory_space<vmem>>, vector<16xf32>,
        %slice3A_1266 = vector.extract_strided_slice %get3A_287 {offsets = [14], sizes = [1], strides = [1]} : vector<16xf32> to vector<1xf32>
        %squeeze3A_1267 = vector.extract %slice3A_1266[0] : f32 from vector<1xf32>
        %mul3A_1268 = arith.constant 16 : i32
        %mul3A_1269 = arith.muli %scan3A_282, %mul3A_1268 : i32
        %add3A_1270 = arith.constant 14 : i32
        %add3A_1271 = arith.addi %mul3A_1269, %add3A_1270 : i32
        %get3A_1272 = arith.index_cast %add3A_1271 : i32 to index
        %get3A_1273 = arith.constant 0 : index
        %get3A_1274 = tpu.vector_load %arg16[%get3A_1272, %get3A_1273] {strides = array<i32>} : memref<128x128xf32, #tpu.memory_space<vmem>>, vector<16xf32>,
        %mul3A_1275 = vector.broadcast %squeeze3A_1267 : f32 to vector<16xf32>
        %mul3A_1276 = arith.mulf %get3A_1274, %mul3A_1275 : vector<16xf32>
        %swap3A_1277 = arith.index_cast %add3A_1271 : i32 to index
        %swap3A_1278 = arith.constant 0 : index
        %swap3A_1279 = tpu.vector_load %arg16[%swap3A_1277, %swap3A_1278] {strides = array<i32>} : memref<128x128xf32, #tpu.memory_space<vmem>>, vector<16xf32>,
        tpu.vector_store %arg16[%swap3A_1277, %swap3A_1278], %mul3A_1276 {strides = array<i32>} : memref<128x128xf32, #tpu.memory_space<vmem>>, vector<16xf32>,
        %get3A_1280 = arith.index_cast %add3A_1271 : i32 to index
        %get3A_1281 = arith.constant 16 : index
        %get3A_1282 = tpu.vector_load %arg16[%get3A_1280, %get3A_1281] {strides = array<i32>} : memref<128x128xf32, #tpu.memory_space<vmem>>, vector<16xf32>,
        %mul3A_1283 = vector.broadcast %squeeze3A_1267 : f32 to vector<16xf32>
        %mul3A_1284 = arith.mulf %get3A_1282, %mul3A_1283 : vector<16xf32>
        %swap3A_1285 = arith.index_cast %add3A_1271 : i32 to index
        %swap3A_1286 = arith.constant 16 : index
        %swap3A_1287 = tpu.vector_load %arg16[%swap3A_1285, %swap3A_1286] {strides = array<i32>} : memref<128x128xf32, #tpu.memory_space<vmem>>, vector<16xf32>,
        tpu.vector_store %arg16[%swap3A_1285, %swap3A_1286], %mul3A_1284 {strides = array<i32>} : memref<128x128xf32, #tpu.memory_space<vmem>>, vector<16xf32>,
        %get3A_1288 = arith.index_cast %add3A_1271 : i32 to index
        %get3A_1289 = arith.constant 32 : index
        %get3A_1290 = tpu.vector_load %arg16[%get3A_1288, %get3A_1289] {strides = array<i32>} : memref<128x128xf32, #tpu.memory_space<vmem>>, vector<16xf32>,
        %mul3A_1291 = vector.broadcast %squeeze3A_1267 : f32 to vector<16xf32>
        %mul3A_1292 = arith.mulf %get3A_1290, %mul3A_1291 : vector<16xf32>
        %swap3A_1293 = arith.index_cast %add3A_1271 : i32 to index
        %swap3A_1294 = arith.constant 32 : index
        %swap3A_1295 = tpu.vector_load %arg16[%swap3A_1293, %swap3A_1294] {strides = array<i32>} : memref<128x128xf32, #tpu.memory_space<vmem>>, vector<16xf32>,
        tpu.vector_store %arg16[%swap3A_1293, %swap3A_1294], %mul3A_1292 {strides = array<i32>} : memref<128x128xf32, #tpu.memory_space<vmem>>, vector<16xf32>,
        %get3A_1296 = arith.index_cast %add3A_1271 : i32 to index
        %get3A_1297 = arith.constant 48 : index
        %get3A_1298 = tpu.vector_load %arg16[%get3A_1296, %get3A_1297] {strides = array<i32>} : memref<128x128xf32, #tpu.memory_space<vmem>>, vector<16xf32>,
        %mul3A_1299 = vector.broadcast %squeeze3A_1267 : f32 to vector<16xf32>
        %mul3A_1300 = arith.mulf %get3A_1298, %mul3A_1299 : vector<16xf32>
        %swap3A_1301 = arith.index_cast %add3A_1271 : i32 to index
        %swap3A_1302 = arith.constant 48 : index
        %swap3A_1303 = tpu.vector_load %arg16[%swap3A_1301, %swap3A_1302] {strides = array<i32>} : memref<128x128xf32, #tpu.memory_space<vmem>>, vector<16xf32>,
        tpu.vector_store %arg16[%swap3A_1301, %swap3A_1302], %mul3A_1300 {strides = array<i32>} : memref<128x128xf32, #tpu.memory_space<vmem>>, vector<16xf32>,
        %get3A_1304 = arith.index_cast %add3A_1271 : i32 to index
        %get3A_1305 = arith.constant 64 : index
        %get3A_1306 = tpu.vector_load %arg16[%get3A_1304, %get3A_1305] {strides = array<i32>} : memref<128x128xf32, #tpu.memory_space<vmem>>, vector<16xf32>,
        %mul3A_1307 = vector.broadcast %squeeze3A_1267 : f32 to vector<16xf32>
        %mul3A_1308 = arith.mulf %get3A_1306, %mul3A_1307 : vector<16xf32>
        %swap3A_1309 = arith.index_cast %add3A_1271 : i32 to index
        %swap3A_1310 = arith.constant 64 : index
        %swap3A_1311 = tpu.vector_load %arg16[%swap3A_1309, %swap3A_1310] {strides = array<i32>} : memref<128x128xf32, #tpu.memory_space<vmem>>, vector<16xf32>,
        tpu.vector_store %arg16[%swap3A_1309, %swap3A_1310], %mul3A_1308 {strides = array<i32>} : memref<128x128xf32, #tpu.memory_space<vmem>>, vector<16xf32>,
        %get3A_1312 = arith.index_cast %add3A_1271 : i32 to index
        %get3A_1313 = arith.constant 80 : index
        %get3A_1314 = tpu.vector_load %arg16[%get3A_1312, %get3A_1313] {strides = array<i32>} : memref<128x128xf32, #tpu.memory_space<vmem>>, vector<16xf32>,
        %mul3A_1315 = vector.broadcast %squeeze3A_1267 : f32 to vector<16xf32>
        %mul3A_1316 = arith.mulf %get3A_1314, %mul3A_1315 : vector<16xf32>
        %swap3A_1317 = arith.index_cast %add3A_1271 : i32 to index
        %swap3A_1318 = arith.constant 80 : index
        %swap3A_1319 = tpu.vector_load %arg16[%swap3A_1317, %swap3A_1318] {strides = array<i32>} : memref<128x128xf32, #tpu.memory_space<vmem>>, vector<16xf32>,
        tpu.vector_store %arg16[%swap3A_1317, %swap3A_1318], %mul3A_1316 {strides = array<i32>} : memref<128x128xf32, #tpu.memory_space<vmem>>, vector<16xf32>,
        %get3A_1320 = arith.index_cast %add3A_1271 : i32 to index
        %get3A_1321 = arith.constant 96 : index
        %get3A_1322 = tpu.vector_load %arg16[%get3A_1320, %get3A_1321] {strides = array<i32>} : memref<128x128xf32, #tpu.memory_space<vmem>>, vector<16xf32>,
        %mul3A_1323 = vector.broadcast %squeeze3A_1267 : f32 to vector<16xf32>
        %mul3A_1324 = arith.mulf %get3A_1322, %mul3A_1323 : vector<16xf32>
        %swap3A_1325 = arith.index_cast %add3A_1271 : i32 to index
        %swap3A_1326 = arith.constant 96 : index
        %swap3A_1327 = tpu.vector_load %arg16[%swap3A_1325, %swap3A_1326] {strides = array<i32>} : memref<128x128xf32, #tpu.memory_space<vmem>>, vector<16xf32>,
        tpu.vector_store %arg16[%swap3A_1325, %swap3A_1326], %mul3A_1324 {strides = array<i32>} : memref<128x128xf32, #tpu.memory_space<vmem>>, vector<16xf32>,
        %get3A_1328 = arith.index_cast %add3A_1271 : i32 to index
        %get3A_1329 = arith.constant 112 : index
        %get3A_1330 = tpu.vector_load %arg16[%get3A_1328, %get3A_1329] {strides = array<i32>} : memref<128x128xf32, #tpu.memory_space<vmem>>, vector<16xf32>,
        %mul3A_1331 = vector.broadcast %squeeze3A_1267 : f32 to vector<16xf32>
        %mul3A_1332 = arith.mulf %get3A_1330, %mul3A_1331 : vector<16xf32>
        %swap3A_1333 = arith.index_cast %add3A_1271 : i32 to index
        %swap3A_1334 = arith.constant 112 : index
        %swap3A_1335 = tpu.vector_load %arg16[%swap3A_1333, %swap3A_1334] {strides = array<i32>} : memref<128x128xf32, #tpu.memory_space<vmem>>, vector<16xf32>,
        tpu.vector_store %arg16[%swap3A_1333, %swap3A_1334], %mul3A_1332 {strides = array<i32>} : memref<128x128xf32, #tpu.memory_space<vmem>>, vector<16xf32>,
        %slice3A_1336 = vector.extract_strided_slice %get3A_287 {offsets = [15], sizes = [1], strides = [1]} : vector<16xf32> to vector<1xf32>
        %squeeze3A_1337 = vector.extract %slice3A_1336[0] : f32 from vector<1xf32>
        %mul3A_1338 = arith.constant 16 : i32
        %mul3A_1339 = arith.muli %scan3A_282, %mul3A_1338 : i32
        %add3A_1340 = arith.constant 15 : i32
        %add3A_1341 = arith.addi %mul3A_1339, %add3A_1340 : i32
        %get3A_1342 = arith.index_cast %add3A_1341 : i32 to index
        %get3A_1343 = arith.constant 0 : index
        %get3A_1344 = tpu.vector_load %arg16[%get3A_1342, %get3A_1343] {strides = array<i32>} : memref<128x128xf32, #tpu.memory_space<vmem>>, vector<16xf32>,
        %mul3A_1345 = vector.broadcast %squeeze3A_1337 : f32 to vector<16xf32>
        %mul3A_1346 = arith.mulf %get3A_1344, %mul3A_1345 : vector<16xf32>
        %swap3A_1347 = arith.index_cast %add3A_1341 : i32 to index
        %swap3A_1348 = arith.constant 0 : index
        %swap3A_1349 = tpu.vector_load %arg16[%swap3A_1347, %swap3A_1348] {strides = array<i32>} : memref<128x128xf32, #tpu.memory_space<vmem>>, vector<16xf32>,
        tpu.vector_store %arg16[%swap3A_1347, %swap3A_1348], %mul3A_1346 {strides = array<i32>} : memref<128x128xf32, #tpu.memory_space<vmem>>, vector<16xf32>,
        %get3A_1350 = arith.index_cast %add3A_1341 : i32 to index
        %get3A_1351 = arith.constant 16 : index
        %get3A_1352 = tpu.vector_load %arg16[%get3A_1350, %get3A_1351] {strides = array<i32>} : memref<128x128xf32, #tpu.memory_space<vmem>>, vector<16xf32>,
        %mul3A_1353 = vector.broadcast %squeeze3A_1337 : f32 to vector<16xf32>
        %mul3A_1354 = arith.mulf %get3A_1352, %mul3A_1353 : vector<16xf32>
        %swap3A_1355 = arith.index_cast %add3A_1341 : i32 to index
        %swap3A_1356 = arith.constant 16 : index
        %swap3A_1357 = tpu.vector_load %arg16[%swap3A_1355, %swap3A_1356] {strides = array<i32>} : memref<128x128xf32, #tpu.memory_space<vmem>>, vector<16xf32>,
        tpu.vector_store %arg16[%swap3A_1355, %swap3A_1356], %mul3A_1354 {strides = array<i32>} : memref<128x128xf32, #tpu.memory_space<vmem>>, vector<16xf32>,
        %get3A_1358 = arith.index_cast %add3A_1341 : i32 to index
        %get3A_1359 = arith.constant 32 : index
        %get3A_1360 = tpu.vector_load %arg16[%get3A_1358, %get3A_1359] {strides = array<i32>} : memref<128x128xf32, #tpu.memory_space<vmem>>, vector<16xf32>,
        %mul3A_1361 = vector.broadcast %squeeze3A_1337 : f32 to vector<16xf32>
        %mul3A_1362 = arith.mulf %get3A_1360, %mul3A_1361 : vector<16xf32>
        %swap3A_1363 = arith.index_cast %add3A_1341 : i32 to index
        %swap3A_1364 = arith.constant 32 : index
        %swap3A_1365 = tpu.vector_load %arg16[%swap3A_1363, %swap3A_1364] {strides = array<i32>} : memref<128x128xf32, #tpu.memory_space<vmem>>, vector<16xf32>,
        tpu.vector_store %arg16[%swap3A_1363, %swap3A_1364], %mul3A_1362 {strides = array<i32>} : memref<128x128xf32, #tpu.memory_space<vmem>>, vector<16xf32>,
        %get3A_1366 = arith.index_cast %add3A_1341 : i32 to index
        %get3A_1367 = arith.constant 48 : index
        %get3A_1368 = tpu.vector_load %arg16[%get3A_1366, %get3A_1367] {strides = array<i32>} : memref<128x128xf32, #tpu.memory_space<vmem>>, vector<16xf32>,
        %mul3A_1369 = vector.broadcast %squeeze3A_1337 : f32 to vector<16xf32>
        %mul3A_1370 = arith.mulf %get3A_1368, %mul3A_1369 : vector<16xf32>
        %swap3A_1371 = arith.index_cast %add3A_1341 : i32 to index
        %swap3A_1372 = arith.constant 48 : index
        %swap3A_1373 = tpu.vector_load %arg16[%swap3A_1371, %swap3A_1372] {strides = array<i32>} : memref<128x128xf32, #tpu.memory_space<vmem>>, vector<16xf32>,
        tpu.vector_store %arg16[%swap3A_1371, %swap3A_1372], %mul3A_1370 {strides = array<i32>} : memref<128x128xf32, #tpu.memory_space<vmem>>, vector<16xf32>,
        %get3A_1374 = arith.index_cast %add3A_1341 : i32 to index
        %get3A_1375 = arith.constant 64 : index
        %get3A_1376 = tpu.vector_load %arg16[%get3A_1374, %get3A_1375] {strides = array<i32>} : memref<128x128xf32, #tpu.memory_space<vmem>>, vector<16xf32>,
        %mul3A_1377 = vector.broadcast %squeeze3A_1337 : f32 to vector<16xf32>
        %mul3A_1378 = arith.mulf %get3A_1376, %mul3A_1377 : vector<16xf32>
        %swap3A_1379 = arith.index_cast %add3A_1341 : i32 to index
        %swap3A_1380 = arith.constant 64 : index
        %swap3A_1381 = tpu.vector_load %arg16[%swap3A_1379, %swap3A_1380] {strides = array<i32>} : memref<128x128xf32, #tpu.memory_space<vmem>>, vector<16xf32>,
        tpu.vector_store %arg16[%swap3A_1379, %swap3A_1380], %mul3A_1378 {strides = array<i32>} : memref<128x128xf32, #tpu.memory_space<vmem>>, vector<16xf32>,
        %get3A_1382 = arith.index_cast %add3A_1341 : i32 to index
        %get3A_1383 = arith.constant 80 : index
        %get3A_1384 = tpu.vector_load %arg16[%get3A_1382, %get3A_1383] {strides = array<i32>} : memref<128x128xf32, #tpu.memory_space<vmem>>, vector<16xf32>,
        %mul3A_1385 = vector.broadcast %squeeze3A_1337 : f32 to vector<16xf32>
        %mul3A_1386 = arith.mulf %get3A_1384, %mul3A_1385 : vector<16xf32>
        %swap3A_1387 = arith.index_cast %add3A_1341 : i32 to index
        %swap3A_1388 = arith.constant 80 : index
        %swap3A_1389 = tpu.vector_load %arg16[%swap3A_1387, %swap3A_1388] {strides = array<i32>} : memref<128x128xf32, #tpu.memory_space<vmem>>, vector<16xf32>,
        tpu.vector_store %arg16[%swap3A_1387, %swap3A_1388], %mul3A_1386 {strides = array<i32>} : memref<128x128xf32, #tpu.memory_space<vmem>>, vector<16xf32>,
        %get3A_1390 = arith.index_cast %add3A_1341 : i32 to index
        %get3A_1391 = arith.constant 96 : index
        %get3A_1392 = tpu.vector_load %arg16[%get3A_1390, %get3A_1391] {strides = array<i32>} : memref<128x128xf32, #tpu.memory_space<vmem>>, vector<16xf32>,
        %mul3A_1393 = vector.broadcast %squeeze3A_1337 : f32 to vector<16xf32>
        %mul3A_1394 = arith.mulf %get3A_1392, %mul3A_1393 : vector<16xf32>
        %swap3A_1395 = arith.index_cast %add3A_1341 : i32 to index
        %swap3A_1396 = arith.constant 96 : index
        %swap3A_1397 = tpu.vector_load %arg16[%swap3A_1395, %swap3A_1396] {strides = array<i32>} : memref<128x128xf32, #tpu.memory_space<vmem>>, vector<16xf32>,
        tpu.vector_store %arg16[%swap3A_1395, %swap3A_1396], %mul3A_1394 {strides = array<i32>} : memref<128x128xf32, #tpu.memory_space<vmem>>, vector<16xf32>,
        %get3A_1398 = arith.index_cast %add3A_1341 : i32 to index
        %get3A_1399 = arith.constant 112 : index
        %get3A_1400 = tpu.vector_load %arg16[%get3A_1398, %get3A_1399] {strides = array<i32>} : memref<128x128xf32, #tpu.memory_space<vmem>>, vector<16xf32>,
        %mul3A_1401 = vector.broadcast %squeeze3A_1337 : f32 to vector<16xf32>
        %mul3A_1402 = arith.mulf %get3A_1400, %mul3A_1401 : vector<16xf32>
        %swap3A_1403 = arith.index_cast %add3A_1341 : i32 to index
        %swap3A_1404 = arith.constant 112 : index
        %swap3A_1405 = tpu.vector_load %arg16[%swap3A_1403, %swap3A_1404] {strides = array<i32>} : memref<128x128xf32, #tpu.memory_space<vmem>>, vector<16xf32>,
        tpu.vector_store %arg16[%swap3A_1403, %swap3A_1404], %mul3A_1402 {strides = array<i32>} : memref<128x128xf32, #tpu.memory_space<vmem>>, vector<16xf32>,
        %scan3A_1406 = arith.constant 0 : i32
        scf.yield %scan3A_1406 : i32
      }
      %scan3A_280 = arith.constant 8 : i32
      "tpu.region"() ({
        %run_scoped3A = tpu.sem_alloc : memref<!tpu.dma_semaphore, #tpu.memory_space<semaphore_mem>>
        %dma_start3A_282 = arith.constant 0 : i32
        %dma_start3A_283 = arith.constant 0 : i32
        %dma_start3A_284 = tpu.memref_slice %arg18[%dma_start3A_282, %dma_start3A_283] : memref<10240x128xf32, #tpu.memory_space<vmem_shared>> -> memref<10240x128xf32, #tpu.memory_space<vmem_shared>>
        tpu.enqueue_indirect_dma source(%arg16 : memref<128x128xf32, #tpu.memory_space<vmem>>) target(%dma_start3A_284 : memref<10240x128xf32, #tpu.memory_space<vmem_shared>>) offsets(%arg14 : memref<128xi32, #tpu.memory_space<vmem>>) semaphore(%run_scoped3A : memref<!tpu.dma_semaphore, #tpu.memory_space<semaphore_mem>>) {add = true}
        %dma_wait3A_285 = arith.constant 0 : i32
        %dma_wait3A_286 = arith.constant 0 : i32
        %dma_wait3A_287 = tpu.memref_slice %arg18[%dma_wait3A_285, %dma_wait3A_286] : memref<10240x128xf32, #tpu.memory_space<vmem_shared>> -> memref<10240x128xf32, #tpu.memory_space<vmem_shared>>
        tpu.wait_indirect_dma semaphore(%run_scoped3A : memref<!tpu.dma_semaphore, #tpu.memory_space<semaphore_mem>>) src(%arg16 : memref<128x128xf32, #tpu.memory_space<vmem>>) dst(%dma_wait3A_287 : memref<10240x128xf32, #tpu.memory_space<vmem_shared>>)
        tpu.yield
      }) : () -> ()
      %while3A_281 = arith.constant 0 : i32
      scf.yield %while3A_281 : i32
    }
    %barrier3A_58 = arith.constant 0 : index
    tpu.barrier barrier_id(%barrier3A_58)
    %mul3A_59 = arith.constant 640 : i32
    %mul3A_60 = arith.muli %mul3A_59, %arg1 : i32
    %mul3A_61 = arith.constant 640 : i32
    %mul3A_62 = arith.muli %mul3A_61, %arg1 : i32
    "tpu.region"() ({
      %run_scoped3A = tpu.sem_alloc : memref<!tpu.dma_semaphore, #tpu.memory_space<semaphore_mem>>
      %dma_start3A = arith.constant 0 : i32
      %dma_start3A_65 = tpu.memref_slice %arg8[%arg0, %mul3A_62, %dma_start3A] : memref<2x10240x128xf32, #tpu.memory_space<hbm>> -> memref<1x640x128xf32, #tpu.memory_space<hbm>>
      %dma_start3A_66 = tpu.memref_squeeze %dma_start3A_65 : memref<1x640x128xf32, #tpu.memory_space<hbm>> -> memref<640x128xf32, #tpu.memory_space<hbm>>
      %dma_start3A_67 = arith.constant 0 : i32
      %dma_start3A_68 = tpu.memref_slice %arg18[%mul3A_60, %dma_start3A_67] : memref<10240x128xf32, #tpu.memory_space<vmem_shared>> -> memref<640x128xf32, #tpu.memory_space<vmem_shared>>
      tpu.enqueue_dma source(%dma_start3A_68 : memref<640x128xf32, #tpu.memory_space<vmem_shared>>) target(%dma_start3A_66 : memref<640x128xf32, #tpu.memory_space<hbm>>) target_semaphore(%run_scoped3A : memref<!tpu.dma_semaphore, #tpu.memory_space<semaphore_mem>>)
      %dma_wait3A = arith.constant 0 : i32
      %dma_wait3A_69 = tpu.memref_slice %arg8[%arg0, %mul3A_62, %dma_wait3A] : memref<2x10240x128xf32, #tpu.memory_space<hbm>> -> memref<1x640x128xf32, #tpu.memory_space<hbm>>
      %dma_wait3A_70 = tpu.memref_squeeze %dma_wait3A_69 : memref<1x640x128xf32, #tpu.memory_space<hbm>> -> memref<640x128xf32, #tpu.memory_space<hbm>>
      %dma_wait3A_71 = arith.constant 0 : i32
      %dma_wait3A_72 = tpu.memref_slice %arg18[%mul3A_60, %dma_wait3A_71] : memref<10240x128xf32, #tpu.memory_space<vmem_shared>> -> memref<640x128xf32, #tpu.memory_space<vmem_shared>>
      tpu.wait_dma2 semaphore(%run_scoped3A : memref<!tpu.dma_semaphore, #tpu.memory_space<semaphore_mem>>) src(%dma_wait3A_72 : memref<640x128xf32, #tpu.memory_space<vmem_shared>>) dst(%dma_wait3A_70 : memref<640x128xf32, #tpu.memory_space<hbm>>)
      tpu.yield
    }) : () -> ()
    %mul3A_63 = arith.constant 640 : i32
    %mul3A_64 = arith.muli %mul3A_63, %arg1 : i32
    "tpu.region"() ({
      %run_scoped3A = tpu.sem_alloc : memref<!tpu.dma_semaphore, #tpu.memory_space<semaphore_mem>>
      %dma_start3A = arith.constant 0 : i32
      %dma_start3A_65 = tpu.memref_slice %arg9[%arg0, %arg1, %dma_start3A] : memref<2x16x640xf32, #tpu.memory_space<hbm>> -> memref<1x1x640xf32, #tpu.memory_space<hbm>>
      %dma_start3A_66 = tpu.memref_squeeze %dma_start3A_65 : memref<1x1x640xf32, #tpu.memory_space<hbm>> -> memref<640xf32, #tpu.memory_space<hbm>>
      %dma_start3A_67 = tpu.memref_slice %arg19[%mul3A_64] : memref<10240xf32, #tpu.memory_space<vmem_shared>> -> memref<640xf32, #tpu.memory_space<vmem_shared>>
      tpu.enqueue_dma source(%dma_start3A_67 : memref<640xf32, #tpu.memory_space<vmem_shared>>) target(%dma_start3A_66 : memref<640xf32, #tpu.memory_space<hbm>>) target_semaphore(%run_scoped3A : memref<!tpu.dma_semaphore, #tpu.memory_space<semaphore_mem>>)
      %dma_wait3A = arith.constant 0 : i32
      %dma_wait3A_68 = tpu.memref_slice %arg9[%arg0, %arg1, %dma_wait3A] : memref<2x16x640xf32, #tpu.memory_space<hbm>> -> memref<1x1x640xf32, #tpu.memory_space<hbm>>
      %dma_wait3A_69 = tpu.memref_squeeze %dma_wait3A_68 : memref<1x1x640xf32, #tpu.memory_space<hbm>> -> memref<640xf32, #tpu.memory_space<hbm>>
      %dma_wait3A_70 = tpu.memref_slice %arg19[%mul3A_64] : memref<10240xf32, #tpu.memory_space<vmem_shared>> -> memref<640xf32, #tpu.memory_space<vmem_shared>>
      tpu.wait_dma2 semaphore(%run_scoped3A : memref<!tpu.dma_semaphore, #tpu.memory_space<semaphore_mem>>) src(%dma_wait3A_70 : memref<640xf32, #tpu.memory_space<vmem_shared>>) dst(%dma_wait3A_69 : memref<640xf32, #tpu.memory_space<hbm>>)
      tpu.yield
    }) : () -> ()
    return
  }
}

module attributes {stable_mosaic.version = 14 : i64} {
  func.func @_tc1_body(%arg0: i32, %arg1: memref<1024x128xf32, #tpu.memory_space<vmem>>, %arg2: memref<128x128xf32, #tpu.memory_space<vmem>>, %arg3: memref<1x128xf32, #tpu.memory_space<vmem>>, %arg4: memref<1x128xf32, #tpu.memory_space<vmem>>, %arg5: memref<1024x128xf32, #tpu.memory_space<vmem>>, %arg6: memref<1024x1xf32, #tpu.memory_space<vmem>>, %arg7: memref<1024x1xf32, #tpu.memory_space<vmem>>, %arg8: memref<2x128xf32, #tpu.memory_space<vmem>>) attributes {dimension_semantics = [#tpu.dimension_semantics<arbitrary>], iteration_bounds = array<i64: 10>, scalar_prefetch = 0 : i64, scratch_operands = 0 : i64, tpu.core_type = #tpu.core_type<tc>, window_params = [{transform_indices = @transform_0, window_bounds = array<i64: 1024, 128>}, {pipeline_mode = #tpu.pipeline_mode<synchronous>, transform_indices = @transform_1, window_bounds = array<i64: 128, 128>}, {pipeline_mode = #tpu.pipeline_mode<synchronous>, transform_indices = @transform_2, window_bounds = array<i64: 1, 128>}, {pipeline_mode = #tpu.pipeline_mode<synchronous>, transform_indices = @transform_3, window_bounds = array<i64: 1, 128>}, {transform_indices = @transform_4, window_bounds = array<i64: 1024, 128>}, {transform_indices = @transform_5, window_bounds = array<i64: 1024, 1>}, {transform_indices = @transform_6, window_bounds = array<i64: 1024, 1>}, {pipeline_mode = #tpu.pipeline_mode<synchronous>, transform_indices = @transform_7, window_bounds = array<i64: 2, 128>}]} {
    %get3A = arith.constant 0 : index
    %get3A_0 = arith.constant 0 : index
    %get3A_1 = vector.load %arg1[%get3A, %get3A_0] : memref<1024x128xf32, #tpu.memory_space<vmem>>, vector<1024x128xf32>
    %get3A_2 = arith.constant 0 : index
    %get3A_3 = arith.constant 0 : index
    %get3A_4 = vector.load %arg2[%get3A_2, %get3A_3] : memref<128x128xf32, #tpu.memory_space<vmem>>, vector<128x128xf32>
    %dot_general3A = arith.constant dense<0.000000e+00> : vector<1024x128xf32>
    %dot_general3A_5 = tpu.matmul %get3A_1, %get3A_4, %dot_general3A {dimension_numbers = #tpu.dot_dimension_numbers<[1], [0], [0], [1], [0, 0, 1, 1], [], []>, transpose_lhs_hint = false} : vector<1024x128xf32>, vector<128x128xf32>, vector<1024x128xf32> -> vector<1024x128xf32>
    %swap3A = arith.constant 0 : index
    %swap3A_6 = arith.constant 0 : index
    %swap3A_7 = vector.load %arg5[%swap3A, %swap3A_6] : memref<1024x128xf32, #tpu.memory_space<vmem>>, vector<1024x128xf32>
    tpu.vector_store %arg5[%swap3A, %swap3A_6], %dot_general3A_5 {strides = array<i32>} : memref<1024x128xf32, #tpu.memory_space<vmem>>, vector<1024x128xf32>,
    %get3A_8 = arith.constant 0 : index
    %get3A_9 = arith.constant 0 : index
    %get3A_10 = vector.load %arg3[%get3A_8, %get3A_9] : memref<1x128xf32, #tpu.memory_space<vmem>>, vector<1x128xf32>
    %mul3A = vector.broadcast %get3A_10 : vector<1x128xf32> to vector<1024x128xf32>
    %mul3A_11 = arith.mulf %dot_general3A_5, %mul3A : vector<1024x128xf32>
    %reduce_sum3A = arith.constant dense<0.000000e+00> : vector<1024xf32>
    %reduce_sum3A_12 = vector.multi_reduction <add>, %mul3A_11, %reduce_sum3A [1] : vector<1024x128xf32> to vector<1024xf32>
    %broadcast_in_dim3A = vector.shape_cast %reduce_sum3A_12 : vector<1024xf32> to vector<1024x1xf32>
    %get3A_13 = arith.constant 0 : index
    %get3A_14 = arith.constant 0 : index
    %get3A_15 = vector.load %arg4[%get3A_13, %get3A_14] : memref<1x128xf32, #tpu.memory_space<vmem>>, vector<1x128xf32>
    %mul3A_16 = vector.broadcast %get3A_15 : vector<1x128xf32> to vector<1024x128xf32>
    %mul3A_17 = arith.mulf %dot_general3A_5, %mul3A_16 : vector<1024x128xf32>
    %reduce_sum3A_18 = arith.constant dense<0.000000e+00> : vector<1024xf32>
    %reduce_sum3A_19 = vector.multi_reduction <add>, %mul3A_17, %reduce_sum3A_18 [1] : vector<1024x128xf32> to vector<1024xf32>
    %broadcast_in_dim3A_20 = vector.shape_cast %reduce_sum3A_19 : vector<1024xf32> to vector<1024x1xf32>
    %swap3A_21 = arith.constant 0 : index
    %swap3A_22 = arith.constant 0 : index
    %swap3A_23 = vector.load %arg6[%swap3A_21, %swap3A_22] : memref<1024x1xf32, #tpu.memory_space<vmem>>, vector<1024x1xf32>
    tpu.vector_store %arg6[%swap3A_21, %swap3A_22], %broadcast_in_dim3A {strides = array<i32>} : memref<1024x1xf32, #tpu.memory_space<vmem>>, vector<1024x1xf32>,
    %swap3A_24 = arith.constant 0 : index
    %swap3A_25 = arith.constant 0 : index
    %swap3A_26 = vector.load %arg7[%swap3A_24, %swap3A_25] : memref<1024x1xf32, #tpu.memory_space<vmem>>, vector<1024x1xf32>
    tpu.vector_store %arg7[%swap3A_24, %swap3A_25], %broadcast_in_dim3A_20 {strides = array<i32>} : memref<1024x1xf32, #tpu.memory_space<vmem>>, vector<1024x1xf32>,
    %reduce_max3A = vector.shape_cast %broadcast_in_dim3A : vector<1024x1xf32> to vector<1x1024x1xf32>
    %reduce_max3A_27 = arith.constant dense<0xFF800000> : vector<1xf32>
    %reduce_max3A_28 = vector.multi_reduction <maximumf>, %reduce_max3A, %reduce_max3A_27 [1, 2] : vector<1x1024x1xf32> to vector<1xf32>
    %reduce_max3A_29 = vector.shape_cast %reduce_max3A_28 : vector<1xf32> to vector<1x1x1xf32>
    %reduce_max3A_30 = vector.extract %reduce_max3A_29[0, 0, 0] : f32 from vector<1x1x1xf32>
    %broadcast_in_dim3A_31 = vector.broadcast %reduce_max3A_30 : f32 to vector<1x128xf32>
    %reduce_max3A_32 = vector.shape_cast %broadcast_in_dim3A_20 : vector<1024x1xf32> to vector<1x1024x1xf32>
    %reduce_max3A_33 = arith.constant dense<0xFF800000> : vector<1xf32>
    %reduce_max3A_34 = vector.multi_reduction <maximumf>, %reduce_max3A_32, %reduce_max3A_33 [1, 2] : vector<1x1024x1xf32> to vector<1xf32>
    %reduce_max3A_35 = vector.shape_cast %reduce_max3A_34 : vector<1xf32> to vector<1x1x1xf32>
    %reduce_max3A_36 = vector.extract %reduce_max3A_35[0, 0, 0] : f32 from vector<1x1x1xf32>
    %broadcast_in_dim3A_37 = vector.broadcast %reduce_max3A_36 : f32 to vector<1x128xf32>
    %concatenate3A = tpu.concatenate %broadcast_in_dim3A_31, %broadcast_in_dim3A_37 in 0 : vector<1x128xf32>, vector<1x128xf32> -> vector<2x128xf32>
    %eq3A = arith.constant 0 : i32
    %eq3A_38 = arith.cmpi eq, %arg0, %eq3A : i32
    %convert_element_type3A = arith.extui %eq3A_38 : i1 to i32
    %cond3A = arith.constant 0 : i32
    %cond3A_39 = arith.cmpi ne, %convert_element_type3A, %cond3A : i32
    scf.if %cond3A_39 {
      %swap3A_44 = arith.constant 0 : index
      %swap3A_45 = arith.constant 0 : index
      %swap3A_46 = vector.load %arg8[%swap3A_44, %swap3A_45] : memref<2x128xf32, #tpu.memory_space<vmem>>, vector<2x128xf32>
      tpu.vector_store %arg8[%swap3A_44, %swap3A_45], %concatenate3A {strides = array<i32>} : memref<2x128xf32, #tpu.memory_space<vmem>>, vector<2x128xf32>,
    } else {
    }
    %ne3A = arith.constant 0 : i32
    %ne3A_40 = arith.cmpi ne, %arg0, %ne3A : i32
    %convert_element_type3A_41 = arith.extui %ne3A_40 : i1 to i32
    %cond3A_42 = arith.constant 0 : i32
    %cond3A_43 = arith.cmpi ne, %convert_element_type3A_41, %cond3A_42 : i32
    scf.if %cond3A_43 {
      %get3A_44 = arith.constant 0 : index
      %get3A_45 = arith.constant 0 : index
      %get3A_46 = vector.load %arg8[%get3A_44, %get3A_45] : memref<2x128xf32, #tpu.memory_space<vmem>>, vector<2x128xf32>
      %max3A = arith.maximumf %get3A_46, %concatenate3A : vector<2x128xf32>
      %swap3A_47 = arith.constant 0 : index
      %swap3A_48 = arith.constant 0 : index
      %swap3A_49 = vector.load %arg8[%swap3A_47, %swap3A_48] : memref<2x128xf32, #tpu.memory_space<vmem>>, vector<2x128xf32>
      tpu.vector_store %arg8[%swap3A_47, %swap3A_48], %max3A {strides = array<i32>} : memref<2x128xf32, #tpu.memory_space<vmem>>, vector<2x128xf32>,
    } else {
    }
    return
  }
  func.func @transform_0(%arg0: i32) -> (i32, i32) {
    %c0_i32 = arith.constant 0 : i32
    %c0_i32_0 = arith.constant 0 : i32
    return %arg0, %c0_i32 : i32, i32
  }
  func.func @transform_1(%arg0: i32) -> (i32, i32) {
    %c0_i32 = arith.constant 0 : i32
    %c0_i32_0 = arith.constant 0 : i32
    %c0_i32_1 = arith.constant 0 : i32
    return %c0_i32, %c0_i32_0 : i32, i32
  }
  func.func @transform_2(%arg0: i32) -> (i32, i32) {
    %c0_i32 = arith.constant 0 : i32
    %c0_i32_0 = arith.constant 0 : i32
    %c0_i32_1 = arith.constant 0 : i32
    return %c0_i32, %c0_i32_0 : i32, i32
  }
  func.func @transform_3(%arg0: i32) -> (i32, i32) {
    %c0_i32 = arith.constant 0 : i32
    %c0_i32_0 = arith.constant 0 : i32
    %c0_i32_1 = arith.constant 0 : i32
    return %c0_i32, %c0_i32_0 : i32, i32
  }
  func.func @transform_4(%arg0: i32) -> (i32, i32) {
    %c0_i32 = arith.constant 0 : i32
    %c0_i32_0 = arith.constant 0 : i32
    return %arg0, %c0_i32 : i32, i32
  }
  func.func @transform_5(%arg0: i32) -> (i32, i32) {
    %c0_i32 = arith.constant 0 : i32
    %c0_i32_0 = arith.constant 0 : i32
    return %arg0, %c0_i32 : i32, i32
  }
  func.func @transform_6(%arg0: i32) -> (i32, i32) {
    %c0_i32 = arith.constant 0 : i32
    %c0_i32_0 = arith.constant 0 : i32
    return %arg0, %c0_i32 : i32, i32
  }
  func.func @transform_7(%arg0: i32) -> (i32, i32) {
    %c0_i32 = arith.constant 0 : i32
    %c0_i32_0 = arith.constant 0 : i32
    %c0_i32_1 = arith.constant 0 : i32
    return %c0_i32, %c0_i32_0 : i32, i32
  }
}

module attributes {stable_mosaic.version = 14 : i64} {
  func.func @_tc2_body(%arg0: i32, %arg1: memref<1024x128xf32, #tpu.memory_space<vmem>>, %arg2: memref<1024x1xf32, #tpu.memory_space<vmem>>, %arg3: memref<1024x1xf32, #tpu.memory_space<vmem>>, %arg4: memref<2x128xf32, #tpu.memory_space<vmem>>, %arg5: memref<1024x128xf32, #tpu.memory_space<vmem>>, %arg6: memref<1024x128xf32, #tpu.memory_space<vmem>>, %arg7: memref<1024x2xf32, #tpu.memory_space<vmem>>, %arg8: memref<1x128xf32, #tpu.memory_space<vmem>>, %arg9: memref<128x128xf32, #tpu.memory_space<vmem>>, %arg10: memref<1024x128xf32, #tpu.memory_space<vmem>>, %arg11: memref<1024x128xf32, #tpu.memory_space<vmem>>) attributes {dimension_semantics = [#tpu.dimension_semantics<arbitrary>], iteration_bounds = array<i64: 10>, scalar_prefetch = 0 : i64, scratch_operands = 0 : i64, tpu.core_type = #tpu.core_type<tc>, window_params = [{transform_indices = @transform_0, window_bounds = array<i64: 1024, 128>}, {transform_indices = @transform_1, window_bounds = array<i64: 1024, 1>}, {transform_indices = @transform_2, window_bounds = array<i64: 1024, 1>}, {pipeline_mode = #tpu.pipeline_mode<synchronous>, transform_indices = @transform_3, window_bounds = array<i64: 2, 128>}, {transform_indices = @transform_4, window_bounds = array<i64: 1024, 128>}, {transform_indices = @transform_5, window_bounds = array<i64: 1024, 128>}, {transform_indices = @transform_6, window_bounds = array<i64: 1024, 2>}, {pipeline_mode = #tpu.pipeline_mode<synchronous>, transform_indices = @transform_7, window_bounds = array<i64: 1, 128>}, {pipeline_mode = #tpu.pipeline_mode<synchronous>, transform_indices = @transform_8, window_bounds = array<i64: 128, 128>}, {transform_indices = @transform_9, window_bounds = array<i64: 1024, 128>}, {transform_indices = @transform_10, window_bounds = array<i64: 1024, 128>}]} {
    %get3A = arith.constant 0 : index
    %get3A_0 = arith.constant 0 : index
    %get3A_1 = vector.load %arg4[%get3A, %get3A_0] : memref<2x128xf32, #tpu.memory_space<vmem>>, vector<1x1xf32>
    %get3A_2 = vector.extract %get3A_1[0, 0] : f32 from vector<1x1xf32>
    %get3A_3 = arith.constant 1 : index
    %get3A_4 = arith.constant 0 : index
    %get3A_5 = vector.load %arg4[%get3A_3, %get3A_4] : memref<2x128xf32, #tpu.memory_space<vmem>>, vector<1x1xf32>
    %get3A_6 = vector.extract %get3A_5[0, 0] : f32 from vector<1x1xf32>
    %add3A = arith.addf %get3A_2, %get3A_6 : f32
    %get3A_7 = arith.constant 0 : index
    %get3A_8 = arith.constant 0 : index
    %get3A_9 = vector.load %arg2[%get3A_7, %get3A_8] : memref<1024x1xf32, #tpu.memory_space<vmem>>, vector<1024x1xf32>
    %get3A_10 = arith.constant 0 : index
    %get3A_11 = arith.constant 0 : index
    %get3A_12 = vector.load %arg3[%get3A_10, %get3A_11] : memref<1024x1xf32, #tpu.memory_space<vmem>>, vector<1024x1xf32>
    %add3A_13 = arith.addf %get3A_9, %get3A_12 : vector<1024x1xf32>
    %mul3A = arith.constant 2.000000e-01 : f32
    %mul3A_14 = vector.broadcast %mul3A : f32 to vector<1024x1xf32>
    %mul3A_15 = arith.mulf %mul3A_14, %add3A_13 : vector<1024x1xf32>
    %max3A = arith.maximumf %add3A_13, %mul3A_15 : vector<1024x1xf32>
    %sub3A = vector.broadcast %add3A : f32 to vector<1024x1xf32>
    %sub3A_16 = arith.subf %max3A, %sub3A : vector<1024x1xf32>
    %exp3A = math.exp %sub3A_16 : vector<1024x1xf32>
    %get3A_17 = arith.constant 0 : index
    %get3A_18 = arith.constant 0 : index
    %get3A_19 = vector.load %arg7[%get3A_17, %get3A_18] : memref<1024x2xf32, #tpu.memory_space<vmem>>, vector<1024x1xf32>
    %get3A_20 = arith.constant 0 : index
    %get3A_21 = arith.constant 1 : index
    %get3A_22 = vector.load %arg7[%get3A_20, %get3A_21] : memref<1024x2xf32, #tpu.memory_space<vmem>>, vector<1024x1xf32>
    %add3A_23 = arith.addf %get3A_19, %get3A_22 : vector<1024x1xf32>
    %add3A_24 = arith.addf %add3A_23, %exp3A : vector<1024x1xf32>
    %get3A_25 = arith.constant 0 : index
    %get3A_26 = arith.constant 0 : index
    %get3A_27 = vector.load %arg5[%get3A_25, %get3A_26] : memref<1024x128xf32, #tpu.memory_space<vmem>>, vector<1024x128xf32>
    %get3A_28 = arith.constant 0 : index
    %get3A_29 = arith.constant 0 : index
    %get3A_30 = vector.load %arg6[%get3A_28, %get3A_29] : memref<1024x128xf32, #tpu.memory_space<vmem>>, vector<1024x128xf32>
    %add3A_31 = arith.addf %get3A_27, %get3A_30 : vector<1024x128xf32>
    %get3A_32 = arith.constant 0 : index
    %get3A_33 = arith.constant 0 : index
    %get3A_34 = vector.load %arg1[%get3A_32, %get3A_33] : memref<1024x128xf32, #tpu.memory_space<vmem>>, vector<1024x128xf32>
    %mul3A_35 = vector.broadcast %exp3A : vector<1024x1xf32> to vector<1024x128xf32>
    %mul3A_36 = arith.mulf %mul3A_35, %get3A_34 : vector<1024x128xf32>
    %add3A_37 = arith.addf %add3A_31, %mul3A_36 : vector<1024x128xf32>
    %div3A = vector.broadcast %add3A_24 : vector<1024x1xf32> to vector<1024x128xf32>
    %div3A_38 = arith.divf %add3A_37, %div3A : vector<1024x128xf32>
    %get3A_39 = arith.constant 0 : index
    %get3A_40 = arith.constant 0 : index
    %get3A_41 = vector.load %arg8[%get3A_39, %get3A_40] : memref<1x128xf32, #tpu.memory_space<vmem>>, vector<1x128xf32>
    %add3A_42 = vector.broadcast %get3A_41 : vector<1x128xf32> to vector<1024x128xf32>
    %add3A_43 = arith.addf %div3A_38, %add3A_42 : vector<1024x128xf32>
    %max3A_44 = arith.constant 0.000000e+00 : f32
    %max3A_45 = vector.broadcast %max3A_44 : f32 to vector<1024x128xf32>
    %max3A_46 = arith.maximumf %add3A_43, %max3A_45 : vector<1024x128xf32>
    %iota3A = tpu.iota {dimensions = array<i32: 0>} : vector<1024x1xi32>
    %mul3A_47 = arith.constant 1024 : i32
    %mul3A_48 = arith.muli %arg0, %mul3A_47 : i32
    %add3A_49 = vector.broadcast %mul3A_48 : i32 to vector<1024x1xi32>
    %add3A_50 = arith.addi %iota3A, %add3A_49 : vector<1024x1xi32>
    %lt3A = arith.constant 10000 : i32
    %lt3A_51 = vector.broadcast %lt3A : i32 to vector<1024x1xi32>
    %lt3A_52 = arith.cmpi slt, %add3A_50, %lt3A_51 : vector<1024x1xi32>
    %jit3A = arith.constant 0.000000e+00 : f32
    %broadcast_in_dim3A = vector.shape_cast %lt3A_52 : vector<1024x1xi1> to vector<1024x1xi1>
    %broadcast_in_dim3A_53 = vector.broadcast %broadcast_in_dim3A : vector<1024x1xi1> to vector<1024x128xi1>
    %broadcast_in_dim3A_54 = vector.broadcast %jit3A : f32 to vector<1024x128xf32>
    %select_n3A = arith.select %broadcast_in_dim3A_53, %max3A_46, %broadcast_in_dim3A_54 : vector<1024x128xi1>, vector<1024x128xf32>
    %swap3A = arith.constant 0 : index
    %swap3A_55 = arith.constant 0 : index
    %swap3A_56 = vector.load %arg10[%swap3A, %swap3A_55] : memref<1024x128xf32, #tpu.memory_space<vmem>>, vector<1024x128xf32>
    tpu.vector_store %arg10[%swap3A, %swap3A_55], %select_n3A {strides = array<i32>} : memref<1024x128xf32, #tpu.memory_space<vmem>>, vector<1024x128xf32>,
    %get3A_57 = arith.constant 0 : index
    %get3A_58 = arith.constant 0 : index
    %get3A_59 = vector.load %arg9[%get3A_57, %get3A_58] : memref<128x128xf32, #tpu.memory_space<vmem>>, vector<128x128xf32>
    %dot_general3A = arith.constant dense<0.000000e+00> : vector<1024x128xf32>
    %dot_general3A_60 = tpu.matmul %select_n3A, %get3A_59, %dot_general3A {dimension_numbers = #tpu.dot_dimension_numbers<[1], [0], [0], [1], [0, 0, 1, 1], [], []>, transpose_lhs_hint = false} : vector<1024x128xf32>, vector<128x128xf32>, vector<1024x128xf32> -> vector<1024x128xf32>
    %swap3A_61 = arith.constant 0 : index
    %swap3A_62 = arith.constant 0 : index
    %swap3A_63 = vector.load %arg11[%swap3A_61, %swap3A_62] : memref<1024x128xf32, #tpu.memory_space<vmem>>, vector<1024x128xf32>
    tpu.vector_store %arg11[%swap3A_61, %swap3A_62], %dot_general3A_60 {strides = array<i32>} : memref<1024x128xf32, #tpu.memory_space<vmem>>, vector<1024x128xf32>,
    return
  }
  func.func @transform_0(%arg0: i32) -> (i32, i32) {
    %c0_i32 = arith.constant 0 : i32
    %c0_i32_0 = arith.constant 0 : i32
    return %arg0, %c0_i32 : i32, i32
  }
  func.func @transform_1(%arg0: i32) -> (i32, i32) {
    %c0_i32 = arith.constant 0 : i32
    %c0_i32_0 = arith.constant 0 : i32
    return %arg0, %c0_i32 : i32, i32
  }
  func.func @transform_2(%arg0: i32) -> (i32, i32) {
    %c0_i32 = arith.constant 0 : i32
    %c0_i32_0 = arith.constant 0 : i32
    return %arg0, %c0_i32 : i32, i32
  }
  func.func @transform_3(%arg0: i32) -> (i32, i32) {
    %c0_i32 = arith.constant 0 : i32
    %c0_i32_0 = arith.constant 0 : i32
    %c0_i32_1 = arith.constant 0 : i32
    return %c0_i32, %c0_i32_0 : i32, i32
  }
  func.func @transform_4(%arg0: i32) -> (i32, i32) {
    %c0_i32 = arith.constant 0 : i32
    %c0_i32_0 = arith.constant 0 : i32
    return %arg0, %c0_i32 : i32, i32
  }
  func.func @transform_5(%arg0: i32) -> (i32, i32) {
    %c0_i32 = arith.constant 0 : i32
    %c0_i32_0 = arith.constant 0 : i32
    return %arg0, %c0_i32 : i32, i32
  }
  func.func @transform_6(%arg0: i32) -> (i32, i32) {
    %c0_i32 = arith.constant 0 : i32
    %c0_i32_0 = arith.constant 0 : i32
    return %arg0, %c0_i32 : i32, i32
  }
  func.func @transform_7(%arg0: i32) -> (i32, i32) {
    %c0_i32 = arith.constant 0 : i32
    %c0_i32_0 = arith.constant 0 : i32
    %c0_i32_1 = arith.constant 0 : i32
    return %c0_i32, %c0_i32_0 : i32, i32
  }
  func.func @transform_8(%arg0: i32) -> (i32, i32) {
    %c0_i32 = arith.constant 0 : i32
    %c0_i32_0 = arith.constant 0 : i32
    %c0_i32_1 = arith.constant 0 : i32
    return %c0_i32, %c0_i32_0 : i32, i32
  }
  func.func @transform_9(%arg0: i32) -> (i32, i32) {
    %c0_i32 = arith.constant 0 : i32
    %c0_i32_0 = arith.constant 0 : i32
    return %arg0, %c0_i32 : i32, i32
  }
  func.func @transform_10(%arg0: i32) -> (i32, i32) {
    %c0_i32 = arith.constant 0 : i32
    %c0_i32_0 = arith.constant 0 : i32
    return %arg0, %c0_i32 : i32, i32
  }
}

module attributes {stable_mosaic.version = 14 : i64} {
  func.func @_tc3_body(%arg0: i32, %arg1: memref<1024x128xf32, #tpu.memory_space<vmem>>, %arg2: memref<1024x128xf32, #tpu.memory_space<vmem>>, %arg3: memref<1024x128xf32, #tpu.memory_space<vmem>>, %arg4: memref<128x128xf32, #tpu.memory_space<vmem>>, %arg5: memref<1x128xf32, #tpu.memory_space<vmem>>, %arg6: memref<128x128xf32, #tpu.memory_space<vmem>>, %arg7: memref<1x128xf32, #tpu.memory_space<vmem>>, %arg8: memref<128x128xf32, #tpu.memory_space<vmem>>, %arg9: memref<1x128xf32, #tpu.memory_space<vmem>>, %arg10: memref<1024x128xf32, #tpu.memory_space<vmem>>) attributes {dimension_semantics = [#tpu.dimension_semantics<arbitrary>], iteration_bounds = array<i64: 10>, scalar_prefetch = 0 : i64, scratch_operands = 0 : i64, tpu.core_type = #tpu.core_type<tc>, window_params = [{transform_indices = @transform_0, window_bounds = array<i64: 1024, 128>}, {transform_indices = @transform_1, window_bounds = array<i64: 1024, 128>}, {transform_indices = @transform_2, window_bounds = array<i64: 1024, 128>}, {pipeline_mode = #tpu.pipeline_mode<synchronous>, transform_indices = @transform_3, window_bounds = array<i64: 128, 128>}, {pipeline_mode = #tpu.pipeline_mode<synchronous>, transform_indices = @transform_4, window_bounds = array<i64: 1, 128>}, {pipeline_mode = #tpu.pipeline_mode<synchronous>, transform_indices = @transform_5, window_bounds = array<i64: 128, 128>}, {pipeline_mode = #tpu.pipeline_mode<synchronous>, transform_indices = @transform_6, window_bounds = array<i64: 1, 128>}, {pipeline_mode = #tpu.pipeline_mode<synchronous>, transform_indices = @transform_7, window_bounds = array<i64: 128, 128>}, {pipeline_mode = #tpu.pipeline_mode<synchronous>, transform_indices = @transform_8, window_bounds = array<i64: 1, 128>}, {transform_indices = @transform_9, window_bounds = array<i64: 1024, 128>}]} {
    %get3A = arith.constant 0 : index
    %get3A_0 = arith.constant 0 : index
    %get3A_1 = vector.load %arg1[%get3A, %get3A_0] : memref<1024x128xf32, #tpu.memory_space<vmem>>, vector<1024x128xf32>
    %get3A_2 = arith.constant 0 : index
    %get3A_3 = arith.constant 0 : index
    %get3A_4 = vector.load %arg2[%get3A_2, %get3A_3] : memref<1024x128xf32, #tpu.memory_space<vmem>>, vector<1024x128xf32>
    %add3A = arith.addf %get3A_1, %get3A_4 : vector<1024x128xf32>
    %get3A_5 = arith.constant 0 : index
    %get3A_6 = arith.constant 0 : index
    %get3A_7 = vector.load %arg4[%get3A_5, %get3A_6] : memref<128x128xf32, #tpu.memory_space<vmem>>, vector<128x128xf32>
    %dot_general3A = arith.constant dense<0.000000e+00> : vector<1024x128xf32>
    %dot_general3A_8 = tpu.matmul %add3A, %get3A_7, %dot_general3A {dimension_numbers = #tpu.dot_dimension_numbers<[1], [0], [0], [1], [0, 0, 1, 1], [], []>, transpose_lhs_hint = false} : vector<1024x128xf32>, vector<128x128xf32>, vector<1024x128xf32> -> vector<1024x128xf32>
    %get3A_9 = arith.constant 0 : index
    %get3A_10 = arith.constant 0 : index
    %get3A_11 = vector.load %arg3[%get3A_9, %get3A_10] : memref<1024x128xf32, #tpu.memory_space<vmem>>, vector<1024x128xf32>
    %add3A_12 = arith.addf %dot_general3A_8, %get3A_11 : vector<1024x128xf32>
    %get3A_13 = arith.constant 0 : index
    %get3A_14 = arith.constant 0 : index
    %get3A_15 = vector.load %arg5[%get3A_13, %get3A_14] : memref<1x128xf32, #tpu.memory_space<vmem>>, vector<1x128xf32>
    %add3A_16 = vector.broadcast %get3A_15 : vector<1x128xf32> to vector<1024x128xf32>
    %add3A_17 = arith.addf %add3A_12, %add3A_16 : vector<1024x128xf32>
    %max3A = arith.constant 0.000000e+00 : f32
    %max3A_18 = vector.broadcast %max3A : f32 to vector<1024x128xf32>
    %max3A_19 = arith.maximumf %add3A_17, %max3A_18 : vector<1024x128xf32>
    %get3A_20 = arith.constant 0 : index
    %get3A_21 = arith.constant 0 : index
    %get3A_22 = vector.load %arg6[%get3A_20, %get3A_21] : memref<128x128xf32, #tpu.memory_space<vmem>>, vector<128x128xf32>
    %dot_general3A_23 = arith.constant dense<0.000000e+00> : vector<1024x128xf32>
    %dot_general3A_24 = tpu.matmul %max3A_19, %get3A_22, %dot_general3A_23 {dimension_numbers = #tpu.dot_dimension_numbers<[1], [0], [0], [1], [0, 0, 1, 1], [], []>, transpose_lhs_hint = false} : vector<1024x128xf32>, vector<128x128xf32>, vector<1024x128xf32> -> vector<1024x128xf32>
    %get3A_25 = arith.constant 0 : index
    %get3A_26 = arith.constant 0 : index
    %get3A_27 = vector.load %arg7[%get3A_25, %get3A_26] : memref<1x128xf32, #tpu.memory_space<vmem>>, vector<1x128xf32>
    %add3A_28 = vector.broadcast %get3A_27 : vector<1x128xf32> to vector<1024x128xf32>
    %add3A_29 = arith.addf %dot_general3A_24, %add3A_28 : vector<1024x128xf32>
    %max3A_30 = arith.constant 0.000000e+00 : f32
    %max3A_31 = vector.broadcast %max3A_30 : f32 to vector<1024x128xf32>
    %max3A_32 = arith.maximumf %add3A_29, %max3A_31 : vector<1024x128xf32>
    %get3A_33 = arith.constant 0 : index
    %get3A_34 = arith.constant 0 : index
    %get3A_35 = vector.load %arg8[%get3A_33, %get3A_34] : memref<128x128xf32, #tpu.memory_space<vmem>>, vector<128x128xf32>
    %dot_general3A_36 = arith.constant dense<0.000000e+00> : vector<1024x128xf32>
    %dot_general3A_37 = tpu.matmul %max3A_32, %get3A_35, %dot_general3A_36 {dimension_numbers = #tpu.dot_dimension_numbers<[1], [0], [0], [1], [0, 0, 1, 1], [], []>, transpose_lhs_hint = false} : vector<1024x128xf32>, vector<128x128xf32>, vector<1024x128xf32> -> vector<1024x128xf32>
    %get3A_38 = arith.constant 0 : index
    %get3A_39 = arith.constant 0 : index
    %get3A_40 = vector.load %arg9[%get3A_38, %get3A_39] : memref<1x128xf32, #tpu.memory_space<vmem>>, vector<1x128xf32>
    %add3A_41 = vector.broadcast %get3A_40 : vector<1x128xf32> to vector<1024x128xf32>
    %add3A_42 = arith.addf %dot_general3A_37, %add3A_41 : vector<1024x128xf32>
    %swap3A = arith.constant 0 : index
    %swap3A_43 = arith.constant 0 : index
    %swap3A_44 = vector.load %arg10[%swap3A, %swap3A_43] : memref<1024x128xf32, #tpu.memory_space<vmem>>, vector<1024x128xf32>
    tpu.vector_store %arg10[%swap3A, %swap3A_43], %add3A_42 {strides = array<i32>} : memref<1024x128xf32, #tpu.memory_space<vmem>>, vector<1024x128xf32>,
    return
  }
  func.func @transform_0(%arg0: i32) -> (i32, i32) {
    %c0_i32 = arith.constant 0 : i32
    %c0_i32_0 = arith.constant 0 : i32
    return %arg0, %c0_i32 : i32, i32
  }
  func.func @transform_1(%arg0: i32) -> (i32, i32) {
    %c0_i32 = arith.constant 0 : i32
    %c0_i32_0 = arith.constant 0 : i32
    return %arg0, %c0_i32 : i32, i32
  }
  func.func @transform_2(%arg0: i32) -> (i32, i32) {
    %c0_i32 = arith.constant 0 : i32
    %c0_i32_0 = arith.constant 0 : i32
    return %arg0, %c0_i32 : i32, i32
  }
  func.func @transform_3(%arg0: i32) -> (i32, i32) {
    %c0_i32 = arith.constant 0 : i32
    %c0_i32_0 = arith.constant 0 : i32
    %c0_i32_1 = arith.constant 0 : i32
    return %c0_i32, %c0_i32_0 : i32, i32
  }
  func.func @transform_4(%arg0: i32) -> (i32, i32) {
    %c0_i32 = arith.constant 0 : i32
    %c0_i32_0 = arith.constant 0 : i32
    %c0_i32_1 = arith.constant 0 : i32
    return %c0_i32, %c0_i32_0 : i32, i32
  }
  func.func @transform_5(%arg0: i32) -> (i32, i32) {
    %c0_i32 = arith.constant 0 : i32
    %c0_i32_0 = arith.constant 0 : i32
    %c0_i32_1 = arith.constant 0 : i32
    return %c0_i32, %c0_i32_0 : i32, i32
  }
  func.func @transform_6(%arg0: i32) -> (i32, i32) {
    %c0_i32 = arith.constant 0 : i32
    %c0_i32_0 = arith.constant 0 : i32
    %c0_i32_1 = arith.constant 0 : i32
    return %c0_i32, %c0_i32_0 : i32, i32
  }
  func.func @transform_7(%arg0: i32) -> (i32, i32) {
    %c0_i32 = arith.constant 0 : i32
    %c0_i32_0 = arith.constant 0 : i32
    %c0_i32_1 = arith.constant 0 : i32
    return %c0_i32, %c0_i32_0 : i32, i32
  }
  func.func @transform_8(%arg0: i32) -> (i32, i32) {
    %c0_i32 = arith.constant 0 : i32
    %c0_i32_0 = arith.constant 0 : i32
    %c0_i32_1 = arith.constant 0 : i32
    return %c0_i32, %c0_i32_0 : i32, i32
  }
  func.func @transform_9(%arg0: i32) -> (i32, i32) {
    %c0_i32 = arith.constant 0 : i32
    %c0_i32_0 = arith.constant 0 : i32
    return %arg0, %c0_i32 : i32, i32
  }
}

</mosaic_0001>

<sc_bundles>
// kernel: kernel.10.cloned.1.call-start
scs
__scs_entry_jumppad:
0x0: {  	(pc) =	sbr.rel $0x88, $3  }
0x1: {  	(tag) =	ssettag $0x0;
	lr =	simm.s32 $0x1  }
0x2: {  	[smem:$0x3F94] =	sst lr;
	_ =	strace $0xD0000000  }
0x3: {  	_ = 	snop  }
0x4: {  	_ = 	snop  }
0x5: {  	_ = 	snop  }
0x6: {  	_ = 	snop  }
0x7: {  	_ = 	snop  }
__scs_overlays_trampoline_lowered:
0x8: {  	[smem:$0x3FA3] =	sst s0  }
0x9: {  	[smem:$0x3FA4] =	sst s1  }
0xa: {  	[smem:$0x3FA5] =	sst s2  }
0xb: {  	[smem:$0x3FA6] =	sst s3  }
0xc: {  	[smem:$0x3FA7] =	sst s4  }
0xd: {  	[smem:$0x3FA8] =	sst s5  }
0xe: {  	[smem:$0x3FA9] =	sst s6  }
0xf: {  	[smem:$0x3FAA] =	sst s7  }
0x10: {  	[smem:$0x3FAB] =	sst s8  }
0x11: {  	[smem:$0x3FAC] =	sst s9;
	s0 =	simm.s32 @!p0 $0x0  }
0x12: {  	s1 =	sld [smem:$0x3F92];
	s0 =	simm.s32 @p0 $0x1  }
0x13: {  	[smem:$0x3FAD] =	sst s0;
	s0 =	simm.s32 @!p1 $0x0  }
0x14: {  	s2 =	sld [smem:$0x3F91];
	s0 =	simm.s32 @p1 $0x1  }
0x15: {  	[smem:$0x3FAE] =	sst s0;
	s0 =	simm.s32 @!p2 $0x0  }
0x16: {  	s3 =	sld [smem:$0x3FDB];
	s0 =	simm.s32 @p2 $0x1  }
0x17: {  	s4 =	simm.s32 $0x1BF5;
	[smem:$0x3FB0] =	sst s0  }
0x18: {  	s0 =	sld [smem:$0x3F93];
	_ =	swait.ge [sflag:s4], $0x0  }
0x19: {  	s7 =	sld [smem:$0x3F94]  }
0x1a: {  	s8 =	sadd.s32 $0xFFFFE003, lr  }
0x1b: {  	s9 =	sadd.s32 $0xFFFFFEF7, lr;
	s5 =	simm.s32 $0xFFFFFFFF;
	p2 =	slt.u32 s8, $0xFFFFF086  }
0x1c: {  	p1 =	slt.u32 s9, $0xF7A;
	s5 =	simm.s32 @!p2 $0x0  }
0x1d: {  	s5 =	simm.s32 @p1 $0x1;
	p0 =	seq.s32 s7, s2  }
0x1e: {  	s7 =	smul.u32 @!p0 $0xF7A, s2;
	p2 =	seq.s32 @!p0 s5, $0x0  }
0x1f: {  	s9 =	smul.u32 $0xF7A, s1;
	s8 =	simm.s32 @!p0 $0x1BF5;
	p2 =	por !p2, p0  }
0x20: {  	[sflag:s8] =	ssyncset.s32 @!p0 $0xFFFFF086;
	s6 =	sadd.s32 @!p0 s3, s7;
	s7 =	simm.s32 @!p0 $0x108  }
0x21: {  	s3 =	sadd.s32 s3, s9;
	s6 =	sadd.s32 @!p0 $0x88, s6;
	s7 =	simm.s32 @p2 $0x1082  }
0x22: {  	[simem:s7], [sflag:s8] =	dma.local @!p0 [hbm:s6], $0xF7A  }
0x23: {  	s9 =	sor.u32 $0xD0000000, s2;
	s6 =	simm.s32 $0x108;
	_ =	swait.ge @!p0 [sflag:s8], $0x0  }
0x24: {  	s3 =	sadd.s32 $0x88, s3;
	s6 =	simm.s32 @!p1 $0x1082;
	[sflag:s4] =	ssyncset.s32 $0xFFFFF086  }
0x25: {  	[simem:s6], [sflag:s4] =	dma.local [hbm:s3], $0xF7A  }
0x26: {  	[smem:$0x3F94] =	sst s1;
	(tag) =	ssettag s2;
	_ =	strace s9  }
0x27: {  	s1 =	sld [smem:$0x3FA4]  }
0x28: {  	s2 =	sld [smem:$0x3FA5]  }
0x29: {  	s4 =	sld [smem:$0x3FA7]  }
0x2a: {  	p0 =	seq.s32 s5, $0x0;
	s5 =	sld [smem:$0x3FA8]  }
0x2b: {  	s6 =	sld [smem:$0x3FA9]  }
0x2c: {  	s7 =	sld [smem:$0x3FAA]  }
0x2d: {  	s3 =	simm.s32 $0x108;
	s8 =	sld [smem:$0x3FAB]  }
0x2e: {  	s3 =	simm.s32 @!p0 $0x1082;
	s9 =	sld [smem:$0x3FAC]  }
0x2f: {  	lr =	sadd.s32 s0, s3;
	s0 =	sld [smem:$0x3FA3]  }
0x30: {  	s3 =	sld [smem:$0x3FA6]  }
0x31: {  	[smem:$0x3FAF] =	sst s10  }
0x32: {  	s10 =	sld [smem:$0x3FAD];
	_ =	sdelay $0x3  }
0x33: {  	p0 =	seq.s32 s10, $0x1;
	s10 =	sld [smem:$0x3FAF];
	_ =	sdelay $0x3  }
0x34: {  	[smem:$0x3FAF] =	sst s10  }
0x35: {  	s10 =	sld [smem:$0x3FAE];
	_ =	sdelay $0x3  }
0x36: {  	p1 =	seq.s32 s10, $0x1;
	s10 =	sld [smem:$0x3FAF];
	_ =	sdelay $0x3  }
0x37: {  	[smem:$0x3FAF] =	sst s10  }
0x38: {  	s10 =	sld [smem:$0x3FB0]  }
0x39: {  	_ = 	snop;
	(pc) =	sbr.ind lr, $3  }
0x3a: {  	_ = 	snop  }
0x3b: {  	_ = 	snop  }
0x3c: {  	p2 =	seq.s32 s10, $0x1;
	s10 =	sld [smem:$0x3FAF]  }
0x3d: {  	_ =	shalt  }
0x3e: {  	_ =	shalt  }
0x3f: {  	_ =	shalt  }
0x40: {  	_ =	shalt  }
0x41: {  	_ =	shalt  }
0x42: {  	_ =	shalt  }
0x43: {  	_ =	shalt  }
0x44: {  	_ =	shalt  }
0x45: {  	_ =	shalt  }
0x46: {  	_ =	shalt  }
0x47: {  	_ =	shalt  }
0x48: {  	_ =	shalt  }
0x49: {  	_ =	shalt  }
0x4a: {  	_ =	shalt  }
0x4b: {  	_ =	shalt  }
0x4c: {  	_ =	shalt  }
0x4d: {  	_ =	shalt  }
0x4e: {  	_ =	shalt  }
0x4f: {  	_ =	shalt  }
0x50: {  	_ =	shalt  }
0x51: {  	_ =	shalt  }
0x52: {  	_ =	shalt  }
0x53: {  	_ =	shalt  }
0x54: {  	_ =	shalt  }
0x55: {  	_ =	shalt  }
0x56: {  	_ =	shalt  }
0x57: {  	_ =	shalt  }
0x58: {  	_ =	shalt  }
0x59: {  	_ =	shalt  }
0x5a: {  	_ =	shalt  }
0x5b: {  	_ =	shalt  }
0x5c: {  	_ =	shalt  }
0x5d: {  	_ =	shalt  }
0x5e: {  	_ =	shalt  }
0x5f: {  	_ =	shalt  }
0x60: {  	_ =	shalt  }
0x61: {  	_ =	shalt  }
0x62: {  	_ =	shalt  }
0x63: {  	_ =	shalt  }
0x64: {  	_ =	shalt  }
0x65: {  	_ =	shalt  }
0x66: {  	_ =	shalt  }
0x67: {  	_ =	shalt  }
0x68: {  	_ =	shalt  }
0x69: {  	_ =	shalt  }
0x6a: {  	_ =	shalt  }
0x6b: {  	_ =	shalt  }
0x6c: {  	_ =	shalt  }
0x6d: {  	_ =	shalt  }
0x6e: {  	_ =	shalt  }
0x6f: {  	_ =	shalt  }
0x70: {  	_ =	shalt  }
0x71: {  	_ =	shalt  }
0x72: {  	_ =	shalt  }
0x73: {  	_ =	shalt  }
0x74: {  	_ =	shalt  }
0x75: {  	_ =	shalt  }
0x76: {  	_ =	shalt  }
0x77: {  	_ =	shalt  }
0x78: {  	_ =	shalt  }
0x79: {  	_ =	shalt  }
0x7a: {  	_ =	shalt  }
0x7b: {  	_ =	shalt  }
0x7c: {  	_ =	shalt  }
0x7d: {  	_ =	shalt  }
0x7e: {  	_ =	shalt  }
0x7f: {  	_ =	shalt  }
0x80: {  	_ =	shalt  }
0x81: {  	_ =	shalt  }
0x82: {  	_ =	shalt  }
0x83: {  	_ =	shalt  }
0x84: {  	_ =	shalt  }
0x85: {  	_ =	shalt  }
0x86: {  	_ =	shalt  }
0x87: {  	_ =	shalt  }
.Lfunc_end0:
.L_simem_size_0:
called_computation.1_lowered:
.L_overlay_start_0:
0x88: {  	s2 =	sld [smem:$0x3FD9]  }
0x89: {  	s3 =	sld [smem:$0x3FFE];
	_ =	sdelay $0x1  }
0x8a: {  	s1 =	srdreg.scid  }
0x8b: {  	s0 =	sand.u32 $0x1, s1  }
0x8c: {  	s17 =	sshll.u32 s0, $0xA;
	s2 =	sadd.s32 s3, s2  }
0x8d: {  	s2 =	sadd.s32 s2, s17  }
0x8e: {  	[smem:$0x3FBB] =	sst s2  }
0x8f: {  	_ = 	snop  }
0x90: {  	s2 =	sld [smem:$0x3FD0];
	(tm) =	ssettm $0x1  }
0x91: {  	s18 =	sld [smem:$0x3FFB];
	_ =	sdelay $0x3  }
0x92: {  	_ =	strace s18  }
0x93: {  	s3 =	sld [smem:$0x3FFC];
	_ =	sdelay $0x3  }
0x94: {  	_ =	strace s3  }
0x95: {  	s3 =	sld [smem:$0x3FFD];
	_ =	sdelay $0x3  }
0x96: {  	_ =	strace s3  }
0x97: {  	_ =	strace $0x8FFFFFFF  }
0x98: {  	s19 =	sld [smem:$0x3FDB];
	_ =	sdelay $0x1  }
0x99: {  	s4 =	simm.s32 $_scs_section_size  }
0x9a: {  	s5 =	simm.s32 $_size__tile_overlayer_lowered;
	s6 =	simm.s32 $_tile_overlayer_lowered  }
0x9b: {  	s22 =	simm.s32 $0x1BFF;
	s21 =	sshll.u32 s6, $0x1;
	s3 =	sadd.s32 s4, s19  }
0x9c: {  	s7 =	simm.s32 $0x0;
	s20 =	sshll.u32 s5, $0x1;
	s5 =	sadd.s32 s21, s3  }
0x9d: {  	[timem:s7], [sflag:s22] =	dma.local [hbm:s5], s20  }
0x9e: {  	_ =	swait.ge [sflag:s22], s20  }
0x9f: {  	s4 =	ssub.s32 $0x0, s20;
	[sflag:s22] =	ssyncset.done $0x0  }
0xa0: {  	[sflag:s22] =	ssyncadd.s32 s4;
	_ =	sdelay $0x1  }
0xa1: {  	s23 =	simm.s32 $0x1B8B  }
0xa2: {  	_ =	swait.ge [sflag:s23], $0x1  }
0xa3: {  	[sflag:s23] =	ssyncset.done $0x0  }
0xa4: {  	s25 =	simm.s32 $0x1B8E;
	s24 =	sld [smem:$0x3FFE];
	[sflag:s23] =	ssyncadd.s32 $0xFFFFFFFF  }
0xa5: {  	s26 =	simm.s32 $execute0_lowered;
	[smem:$0x3FD2] =	sst s25  }
0xa6: {  	s5 =	sshll.u32 s26, $0x1;
	_ =	strace $0x80000049;
	[dreg:$0x1] =	wrdreg $0xFFFFFFFF  }
0xa7: {  	s28 =	simm.s32 $_size_execute0_lowered;
	s3 =	sadd.s32 s3, s5;
	[dreg:$0x0] =	wrdreg $0x0  }
0xa8: {  	s5 =	sshll.u32 s28, $0x1;
	[dreg:$0x2] =	wrdreg s3  }
0xa9: {  	[dreg:$0x3] =	wrdreg s5  }
0xaa: {  	[dreg:$0x4] =	wrdreg $0xC0  }
0xab: {  	_ =	task [dreg:s7], $0x5FFFF  }
0xac: {  	[dreg:$0x1] =	wrdreg $0xFFFFFFFF  }
0xad: {  	[dreg:$0x0] =	wrdreg $0x60  }
0xae: {  	[dreg:$0x2] =	wrdreg s2  }
0xaf: {  	[dreg:$0x3] =	wrdreg s24  }
0xb0: {  	[dreg:$0x4] =	wrdreg $0x41000  }
0xb1: {  	[dreg:$0x5] =	wrdreg $0x9  }
0xb2: {  	_ =	task.clear_ibuf [dreg:s7], $0x6FFFF;
	_ =	strace $0x90000049  }
0xb3: {  	s29 =	simm.s32 $0x9;
	_ =	strace $0x8000004B  }
0xb4: {  	_ =	swait.ge [sflag:s29], $0x1  }
0xb5: {  	[sflag:s29] =	ssyncadd.s32 $0xFFFFFFFF  }
0xb6: {  	_ =	strace $0x9000004B  }
0xb7: {  	_ =	sfence  }
0xb8: {  	s30 =	sld [smem:$0x0];
	_ =	sdelay $0x2  }
0xb9: {  	s31 =	sshll.u32 s1, $0xD;
	s1 =	sshrl.u32 s1, $0x2  }
0xba: {  	s3 =	sand.u32 $0x4000, s31;
	s1 =	sadd.s32 s1, s30  }
0xbb: {  	s0 =	sor.u32 s3, s0;
	s1 =	sshll.u32 s1, $0x11  }
0xbc: {  	s0 =	sor.u32 s1, s0  }
0xbd: {  	s0 =	sadd.s32 $0x8F2B, s0  }
0xbe: {  	[sflag:s0] =	ssyncadd.remote.s32 $0x1  }
0xbf: {  	_ =	sfence.sel $0xFFFF  }
0xc0: {  	[dreg:$0x0] =	wrdreg $0xFFFFFFFF;
	(pc) =	sbr.abs _section_cstart, $3  }
0xc1: {  	[dreg:$0x1] =	wrdreg $0xFFFFFFFF  }
0xc2: {  	_ =	task.clear_ibuf [dreg:s7], $0x2FFFF;
	_ =	strace $0x9FFFFFFF  }
0xc3: {  	(tm) =	ssettm $0x7FFFFFFF  }
tec
execute0_lowered:
.L_overlay_start_1:
0x0: {  	(tag) =	ssettag $0x1  }
0x1: {  	s14 =	rddreg [dreg:$0x0]  }
0x2: {  	s5 =	rddreg [dreg:$0x1]  }
0x3: {  	s2 =	rddreg [dreg:$0x2]  }
0x4: {  	s0 =	rddreg [dreg:$0x3];
	s1 =	stileid.u32  }
0x5: {  	s4 =	srdreg.scid;
	s3 =	simm.s32 $0x0;
	s6 =	smul.u32 $0x5A, s1  }
0x6: {  	s16 =	simm.s32 $0x2;
	s17 =	simm.s32 $0x80;
	s26 =	smul.u32 $0x44, s1  }
0x7: {  	s18 =	simm.s32 $0x1;
	s21 =	simm.s32 $0x0;
	s9 =	smul.u32 $0x14000, s1  }
0x8: {  	s7 =	sand.u32 $0x1, s4;
	[smem:$0x7FF] =	sst s3;
	s29 =	smul.u32 $0x50000, s1  }
0x9: {  	s19 =	sshll.u32 s1, $0x6;
	s8 =	smul.u32 $0x140000, s7;
	p0 =	seq.s32 s7, $0x0  }
0xa: {  	_ =	strace $0x8000004A;
	s7 =	ssub.s32 $0x2, s7;
	s19 =	sor.u32 $0x1C02, s19  }
0xb: {  	s4 =	sadd.s32 $0x5A0, s26;
	s30 =	sshrl.u32 s29, $0x2;
	s31 =	sshrl.u32 s7, $0x1  }
0xc: {  	s4 =	smov.u32 @p0 s6;
	s28 =	sadd.s32 s9, s8;
	s12 =	ssub.s32 s7, s31  }
0xd: {  	s15 =	sshll.u32 s4, $0x4;
	s4 =	sadd.s32 $0x2A00, s5;
	s6 =	sshrl.u32 s28, $0x3  }
0xe: {  	s12 =	smax.u32 s12, $0x1;
	s13 =	sadd.s32 s15, s5;
	s11 =	sadd.s32 s6, s5  }
0xf: {  	s5 =	simm.s32 $0x5A;
	s6 =	sadd.s32 s30, s2;
	s14 =	sadd.s32 s15, s14  }
0x10: {  	s15 =	simm.s32 $0x100;
	s5 =	simm.s32 @!p0 $0x44;
	s7 =	sadd.s32 $0x4000, s6  }
0x11: {  	s8 =	sadd.s32 $0x8000, s6;
	s9 =	sadd.s32 $0xC000, s6;
	s10 =	sadd.s32 $0x10000, s6  }
0x12: {  	v0 =	vimm.f32 $0.0e+00;
	s11 =	sadd.s32 $0x5D800, s11;
	s13 =	sadd.s32 $0x53A00, s13;
	s20 =	sshrl.u32 s6, $0x3  }
.LBB2_1:
0x13: {  	s22 =	simm.s32 $0x0;
	s23 =	simm.s32 $0x200  }
.LBB2_2:
0x14: {  	p0 =	sne.s32 s23, $0xFE00;
	[tilespmem:s22+$0x170] =	vst v0  }
0x15: {  	[tilespmem:s22+$0x100] =	vst v0  }
0x16: {  	[tilespmem:s22+$0x110] =	vst v0  }
.Ltmp0:
0x17: {  	[tilespmem:s22+$0x120] =	vst v0;
	(pc) =	sbr.rel @p0 .LBB2_2-.Ltmp0, $4  }
0x18: {  	[tilespmem:s22+$0x130] =	vst v0  }
0x19: {  	[tilespmem:s22+$0x140] =	vst v0  }
0x1a: {  	[tilespmem:s22+$0x150] =	vst v0  }
0x1b: {  	[tilespmem:s22+$0x160] =	vst v0;
	s22 =	sshra.s32 s23, $0x2;
	s23 =	sadd.s32 $0x200, s23  }
0x1c: {  	[tilespmem:s22+$0x170] =	vst v0  }
0x1d: {  	[tilespmem:s22+$0x100] =	vst v0  }
0x1e: {  	[tilespmem:s22+$0x110] =	vst v0  }
0x1f: {  	[tilespmem:s22+$0x120] =	vst v0  }
0x20: {  	[tilespmem:s22+$0x130] =	vst v0  }
0x21: {  	[tilespmem:s22+$0x140] =	vst v0  }
0x22: {  	[tilespmem:s22+$0x150] =	vst v0  }
0x23: {  	[tilespmem:s22+$0x160] =	vst v0  }
0x24: {  	[spmem:s6] =	stream.linear.scatter [tilespmem:s15], [sflag:$0x2], $0x4000, $0x38;
	[tilespmem:$0x18100] =	vst v63  }
0x25: {  	_ =	swait.ge [sflag:s16], $0x4000  }
0x26: {  	[sflag:s16] =	ssyncset.done $0x0  }
0x27: {  	[sflag:s16] =	ssyncadd.s32 $0xFFFFC000  }
0x28: {  	[spmem:s7] =	stream.linear.scatter [tilespmem:s15], [sflag:$0x2], $0x4000, $0x38;
	[tilespmem:$0x18100] =	vst v63  }
0x29: {  	_ =	swait.ge [sflag:s16], $0x4000  }
0x2a: {  	[sflag:s16] =	ssyncset.done $0x0  }
0x2b: {  	[sflag:s16] =	ssyncadd.s32 $0xFFFFC000  }
0x2c: {  	[spmem:s8] =	stream.linear.scatter [tilespmem:s15], [sflag:$0x2], $0x4000, $0x38;
	[tilespmem:$0x18100] =	vst v63  }
0x2d: {  	_ =	swait.ge [sflag:s16], $0x4000  }
0x2e: {  	[sflag:s16] =	ssyncset.done $0x0  }
0x2f: {  	[sflag:s16] =	ssyncadd.s32 $0xFFFFC000  }
0x30: {  	[spmem:s9] =	stream.linear.scatter [tilespmem:s15], [sflag:$0x2], $0x4000, $0x38;
	[tilespmem:$0x18100] =	vst v63  }
0x31: {  	_ =	swait.ge [sflag:s16], $0x4000  }
0x32: {  	[sflag:s16] =	ssyncset.done $0x0  }
0x33: {  	[sflag:s16] =	ssyncadd.s32 $0xFFFFC000  }
0x34: {  	[spmem:s10] =	stream.linear.scatter [tilespmem:s15], [sflag:$0x2], $0x4000, $0x38;
	[tilespmem:$0x18100] =	vst v63  }
0x35: {  	_ =	swait.ge [sflag:s16], $0x4000  }
0x36: {  	[sflag:s16] =	ssyncset.done $0x0  }
0x37: {  	[sflag:s16] =	ssyncadd.s32 $0xFFFFC000  }
0x38: {  	[bflag:$0x0] =	sbarrier.arrive $0xFFFF  }
0x39: {  	[tilespmem:s3], [sflag:$0x2] =	stream.linear.gather [hbm4b:s14+s3], $0x80, $0x38;
	[tilespmem:$0x18100] =	vst v63  }
0x3a: {  	_ =	swait.ge [sflag:s16], $0x80  }
0x3b: {  	[sflag:s16] =	ssyncset.done $0x0  }
0x3c: {  	[sflag:s16] =	ssyncadd.s32 $0xFFFFFF80  }
0x3d: {  	[tilespmem:s15], [sflag:$0x1] =	stream.indirect.gather [hbm4b:s4+s17], $0x80, s3, s17, $0xb8;
	[tilespmem:$0x18100] =	vst v63  }
0x3e: {  	_ = 	snop  }
0x3f: {  	[tilespmem:s17], [sflag:$0x2] =	stream.linear.gather [hbm4b:s13+s3], $0x80, $0x38;
	[tilespmem:$0x18100] =	vst v63  }
0x40: {  	_ =	swait.ge [sflag:s16], $0x80  }
0x41: {  	[sflag:s16] =	ssyncset.done $0x0  }
0x42: {  	[sflag:s16] =	ssyncadd.s32 $0xFFFFFF80  }
0x43: {  	p0 =	sne.s32 s5, $0x1;
	_ =	swait.ge [sflag:s18], $0x4000  }
.Ltmp1:
0x44: {  	[sflag:s18] =	ssyncset.done $0x0;
	(pc) =	sbr.rel @!p0 .LBB2_5-.Ltmp1, $4  }
0x45: {  	[sflag:s18] =	ssyncadd.s32 $0xFFFFC000  }
0x46: {  	[spmem:s2] =	stream.indirect.scatter.add.f32 [tilespmem:s15], [sflag:$0x2], $0x80, s17, s17, $0xb8;
	[tilespmem:$0x18100] =	vst v63  }
0x47: {  	s22 =	sadd.s32 $0xFFFFFFFF, s5;
	_ =	swait.ge [sflag:s16], $0x4000  }
0x48: {  	s23 =	smov.u32 s13;
	s24 =	smov.u32 s14;
	[sflag:s16] =	ssyncset.done $0x0  }
.LBB2_4:
0x49: {  	[sflag:s16] =	ssyncadd.s32 $0xFFFFC000;
	s23 =	sadd.s32 $0x10, s23;
	s24 =	sadd.s32 $0x10, s24  }
0x4a: {  	[tilespmem:s3], [sflag:$0x2] =	stream.linear.gather [hbm4b:s24+s3], $0x80, $0x38;
	[tilespmem:$0x18100] =	vst v63  }
0x4b: {  	p0 =	sne.s32 s22, $0x1;
	s22 =	sadd.s32 $0xFFFFFFFF, s22;
	_ =	swait.ge [sflag:s16], $0x80  }
0x4c: {  	[sflag:s16] =	ssyncset.done $0x0  }
0x4d: {  	[sflag:s16] =	ssyncadd.s32 $0xFFFFFF80  }
0x4e: {  	[tilespmem:s15], [sflag:$0x1] =	stream.indirect.gather [hbm4b:s4+s17], $0x80, s3, s17, $0xb8;
	[tilespmem:$0x18100] =	vst v63  }
0x4f: {  	_ = 	snop  }
0x50: {  	[tilespmem:s17], [sflag:$0x2] =	stream.linear.gather [hbm4b:s23+s3], $0x80, $0x38;
	[tilespmem:$0x18100] =	vst v63  }
0x51: {  	_ =	swait.ge [sflag:s16], $0x80  }
0x52: {  	[sflag:s16] =	ssyncset.done $0x0  }
0x53: {  	[sflag:s16] =	ssyncadd.s32 $0xFFFFFF80  }
0x54: {  	_ =	swait.ge [sflag:s18], $0x4000  }
.Ltmp2:
0x55: {  	[sflag:s18] =	ssyncset.done $0x0;
	(pc) =	sbr.rel @p0 .LBB2_4-.Ltmp2, $4  }
0x56: {  	[sflag:s18] =	ssyncadd.s32 $0xFFFFC000  }
0x57: {  	[spmem:s2] =	stream.indirect.scatter.add.f32 [tilespmem:s15], [sflag:$0x2], $0x80, s17, s17, $0xb8;
	[tilespmem:$0x18100] =	vst v63  }
0x58: {  	_ =	swait.ge [sflag:s16], $0x4000  }
0x59: {  	[sflag:s16] =	ssyncset.done $0x0  }
.LBB2_5:
0x5a: {  	s21 =	sadd.s32 $0x1, s21  }
0x5b: {  	[sflag:s16] =	ssyncadd.s32 $0xFFFFC000;
	p0 =	sne.s32 s21, s12  }
.Ltmp3:
0x5c: {  	[bflag:$0x0] =	sbarrier.arrive $0xFFFF;
	(pc) =	sbr.rel @p0 .LBB2_1-.Ltmp3, $4  }
0x5d: {  	[hbm:s11], [sflag:s19] =	dma.local [spmem:s20], $0x2800  }
0x5e: {  	_ =	swait.ge [sflag:s16], $0x2800  }
0x5f: {  	[sflag:s16] =	ssyncset.done $0x0  }
0x60: {  	[sflag:s16] =	ssyncadd.s32 $0xFFFFD800  }
0x61: {  	_ =	sfence.sel $0x180000  }
0x62: {  	[bflag:$0x0] =	sbarrier.arrive $0xFFFF  }
0x63: {  	p0 =	sne.s32 s1, $0x0;
	_ =	strace $0x9000004A  }
0x64: {  	s0 =	sadd.s32 @!p0 $0x100000, s0;
	[bflag:$0x2] =	sbarrier.arrive $0xFFFF  }
0x65: {  	[sflag:s0] =	ssyncadd.tile.s32 @!p0 $0x1;
	_ =	shalt  }
.Lfunc_end2:
_tile_overlayer_lowered:
.L_overlay_start_2:
0x66: {  	(tag) =	ssettag $0x2  }
0x67: {  	s0 =	rddreg [dreg:$0x0];
	s2 =	stileid.u32  }
0x68: {  	s1 =	rddreg [dreg:$0x1];
	p0 =	sne.s32 s2, $0x0  }
0x69: {  	s3 =	rddreg [dreg:$0x2];
	[bflag:$0x3] =	sbarrier.arrive $0xFFFF;
	s2 =	simm.s32 @!p0 $0x1C02  }
0x6a: {  	[timem:s3], [sflag:s2] =	dma.local @!p0 [hbm:s0], s1  }
0x6b: {  	s0 =	simm.s32 @!p0 $0x2  }
0x6c: {  	_ =	swait.ge @!p0 [sflag:s0], s1  }
0x6d: {  	s1 =	ssub.s32 @!p0 $0x0, s1;
	[sflag:s0] =	ssyncset.done @!p0 $0x0  }
0x6e: {  	[sflag:s0] =	ssyncadd.s32 @!p0 s1  }
0x6f: {  	[bflag:$0x3] =	sbarrier.arrive $0xFFFF  }
0x70: {  	_ =	shalt  }

// kernel: kernel.7.cloned.1.call-start
scs
__scs_entry_jumppad:
0x0: {  	(pc) =	sbr.rel $0x88, $3  }
0x1: {  	(tag) =	ssettag $0x0;
	lr =	simm.s32 $0x1  }
0x2: {  	[smem:$0x3F94] =	sst lr;
	_ =	strace $0xD0000000  }
0x3: {  	_ = 	snop  }
0x4: {  	_ = 	snop  }
0x5: {  	_ = 	snop  }
0x6: {  	_ = 	snop  }
0x7: {  	_ = 	snop  }
__scs_overlays_trampoline_lowered:
0x8: {  	[smem:$0x3FA3] =	sst s0  }
0x9: {  	[smem:$0x3FA4] =	sst s1  }
0xa: {  	[smem:$0x3FA5] =	sst s2  }
0xb: {  	[smem:$0x3FA6] =	sst s3  }
0xc: {  	[smem:$0x3FA7] =	sst s4  }
0xd: {  	[smem:$0x3FA8] =	sst s5  }
0xe: {  	[smem:$0x3FA9] =	sst s6  }
0xf: {  	[smem:$0x3FAA] =	sst s7  }
0x10: {  	[smem:$0x3FAB] =	sst s8  }
0x11: {  	[smem:$0x3FAC] =	sst s9;
	s0 =	simm.s32 @!p0 $0x0  }
0x12: {  	s1 =	sld [smem:$0x3F92];
	s0 =	simm.s32 @p0 $0x1  }
0x13: {  	[smem:$0x3FAD] =	sst s0;
	s0 =	simm.s32 @!p1 $0x0  }
0x14: {  	s2 =	sld [smem:$0x3F91];
	s0 =	simm.s32 @p1 $0x1  }
0x15: {  	[smem:$0x3FAE] =	sst s0;
	s0 =	simm.s32 @!p2 $0x0  }
0x16: {  	s3 =	sld [smem:$0x3FDB];
	s0 =	simm.s32 @p2 $0x1  }
0x17: {  	s4 =	simm.s32 $0x1BF5;
	[smem:$0x3FB0] =	sst s0  }
0x18: {  	s0 =	sld [smem:$0x3F93];
	_ =	swait.ge [sflag:s4], $0x0  }
0x19: {  	s7 =	sld [smem:$0x3F94]  }
0x1a: {  	s8 =	sadd.s32 $0xFFFFE003, lr  }
0x1b: {  	s9 =	sadd.s32 $0xFFFFFEF7, lr;
	s5 =	simm.s32 $0xFFFFFFFF;
	p2 =	slt.u32 s8, $0xFFFFF086  }
0x1c: {  	p1 =	slt.u32 s9, $0xF7A;
	s5 =	simm.s32 @!p2 $0x0  }
0x1d: {  	s5 =	simm.s32 @p1 $0x1;
	p0 =	seq.s32 s7, s2  }
0x1e: {  	s7 =	smul.u32 @!p0 $0xF7A, s2;
	p2 =	seq.s32 @!p0 s5, $0x0  }
0x1f: {  	s9 =	smul.u32 $0xF7A, s1;
	s8 =	simm.s32 @!p0 $0x1BF5;
	p2 =	por !p2, p0  }
0x20: {  	[sflag:s8] =	ssyncset.s32 @!p0 $0xFFFFF086;
	s6 =	sadd.s32 @!p0 s3, s7;
	s7 =	simm.s32 @!p0 $0x108  }
0x21: {  	s3 =	sadd.s32 s3, s9;
	s6 =	sadd.s32 @!p0 $0x88, s6;
	s7 =	simm.s32 @p2 $0x1082  }
0x22: {  	[simem:s7], [sflag:s8] =	dma.local @!p0 [hbm:s6], $0xF7A  }
0x23: {  	s9 =	sor.u32 $0xD0000000, s2;
	s6 =	simm.s32 $0x108;
	_ =	swait.ge @!p0 [sflag:s8], $0x0  }
0x24: {  	s3 =	sadd.s32 $0x88, s3;
	s6 =	simm.s32 @!p1 $0x1082;
	[sflag:s4] =	ssyncset.s32 $0xFFFFF086  }
0x25: {  	[simem:s6], [sflag:s4] =	dma.local [hbm:s3], $0xF7A  }
0x26: {  	[smem:$0x3F94] =	sst s1;
	(tag) =	ssettag s2;
	_ =	strace s9  }
0x27: {  	s1 =	sld [smem:$0x3FA4]  }
0x28: {  	s2 =	sld [smem:$0x3FA5]  }
0x29: {  	s4 =	sld [smem:$0x3FA7]  }
0x2a: {  	p0 =	seq.s32 s5, $0x0;
	s5 =	sld [smem:$0x3FA8]  }
0x2b: {  	s6 =	sld [smem:$0x3FA9]  }
0x2c: {  	s7 =	sld [smem:$0x3FAA]  }
0x2d: {  	s3 =	simm.s32 $0x108;
	s8 =	sld [smem:$0x3FAB]  }
0x2e: {  	s3 =	simm.s32 @!p0 $0x1082;
	s9 =	sld [smem:$0x3FAC]  }
0x2f: {  	lr =	sadd.s32 s0, s3;
	s0 =	sld [smem:$0x3FA3]  }
0x30: {  	s3 =	sld [smem:$0x3FA6]  }
0x31: {  	[smem:$0x3FAF] =	sst s10  }
0x32: {  	s10 =	sld [smem:$0x3FAD];
	_ =	sdelay $0x3  }
0x33: {  	p0 =	seq.s32 s10, $0x1;
	s10 =	sld [smem:$0x3FAF];
	_ =	sdelay $0x3  }
0x34: {  	[smem:$0x3FAF] =	sst s10  }
0x35: {  	s10 =	sld [smem:$0x3FAE];
	_ =	sdelay $0x3  }
0x36: {  	p1 =	seq.s32 s10, $0x1;
	s10 =	sld [smem:$0x3FAF];
	_ =	sdelay $0x3  }
0x37: {  	[smem:$0x3FAF] =	sst s10  }
0x38: {  	s10 =	sld [smem:$0x3FB0]  }
0x39: {  	_ = 	snop;
	(pc) =	sbr.ind lr, $3  }
0x3a: {  	_ = 	snop  }
0x3b: {  	_ = 	snop  }
0x3c: {  	p2 =	seq.s32 s10, $0x1;
	s10 =	sld [smem:$0x3FAF]  }
0x3d: {  	_ =	shalt  }
0x3e: {  	_ =	shalt  }
0x3f: {  	_ =	shalt  }
0x40: {  	_ =	shalt  }
0x41: {  	_ =	shalt  }
0x42: {  	_ =	shalt  }
0x43: {  	_ =	shalt  }
0x44: {  	_ =	shalt  }
0x45: {  	_ =	shalt  }
0x46: {  	_ =	shalt  }
0x47: {  	_ =	shalt  }
0x48: {  	_ =	shalt  }
0x49: {  	_ =	shalt  }
0x4a: {  	_ =	shalt  }
0x4b: {  	_ =	shalt  }
0x4c: {  	_ =	shalt  }
0x4d: {  	_ =	shalt  }
0x4e: {  	_ =	shalt  }
0x4f: {  	_ =	shalt  }
0x50: {  	_ =	shalt  }
0x51: {  	_ =	shalt  }
0x52: {  	_ =	shalt  }
0x53: {  	_ =	shalt  }
0x54: {  	_ =	shalt  }
0x55: {  	_ =	shalt  }
0x56: {  	_ =	shalt  }
0x57: {  	_ =	shalt  }
0x58: {  	_ =	shalt  }
0x59: {  	_ =	shalt  }
0x5a: {  	_ =	shalt  }
0x5b: {  	_ =	shalt  }
0x5c: {  	_ =	shalt  }
0x5d: {  	_ =	shalt  }
0x5e: {  	_ =	shalt  }
0x5f: {  	_ =	shalt  }
0x60: {  	_ =	shalt  }
0x61: {  	_ =	shalt  }
0x62: {  	_ =	shalt  }
0x63: {  	_ =	shalt  }
0x64: {  	_ =	shalt  }
0x65: {  	_ =	shalt  }
0x66: {  	_ =	shalt  }
0x67: {  	_ =	shalt  }
0x68: {  	_ =	shalt  }
0x69: {  	_ =	shalt  }
0x6a: {  	_ =	shalt  }
0x6b: {  	_ =	shalt  }
0x6c: {  	_ =	shalt  }
0x6d: {  	_ =	shalt  }
0x6e: {  	_ =	shalt  }
0x6f: {  	_ =	shalt  }
0x70: {  	_ =	shalt  }
0x71: {  	_ =	shalt  }
0x72: {  	_ =	shalt  }
0x73: {  	_ =	shalt  }
0x74: {  	_ =	shalt  }
0x75: {  	_ =	shalt  }
0x76: {  	_ =	shalt  }
0x77: {  	_ =	shalt  }
0x78: {  	_ =	shalt  }
0x79: {  	_ =	shalt  }
0x7a: {  	_ =	shalt  }
0x7b: {  	_ =	shalt  }
0x7c: {  	_ =	shalt  }
0x7d: {  	_ =	shalt  }
0x7e: {  	_ =	shalt  }
0x7f: {  	_ =	shalt  }
0x80: {  	_ =	shalt  }
0x81: {  	_ =	shalt  }
0x82: {  	_ =	shalt  }
0x83: {  	_ =	shalt  }
0x84: {  	_ =	shalt  }
0x85: {  	_ =	shalt  }
0x86: {  	_ =	shalt  }
0x87: {  	_ =	shalt  }
.Lfunc_end0:
.L_simem_size_0:
called_computation_lowered:
.L_overlay_start_0:
0x88: {  	s2 =	sld [smem:$0x3FD9]  }
0x89: {  	s3 =	sld [smem:$0x3FFE];
	_ =	sdelay $0x1  }
0x8a: {  	s1 =	srdreg.scid  }
0x8b: {  	s0 =	sand.u32 $0x1, s1  }
0x8c: {  	s17 =	sshll.u32 s0, $0xA;
	s2 =	sadd.s32 s3, s2  }
0x8d: {  	s2 =	sadd.s32 s2, s17  }
0x8e: {  	[smem:$0x3FBB] =	sst s2  }
0x8f: {  	_ = 	snop  }
0x90: {  	s2 =	sld [smem:$0x3FD0];
	(tm) =	ssettm $0x1  }
0x91: {  	s18 =	sld [smem:$0x3FFB];
	_ =	sdelay $0x3  }
0x92: {  	_ =	strace s18  }
0x93: {  	s3 =	sld [smem:$0x3FFC];
	_ =	sdelay $0x3  }
0x94: {  	_ =	strace s3  }
0x95: {  	s3 =	sld [smem:$0x3FFD];
	_ =	sdelay $0x3  }
0x96: {  	_ =	strace s3  }
0x97: {  	_ =	strace $0x8FFFFFFF  }
0x98: {  	s19 =	sld [smem:$0x3FDB];
	_ =	sdelay $0x1  }
0x99: {  	s4 =	simm.s32 $_scs_section_size  }
0x9a: {  	s5 =	simm.s32 $_size__tile_overlayer_lowered;
	s6 =	simm.s32 $_tile_overlayer_lowered  }
0x9b: {  	s22 =	simm.s32 $0x1BFF;
	s21 =	sshll.u32 s6, $0x1;
	s3 =	sadd.s32 s4, s19  }
0x9c: {  	s7 =	simm.s32 $0x0;
	s20 =	sshll.u32 s5, $0x1;
	s5 =	sadd.s32 s21, s3  }
0x9d: {  	[timem:s7], [sflag:s22] =	dma.local [hbm:s5], s20  }
0x9e: {  	_ =	swait.ge [sflag:s22], s20  }
0x9f: {  	s4 =	ssub.s32 $0x0, s20;
	[sflag:s22] =	ssyncset.done $0x0  }
0xa0: {  	[sflag:s22] =	ssyncadd.s32 s4;
	_ =	sdelay $0x1  }
0xa1: {  	s23 =	simm.s32 $0x1B8B  }
0xa2: {  	_ =	swait.ge [sflag:s23], $0x1  }
0xa3: {  	[sflag:s23] =	ssyncset.done $0x0  }
0xa4: {  	s25 =	simm.s32 $0x1B8E;
	s24 =	sld [smem:$0x3FFE];
	[sflag:s23] =	ssyncadd.s32 $0xFFFFFFFF  }
0xa5: {  	s26 =	simm.s32 $execute0_lowered;
	[smem:$0x3FD2] =	sst s25  }
0xa6: {  	s5 =	sshll.u32 s26, $0x1;
	_ =	strace $0x80000046;
	[dreg:$0x1] =	wrdreg $0xFFFFFFFF  }
0xa7: {  	s28 =	simm.s32 $_size_execute0_lowered;
	s3 =	sadd.s32 s3, s5;
	[dreg:$0x0] =	wrdreg $0x0  }
0xa8: {  	s5 =	sshll.u32 s28, $0x1;
	[dreg:$0x2] =	wrdreg s3  }
0xa9: {  	[dreg:$0x3] =	wrdreg s5  }
0xaa: {  	[dreg:$0x4] =	wrdreg $0xC0  }
0xab: {  	_ =	task [dreg:s7], $0x5FFFF  }
0xac: {  	[dreg:$0x1] =	wrdreg $0xFFFFFFFF  }
0xad: {  	[dreg:$0x0] =	wrdreg $0x60  }
0xae: {  	[dreg:$0x2] =	wrdreg s2  }
0xaf: {  	[dreg:$0x3] =	wrdreg s24  }
0xb0: {  	[dreg:$0x4] =	wrdreg $0x94800  }
0xb1: {  	[dreg:$0x5] =	wrdreg $0x1D4800  }
0xb2: {  	[dreg:$0x6] =	wrdreg $0x9  }
0xb3: {  	_ =	task.clear_ibuf [dreg:s7], $0x7FFFF;
	_ =	strace $0x90000046  }
0xb4: {  	s29 =	simm.s32 $0x9;
	_ =	strace $0x80000048  }
0xb5: {  	_ =	swait.ge [sflag:s29], $0x1  }
0xb6: {  	[sflag:s29] =	ssyncadd.s32 $0xFFFFFFFF  }
0xb7: {  	_ =	strace $0x90000048  }
0xb8: {  	_ =	sfence  }
0xb9: {  	s30 =	sld [smem:$0x0];
	_ =	sdelay $0x2  }
0xba: {  	s31 =	sshll.u32 s1, $0xD;
	s1 =	sshrl.u32 s1, $0x2  }
0xbb: {  	s3 =	sand.u32 $0x4000, s31;
	s1 =	sadd.s32 s1, s30  }
0xbc: {  	s0 =	sor.u32 s3, s0;
	s1 =	sshll.u32 s1, $0x11  }
0xbd: {  	s0 =	sor.u32 s1, s0  }
0xbe: {  	s0 =	sadd.s32 $0x8F2B, s0  }
0xbf: {  	[sflag:s0] =	ssyncadd.remote.s32 $0x1  }
0xc0: {  	_ =	sfence.sel $0xFFFF  }
0xc1: {  	[dreg:$0x0] =	wrdreg $0xFFFFFFFF;
	(pc) =	sbr.abs _section_cstart, $3  }
0xc2: {  	[dreg:$0x1] =	wrdreg $0xFFFFFFFF  }
0xc3: {  	_ =	task.clear_ibuf [dreg:s7], $0x2FFFF;
	_ =	strace $0x9FFFFFFF  }
0xc4: {  	(tm) =	ssettm $0x7FFFFFFF  }
0xc5: {  	_ =	shalt  }
tec
execute0_lowered:
.L_overlay_start_1:
0x0: {  	(tag) =	ssettag $0x1  }
0x1: {  	s1 =	rddreg [dreg:$0x0]  }
0x2: {  	s0 =	rddreg [dreg:$0x1]  }
0x3: {  	s2 =	rddreg [dreg:$0x2]  }
0x4: {  	s3 =	rddreg [dreg:$0x3];
	s5 =	simm.s32 $0x0;
	s4 =	srdreg.scid  }
0x5: {  	s8 =	stileid.u32;
	s28 =	simm.s32 $0x5080;
	s29 =	simm.s32 $0x5100  }
0x6: {  	s30 =	simm.s32 $0x80;
	s31 =	simm.s32 $0x5180;
	s10 =	smul.u32 $0x14000, s8  }
0x7: {  	[smem:$0x7FF] =	sst s5;
	s4 =	sand.u32 $0x1, s4;
	s13 =	smul.u32 $0x44, s8  }
0x8: {  	s6 =	sadd.s32 $0x53A00, s0;
	s9 =	sshrl.u32 s8, $0x3;
	s15 =	smul.u32 $0xA00, s8  }
0x9: {  	s12 =	sadd.s32 $0x52E00, s0;
	s20 =	sadd.s32 $0x53400, s0;
	s25 =	smul.u32 $0x50000, s8  }
0xa: {  	s7 =	smul.u32 $0x140000, s4;
	_ =	strace $0x80000047;
	[dreg:$0x5] =	wrdreg s12  }
0xb: {  	s22 =	sshll.u32 s8, $0x7;
	s11 =	smul.u32 $0x2800, s4;
	[dreg:$0x6] =	wrdreg s20  }
0xc: {  	s21 =	smul.u32 $0x1400, s9;
	s9 =	sadd.s32 $0x2A00, s0;
	s24 =	ssub.s32 $0x2, s4  }
0xd: {  	s23 =	sand.u32 $0x380, s22;
	p0 =	seq.s32 s4, $0x0;
	s14 =	sshrl.u32 s24, $0x1  }
0xe: {  	s12 =	sadd.s32 $0x5A0, s13;
	s26 =	sshrl.u32 s15, $0x2;
	s4 =	sshrl.u32 s25, $0x2  }
0xf: {  	s25 =	simm.s32 $0x2800;
	s7 =	sadd.s32 s10, s7;
	s11 =	sadd.s32 s11, s21  }
0x10: {  	s10 =	sadd.s32 $0x52A00, s0;
	s21 =	ssub.s32 s24, s14;
	s14 =	smul.u32 $0x5A, s8  }
0x11: {  	s13 =	sadd.s32 s26, s3;
	s24 =	simm.s32 $0x5200;
	s26 =	simm.s32 $0x0  }
0x12: {  	s7 =	sshrl.u32 s7, $0x3;
	s11 =	sor.u32 s23, s11;
	s21 =	smax.u32 s21, $0x1  }
0x13: {  	s23 =	simm.s32 $0x2;
	s7 =	sadd.s32 s7, s0;
	s11 =	sshrl.u32 s11, $0x3  }
0x14: {  	v0 =	vlaneseq.u32;
	s12 =	smov.u32 @p0 s14;
	s14 =	sadd.s32 s4, s2;
	s0 =	sadd.s32 s11, s0  }
0x15: {  	v1 =	vmul.u32 $0xFFFFFFFF, v0;
	s11 =	simm.s32 $0x5A;
	s15 =	sadd.s32 $0x4000, s14;
	s16 =	sadd.s32 $0x8000, s14  }
0x16: {  	s17 =	sadd.s32 $0xC000, s14;
	s18 =	sadd.s32 $0x10000, s14;
	s19 =	sadd.s32 $0x5D800, s7  }
0x17: {  	v0 =	vimm.f32 $0.0e+00;
	v1 =	vadd.s32 $0x4E200, v1;
	s11 =	simm.s32 @!p0 $0x44;
	s20 =	sadd.s32 $0xAD800, s0;
	s0 =	simm.s32 $0x1  }
.LBB2_1:
0x18: {  	s4 =	simm.s32 $0x0;
	s7 =	simm.s32 $0x200  }
.LBB2_2:
0x19: {  	p0 =	sne.s32 s7, $0xFE00;
	[tilespmem:s4+$0x5270] =	vst v0  }
0x1a: {  	[tilespmem:s4+$0x5200] =	vst v0  }
0x1b: {  	[tilespmem:s4+$0x5210] =	vst v0  }
.Ltmp0:
0x1c: {  	[tilespmem:s4+$0x5220] =	vst v0;
	(pc) =	sbr.rel @p0 .LBB2_2-.Ltmp0, $4  }
0x1d: {  	[tilespmem:s4+$0x5230] =	vst v0  }
0x1e: {  	[tilespmem:s4+$0x5240] =	vst v0  }
0x1f: {  	[tilespmem:s4+$0x5250] =	vst v0  }
0x20: {  	[tilespmem:s4+$0x5260] =	vst v0;
	s4 =	sshra.s32 s7, $0x2;
	s7 =	sadd.s32 $0x200, s7  }
0x21: {  	[tilespmem:s4+$0x5270] =	vst v0  }
0x22: {  	[tilespmem:s4+$0x5200] =	vst v0  }
0x23: {  	[tilespmem:s4+$0x5210] =	vst v0  }
0x24: {  	[tilespmem:s4+$0x5220] =	vst v0  }
0x25: {  	[tilespmem:s4+$0x5230] =	vst v0  }
0x26: {  	[tilespmem:s4+$0x5240] =	vst v0  }
0x27: {  	[tilespmem:s4+$0x5250] =	vst v0  }
0x28: {  	[tilespmem:s4+$0x5260] =	vst v0  }
0x29: {  	[tilespmem:$0x9200] =	vst v0  }
0x2a: {  	[tilespmem:$0x9210] =	vst v0  }
0x2b: {  	[tilespmem:$0x9220] =	vst v0  }
0x2c: {  	[tilespmem:$0x9230] =	vst v0  }
0x2d: {  	[tilespmem:$0x9240] =	vst v0  }
0x2e: {  	[tilespmem:$0x9250] =	vst v0  }
0x2f: {  	[tilespmem:$0x9260] =	vst v0  }
0x30: {  	[tilespmem:$0x9270] =	vst v0  }
0x31: {  	[tilespmem:$0x9280] =	vst v0  }
0x32: {  	[tilespmem:$0x9290] =	vst v0  }
0x33: {  	[tilespmem:$0x92A0] =	vst v0  }
0x34: {  	[tilespmem:$0x92B0] =	vst v0  }
0x35: {  	[tilespmem:$0x92C0] =	vst v0  }
0x36: {  	[tilespmem:$0x92D0] =	vst v0  }
0x37: {  	[tilespmem:$0x92E0] =	vst v0  }
0x38: {  	[tilespmem:$0x92F0] =	vst v0  }
0x39: {  	[tilespmem:$0x9300] =	vst v0  }
0x3a: {  	[tilespmem:$0x9310] =	vst v0  }
0x3b: {  	[tilespmem:$0x9320] =	vst v0  }
0x3c: {  	[tilespmem:$0x9330] =	vst v0  }
0x3d: {  	[tilespmem:$0x9340] =	vst v0  }
0x3e: {  	[tilespmem:$0x9350] =	vst v0  }
0x3f: {  	[tilespmem:$0x9360] =	vst v0  }
0x40: {  	[tilespmem:$0x9370] =	vst v0  }
0x41: {  	[tilespmem:$0x9380] =	vst v0  }
0x42: {  	[tilespmem:$0x9390] =	vst v0  }
0x43: {  	[tilespmem:$0x93A0] =	vst v0  }
0x44: {  	[tilespmem:$0x93B0] =	vst v0  }
0x45: {  	[tilespmem:$0x93C0] =	vst v0  }
0x46: {  	[tilespmem:$0x93D0] =	vst v0  }
0x47: {  	[tilespmem:$0x93E0] =	vst v0  }
0x48: {  	[tilespmem:$0x93F0] =	vst v0  }
0x49: {  	[tilespmem:$0x9400] =	vst v0  }
0x4a: {  	[tilespmem:$0x9410] =	vst v0  }
0x4b: {  	[tilespmem:$0x9420] =	vst v0  }
0x4c: {  	[tilespmem:$0x9430] =	vst v0  }
0x4d: {  	[tilespmem:$0x9440] =	vst v0  }
0x4e: {  	[tilespmem:$0x9450] =	vst v0  }
0x4f: {  	[tilespmem:$0x9460] =	vst v0  }
0x50: {  	s22 =	simm.s32 $0x9200;
	[tilespmem:$0x9470] =	vst v0  }
0x51: {  	[spmem:s13] =	stream.linear.scatter [tilespmem:s22], [sflag:$0x2], $0x280, $0x38;
	[tilespmem:$0x1D700] =	vst v63  }
0x52: {  	_ =	swait.ge [sflag:s23], $0x280  }
0x53: {  	[sflag:s23] =	ssyncset.done $0x0  }
0x54: {  	[sflag:s23] =	ssyncadd.s32 $0xFFFFFD80  }
0x55: {  	[spmem:s14] =	stream.linear.scatter [tilespmem:s24], [sflag:$0x2], $0x4000, $0x38;
	[tilespmem:$0x1D700] =	vst v63  }
0x56: {  	_ =	swait.ge [sflag:s23], $0x4000  }
0x57: {  	[sflag:s23] =	ssyncset.done $0x0  }
0x58: {  	[sflag:s23] =	ssyncadd.s32 $0xFFFFC000  }
0x59: {  	[spmem:s15] =	stream.linear.scatter [tilespmem:s24], [sflag:$0x2], $0x4000, $0x38;
	[tilespmem:$0x1D700] =	vst v63  }
0x5a: {  	_ =	swait.ge [sflag:s23], $0x4000  }
0x5b: {  	[sflag:s23] =	ssyncset.done $0x0  }
0x5c: {  	[sflag:s23] =	ssyncadd.s32 $0xFFFFC000  }
0x5d: {  	[spmem:s16] =	stream.linear.scatter [tilespmem:s24], [sflag:$0x2], $0x4000, $0x38;
	[tilespmem:$0x1D700] =	vst v63  }
0x5e: {  	_ =	swait.ge [sflag:s23], $0x4000  }
0x5f: {  	[sflag:s23] =	ssyncset.done $0x0  }
0x60: {  	[sflag:s23] =	ssyncadd.s32 $0xFFFFC000  }
0x61: {  	[spmem:s17] =	stream.linear.scatter [tilespmem:s24], [sflag:$0x2], $0x4000, $0x38;
	[tilespmem:$0x1D700] =	vst v63  }
0x62: {  	_ =	swait.ge [sflag:s23], $0x4000  }
0x63: {  	[sflag:s23] =	ssyncset.done $0x0  }
0x64: {  	[sflag:s23] =	ssyncadd.s32 $0xFFFFC000  }
0x65: {  	[spmem:s18] =	stream.linear.scatter [tilespmem:s24], [sflag:$0x2], $0x4000, $0x38;
	[tilespmem:$0x1D700] =	vst v63  }
0x66: {  	_ =	swait.ge [sflag:s23], $0x4000  }
0x67: {  	[sflag:s23] =	ssyncset.done $0x0  }
0x68: {  	[sflag:s23] =	ssyncadd.s32 $0xFFFFC000  }
0x69: {  	[bflag:$0x0] =	sbarrier.arrive $0xFFFF  }
0x6a: {  	s7 =	rddreg [dreg:$0x5]  }
0x6b: {  	[tilespmem:s26], [sflag:$0x2] =	stream.linear.gather [hbm4b:s7+s26], $0x2800, $0x38;
	[tilespmem:$0x1D700] =	vst v63  }
0x6c: {  	_ =	swait.ge [sflag:s23], $0x2800  }
0x6d: {  	[sflag:s23] =	ssyncset.done $0x0  }
0x6e: {  	s8 =	rddreg [dreg:$0x6];
	[sflag:s23] =	ssyncadd.s32 $0xFFFFD800  }
0x6f: {  	[tilespmem:s25], [sflag:$0x2] =	stream.linear.gather [hbm4b:s8+s26], $0x2800, $0x38;
	[tilespmem:$0x1D700] =	vst v63  }
0x70: {  	_ =	swait.ge [sflag:s23], $0x2800  }
0x71: {  	[sflag:s23] =	ssyncset.done $0x0  }
0x72: {  	s22 =	simm.s32 $0x5000;
	[sflag:s23] =	ssyncadd.s32 $0xFFFFD800  }
0x73: {  	[tilespmem:s22], [sflag:$0x2] =	stream.linear.gather [hbm4b:s10+s26], $0x80, $0x38;
	[tilespmem:$0x1D700] =	vst v63  }
0x74: {  	_ =	swait.ge [sflag:s23], $0x80  }
0x75: {  	[sflag:s23] =	ssyncset.done $0x0  }
0x76: {  	[sflag:s23] =	ssyncadd.s32 $0xFFFFFF80  }
0x77: {  	s22 =	simm.s32 $0x0;
	v2 =	vld [tilespmem:$0x5000]  }
.LBB2_4:
0x78: {  	s4 =	sadd.s32 s12, s22  }
0x79: {  	s7 =	sshll.u32 s4, $0x4  }
0x7a: {  	s8 =	sadd.s32 s1, s7  }
0x7b: {  	[tilespmem:s28], [sflag:$0x2] =	stream.linear.gather [hbm4b:s8+s26], $0x80, $0x38;
	[tilespmem:$0x1D700] =	vst v63  }
0x7c: {  	_ =	swait.ge [sflag:s23], $0x80  }
0x7d: {  	[sflag:s23] =	ssyncset.done $0x0  }
0x7e: {  	s7 =	sadd.s32 s6, s7;
	[sflag:s23] =	ssyncadd.s32 $0xFFFFFF80  }
0x7f: {  	[tilespmem:s29], [sflag:$0x2] =	stream.linear.gather [hbm4b:s7+s26], $0x80, $0x38;
	[tilespmem:$0x1D700] =	vst v63  }
0x80: {  	_ =	swait.ge [sflag:s23], $0x80  }
0x81: {  	[sflag:s23] =	ssyncset.done $0x0  }
0x82: {  	[sflag:s23] =	ssyncadd.s32 $0xFFFFFF80  }
0x83: {  	[tilespmem:s24], [sflag:$0x1] =	stream.indirect.gather [hbm4b:s9+s30], $0x80, s28, s30, $0xb8;
	[tilespmem:$0x1D700] =	vst v63  }
0x84: {  	v3 =	vld [tilespmem:$0x5080]  }
0x85: {  	v4 =	vld [tilespmem:$0x5100];
	_ =	sdelay $0x6  }
0x86: {  	v3 =	vld.idx.msk [tilespmem:v3+s26+$0x0], $0xffff  }
0x87: {  	v4 =	vld.idx.msk [tilespmem:v4+s25+$0x0], $0xffff;
	_ =	sdelay $0x4  }
0x88: {  	v3 =	vadd.f32 v4, v3;
	_ =	sdelay $0x1  }
0x89: {  	v4 =	vmul.f32 $2.000000030e-01, v3;
	_ =	sdelay $0x1  }
0x8a: {  	v3 =	vmax.f32 v3, v4  }
0x8b: {  	v3 =	vsub.f32 v3, v2;
	_ =	sdelay $0x1  }
0x8c: {  	v3 =	vmul.f32 $1.442695020e+00, v3;
	_ =	sdelay $0x1  }
0x8d: {  	(erf) = vpow2.f32 v3;
	_ =	sdelay $0x3  }
0x8e: {  	v3 =	vld [tilespmem:$0x5090]  }
0x8f: {  	v4 =	vld [tilespmem:$0x5110];
	_ =	sdelay $0x1  }
0x90: {  	s4 =	sshll.u32 s4, $0x7  }
0x91: {  	v5 =	vmov s4  }
0x92: {  	vm0 =	vlt.s32 v5, v1;
	v6 =	vpop (erf)  }
0x93: {  	v5 =	vnsel vm0, $0x0, v6  }
0x94: {  	[tilespmem:$0x5180] =	vst v5  }
0x95: {  	v3 =	vld.idx.msk [tilespmem:v3+s26+$0x0], $0xffff  }
0x96: {  	v4 =	vld.idx.msk [tilespmem:v4+s25+$0x0], $0xffff;
	_ =	sdelay $0x4  }
0x97: {  	v3 =	vadd.f32 v4, v3;
	_ =	sdelay $0x1  }
0x98: {  	v4 =	vmul.f32 $2.000000030e-01, v3;
	_ =	sdelay $0x1  }
0x99: {  	v3 =	vmax.f32 v3, v4  }
0x9a: {  	v3 =	vsub.f32 v3, v2;
	_ =	sdelay $0x1  }
0x9b: {  	v3 =	vmul.f32 $1.442695020e+00, v3;
	_ =	sdelay $0x1  }
0x9c: {  	(erf) = vpow2.f32 v3;
	_ =	sdelay $0x3  }
0x9d: {  	v3 =	vld [tilespmem:$0x50A0]  }
0x9e: {  	v4 =	vld [tilespmem:$0x5120];
	_ =	sdelay $0x1  }
0x9f: {  	s8 =	sor.u32 $0x10, s4  }
0xa0: {  	v5 =	vmov s8  }
0xa1: {  	vm9 =	vlt.s32 v5, v1;
	v6 =	vpop (erf)  }
0xa2: {  	v5 =	vnsel vm9, $0x0, v6  }
0xa3: {  	[tilespmem:$0x5190] =	vst v5  }
0xa4: {  	v3 =	vld.idx.msk [tilespmem:v3+s26+$0x0], $0xffff  }
0xa5: {  	v4 =	vld.idx.msk [tilespmem:v4+s25+$0x0], $0xffff;
	_ =	sdelay $0x4  }
0xa6: {  	v3 =	vadd.f32 v4, v3;
	_ =	sdelay $0x1  }
0xa7: {  	v4 =	vmul.f32 $2.000000030e-01, v3;
	_ =	sdelay $0x1  }
0xa8: {  	v3 =	vmax.f32 v3, v4  }
0xa9: {  	v3 =	vsub.f32 v3, v2;
	_ =	sdelay $0x1  }
0xaa: {  	v3 =	vmul.f32 $1.442695020e+00, v3;
	_ =	sdelay $0x1  }
0xab: {  	(erf) = vpow2.f32 v3;
	_ =	sdelay $0x3  }
0xac: {  	v3 =	vld [tilespmem:$0x50B0]  }
0xad: {  	v4 =	vld [tilespmem:$0x5130];
	_ =	sdelay $0x1  }
0xae: {  	s8 =	sor.u32 $0x20, s4  }
0xaf: {  	v5 =	vmov s8  }
0xb0: {  	vm10 =	vlt.s32 v5, v1;
	v6 =	vpop (erf)  }
0xb1: {  	v5 =	vnsel vm10, $0x0, v6  }
0xb2: {  	[tilespmem:$0x51A0] =	vst v5  }
0xb3: {  	v3 =	vld.idx.msk [tilespmem:v3+s26+$0x0], $0xffff  }
0xb4: {  	v4 =	vld.idx.msk [tilespmem:v4+s25+$0x0], $0xffff;
	_ =	sdelay $0x4  }
0xb5: {  	v3 =	vadd.f32 v4, v3;
	_ =	sdelay $0x1  }
0xb6: {  	v4 =	vmul.f32 $2.000000030e-01, v3;
	_ =	sdelay $0x1  }
0xb7: {  	v3 =	vmax.f32 v3, v4  }
0xb8: {  	v3 =	vsub.f32 v3, v2;
	_ =	sdelay $0x1  }
0xb9: {  	v3 =	vmul.f32 $1.442695020e+00, v3;
	_ =	sdelay $0x1  }
0xba: {  	(erf) = vpow2.f32 v3;
	_ =	sdelay $0x3  }
0xbb: {  	v3 =	vld [tilespmem:$0x50C0]  }
0xbc: {  	v4 =	vld [tilespmem:$0x5140];
	_ =	sdelay $0x1  }
0xbd: {  	s8 =	sor.u32 $0x30, s4  }
0xbe: {  	v5 =	vmov s8  }
0xbf: {  	vm11 =	vlt.s32 v5, v1;
	v6 =	vpop (erf)  }
0xc0: {  	v5 =	vnsel vm11, $0x0, v6  }
0xc1: {  	[tilespmem:$0x51B0] =	vst v5  }
0xc2: {  	v3 =	vld.idx.msk [tilespmem:v3+s26+$0x0], $0xffff  }
0xc3: {  	v4 =	vld.idx.msk [tilespmem:v4+s25+$0x0], $0xffff;
	_ =	sdelay $0x4  }
0xc4: {  	v3 =	vadd.f32 v4, v3;
	_ =	sdelay $0x1  }
0xc5: {  	v4 =	vmul.f32 $2.000000030e-01, v3;
	_ =	sdelay $0x1  }
0xc6: {  	v3 =	vmax.f32 v3, v4  }
0xc7: {  	v3 =	vsub.f32 v3, v2;
	_ =	sdelay $0x1  }
0xc8: {  	v3 =	vmul.f32 $1.442695020e+00, v3;
	_ =	sdelay $0x1  }
0xc9: {  	(erf) = vpow2.f32 v3;
	_ =	sdelay $0x3  }
0xca: {  	v3 =	vld [tilespmem:$0x50D0]  }
0xcb: {  	v4 =	vld [tilespmem:$0x5150];
	_ =	sdelay $0x1  }
0xcc: {  	s8 =	sor.u32 $0x40, s4  }
0xcd: {  	v5 =	vmov s8  }
0xce: {  	vm12 =	vlt.s32 v5, v1;
	v6 =	vpop (erf)  }
0xcf: {  	v5 =	vnsel vm12, $0x0, v6  }
0xd0: {  	[tilespmem:$0x51C0] =	vst v5  }
0xd1: {  	v3 =	vld.idx.msk [tilespmem:v3+s26+$0x0], $0xffff  }
0xd2: {  	v4 =	vld.idx.msk [tilespmem:v4+s25+$0x0], $0xffff;
	_ =	sdelay $0x4  }
0xd3: {  	v3 =	vadd.f32 v4, v3;
	_ =	sdelay $0x1  }
0xd4: {  	v4 =	vmul.f32 $2.000000030e-01, v3;
	_ =	sdelay $0x1  }
0xd5: {  	v3 =	vmax.f32 v3, v4  }
0xd6: {  	v3 =	vsub.f32 v3, v2;
	_ =	sdelay $0x1  }
0xd7: {  	v3 =	vmul.f32 $1.442695020e+00, v3;
	_ =	sdelay $0x1  }
0xd8: {  	(erf) = vpow2.f32 v3;
	_ =	sdelay $0x3  }
0xd9: {  	v3 =	vld [tilespmem:$0x50E0]  }
0xda: {  	v4 =	vld [tilespmem:$0x5160];
	_ =	sdelay $0x1  }
0xdb: {  	s8 =	sor.u32 $0x50, s4  }
0xdc: {  	v5 =	vmov s8  }
0xdd: {  	vm13 =	vlt.s32 v5, v1;
	v6 =	vpop (erf)  }
0xde: {  	v5 =	vnsel vm13, $0x0, v6  }
0xdf: {  	[tilespmem:$0x51D0] =	vst v5  }
0xe0: {  	v3 =	vld.idx.msk [tilespmem:v3+s26+$0x0], $0xffff  }
0xe1: {  	v4 =	vld.idx.msk [tilespmem:v4+s25+$0x0], $0xffff;
	_ =	sdelay $0x4  }
0xe2: {  	v3 =	vadd.f32 v4, v3;
	_ =	sdelay $0x1  }
0xe3: {  	v4 =	vmul.f32 $2.000000030e-01, v3;
	_ =	sdelay $0x1  }
0xe4: {  	v3 =	vmax.f32 v3, v4  }
0xe5: {  	v3 =	vsub.f32 v3, v2;
	_ =	sdelay $0x1  }
0xe6: {  	v3 =	vmul.f32 $1.442695020e+00, v3;
	_ =	sdelay $0x1  }
0xe7: {  	(erf) = vpow2.f32 v3;
	_ =	sdelay $0x3  }
0xe8: {  	v3 =	vld [tilespmem:$0x50F0]  }
0xe9: {  	v4 =	vld [tilespmem:$0x5170];
	_ =	sdelay $0x1  }
0xea: {  	s8 =	sor.u32 $0x60, s4  }
0xeb: {  	v5 =	vmov s8  }
0xec: {  	vm14 =	vlt.s32 v5, v1;
	v6 =	vpop (erf)  }
0xed: {  	v5 =	vnsel vm14, $0x0, v6  }
0xee: {  	[tilespmem:$0x51E0] =	vst v5  }
0xef: {  	v3 =	vld.idx.msk [tilespmem:v3+s26+$0x0], $0xffff  }
0xf0: {  	v4 =	vld.idx.msk [tilespmem:v4+s25+$0x0], $0xffff;
	_ =	sdelay $0x4  }
0xf1: {  	v3 =	vadd.f32 v4, v3;
	_ =	sdelay $0x1  }
0xf2: {  	v4 =	vmul.f32 $2.000000030e-01, v3;
	_ =	sdelay $0x1  }
0xf3: {  	v3 =	vmax.f32 v3, v4  }
0xf4: {  	v3 =	vsub.f32 v3, v2;
	_ =	sdelay $0x1  }
0xf5: {  	v3 =	vmul.f32 $1.442695020e+00, v3;
	_ =	sdelay $0x1  }
0xf6: {  	(erf) = vpow2.f32 v3;
	_ =	sdelay $0x6  }
0xf7: {  	s4 =	sor.u32 $0x70, s4  }
0xf8: {  	v3 =	vmov s4  }
0xf9: {  	vm15 =	vlt.s32 v3, v1;
	v4 =	vpop (erf)  }
0xfa: {  	v3 =	vnsel vm15, $0x0, v4  }
0xfb: {  	[tilespmem:$0x51F0] =	vst v3  }
0xfc: {  	[spmem:s3] =	stream.indirect.scatter.add.f32 [tilespmem:s31], [sflag:$0x2], $0x1, s29, s30, $0xb8;
	[tilespmem:$0x1D700] =	vst v63  }
0xfd: {  	_ =	swait.ge [sflag:s23], $0x80  }
0xfe: {  	[sflag:s23] =	ssyncset.done $0x0  }
0xff: {  	[sflag:s23] =	ssyncadd.s32 $0xFFFFFF80  }
0x100: {  	_ =	swait.ge [sflag:s0], $0x4000  }
0x101: {  	s7 =	simm.s32 $0x0;
	[sflag:s0] =	ssyncset.done $0x0  }
0x102: {  	s8 =	simm.s32 $0x0;
	s4 =	sand.u32 $0x3FFFFFF0, s7;
	[sflag:s0] =	ssyncadd.s32 $0xFFFFC000  }
0x103: {  	v3 =	vld [tilespmem:s4+$0x5180];
	s4 =	sand.u32 $0x3FFFF800, s8  }
0x104: {  	v9 =	vld [tilespmem:s4+$0x52C0]  }
0x105: {  	v10 =	vld [tilespmem:s4+$0x52D0]  }
0x106: {  	v11 =	vld [tilespmem:s4+$0x52B0]  }
0x107: {  	v5 =	vld [tilespmem:s4+$0x5220]  }
0x108: {  	v6 =	vld [tilespmem:s4+$0x5230]  }
0x109: {  	v12 =	vld [tilespmem:s4+$0x5260]  }
0x10a: {  	v13 =	vld [tilespmem:s4+$0x5270];
	v4 =	vbroadcast v3, $0x0  }
0x10b: {  	v14 =	vld [tilespmem:s4+$0x5280]  }
0x10c: {  	v15 =	vld [tilespmem:s4+$0x5290];
	v5 =	vmul.f32 v5, v4  }
0x10d: {  	v16 =	vld [tilespmem:s4+$0x52A0];
	v6 =	vmul.f32 v6, v4  }
0x10e: {  	v8 =	vld [tilespmem:s4+$0x5770];
	v27 =	vbroadcast v3, $0x1;
	v26 =	vmul.f32 v12, v4;
	[tilespmem:s4+$0x5220] =	vst v5  }
0x10f: {  	v28 =	vld [tilespmem:s4+$0x52E0];
	v13 =	vmul.f32 v13, v4;
	[tilespmem:s4+$0x5230] =	vst v6  }
0x110: {  	v29 =	vld [tilespmem:s4+$0x52F0];
	v14 =	vmul.f32 v14, v27;
	[tilespmem:s4+$0x5260] =	vst v26  }
0x111: {  	v30 =	vld [tilespmem:s4+$0x5300];
	v15 =	vmul.f32 v15, v27;
	[tilespmem:s4+$0x5270] =	vst v13  }
0x112: {  	v31 =	vld [tilespmem:s4+$0x5310];
	v16 =	vmul.f32 v16, v27;
	[tilespmem:s4+$0x5280] =	vst v14  }
0x113: {  	v32 =	vld [tilespmem:s4+$0x5320];
	v11 =	vmul.f32 v11, v27;
	[tilespmem:s4+$0x5290] =	vst v15  }
0x114: {  	v33 =	vld [tilespmem:s4+$0x5330];
	v9 =	vmul.f32 v9, v27;
	[tilespmem:s4+$0x52A0] =	vst v16  }
0x115: {  	v34 =	vld [tilespmem:s4+$0x5340];
	v17 =	vbroadcast v3, $0x2;
	v10 =	vmul.f32 v10, v27;
	[tilespmem:s4+$0x52B0] =	vst v11  }
0x116: {  	v35 =	vld [tilespmem:s4+$0x5350];
	v12 =	vmul.f32 v29, v27;
	[tilespmem:s4+$0x52C0] =	vst v9  }
0x117: {  	v37 =	vld [tilespmem:s4+$0x5360];
	v7 =	vbroadcast v3, $0xA;
	v36 =	vmul.f32 v30, v17;
	[tilespmem:s4+$0x52D0] =	vst v10  }
0x118: {  	v39 =	vld [tilespmem:s4+$0x5370];
	v38 =	vmul.f32 v31, v17;
	[tilespmem:s4+$0x52F0] =	vst v12  }
0x119: {  	v40 =	vld [tilespmem:s4+$0x5380];
	v5 =	vmul.f32 v8, v7;
	[tilespmem:s4+$0x5300] =	vst v36  }
0x11a: {  	v41 =	vld [tilespmem:s4+$0x5390];
	v13 =	vmul.f32 v28, v27;
	[tilespmem:s4+$0x5310] =	vst v38  }
0x11b: {  	v42 =	vld [tilespmem:s4+$0x53A0];
	v11 =	vmul.f32 v32, v17;
	[tilespmem:s4+$0x5770] =	vst v5  }
0x11c: {  	v43 =	vld [tilespmem:s4+$0x53B0];
	v9 =	vmul.f32 v33, v17;
	[tilespmem:s4+$0x52E0] =	vst v13  }
0x11d: {  	v44 =	vld [tilespmem:s4+$0x53C0];
	v10 =	vmul.f32 v34, v17;
	[tilespmem:s4+$0x5320] =	vst v11  }
0x11e: {  	v46 =	vld [tilespmem:s4+$0x53D0];
	v45 =	vbroadcast v3, $0x3;
	v12 =	vmul.f32 v37, v17;
	[tilespmem:s4+$0x5330] =	vst v9  }
0x11f: {  	v47 =	vld [tilespmem:s4+$0x53E0];
	v14 =	vmul.f32 v39, v17;
	[tilespmem:s4+$0x5340] =	vst v10  }
0x120: {  	v48 =	vld [tilespmem:s4+$0x53F0];
	v15 =	vmul.f32 v40, v45;
	[tilespmem:s4+$0x5360] =	vst v12  }
0x121: {  	v49 =	vld [tilespmem:s4+$0x5400];
	v13 =	vmul.f32 v35, v17;
	[tilespmem:s4+$0x5370] =	vst v14  }
0x122: {  	v50 =	vld [tilespmem:s4+$0x5410];
	v11 =	vmul.f32 v41, v45;
	[tilespmem:s4+$0x5380] =	vst v15  }
0x123: {  	v51 =	vld [tilespmem:s4+$0x5420];
	v9 =	vmul.f32 v42, v45;
	[tilespmem:s4+$0x5350] =	vst v13  }
0x124: {  	v52 =	vld [tilespmem:s4+$0x5430];
	v10 =	vmul.f32 v43, v45;
	[tilespmem:s4+$0x5390] =	vst v11  }
0x125: {  	v53 =	vld [tilespmem:s4+$0x5440];
	v12 =	vmul.f32 v46, v45;
	[tilespmem:s4+$0x53A0] =	vst v9  }
0x126: {  	v55 =	vld [tilespmem:s4+$0x5450];
	v14 =	vmul.f32 v47, v45;
	[tilespmem:s4+$0x53B0] =	vst v10  }
0x127: {  	v56 =	vld [tilespmem:s4+$0x5460];
	v54 =	vbroadcast v3, $0x4;
	v15 =	vmul.f32 v48, v45;
	[tilespmem:s4+$0x53D0] =	vst v12  }
0x128: {  	v57 =	vld [tilespmem:s4+$0x5470];
	v13 =	vmul.f32 v44, v45;
	[tilespmem:s4+$0x53E0] =	vst v14  }
0x129: {  	v58 =	vld [tilespmem:s4+$0x5480];
	v11 =	vmul.f32 v49, v54;
	[tilespmem:s4+$0x53F0] =	vst v15  }
0x12a: {  	v59 =	vld [tilespmem:s4+$0x5490];
	v9 =	vmul.f32 v50, v54;
	[tilespmem:s4+$0x53C0] =	vst v13  }
0x12b: {  	v60 =	vld [tilespmem:s4+$0x54A0];
	v10 =	vmul.f32 v51, v54;
	[tilespmem:s4+$0x5400] =	vst v11  }
0x12c: {  	v61 =	vld [tilespmem:s4+$0x54B0];
	v12 =	vmul.f32 v53, v54;
	[tilespmem:s4+$0x5410] =	vst v9  }
0x12d: {  	v62 =	vld [tilespmem:s4+$0x54C0];
	v14 =	vmul.f32 v55, v54;
	[tilespmem:s4+$0x5420] =	vst v10  }
0x12e: {  	v20 =	vld [tilespmem:s4+$0x54D0];
	v15 =	vmul.f32 v56, v54;
	[tilespmem:s4+$0x5440] =	vst v12  }
0x12f: {  	v21 =	vld [tilespmem:s4+$0x54E0];
	v63 =	vbroadcast v3, $0x5;
	v13 =	vmul.f32 v52, v54;
	[tilespmem:s4+$0x5450] =	vst v14  }
0x130: {  	v22 =	vld [tilespmem:s4+$0x54F0];
	v11 =	vmul.f32 v57, v54;
	[tilespmem:s4+$0x5460] =	vst v15  }
0x131: {  	v23 =	vld [tilespmem:s4+$0x5500];
	v9 =	vmul.f32 v58, v63;
	[tilespmem:s4+$0x5430] =	vst v13  }
0x132: {  	v24 =	vld [tilespmem:s4+$0x5510];
	v10 =	vmul.f32 v59, v63;
	[tilespmem:s4+$0x5470] =	vst v11  }
0x133: {  	v25 =	vld [tilespmem:s4+$0x5520];
	v12 =	vmul.f32 v61, v63;
	[tilespmem:s4+$0x5480] =	vst v9  }
0x134: {  	v29 =	vld [tilespmem:s4+$0x5550];
	v14 =	vmul.f32 v62, v63;
	[tilespmem:s4+$0x5490] =	vst v10  }
0x135: {  	v30 =	vld [tilespmem:s4+$0x5560];
	v15 =	vmul.f32 v20, v63;
	[tilespmem:s4+$0x54B0] =	vst v12  }
0x136: {  	v26 =	vld [tilespmem:s4+$0x5530];
	v13 =	vmul.f32 v60, v63;
	[tilespmem:s4+$0x54C0] =	vst v14  }
0x137: {  	v27 =	vld [tilespmem:s4+$0x5540];
	v28 =	vbroadcast v3, $0x6;
	v11 =	vmul.f32 v21, v63;
	[tilespmem:s4+$0x54D0] =	vst v15  }
0x138: {  	v31 =	vld [tilespmem:s4+$0x5570];
	v9 =	vmul.f32 v22, v63;
	[tilespmem:s4+$0x54A0] =	vst v13  }
0x139: {  	v6 =	vld [tilespmem:s4+$0x5780];
	v10 =	vmul.f32 v23, v28;
	[tilespmem:s4+$0x54E0] =	vst v11  }
0x13a: {  	v8 =	vld [tilespmem:s4+$0x5790];
	v12 =	vmul.f32 v25, v28;
	[tilespmem:s4+$0x54F0] =	vst v9  }
0x13b: {  	v32 =	vld [tilespmem:s4+$0x5580];
	v14 =	vmul.f32 v26, v28;
	[tilespmem:s4+$0x5500] =	vst v10  }
0x13c: {  	v33 =	vld [tilespmem:s4+$0x5590];
	v15 =	vmul.f32 v27, v28;
	[tilespmem:s4+$0x5520] =	vst v12  }
0x13d: {  	v34 =	vld [tilespmem:s4+$0x55A0];
	v13 =	vmul.f32 v24, v28;
	[tilespmem:s4+$0x5530] =	vst v14  }
0x13e: {  	v35 =	vld [tilespmem:s4+$0x55B0];
	v11 =	vmul.f32 v29, v28;
	[tilespmem:s4+$0x5540] =	vst v15  }
0x13f: {  	v37 =	vbroadcast v3, $0x7;
	v59 =	vld [tilespmem:s4+$0x5700];
	v9 =	vmul.f32 v30, v28;
	[tilespmem:s4+$0x5510] =	vst v13  }
0x140: {  	v20 =	vld [tilespmem:s4+$0x5750];
	v10 =	vmul.f32 v31, v28;
	[tilespmem:s4+$0x5550] =	vst v11  }
0x141: {  	v36 =	vld [tilespmem:s4+$0x55C0];
	v12 =	vmul.f32 v33, v37;
	[tilespmem:s4+$0x5560] =	vst v9  }
0x142: {  	v38 =	vld [tilespmem:s4+$0x55D0];
	v14 =	vmul.f32 v34, v37;
	[tilespmem:s4+$0x5570] =	vst v10  }
0x143: {  	v39 =	vld [tilespmem:s4+$0x55E0];
	v15 =	vmul.f32 v35, v37;
	[tilespmem:s4+$0x5590] =	vst v12  }
0x144: {  	v40 =	vld [tilespmem:s4+$0x55F0];
	v21 =	vmul.f32 v59, v7;
	[tilespmem:s4+$0x55A0] =	vst v14  }
0x145: {  	v41 =	vld [tilespmem:s4+$0x5600];
	v28 =	vmul.f32 v20, v7;
	[tilespmem:s4+$0x55B0] =	vst v15  }
0x146: {  	v42 =	vld [tilespmem:s4+$0x5610];
	v13 =	vmul.f32 v32, v37;
	[tilespmem:s4+$0x5700] =	vst v21  }
0x147: {  	v43 =	vld [tilespmem:s4+$0x5620];
	v11 =	vmul.f32 v36, v37;
	[tilespmem:s4+$0x5750] =	vst v28  }
0x148: {  	v5 =	vld [tilespmem:s4+$0x59D0];
	v46 =	vbroadcast v3, $0x8;
	v9 =	vmul.f32 v38, v37;
	[tilespmem:s4+$0x5580] =	vst v13  }
0x149: {  	v47 =	vld [tilespmem:s4+$0x5650];
	v10 =	vmul.f32 v39, v37;
	[tilespmem:s4+$0x55C0] =	vst v11  }
0x14a: {  	v63 =	vld [tilespmem:s4+$0x5740];
	v12 =	vmul.f32 v41, v46;
	[tilespmem:s4+$0x55D0] =	vst v9  }
0x14b: {  	v23 =	vld [tilespmem:s4+$0x5200];
	v31 =	vbroadcast v3, $0xB;
	v14 =	vmul.f32 v42, v46;
	[tilespmem:s4+$0x55E0] =	vst v10  }
0x14c: {  	v48 =	vld [tilespmem:s4+$0x5660];
	v15 =	vmul.f32 v43, v46;
	[tilespmem:s4+$0x5600] =	vst v12  }
0x14d: {  	v44 =	vld [tilespmem:s4+$0x5630];
	v6 =	vmul.f32 v6, v31;
	[tilespmem:s4+$0x5610] =	vst v14  }
0x14e: {  	v45 =	vld [tilespmem:s4+$0x5640];
	v8 =	vmul.f32 v8, v31;
	[tilespmem:s4+$0x5620] =	vst v15  }
0x14f: {  	v49 =	vld [tilespmem:s4+$0x5670];
	v26 =	vmul.f32 v63, v7;
	[tilespmem:s4+$0x5780] =	vst v6  }
0x150: {  	v50 =	vld [tilespmem:s4+$0x5680];
	v32 =	vmul.f32 v4, v23;
	[tilespmem:s4+$0x5790] =	vst v8  }
0x151: {  	v51 =	vld [tilespmem:s4+$0x5690];
	v13 =	vmul.f32 v40, v37;
	[tilespmem:s4+$0x5740] =	vst v26  }
0x152: {  	v53 =	vld [tilespmem:s4+$0x56B0];
	v11 =	vmul.f32 v44, v46;
	[tilespmem:s4+$0x5200] =	vst v32  }
0x153: {  	v33 =	vld [tilespmem:s4+$0x57D0];
	v9 =	vmul.f32 v45, v46;
	[tilespmem:s4+$0x55F0] =	vst v13  }
0x154: {  	v55 =	vbroadcast v3, $0x9;
	v34 =	vld [tilespmem:s4+$0x57E0];
	v10 =	vmul.f32 v47, v46;
	[tilespmem:s4+$0x5630] =	vst v11  }
0x155: {  	v35 =	vld [tilespmem:s4+$0x57F0];
	v12 =	vmul.f32 v49, v46;
	[tilespmem:s4+$0x5640] =	vst v9  }
0x156: {  	v52 =	vld [tilespmem:s4+$0x56A0];
	v14 =	vmul.f32 v50, v55;
	[tilespmem:s4+$0x5650] =	vst v10  }
0x157: {  	v54 =	vld [tilespmem:s4+$0x56C0];
	v15 =	vmul.f32 v51, v55;
	[tilespmem:s4+$0x5670] =	vst v12  }
0x158: {  	v57 =	vld [tilespmem:s4+$0x56E0];
	v38 =	vmul.f32 v33, v31;
	[tilespmem:s4+$0x5680] =	vst v14  }
0x159: {  	v58 =	vld [tilespmem:s4+$0x56F0];
	v45 =	vmul.f32 v34, v31;
	[tilespmem:s4+$0x5690] =	vst v15  }
0x15a: {  	v61 =	vld [tilespmem:s4+$0x5720];
	v8 =	vmul.f32 v35, v31;
	[tilespmem:s4+$0x57D0] =	vst v38  }
0x15b: {  	v62 =	vld [tilespmem:s4+$0x5730];
	v13 =	vmul.f32 v48, v46;
	[tilespmem:s4+$0x57E0] =	vst v45  }
0x15c: {  	v36 =	vld [tilespmem:s4+$0x5800];
	v11 =	vmul.f32 v52, v55;
	[tilespmem:s4+$0x57F0] =	vst v8  }
0x15d: {  	v60 =	vld [tilespmem:s4+$0x5710];
	v9 =	vmul.f32 v53, v55;
	[tilespmem:s4+$0x5660] =	vst v13  }
0x15e: {  	v22 =	vld [tilespmem:s4+$0x5760];
	v41 =	vbroadcast v3, $0xC;
	v10 =	vmul.f32 v54, v55;
	[tilespmem:s4+$0x56A0] =	vst v11  }
0x15f: {  	v56 =	vld [tilespmem:s4+$0x56D0];
	v6 =	vbroadcast v3, $0xF;
	v12 =	vmul.f32 v57, v55;
	[tilespmem:s4+$0x56B0] =	vst v9  }
0x160: {  	v14 =	vmul.f32 v58, v55;
	[tilespmem:s4+$0x56C0] =	vst v10  }
0x161: {  	v5 =	vmul.f32 v5, v6;
	v17 =	vmul.f32 v36, v41;
	[tilespmem:s4+$0x56E0] =	vst v12  }
0x162: {  	[tilespmem:s4+$0x56F0] =	vst v14;
	v11 =	vmul.f32 v60, v7;
	v9 =	vmul.f32 v61, v7  }
0x163: {  	v24 =	vld [tilespmem:s4+$0x5210];
	v10 =	vmul.f32 v62, v7;
	v7 =	vmul.f32 v22, v7;
	[tilespmem:s4+$0x59D0] =	vst v5  }
0x164: {  	v25 =	vld [tilespmem:s4+$0x5240];
	v13 =	vmul.f32 v56, v55;
	[tilespmem:s4+$0x5800] =	vst v17  }
0x165: {  	[tilespmem:s4+$0x5760] =	vst v7;
	v7 =	vld [tilespmem:s4+$0x57C0]  }
0x166: {  	v27 =	vld [tilespmem:s4+$0x5250];
	[tilespmem:s4+$0x56D0] =	vst v13  }
0x167: {  	v43 =	vld [tilespmem:s4+$0x5870];
	[tilespmem:s4+$0x5710] =	vst v11  }
0x168: {  	v50 =	vld [tilespmem:s4+$0x58E0];
	v14 =	vmul.f32 v24, v4;
	[tilespmem:s4+$0x5720] =	vst v9  }
0x169: {  	v29 =	vld [tilespmem:s4+$0x57A0];
	v5 =	vmul.f32 v25, v4;
	[tilespmem:s4+$0x5730] =	vst v10  }
0x16a: {  	v30 =	vld [tilespmem:s4+$0x57B0];
	[tilespmem:s4+$0x5210] =	vst v14;
	v7 =	vmul.f32 v7, v31  }
0x16b: {  	v37 =	vld [tilespmem:s4+$0x5810];
	v49 =	vbroadcast v3, $0xD;
	v4 =	vmul.f32 v27, v4;
	[tilespmem:s4+$0x5240] =	vst v5  }
0x16c: {  	v17 =	vmul.f32 v43, v41;
	[tilespmem:s4+$0x57C0] =	vst v7;
	v7 =	vld [tilespmem:s4+$0x5860]  }
0x16d: {  	v40 =	vld [tilespmem:s4+$0x5840];
	v55 =	vmul.f32 v50, v49;
	[tilespmem:s4+$0x5250] =	vst v4  }
0x16e: {  	v46 =	vld [tilespmem:s4+$0x58A0];
	v9 =	vmul.f32 v29, v31;
	[tilespmem:s4+$0x5870] =	vst v17  }
0x16f: {  	v10 =	vmul.f32 v30, v31;
	v4 =	vld [tilespmem:s4+$0x5890];
	[tilespmem:s4+$0x58E0] =	vst v55  }
0x170: {  	v53 =	vld [tilespmem:s4+$0x5920];
	v11 =	vmul.f32 v37, v41;
	[tilespmem:s4+$0x57A0] =	vst v9  }
0x171: {  	v54 =	vld [tilespmem:s4+$0x5930];
	[tilespmem:s4+$0x57B0] =	vst v10;
	v7 =	vmul.f32 v7, v41  }
0x172: {  	v42 =	vld [tilespmem:s4+$0x5850];
	v14 =	vmul.f32 v40, v41;
	[tilespmem:s4+$0x5810] =	vst v11  }
0x173: {  	v3 =	vbroadcast v3, $0xE;
	v13 =	vmul.f32 v46, v49;
	[tilespmem:s4+$0x5860] =	vst v7;
	v7 =	vld [tilespmem:s4+$0x58D0]  }
0x174: {  	v44 =	vld [tilespmem:s4+$0x5880];
	[tilespmem:s4+$0x5840] =	vst v14;
	v4 =	vmul.f32 v4, v49  }
0x175: {  	v47 =	vld [tilespmem:s4+$0x58B0];
	v12 =	vmul.f32 v53, v3;
	[tilespmem:s4+$0x58A0] =	vst v13  }
0x176: {  	v8 =	vmul.f32 v54, v3;
	[tilespmem:s4+$0x5890] =	vst v4;
	v4 =	vld [tilespmem:s4+$0x5900]  }
0x177: {  	v52 =	vld [tilespmem:s4+$0x5910];
	v10 =	vmul.f32 v42, v41;
	[tilespmem:s4+$0x5920] =	vst v12  }
0x178: {  	v60 =	vld [tilespmem:s4+$0x59A0];
	[tilespmem:s4+$0x5930] =	vst v8;
	v7 =	vmul.f32 v7, v49  }
0x179: {  	v51 =	vld [tilespmem:s4+$0x58F0];
	v11 =	vmul.f32 v44, v49;
	[tilespmem:s4+$0x5850] =	vst v10  }
0x17a: {  	v14 =	vmul.f32 v47, v49;
	[tilespmem:s4+$0x58D0] =	vst v7;
	v7 =	vld [tilespmem:s4+$0x5940]  }
0x17b: {  	v48 =	vld [tilespmem:s4+$0x58C0];
	[tilespmem:s4+$0x5880] =	vst v11;
	v4 =	vmul.f32 v4, v3  }
0x17c: {  	v58 =	vld [tilespmem:s4+$0x5980];
	v13 =	vmul.f32 v52, v3;
	[tilespmem:s4+$0x58B0] =	vst v14  }
0x17d: {  	v8 =	vmul.f32 v60, v6;
	[tilespmem:s4+$0x5900] =	vst v4;
	v4 =	vld [tilespmem:s4+$0x5970]  }
0x17e: {  	v57 =	vld [tilespmem:s4+$0x5960];
	v11 =	vmul.f32 v51, v49;
	[tilespmem:s4+$0x5910] =	vst v13  }
0x17f: {  	v59 =	vld [tilespmem:s4+$0x5990];
	[tilespmem:s4+$0x59A0] =	vst v8;
	v7 =	vmul.f32 v7, v3  }
0x180: {  	v56 =	vld [tilespmem:s4+$0x5950];
	v10 =	vmul.f32 v48, v49;
	[tilespmem:s4+$0x58F0] =	vst v11  }
0x181: {  	v13 =	vmul.f32 v58, v6;
	[tilespmem:s4+$0x5940] =	vst v7;
	v7 =	vld [tilespmem:s4+$0x59B0]  }
0x182: {  	v39 =	vld [tilespmem:s4+$0x5830];
	[tilespmem:s4+$0x58C0] =	vst v10;
	v4 =	vmul.f32 v4, v3  }
0x183: {  	v61 =	vld [tilespmem:s4+$0x59C0];
	v11 =	vmul.f32 v57, v3;
	[tilespmem:s4+$0x5980] =	vst v13  }
0x184: {  	v63 =	vld [tilespmem:s4+$0x59F0];
	[tilespmem:s4+$0x5970] =	vst v4;
	v4 =	vmul.f32 v59, v6  }
0x185: {  	v62 =	vld [tilespmem:s4+$0x59E0];
	[tilespmem:s4+$0x5960] =	vst v11;
	v3 =	vmul.f32 v56, v3  }
0x186: {  	[tilespmem:s4+$0x5990] =	vst v4;
	v4 =	vmul.f32 v7, v6  }
0x187: {  	v5 =	vld [tilespmem:s4+$0x5820];
	[tilespmem:s4+$0x5950] =	vst v3;
	v7 =	vmul.f32 v39, v41  }
0x188: {  	[tilespmem:s4+$0x59B0] =	vst v4;
	v4 =	vmul.f32 v61, v6  }
0x189: {  	[tilespmem:s4+$0x5830] =	vst v7;
	v7 =	vmul.f32 v63, v6  }
0x18a: {  	v6 =	vmul.f32 v62, v6;
	[tilespmem:s4+$0x59C0] =	vst v4  }
0x18b: {  	[tilespmem:s4+$0x59F0] =	vst v7  }
0x18c: {  	s7 =	simm.s32 $0x1;
	v4 =	vmul.f32 v5, v41;
	[tilespmem:s4+$0x59E0] =	vst v6  }
.LBB2_5:
0x18d: {  	s8 =	sshll.u32 s7, $0x4  }
0x18e: {  	p0 =	sne.s32 s7, $0x7;
	[tilespmem:s4+$0x5820] =	vst v4;
	s4 =	smov.u32 s7;
	s7 =	sadd.s32 $0x1, s7  }
0x18f: {  	s8 =	sand.u32 $0x3FFFFFF0, s8  }
0x190: {  	s4 =	sshll.u32 s4, $0xB;
	v3 =	vld [tilespmem:s8+$0x5180]  }
0x191: {  	s4 =	sand.u32 $0x3FFFF800, s4  }
0x192: {  	v10 =	vld [tilespmem:s4+$0x52C0]  }
0x193: {  	v11 =	vld [tilespmem:s4+$0x52D0]  }
0x194: {  	v12 =	vld [tilespmem:s4+$0x52B0]  }
0x195: {  	v4 =	vbroadcast v3, $0x0;
	v5 =	vld [tilespmem:s4+$0x5220];
	v9 =	vbroadcast v3, $0x4  }
0x196: {  	v7 =	vld [tilespmem:s4+$0x5230]  }
0x197: {  	v8 =	vld [tilespmem:s4+$0x5770]  }
0x198: {  	v13 =	vld [tilespmem:s4+$0x5260]  }
0x199: {  	v14 =	vld [tilespmem:s4+$0x5270]  }
0x19a: {  	v6 =	vbroadcast v3, $0xA;
	v5 =	vmul.f32 v5, v4;
	v15 =	vld [tilespmem:s4+$0x5280]  }
0x19b: {  	v7 =	vmul.f32 v7, v4;
	v16 =	vld [tilespmem:s4+$0x5290]  }
0x19c: {  	[tilespmem:s4+$0x5220] =	vst v5;
	v17 =	vld [tilespmem:s4+$0x52A0];
	v5 =	vmul.f32 v8, v6  }
0x19d: {  	[tilespmem:s4+$0x5230] =	vst v7;
	v8 =	vmul.f32 v13, v4;
	v13 =	vbroadcast v3, $0x1;
	v7 =	vld [tilespmem:s4+$0x5780]  }
0x19e: {  	v14 =	vmul.f32 v14, v4;
	[tilespmem:s4+$0x5770] =	vst v5;
	v5 =	vld [tilespmem:s4+$0x59D0]  }
0x19f: {  	[tilespmem:s4+$0x5260] =	vst v8;
	v15 =	vmul.f32 v15, v13;
	v8 =	vld [tilespmem:s4+$0x5790]  }
0x1a0: {  	[tilespmem:s4+$0x5270] =	vst v14;
	v14 =	vmul.f32 v16, v13;
	v16 =	vld [tilespmem:s4+$0x52E0]  }
0x1a1: {  	[tilespmem:s4+$0x5280] =	vst v15;
	v15 =	vmul.f32 v17, v13;
	v17 =	vld [tilespmem:s4+$0x52F0]  }
0x1a2: {  	v12 =	vmul.f32 v12, v13;
	[tilespmem:s4+$0x5290] =	vst v14;
	v14 =	vld [tilespmem:s4+$0x5300]  }
0x1a3: {  	v10 =	vmul.f32 v10, v13;
	[tilespmem:s4+$0x52A0] =	vst v15;
	v15 =	vld [tilespmem:s4+$0x5310]  }
0x1a4: {  	v11 =	vmul.f32 v11, v13;
	[tilespmem:s4+$0x52B0] =	vst v12;
	v12 =	vld [tilespmem:s4+$0x5320]  }
0x1a5: {  	[tilespmem:s4+$0x52C0] =	vst v10;
	v10 =	vmul.f32 v16, v13;
	v16 =	vbroadcast v3, $0x2;
	v18 =	vld [tilespmem:s4+$0x5330]  }
0x1a6: {  	[tilespmem:s4+$0x52D0] =	vst v11;
	v11 =	vmul.f32 v17, v13;
	v13 =	vld [tilespmem:s4+$0x5340]  }
0x1a7: {  	[tilespmem:s4+$0x52E0] =	vst v10;
	v10 =	vmul.f32 v14, v16;
	v14 =	vld [tilespmem:s4+$0x5350]  }
0x1a8: {  	[tilespmem:s4+$0x52F0] =	vst v11;
	v11 =	vmul.f32 v15, v16;
	v15 =	vld [tilespmem:s4+$0x5360]  }
0x1a9: {  	[tilespmem:s4+$0x5300] =	vst v10;
	v10 =	vmul.f32 v12, v16;
	v12 =	vld [tilespmem:s4+$0x5370]  }
0x1aa: {  	[tilespmem:s4+$0x5310] =	vst v11;
	v11 =	vmul.f32 v18, v16;
	v17 =	vld [tilespmem:s4+$0x5380]  }
0x1ab: {  	[tilespmem:s4+$0x5320] =	vst v10;
	v10 =	vmul.f32 v13, v16;
	v13 =	vld [tilespmem:s4+$0x5390]  }
0x1ac: {  	[tilespmem:s4+$0x5330] =	vst v11;
	v11 =	vmul.f32 v14, v16;
	v14 =	vld [tilespmem:s4+$0x53A0]  }
0x1ad: {  	[tilespmem:s4+$0x5340] =	vst v10;
	v10 =	vmul.f32 v15, v16;
	v15 =	vbroadcast v3, $0x3;
	v18 =	vld [tilespmem:s4+$0x53B0]  }
0x1ae: {  	[tilespmem:s4+$0x5350] =	vst v11;
	v11 =	vmul.f32 v12, v16;
	v12 =	vld [tilespmem:s4+$0x53C0]  }
0x1af: {  	[tilespmem:s4+$0x5360] =	vst v10;
	v10 =	vmul.f32 v17, v15;
	v16 =	vld [tilespmem:s4+$0x53D0]  }
0x1b0: {  	[tilespmem:s4+$0x5370] =	vst v11;
	v11 =	vmul.f32 v13, v15;
	v13 =	vld [tilespmem:s4+$0x53E0]  }
0x1b1: {  	[tilespmem:s4+$0x5380] =	vst v10;
	v10 =	vmul.f32 v14, v15;
	v14 =	vld [tilespmem:s4+$0x53F0]  }
0x1b2: {  	[tilespmem:s4+$0x5390] =	vst v11;
	v11 =	vmul.f32 v18, v15;
	v17 =	vld [tilespmem:s4+$0x5400]  }
0x1b3: {  	[tilespmem:s4+$0x53A0] =	vst v10;
	v10 =	vmul.f32 v12, v15;
	v12 =	vld [tilespmem:s4+$0x5410]  }
0x1b4: {  	[tilespmem:s4+$0x53B0] =	vst v11;
	v11 =	vmul.f32 v16, v15;
	v16 =	vld [tilespmem:s4+$0x5420]  }
0x1b5: {  	[tilespmem:s4+$0x53C0] =	vst v10;
	v10 =	vmul.f32 v13, v15;
	v13 =	vld [tilespmem:s4+$0x5430]  }
0x1b6: {  	[tilespmem:s4+$0x53D0] =	vst v11;
	v11 =	vmul.f32 v14, v15;
	v14 =	vld [tilespmem:s4+$0x5440]  }
0x1b7: {  	[tilespmem:s4+$0x53E0] =	vst v10;
	v10 =	vmul.f32 v17, v9;
	v15 =	vld [tilespmem:s4+$0x5450]  }
0x1b8: {  	[tilespmem:s4+$0x53F0] =	vst v11;
	v11 =	vmul.f32 v12, v9;
	v12 =	vld [tilespmem:s4+$0x5460]  }
0x1b9: {  	[tilespmem:s4+$0x5400] =	vst v10;
	v10 =	vmul.f32 v16, v9;
	v16 =	vld [tilespmem:s4+$0x5470]  }
0x1ba: {  	[tilespmem:s4+$0x5410] =	vst v11;
	v11 =	vmul.f32 v13, v9;
	v13 =	vld [tilespmem:s4+$0x5480]  }
0x1bb: {  	[tilespmem:s4+$0x5420] =	vst v10;
	v10 =	vmul.f32 v14, v9;
	v14 =	vld [tilespmem:s4+$0x5490]  }
0x1bc: {  	[tilespmem:s4+$0x5430] =	vst v11;
	v11 =	vmul.f32 v15, v9;
	v15 =	vld [tilespmem:s4+$0x54A0]  }
0x1bd: {  	[tilespmem:s4+$0x5440] =	vst v10;
	v10 =	vmul.f32 v12, v9;
	v12 =	vbroadcast v3, $0x5;
	v17 =	vld [tilespmem:s4+$0x54B0]  }
0x1be: {  	[tilespmem:s4+$0x5450] =	vst v11;
	v9 =	vmul.f32 v16, v9;
	v11 =	vld [tilespmem:s4+$0x54C0]  }
0x1bf: {  	[tilespmem:s4+$0x5460] =	vst v10;
	v10 =	vmul.f32 v13, v12;
	v13 =	vld [tilespmem:s4+$0x54D0]  }
0x1c0: {  	[tilespmem:s4+$0x5470] =	vst v9;
	v9 =	vmul.f32 v14, v12;
	v14 =	vld [tilespmem:s4+$0x54E0]  }
0x1c1: {  	[tilespmem:s4+$0x5480] =	vst v10;
	v10 =	vmul.f32 v15, v12;
	v15 =	vld [tilespmem:s4+$0x54F0]  }
0x1c2: {  	[tilespmem:s4+$0x5490] =	vst v9;
	v9 =	vmul.f32 v17, v12;
	v16 =	vld [tilespmem:s4+$0x5500]  }
0x1c3: {  	[tilespmem:s4+$0x54A0] =	vst v10;
	v10 =	vmul.f32 v11, v12;
	v11 =	vld [tilespmem:s4+$0x5510]  }
0x1c4: {  	[tilespmem:s4+$0x54B0] =	vst v9;
	v9 =	vmul.f32 v13, v12;
	v13 =	vld [tilespmem:s4+$0x5520]  }
0x1c5: {  	[tilespmem:s4+$0x54C0] =	vst v10;
	v10 =	vmul.f32 v14, v12;
	v14 =	vbroadcast v3, $0x6;
	v17 =	vld [tilespmem:s4+$0x5530]  }
0x1c6: {  	[tilespmem:s4+$0x54D0] =	vst v9;
	v9 =	vmul.f32 v15, v12;
	v12 =	vld [tilespmem:s4+$0x5540]  }
0x1c7: {  	[tilespmem:s4+$0x54E0] =	vst v10;
	v10 =	vmul.f32 v16, v14;
	v15 =	vld [tilespmem:s4+$0x5550]  }
0x1c8: {  	[tilespmem:s4+$0x54F0] =	vst v9;
	v9 =	vmul.f32 v11, v14;
	v11 =	vld [tilespmem:s4+$0x5560]  }
0x1c9: {  	[tilespmem:s4+$0x5500] =	vst v10;
	v10 =	vmul.f32 v13, v14;
	v13 =	vld [tilespmem:s4+$0x5570]  }
0x1ca: {  	[tilespmem:s4+$0x5510] =	vst v9;
	v9 =	vmul.f32 v17, v14;
	v16 =	vld [tilespmem:s4+$0x5580]  }
0x1cb: {  	[tilespmem:s4+$0x5520] =	vst v10;
	v10 =	vmul.f32 v12, v14;
	v12 =	vld [tilespmem:s4+$0x5590]  }
0x1cc: {  	[tilespmem:s4+$0x5530] =	vst v9;
	v9 =	vmul.f32 v15, v14;
	v15 =	vld [tilespmem:s4+$0x55A0]  }
0x1cd: {  	[tilespmem:s4+$0x5540] =	vst v10;
	v10 =	vmul.f32 v11, v14;
	v11 =	vbroadcast v3, $0x7;
	v17 =	vld [tilespmem:s4+$0x55B0]  }
0x1ce: {  	[tilespmem:s4+$0x5550] =	vst v9;
	v9 =	vmul.f32 v13, v14;
	v13 =	vld [tilespmem:s4+$0x55C0]  }
0x1cf: {  	[tilespmem:s4+$0x5560] =	vst v10;
	v10 =	vmul.f32 v16, v11;
	v14 =	vld [tilespmem:s4+$0x55D0]  }
0x1d0: {  	[tilespmem:s4+$0x5570] =	vst v9;
	v9 =	vmul.f32 v12, v11;
	v12 =	vld [tilespmem:s4+$0x55E0]  }
0x1d1: {  	[tilespmem:s4+$0x5580] =	vst v10;
	v10 =	vmul.f32 v15, v11;
	v15 =	vld [tilespmem:s4+$0x55F0]  }
0x1d2: {  	[tilespmem:s4+$0x5590] =	vst v9;
	v9 =	vmul.f32 v17, v11;
	v16 =	vld [tilespmem:s4+$0x5600]  }
0x1d3: {  	[tilespmem:s4+$0x55A0] =	vst v10;
	v10 =	vmul.f32 v13, v11;
	v13 =	vld [tilespmem:s4+$0x5610]  }
0x1d4: {  	[tilespmem:s4+$0x55B0] =	vst v9;
	v9 =	vmul.f32 v14, v11;
	v14 =	vld [tilespmem:s4+$0x5620]  }
0x1d5: {  	[tilespmem:s4+$0x55C0] =	vst v10;
	v10 =	vmul.f32 v12, v11;
	v12 =	vbroadcast v3, $0x8;
	v17 =	vld [tilespmem:s4+$0x5630]  }
0x1d6: {  	[tilespmem:s4+$0x55D0] =	vst v9;
	v9 =	vmul.f32 v15, v11;
	v11 =	vld [tilespmem:s4+$0x5640]  }
0x1d7: {  	[tilespmem:s4+$0x55E0] =	vst v10;
	v10 =	vmul.f32 v16, v12;
	v15 =	vld [tilespmem:s4+$0x5650]  }
0x1d8: {  	[tilespmem:s4+$0x55F0] =	vst v9;
	v9 =	vmul.f32 v13, v12;
	v13 =	vld [tilespmem:s4+$0x5660]  }
0x1d9: {  	[tilespmem:s4+$0x5600] =	vst v10;
	v10 =	vmul.f32 v14, v12;
	v14 =	vld [tilespmem:s4+$0x5670]  }
0x1da: {  	[tilespmem:s4+$0x5610] =	vst v9;
	v9 =	vmul.f32 v17, v12;
	v16 =	vld [tilespmem:s4+$0x5680]  }
0x1db: {  	[tilespmem:s4+$0x5620] =	vst v10;
	v10 =	vmul.f32 v11, v12;
	v11 =	vld [tilespmem:s4+$0x5690]  }
0x1dc: {  	[tilespmem:s4+$0x5630] =	vst v9;
	v9 =	vmul.f32 v15, v12;
	v15 =	vld [tilespmem:s4+$0x56A0]  }
0x1dd: {  	[tilespmem:s4+$0x5640] =	vst v10;
	v10 =	vmul.f32 v13, v12;
	v13 =	vbroadcast v3, $0x9;
	v17 =	vld [tilespmem:s4+$0x56B0]  }
0x1de: {  	[tilespmem:s4+$0x5650] =	vst v9;
	v9 =	vmul.f32 v14, v12;
	v12 =	vld [tilespmem:s4+$0x56C0]  }
0x1df: {  	[tilespmem:s4+$0x5660] =	vst v10;
	v10 =	vmul.f32 v16, v13;
	v14 =	vld [tilespmem:s4+$0x56D0]  }
0x1e0: {  	[tilespmem:s4+$0x5670] =	vst v9;
	v9 =	vmul.f32 v11, v13;
	v11 =	vld [tilespmem:s4+$0x56E0]  }
0x1e1: {  	[tilespmem:s4+$0x5680] =	vst v10;
	v10 =	vmul.f32 v15, v13;
	v15 =	vld [tilespmem:s4+$0x56F0]  }
0x1e2: {  	[tilespmem:s4+$0x5690] =	vst v9;
	v9 =	vmul.f32 v17, v13;
	v16 =	vld [tilespmem:s4+$0x5700]  }
0x1e3: {  	[tilespmem:s4+$0x56A0] =	vst v10;
	v10 =	vmul.f32 v12, v13;
	v12 =	vld [tilespmem:s4+$0x5710]  }
0x1e4: {  	[tilespmem:s4+$0x56B0] =	vst v9;
	v9 =	vmul.f32 v14, v13;
	v14 =	vld [tilespmem:s4+$0x5720]  }
0x1e5: {  	[tilespmem:s4+$0x56C0] =	vst v10;
	v10 =	vmul.f32 v11, v13;
	v11 =	vld [tilespmem:s4+$0x5730]  }
0x1e6: {  	[tilespmem:s4+$0x56D0] =	vst v9;
	v9 =	vmul.f32 v15, v13;
	v13 =	vld [tilespmem:s4+$0x5740]  }
0x1e7: {  	[tilespmem:s4+$0x56E0] =	vst v10;
	v10 =	vmul.f32 v16, v6;
	v15 =	vld [tilespmem:s4+$0x5750]  }
0x1e8: {  	[tilespmem:s4+$0x56F0] =	vst v9;
	v9 =	vmul.f32 v12, v6;
	v12 =	vld [tilespmem:s4+$0x5760]  }
0x1e9: {  	v16 =	vld [tilespmem:s4+$0x5200];
	[tilespmem:s4+$0x5700] =	vst v10;
	v10 =	vmul.f32 v14, v6  }
0x1ea: {  	v14 =	vld [tilespmem:s4+$0x5210];
	[tilespmem:s4+$0x5710] =	vst v9;
	v9 =	vmul.f32 v11, v6  }
0x1eb: {  	v11 =	vld [tilespmem:s4+$0x5240];
	[tilespmem:s4+$0x5720] =	vst v10;
	v10 =	vmul.f32 v13, v6  }
0x1ec: {  	v13 =	vld [tilespmem:s4+$0x5250];
	[tilespmem:s4+$0x5730] =	vst v9;
	v9 =	vmul.f32 v15, v6  }
0x1ed: {  	[tilespmem:s4+$0x5740] =	vst v10;
	v10 =	vmul.f32 v12, v6;
	v12 =	vbroadcast v3, $0xB;
	v15 =	vld [tilespmem:s4+$0x57A0]  }
0x1ee: {  	v6 =	vbroadcast v3, $0xF;
	v16 =	vmul.f32 v4, v16;
	[tilespmem:s4+$0x5750] =	vst v9;
	v9 =	vld [tilespmem:s4+$0x57B0]  }
0x1ef: {  	v14 =	vmul.f32 v14, v4;
	[tilespmem:s4+$0x5760] =	vst v10;
	v7 =	vmul.f32 v7, v12;
	v10 =	vld [tilespmem:s4+$0x57C0]  }
0x1f0: {  	v8 =	vmul.f32 v8, v12;
	[tilespmem:s4+$0x5200] =	vst v16;
	v11 =	vmul.f32 v11, v4;
	v16 =	vld [tilespmem:s4+$0x57D0]  }
0x1f1: {  	v5 =	vmul.f32 v5, v6;
	v13 =	vmul.f32 v13, v4;
	[tilespmem:s4+$0x5780] =	vst v7;
	v4 =	vld [tilespmem:s4+$0x57E0]  }
0x1f2: {  	[tilespmem:s4+$0x5790] =	vst v8;
	v7 =	vmul.f32 v15, v12;
	v8 =	vld [tilespmem:s4+$0x57F0]  }
0x1f3: {  	v9 =	vmul.f32 v9, v12;
	v15 =	vld [tilespmem:s4+$0x5800];
	[tilespmem:s4+$0x59D0] =	vst v5  }
0x1f4: {  	[tilespmem:s4+$0x5210] =	vst v14;
	v5 =	vmul.f32 v10, v12;
	v10 =	vld [tilespmem:s4+$0x5810]  }
0x1f5: {  	[tilespmem:s4+$0x5240] =	vst v11;
	v11 =	vmul.f32 v16, v12;
	v14 =	vld [tilespmem:s4+$0x5820]  }
0x1f6: {  	v16 =	vbroadcast v3, $0xC;
	[tilespmem:s4+$0x57A0] =	vst v7;
	v7 =	vmul.f32 v4, v12;
	v17 =	vld [tilespmem:s4+$0x5830]  }
0x1f7: {  	[tilespmem:s4+$0x57D0] =	vst v11;
	v8 =	vmul.f32 v8, v12;
	v11 =	vld [tilespmem:s4+$0x5840]  }
0x1f8: {  	[tilespmem:s4+$0x57B0] =	vst v9;
	v4 =	vmul.f32 v15, v16;
	v9 =	vld [tilespmem:s4+$0x5850]  }
0x1f9: {  	[tilespmem:s4+$0x57C0] =	vst v5;
	v5 =	vmul.f32 v10, v16;
	v10 =	vld [tilespmem:s4+$0x5860]  }
0x1fa: {  	[tilespmem:s4+$0x5800] =	vst v4;
	v4 =	vmul.f32 v14, v16;
	v12 =	vld [tilespmem:s4+$0x5870]  }
0x1fb: {  	[tilespmem:s4+$0x5810] =	vst v5;
	v5 =	vld [tilespmem:s4+$0x5880]  }
0x1fc: {  	[tilespmem:s4+$0x5250] =	vst v13;
	v11 =	vmul.f32 v11, v16;
	v13 =	vld [tilespmem:s4+$0x5890]  }
0x1fd: {  	[tilespmem:s4+$0x57E0] =	vst v7;
	v7 =	vmul.f32 v9, v16;
	v9 =	vld [tilespmem:s4+$0x58A0]  }
0x1fe: {  	[tilespmem:s4+$0x5840] =	vst v11;
	v10 =	vmul.f32 v10, v16;
	v11 =	vbroadcast v3, $0xD;
	v14 =	vld [tilespmem:s4+$0x58B0]  }
0x1ff: {  	[tilespmem:s4+$0x5850] =	vst v7;
	v7 =	vmul.f32 v12, v16;
	v12 =	vld [tilespmem:s4+$0x58C0]  }
0x200: {  	[tilespmem:s4+$0x5860] =	vst v10;
	v5 =	vmul.f32 v5, v11;
	v10 =	vld [tilespmem:s4+$0x58D0]  }
0x201: {  	[tilespmem:s4+$0x5870] =	vst v7;
	v7 =	vmul.f32 v13, v11;
	v13 =	vld [tilespmem:s4+$0x58E0]  }
0x202: {  	[tilespmem:s4+$0x5880] =	vst v5;
	v5 =	vmul.f32 v9, v11;
	v9 =	vld [tilespmem:s4+$0x58F0]  }
0x203: {  	[tilespmem:s4+$0x5890] =	vst v7;
	v7 =	vmul.f32 v14, v11;
	v14 =	vld [tilespmem:s4+$0x5900]  }
0x204: {  	[tilespmem:s4+$0x58A0] =	vst v5;
	v5 =	vmul.f32 v12, v11;
	v12 =	vld [tilespmem:s4+$0x5910]  }
0x205: {  	[tilespmem:s4+$0x58B0] =	vst v7;
	v7 =	vmul.f32 v10, v11;
	v10 =	vld [tilespmem:s4+$0x5920]  }
0x206: {  	v3 =	vbroadcast v3, $0xE;
	[tilespmem:s4+$0x57F0] =	vst v8;
	v8 =	vmul.f32 v13, v11;
	v13 =	vld [tilespmem:s4+$0x5930]  }
0x207: {  	[tilespmem:s4+$0x58D0] =	vst v7;
	v7 =	vmul.f32 v9, v11;
	v9 =	vld [tilespmem:s4+$0x5940]  }
0x208: {  	[tilespmem:s4+$0x58E0] =	vst v8;
	v8 =	vmul.f32 v14, v3;
	v11 =	vld [tilespmem:s4+$0x5950]  }
0x209: {  	[tilespmem:s4+$0x58F0] =	vst v7;
	v7 =	vmul.f32 v12, v3;
	v12 =	vld [tilespmem:s4+$0x5960]  }
0x20a: {  	[tilespmem:s4+$0x5900] =	vst v8;
	v8 =	vmul.f32 v10, v3;
	v10 =	vld [tilespmem:s4+$0x5970]  }
0x20b: {  	[tilespmem:s4+$0x5910] =	vst v7;
	v7 =	vmul.f32 v13, v3;
	v13 =	vld [tilespmem:s4+$0x5980]  }
0x20c: {  	[tilespmem:s4+$0x5920] =	vst v8;
	v8 =	vmul.f32 v9, v3;
	v9 =	vld [tilespmem:s4+$0x5990]  }
0x20d: {  	[tilespmem:s4+$0x5930] =	vst v7;
	v7 =	vmul.f32 v11, v3;
	v11 =	vld [tilespmem:s4+$0x59A0]  }
0x20e: {  	[tilespmem:s4+$0x5940] =	vst v8;
	v8 =	vmul.f32 v12, v3;
	v12 =	vld [tilespmem:s4+$0x59B0]  }
0x20f: {  	[tilespmem:s4+$0x58C0] =	vst v5;
	v3 =	vmul.f32 v10, v3;
	v5 =	vld [tilespmem:s4+$0x59C0]  }
0x210: {  	[tilespmem:s4+$0x5960] =	vst v8;
	v8 =	vmul.f32 v13, v6;
	v10 =	vld [tilespmem:s4+$0x59E0]  }
0x211: {  	[tilespmem:s4+$0x5970] =	vst v3;
	v3 =	vmul.f32 v9, v6;
	v9 =	vld [tilespmem:s4+$0x59F0]  }
0x212: {  	[tilespmem:s4+$0x5980] =	vst v8;
	v8 =	vmul.f32 v11, v6  }
0x213: {  	[tilespmem:s4+$0x5990] =	vst v3;
	v3 =	vmul.f32 v12, v6  }
0x214: {  	v11 =	vmul.f32 v17, v16;
	[tilespmem:s4+$0x59A0] =	vst v8  }
0x215: {  	[tilespmem:s4+$0x59B0] =	vst v3;
	v3 =	vmul.f32 v5, v6  }
.Ltmp1:
0x216: {  	[tilespmem:s4+$0x5830] =	vst v11;
	v5 =	vmul.f32 v9, v6;
	(pc) =	sbr.rel @p0 .LBB2_5-.Ltmp1, $4  }
0x217: {  	[tilespmem:s4+$0x59C0] =	vst v3  }
0x218: {  	v3 =	vmul.f32 v10, v6;
	[tilespmem:s4+$0x59F0] =	vst v5  }
0x219: {  	[tilespmem:s4+$0x5950] =	vst v7  }
0x21a: {  	[tilespmem:s4+$0x59E0] =	vst v3  }
0x21b: {  	s22 =	sadd.s32 $0x1, s22  }
0x21c: {  	p0 =	sne.s32 s22, s11  }
.Ltmp2:
0x21d: {  	[tilespmem:s4+$0x5820] =	vst v4;
	(pc) =	sbr.rel @p0 .LBB2_4-.Ltmp2, $4  }
0x21e: {  	[spmem:s2] =	stream.indirect.scatter.add.f32 [tilespmem:s24], [sflag:$0x2], $0x80, s29, s30, $0xb8;
	[tilespmem:$0x1D700] =	vst v63  }
0x21f: {  	_ =	swait.ge [sflag:s23], $0x4000  }
0x220: {  	[sflag:s23] =	ssyncset.done $0x0  }
0x221: {  	[sflag:s23] =	ssyncadd.s32 $0xFFFFC000  }
0x222: {  	s4 =	stileid.u32  }
0x223: {  	s4 =	sshll.u32 s4, $0x6  }
0x224: {  	[bflag:$0x0] =	sbarrier.arrive $0xFFFF;
	s7 =	sshrl.u32 s14, $0x3;
	s4 =	sor.u32 $0x1C02, s4  }
0x225: {  	[hbm:s19], [sflag:s4] =	dma.local [spmem:s7], $0x2800  }
0x226: {  	s5 =	sadd.s32 $0x1, s5;
	_ =	swait.ge [sflag:s23], $0x2800  }
0x227: {  	s22 =	sshrl.u32 s13, $0x3;
	p0 =	sne.s32 s5, s21;
	[sflag:s23] =	ssyncset.done $0x0  }
.Ltmp3:
0x228: {  	s8 =	simm.s32 $0x10;
	[sflag:s23] =	ssyncadd.s32 $0xFFFFD800;
	(pc) =	sbr.rel @p0 .LBB2_1-.Ltmp3, $4  }
0x229: {  	[hbm:s20@s30], [sflag:s4] =	dma.strided [spmem:s22@s8], $0x50, s0, $0x10   }
0x22a: {  	_ =	swait.ge [sflag:s23], $0x50  }
0x22b: {  	[sflag:s23] =	ssyncset.done $0x0  }
0x22c: {  	[sflag:s23] =	ssyncadd.s32 $0xFFFFFFB0  }
0x22d: {  	_ =	sfence.sel $0x180000  }
0x22e: {  	[bflag:$0x0] =	sbarrier.arrive $0xFFFF  }
0x22f: {  	_ =	strace $0x90000047  }
0x230: {  	s0 =	stileid.u32;
	[bflag:$0x2] =	sbarrier.arrive $0xFFFF  }
0x231: {  	p0 =	sne.s32 s0, $0x0;
	s0 =	rddreg [dreg:$0x4]  }
0x232: {  	s0 =	sadd.s32 @!p0 $0x100000, s0  }
0x233: {  	[sflag:s0] =	ssyncadd.tile.s32 @!p0 $0x1;
	_ =	shalt  }
.Lfunc_end2:
_tile_overlayer_lowered:
.L_overlay_start_2:
0x234: {  	(tag) =	ssettag $0x2  }
0x235: {  	s0 =	rddreg [dreg:$0x0];
	s2 =	stileid.u32  }
0x236: {  	s1 =	rddreg [dreg:$0x1];
	p0 =	sne.s32 s2, $0x0  }
0x237: {  	s3 =	rddreg [dreg:$0x2];
	[bflag:$0x3] =	sbarrier.arrive $0xFFFF;
	s2 =	simm.s32 @!p0 $0x1C02  }
0x238: {  	[timem:s3], [sflag:s2] =	dma.local @!p0 [hbm:s0], s1  }
0x239: {  	s0 =	simm.s32 @!p0 $0x2  }
0x23a: {  	_ =	swait.ge @!p0 [sflag:s0], s1  }
0x23b: {  	s1 =	ssub.s32 @!p0 $0x0, s1;
	[sflag:s0] =	ssyncset.done @!p0 $0x0  }
0x23c: {  	[sflag:s0] =	ssyncadd.s32 @!p0 s1  }
0x23d: {  	[bflag:$0x3] =	sbarrier.arrive $0xFFFF  }
0x23e: {  	_ =	shalt  }

</sc_bundles>
